<compile_context>
chip_gen: v7x
topology: tpu7x:2x2x1
jax: 0.10.2.dev20260603
libtpu: 0.0.44.dev20260713+nightly
codegen_flags: <defaults>
</compile_context>

<pallas_src>
import functools

import jax
import jax.numpy as jnp
import numpy as np
from jax import lax
from jax.experimental import pallas as pl
from jax.experimental.pallas import tpu as pltpu
from jax.experimental.pallas import tpu_sc as plsc

B = 16384
L = 50
D = 32

NC = 2
NS = 16
NW = NC * NS
BPW = B // NW

V = 1000000
BWW = 768
NBLK = (V // 128 * 128) // BWW
TAIL = V - NBLK * BWW
OPB = BWW * D // 128
OROWS = V * D // 128
NBW = 42
NPAIR = NBW // 2

FCH = 32
NFCH = BPW // FCH

CH = 64
NCHUNK = BPW // CH
GPC = CH * L // 128

ITCH = 128
NIT = BPW // ITCH

_mesh = plsc.VectorSubcoreMesh(
    core_axis_name="c", subcore_axis_name="s", num_cores=NC, num_subcores=NS
)


def _transpose_block(v2, vt):
    iota32 = lax.iota(jnp.int32, 16) * D

    @plsc.parallel_loop(0, BWW // 16, unroll=2)
    def group(g):
        w0 = g * 16
        gbase = w0 * D
        for f in range(D):
            vals = v2[f, pl.ds(w0, 16)]
            plsc.store_scatter(vt, [iota32 + (gbase + f)], vals)


def _convert_table(tabT_hbm, out_hbm, wid, v2a, v2b, vta, vtb,
                   isemA, isemB, osemA, osemB):

    def blkno(k):
        return jnp.minimum(k * NW + wid, NBLK - 1)

    def src_at(k):
        return tabT_hbm.at[:, pl.ds(blkno(k) * BWW, BWW)]

    def dst_at(k):
        return out_hbm.at[pl.ds(blkno(k) * (BWW * D), BWW * D)]

    pltpu.async_copy(src_at(0), v2a, isemA)
    pltpu.async_copy(src_at(1), v2b, isemB)

    def pair(q, carry):
        k = q * 2
        pltpu.make_async_copy(src_at(0), v2a, isemA).wait()
        _transpose_block(v2a, vta)
        outA = pltpu.async_copy(vta, dst_at(k), osemA)
        pltpu.async_copy(src_at(k + 2), v2a, isemA)
        pltpu.make_async_copy(src_at(1), v2b, isemB).wait()
        _transpose_block(v2b, vtb)
        outB = pltpu.async_copy(vtb, dst_at(k + 1), osemB)
        pltpu.async_copy(src_at(k + 3), v2b, isemB)
        outA.wait()
        outB.wait()
        return carry

    lax.fori_loop(0, NPAIR, pair, 0)
    pltpu.make_async_copy(src_at(0), v2a, isemA).wait()
    pltpu.make_async_copy(src_at(1), v2b, isemB).wait()


def _convert_tail(tail_hbm, out_hbm, v2t, vtt):
    pltpu.sync_copy(tail_hbm, v2t)

    def row(w, carry):
        vtt[pl.ds(w * D, 16)] = v2t[w, pl.ds(0, 16)]
        vtt[pl.ds(w * D + 16, 16)] = v2t[w, pl.ds(16, 16)]
        return carry

    lax.fori_loop(0, TAIL, row, 0)
    pltpu.sync_copy(vtt, out_hbm.at[pl.ds((V - TAIL) * D, TAIL * D)])


@functools.partial(
    pl.kernel,
    out_type=(
        jax.ShapeDtypeStruct((V * D,), jnp.float32),
        jax.ShapeDtypeStruct((B * L,), jnp.int32),
    ),
    mesh=_mesh,
    compiler_params=pltpu.CompilerParams(
        use_tc_tiling_on_sc=True, needs_layout_passes=False
    ),
    scratch_types=[
        pltpu.VMEM((32, BWW), jnp.float32),
        pltpu.VMEM((32, BWW), jnp.float32),
        pltpu.VMEM((BWW * D,), jnp.float32),
        pltpu.VMEM((BWW * D,), jnp.float32),
        pltpu.VMEM((TAIL, D), jnp.float32),
        pltpu.VMEM((TAIL * D,), jnp.float32),
        pltpu.VMEM((FCH, L), jnp.int32),
        pltpu.VMEM((FCH * L,), jnp.int32),
        pltpu.SemaphoreType.DMA,
        pltpu.SemaphoreType.DMA,
        pltpu.SemaphoreType.DMA,
        pltpu.SemaphoreType.DMA,
    ],
)
def _sc_format(
    wordT_hbm, wtail_hbm, qw_hbm,
    wout_hbm, qwf_hbm,
    v2a, v2b, vta, vtb, v2t, vtt, vf2, vf1,
    isemA, isemB, osemA, osemB,
):
    wid = lax.axis_index("s") * NC + lax.axis_index("c")
    _convert_table(wordT_hbm, wout_hbm, wid, v2a, v2b, vta, vtb,
                   isemA, isemB, osemA, osemB)
    _convert_tail(wtail_hbm, wout_hbm, v2t, vtt)

    base = wid * BPW

    def fchunk(c, carry):
        pltpu.sync_copy(qw_hbm.at[pl.ds(base + c * FCH, FCH)], vf2)

        def row(r, rc):
            o = r * L
            vf1[pl.ds(o, 16)] = vf2[r, pl.ds(0, 16)]
            vf1[pl.ds(o + 16, 16)] = vf2[r, pl.ds(16, 16)]
            vf1[pl.ds(o + 32, 16)] = vf2[r, pl.ds(32, 16)]
            vf1[pl.ds(o + 34, 16)] = vf2[r, pl.ds(34, 16)]
            return rc

        lax.fori_loop(0, FCH, row, 0)
        pltpu.sync_copy(vf1, qwf_hbm.at[pl.ds((base + c * FCH) * L, FCH * L)])
        return carry

    lax.fori_loop(0, NFCH, fchunk, 0)


@functools.partial(
    pl.kernel,
    out_type=(
        jax.ShapeDtypeStruct((B, D), jnp.float32),
        jax.ShapeDtypeStruct((B, D), jnp.float32),
    ),
    mesh=_mesh,
    compiler_params=pltpu.CompilerParams(use_tc_tiling_on_sc=False),
    scratch_types=[
        pltpu.VMEM((CH * L,), jnp.int32),
        pltpu.VMEM((CH * L, D), jnp.float32),
        pltpu.VMEM((CH, D), jnp.float32),
        pltpu.VMEM((BPW,), jnp.int32),
        pltpu.VMEM((ITCH, D), jnp.float32),
        pltpu.SemaphoreType.DMA,
    ],
)
def _sc_gather_pool(
    items_hbm, qwf_hbm, word_hbm, item_hbm,
    pooled_hbm, iout_hbm,
    idx_v, rows_v, pooled_v, iidx_v, irows_v, sem,
):
    wid = lax.axis_index("s") * NC + lax.axis_index("c")
    base = wid * BPW

    pltpu.sync_copy(items_hbm.at[pl.ds(base, BPW)], iidx_v)

    def chunk_body(c, carry):
        pltpu.sync_copy(
            qwf_hbm.at[pl.ds((base + c * CH) * L, CH * L)], idx_v
        )
        cps = [
            pltpu.async_copy(
                word_hbm.at[idx_v.at[pl.ds(j * 128, 128)]],
                rows_v.at[pl.ds(j * 128, 128)],
                sem,
            )
            for j in range(GPC)
        ]
        for cp in cps:
            cp.wait()

        def item_body(b, acc_carry):
            r0 = b * L
            acc0 = rows_v[r0, pl.ds(0, 16)]
            acc1 = rows_v[r0, pl.ds(16, 16)]
            for l in range(1, L):
                acc0 = acc0 + rows_v[r0 + l, pl.ds(0, 16)]
                acc1 = acc1 + rows_v[r0 + l, pl.ds(16, 16)]
            pooled_v[b, pl.ds(0, 16)] = acc0
            pooled_v[b, pl.ds(16, 16)] = acc1
            return acc_carry

        lax.fori_loop(0, CH, item_body, 0)
        pltpu.sync_copy(pooled_v, pooled_hbm.at[pl.ds(base + c * CH, CH)])
        return carry

    lax.fori_loop(0, NCHUNK, chunk_body, 0)

    for t in range(NIT):
        pltpu.async_copy(
            item_hbm.at[iidx_v.at[pl.ds(t * ITCH, ITCH)]], irows_v, sem
        ).wait()
        pltpu.sync_copy(irows_v, iout_hbm.at[pl.ds(base + t * ITCH, ITCH)])


_TB = 2048


def _tc_proj_body(x_ref, w_ref, b_ref, o_ref):
    x = x_ref[...] * np.float32(1.0 / L)
    y = lax.dot_general(
        x, w_ref[...], (((1,), (1,)), ((), ())),
        preferred_element_type=jnp.float32,
    )
    o_ref[...] = jnp.tanh(y + b_ref[...])


_tc_proj = pl.pallas_call(
    _tc_proj_body,
    out_shape=jax.ShapeDtypeStruct((B, D), jnp.float32),
    grid=(B // _TB,),
    in_specs=[
        pl.BlockSpec((_TB, D), lambda i: (i, 0)),
        pl.BlockSpec((D, D), lambda i: (0, 0)),
        pl.BlockSpec((1, D), lambda i: (0, 0)),
    ],
    out_specs=pl.BlockSpec((_TB, D), lambda i: (i, 0)),
)


def kernel(items, query_words, word_table, item_table, W_q, b_q):
    items = items.astype(jnp.int32)
    query_words = query_words.astype(jnp.int32)
    word_c, qw_flat = _sc_format(
        word_table.T, word_table[NBLK * BWW:], query_words,
    )
    word_2 = word_c.reshape(V, D)
    item_2 = item_table
    pooled_sum, item_emb = _sc_gather_pool(
        items, qw_flat, word_2, item_2
    )
    q = _tc_proj(pooled_sum, W_q, b_q.reshape(1, D))
    return (q, item_emb)

# --- scband reference (transcript-rebuilt; emitter-appended) ---
"""Pipeline reference for scband-model-57672820850831 (READ-ONLY COPY).

The authoritative reference and input builder live on the scoring server;
editing this copy changes nothing except your own understanding.
"""

import jax, jax.numpy as jnp
import numpy as np

B = 16384
L = 50
WORD_NUM = 1000000
ITEM_NUM = 1000000
D = 32


def setup_inputs(seed: int = 0) -> dict:
    key = jax.random.key(seed)
    k1, k2, k3, k4, k5 = jax.random.split(key, 5)
    items = jax.random.randint(k1, (B,), 0, ITEM_NUM, dtype=jnp.int64 if jax.config.jax_enable_x64 else jnp.int32)
    query_words = jax.random.randint(k2, (B, L), 0, WORD_NUM, dtype=jnp.int64 if jax.config.jax_enable_x64 else jnp.int32)
    word_table = (jax.random.normal(k3, (WORD_NUM, D), dtype=jnp.float32) * 0.1).at[0].set(0.0)  # padding_idx=0
    item_table = jax.random.normal(k4, (ITEM_NUM, D), dtype=jnp.float32) * 0.1
    W_q = jax.random.normal(k5, (D, D), dtype=jnp.float32) * (1.0 / np.sqrt(D))
    b_q = jnp.zeros((D,), dtype=jnp.float32)
    return {
        "items": items,
        "query_words": query_words,
        "word_table": word_table,
        "item_table": item_table,
        "W_q": W_q,
        "b_q": b_q,
    }


def reference(items, query_words, word_table, item_table, W_q, b_q):
    # mode == 'test' path of Model.forward
    # __fs: mean-pool word embeddings over sequence dim, then tanh(linear(.))
    word_emb = jnp.take(word_table, query_words, axis=0)      # [B, L, D] gather
    pooled = jnp.mean(word_emb, axis=1)                        # [B, D]
    query_embeddings = jnp.tanh(pooled @ W_q.T + b_q)          # [B, D]
    item_embeddings = jnp.take(item_table, items, axis=0)      # [B, D] gather
    return (query_embeddings, item_embeddings)

if __name__ == "__main__":
    import jax
    _d = setup_inputs()
    print(jax.jit(kernel)(*tuple(_d.values())))

</pallas_src>

<mosaic_0001>
#map = affine_map<(d0, d1) -> (0)>
#map1 = affine_map<(d0, d1) -> (0, 0)>
module attributes {stable_mosaic.version = 14 : i64} {
  func.func @_sc_gather_pool(%arg0: i32, %arg1: i32, %arg2: memref<16384xi32, #tpu.memory_space<hbm>>, %arg3: memref<819200xi32, #tpu.memory_space<hbm>>, %arg4: memref<1000000x32xf32, #tpu.memory_space<hbm>>, %arg5: memref<1000000x32xf32, #tpu.memory_space<hbm>>, %arg6: memref<16384x32xf32, #tpu.memory_space<hbm>>, %arg7: memref<16384x32xf32, #tpu.memory_space<hbm>>, %arg8: memref<3200xi32, #tpu.memory_space<vmem>>, %arg9: memref<3200x32xf32, #tpu.memory_space<vmem>>, %arg10: memref<64x32xf32, #tpu.memory_space<vmem>>, %arg11: memref<512xi32, #tpu.memory_space<vmem>>, %arg12: memref<128x32xf32, #tpu.memory_space<vmem>>, %arg13: memref<!tpu.dma_semaphore, #tpu.memory_space<semaphore_mem>>) attributes {dimension_semantics = [#tpu.dimension_semantics<core_parallel>, #tpu.dimension_semantics<subcore_parallel>], iteration_bounds = array<i64: 2, 16>, scalar_prefetch = 0 : i64, scratch_operands = 6 : i64, tpu.core_type = #tpu.core_type<sc_vector_subcore>, window_params = [{transform_indices = #map}, {transform_indices = #map}, {transform_indices = #map1}, {transform_indices = #map1}, {transform_indices = #map1}, {transform_indices = #map1}]} {
    %mul3A = arith.constant 2 : i32
    %mul3A_0 = arith.muli %arg1, %mul3A : i32
    %add3A = arith.addi %mul3A_0, %arg0 : i32
    %mul3A_1 = arith.constant 512 : i32
    %mul3A_2 = arith.muli %add3A, %mul3A_1 : i32
    "tpu.region"() ({
      %run_scoped3A = tpu.sem_alloc : memref<!tpu.dma_semaphore, #tpu.memory_space<semaphore_mem>>
      %dma_start3A_54 = tpu.memref_slice %arg2[%mul3A_2] : memref<16384xi32, #tpu.memory_space<hbm>> -> memref<512xi32, #tpu.memory_space<hbm>>
      %dma_start3A_55 = tpu.memref_slice %arg2[%mul3A_2] : memref<16384xi32, #tpu.memory_space<hbm>> -> memref<512xi32, #tpu.memory_space<hbm>>
      tpu.enqueue_dma source(%dma_start3A_55 : memref<512xi32, #tpu.memory_space<hbm>>) target(%arg11 : memref<512xi32, #tpu.memory_space<vmem>>) target_semaphore(%run_scoped3A : memref<!tpu.dma_semaphore, #tpu.memory_space<semaphore_mem>>)
      %dma_wait3A_56 = tpu.memref_slice %arg2[%mul3A_2] : memref<16384xi32, #tpu.memory_space<hbm>> -> memref<512xi32, #tpu.memory_space<hbm>>
      %dma_wait3A_57 = tpu.memref_slice %arg2[%mul3A_2] : memref<16384xi32, #tpu.memory_space<hbm>> -> memref<512xi32, #tpu.memory_space<hbm>>
      tpu.wait_dma2 semaphore(%run_scoped3A : memref<!tpu.dma_semaphore, #tpu.memory_space<semaphore_mem>>) src(%dma_wait3A_57 : memref<512xi32, #tpu.memory_space<hbm>>) dst(%arg11 : memref<512xi32, #tpu.memory_space<vmem>>)
      tpu.yield
    }) : () -> ()
    %scan3A = arith.constant 0 : i32
    %scan3A_3 = arith.constant 0 : i32
    %scan3A_4 = arith.constant 8 : i32
    %scan3A_5 = arith.addi %scan3A_3, %scan3A_4 : i32
    %scan3A_6 = arith.constant 1 : i32
    scf.for %scan3A_54 = %scan3A_3 to %scan3A_5 step %scan3A_6  : i32 {
      %mul3A_55 = arith.constant 64 : i32
      %mul3A_56 = arith.muli %scan3A_54, %mul3A_55 : i32
      %add3A_57 = arith.addi %mul3A_2, %mul3A_56 : i32
      %mul3A_58 = arith.constant 50 : i32
      %mul3A_59 = arith.muli %add3A_57, %mul3A_58 : i32
      "tpu.region"() ({
        %run_scoped3A = tpu.sem_alloc : memref<!tpu.dma_semaphore, #tpu.memory_space<semaphore_mem>>
        %dma_start3A_469 = tpu.memref_slice %arg3[%mul3A_59] : memref<819200xi32, #tpu.memory_space<hbm>> -> memref<3200xi32, #tpu.memory_space<hbm>>
        %dma_start3A_470 = tpu.memref_slice %arg3[%mul3A_59] : memref<819200xi32, #tpu.memory_space<hbm>> -> memref<3200xi32, #tpu.memory_space<hbm>>
        tpu.enqueue_dma source(%dma_start3A_470 : memref<3200xi32, #tpu.memory_space<hbm>>) target(%arg8 : memref<3200xi32, #tpu.memory_space<vmem>>) target_semaphore(%run_scoped3A : memref<!tpu.dma_semaphore, #tpu.memory_space<semaphore_mem>>)
        %dma_wait3A_471 = tpu.memref_slice %arg3[%mul3A_59] : memref<819200xi32, #tpu.memory_space<hbm>> -> memref<3200xi32, #tpu.memory_space<hbm>>
        %dma_wait3A_472 = tpu.memref_slice %arg3[%mul3A_59] : memref<819200xi32, #tpu.memory_space<hbm>> -> memref<3200xi32, #tpu.memory_space<hbm>>
        tpu.wait_dma2 semaphore(%run_scoped3A : memref<!tpu.dma_semaphore, #tpu.memory_space<semaphore_mem>>) src(%dma_wait3A_472 : memref<3200xi32, #tpu.memory_space<hbm>>) dst(%arg8 : memref<3200xi32, #tpu.memory_space<vmem>>)
        tpu.yield
      }) : () -> ()
      %dma_start3A_60 = arith.constant 0 : i32
      %dma_start3A_61 = arith.constant 0 : i32
      %dma_start3A_62 = tpu.memref_slice %arg9[%dma_start3A_60, %dma_start3A_61] : memref<3200x32xf32, #tpu.memory_space<vmem>> -> memref<128x32xf32, #tpu.memory_space<vmem>>
      %dma_start3A_63 = arith.constant 0 : i32
      %dma_start3A_64 = tpu.memref_slice %arg8[%dma_start3A_63] : memref<3200xi32, #tpu.memory_space<vmem>> -> memref<128xi32, #tpu.memory_space<vmem>>
      %dma_start3A_65 = arith.constant 0 : i32
      %dma_start3A_66 = arith.constant 0 : i32
      %dma_start3A_67 = tpu.memref_slice %arg4[%dma_start3A_65, %dma_start3A_66] : memref<1000000x32xf32, #tpu.memory_space<hbm>> -> memref<1000000x32xf32, #tpu.memory_space<hbm>>
      tpu.enqueue_indirect_dma source(%dma_start3A_67 : memref<1000000x32xf32, #tpu.memory_space<hbm>>) target(%dma_start3A_62 : memref<128x32xf32, #tpu.memory_space<vmem>>) offsets(%dma_start3A_64 : memref<128xi32, #tpu.memory_space<vmem>>) semaphore(%arg13 : memref<!tpu.dma_semaphore, #tpu.memory_space<semaphore_mem>>)
      %dma_start3A_68 = arith.constant 128 : i32
      %dma_start3A_69 = arith.constant 0 : i32
      %dma_start3A_70 = tpu.memref_slice %arg9[%dma_start3A_68, %dma_start3A_69] : memref<3200x32xf32, #tpu.memory_space<vmem>> -> memref<128x32xf32, #tpu.memory_space<vmem>>
      %dma_start3A_71 = arith.constant 128 : i32
      %dma_start3A_72 = tpu.memref_slice %arg8[%dma_start3A_71] : memref<3200xi32, #tpu.memory_space<vmem>> -> memref<128xi32, #tpu.memory_space<vmem>>
      %dma_start3A_73 = arith.constant 0 : i32
      %dma_start3A_74 = arith.constant 0 : i32
      %dma_start3A_75 = tpu.memref_slice %arg4[%dma_start3A_73, %dma_start3A_74] : memref<1000000x32xf32, #tpu.memory_space<hbm>> -> memref<1000000x32xf32, #tpu.memory_space<hbm>>
      tpu.enqueue_indirect_dma source(%dma_start3A_75 : memref<1000000x32xf32, #tpu.memory_space<hbm>>) target(%dma_start3A_70 : memref<128x32xf32, #tpu.memory_space<vmem>>) offsets(%dma_start3A_72 : memref<128xi32, #tpu.memory_space<vmem>>) semaphore(%arg13 : memref<!tpu.dma_semaphore, #tpu.memory_space<semaphore_mem>>)
      %dma_start3A_76 = arith.constant 256 : i32
      %dma_start3A_77 = arith.constant 0 : i32
      %dma_start3A_78 = tpu.memref_slice %arg9[%dma_start3A_76, %dma_start3A_77] : memref<3200x32xf32, #tpu.memory_space<vmem>> -> memref<128x32xf32, #tpu.memory_space<vmem>>
      %dma_start3A_79 = arith.constant 256 : i32
      %dma_start3A_80 = tpu.memref_slice %arg8[%dma_start3A_79] : memref<3200xi32, #tpu.memory_space<vmem>> -> memref<128xi32, #tpu.memory_space<vmem>>
      %dma_start3A_81 = arith.constant 0 : i32
      %dma_start3A_82 = arith.constant 0 : i32
      %dma_start3A_83 = tpu.memref_slice %arg4[%dma_start3A_81, %dma_start3A_82] : memref<1000000x32xf32, #tpu.memory_space<hbm>> -> memref<1000000x32xf32, #tpu.memory_space<hbm>>
      tpu.enqueue_indirect_dma source(%dma_start3A_83 : memref<1000000x32xf32, #tpu.memory_space<hbm>>) target(%dma_start3A_78 : memref<128x32xf32, #tpu.memory_space<vmem>>) offsets(%dma_start3A_80 : memref<128xi32, #tpu.memory_space<vmem>>) semaphore(%arg13 : memref<!tpu.dma_semaphore, #tpu.memory_space<semaphore_mem>>)
      %dma_start3A_84 = arith.constant 384 : i32
      %dma_start3A_85 = arith.constant 0 : i32
      %dma_start3A_86 = tpu.memref_slice %arg9[%dma_start3A_84, %dma_start3A_85] : memref<3200x32xf32, #tpu.memory_space<vmem>> -> memref<128x32xf32, #tpu.memory_space<vmem>>
      %dma_start3A_87 = arith.constant 384 : i32
      %dma_start3A_88 = tpu.memref_slice %arg8[%dma_start3A_87] : memref<3200xi32, #tpu.memory_space<vmem>> -> memref<128xi32, #tpu.memory_space<vmem>>
      %dma_start3A_89 = arith.constant 0 : i32
      %dma_start3A_90 = arith.constant 0 : i32
      %dma_start3A_91 = tpu.memref_slice %arg4[%dma_start3A_89, %dma_start3A_90] : memref<1000000x32xf32, #tpu.memory_space<hbm>> -> memref<1000000x32xf32, #tpu.memory_space<hbm>>
      tpu.enqueue_indirect_dma source(%dma_start3A_91 : memref<1000000x32xf32, #tpu.memory_space<hbm>>) target(%dma_start3A_86 : memref<128x32xf32, #tpu.memory_space<vmem>>) offsets(%dma_start3A_88 : memref<128xi32, #tpu.memory_space<vmem>>) semaphore(%arg13 : memref<!tpu.dma_semaphore, #tpu.memory_space<semaphore_mem>>)
      %dma_start3A_92 = arith.constant 512 : i32
      %dma_start3A_93 = arith.constant 0 : i32
      %dma_start3A_94 = tpu.memref_slice %arg9[%dma_start3A_92, %dma_start3A_93] : memref<3200x32xf32, #tpu.memory_space<vmem>> -> memref<128x32xf32, #tpu.memory_space<vmem>>
      %dma_start3A_95 = arith.constant 512 : i32
      %dma_start3A_96 = tpu.memref_slice %arg8[%dma_start3A_95] : memref<3200xi32, #tpu.memory_space<vmem>> -> memref<128xi32, #tpu.memory_space<vmem>>
      %dma_start3A_97 = arith.constant 0 : i32
      %dma_start3A_98 = arith.constant 0 : i32
      %dma_start3A_99 = tpu.memref_slice %arg4[%dma_start3A_97, %dma_start3A_98] : memref<1000000x32xf32, #tpu.memory_space<hbm>> -> memref<1000000x32xf32, #tpu.memory_space<hbm>>
      tpu.enqueue_indirect_dma source(%dma_start3A_99 : memref<1000000x32xf32, #tpu.memory_space<hbm>>) target(%dma_start3A_94 : memref<128x32xf32, #tpu.memory_space<vmem>>) offsets(%dma_start3A_96 : memref<128xi32, #tpu.memory_space<vmem>>) semaphore(%arg13 : memref<!tpu.dma_semaphore, #tpu.memory_space<semaphore_mem>>)
      %dma_start3A_100 = arith.constant 640 : i32
      %dma_start3A_101 = arith.constant 0 : i32
      %dma_start3A_102 = tpu.memref_slice %arg9[%dma_start3A_100, %dma_start3A_101] : memref<3200x32xf32, #tpu.memory_space<vmem>> -> memref<128x32xf32, #tpu.memory_space<vmem>>
      %dma_start3A_103 = arith.constant 640 : i32
      %dma_start3A_104 = tpu.memref_slice %arg8[%dma_start3A_103] : memref<3200xi32, #tpu.memory_space<vmem>> -> memref<128xi32, #tpu.memory_space<vmem>>
      %dma_start3A_105 = arith.constant 0 : i32
      %dma_start3A_106 = arith.constant 0 : i32
      %dma_start3A_107 = tpu.memref_slice %arg4[%dma_start3A_105, %dma_start3A_106] : memref<1000000x32xf32, #tpu.memory_space<hbm>> -> memref<1000000x32xf32, #tpu.memory_space<hbm>>
      tpu.enqueue_indirect_dma source(%dma_start3A_107 : memref<1000000x32xf32, #tpu.memory_space<hbm>>) target(%dma_start3A_102 : memref<128x32xf32, #tpu.memory_space<vmem>>) offsets(%dma_start3A_104 : memref<128xi32, #tpu.memory_space<vmem>>) semaphore(%arg13 : memref<!tpu.dma_semaphore, #tpu.memory_space<semaphore_mem>>)
      %dma_start3A_108 = arith.constant 768 : i32
      %dma_start3A_109 = arith.constant 0 : i32
      %dma_start3A_110 = tpu.memref_slice %arg9[%dma_start3A_108, %dma_start3A_109] : memref<3200x32xf32, #tpu.memory_space<vmem>> -> memref<128x32xf32, #tpu.memory_space<vmem>>
      %dma_start3A_111 = arith.constant 768 : i32
      %dma_start3A_112 = tpu.memref_slice %arg8[%dma_start3A_111] : memref<3200xi32, #tpu.memory_space<vmem>> -> memref<128xi32, #tpu.memory_space<vmem>>
      %dma_start3A_113 = arith.constant 0 : i32
      %dma_start3A_114 = arith.constant 0 : i32
      %dma_start3A_115 = tpu.memref_slice %arg4[%dma_start3A_113, %dma_start3A_114] : memref<1000000x32xf32, #tpu.memory_space<hbm>> -> memref<1000000x32xf32, #tpu.memory_space<hbm>>
      tpu.enqueue_indirect_dma source(%dma_start3A_115 : memref<1000000x32xf32, #tpu.memory_space<hbm>>) target(%dma_start3A_110 : memref<128x32xf32, #tpu.memory_space<vmem>>) offsets(%dma_start3A_112 : memref<128xi32, #tpu.memory_space<vmem>>) semaphore(%arg13 : memref<!tpu.dma_semaphore, #tpu.memory_space<semaphore_mem>>)
      %dma_start3A_116 = arith.constant 896 : i32
      %dma_start3A_117 = arith.constant 0 : i32
      %dma_start3A_118 = tpu.memref_slice %arg9[%dma_start3A_116, %dma_start3A_117] : memref<3200x32xf32, #tpu.memory_space<vmem>> -> memref<128x32xf32, #tpu.memory_space<vmem>>
      %dma_start3A_119 = arith.constant 896 : i32
      %dma_start3A_120 = tpu.memref_slice %arg8[%dma_start3A_119] : memref<3200xi32, #tpu.memory_space<vmem>> -> memref<128xi32, #tpu.memory_space<vmem>>
      %dma_start3A_121 = arith.constant 0 : i32
      %dma_start3A_122 = arith.constant 0 : i32
      %dma_start3A_123 = tpu.memref_slice %arg4[%dma_start3A_121, %dma_start3A_122] : memref<1000000x32xf32, #tpu.memory_space<hbm>> -> memref<1000000x32xf32, #tpu.memory_space<hbm>>
      tpu.enqueue_indirect_dma source(%dma_start3A_123 : memref<1000000x32xf32, #tpu.memory_space<hbm>>) target(%dma_start3A_118 : memref<128x32xf32, #tpu.memory_space<vmem>>) offsets(%dma_start3A_120 : memref<128xi32, #tpu.memory_space<vmem>>) semaphore(%arg13 : memref<!tpu.dma_semaphore, #tpu.memory_space<semaphore_mem>>)
      %dma_start3A_124 = arith.constant 1024 : i32
      %dma_start3A_125 = arith.constant 0 : i32
      %dma_start3A_126 = tpu.memref_slice %arg9[%dma_start3A_124, %dma_start3A_125] : memref<3200x32xf32, #tpu.memory_space<vmem>> -> memref<128x32xf32, #tpu.memory_space<vmem>>
      %dma_start3A_127 = arith.constant 1024 : i32
      %dma_start3A_128 = tpu.memref_slice %arg8[%dma_start3A_127] : memref<3200xi32, #tpu.memory_space<vmem>> -> memref<128xi32, #tpu.memory_space<vmem>>
      %dma_start3A_129 = arith.constant 0 : i32
      %dma_start3A_130 = arith.constant 0 : i32
      %dma_start3A_131 = tpu.memref_slice %arg4[%dma_start3A_129, %dma_start3A_130] : memref<1000000x32xf32, #tpu.memory_space<hbm>> -> memref<1000000x32xf32, #tpu.memory_space<hbm>>
      tpu.enqueue_indirect_dma source(%dma_start3A_131 : memref<1000000x32xf32, #tpu.memory_space<hbm>>) target(%dma_start3A_126 : memref<128x32xf32, #tpu.memory_space<vmem>>) offsets(%dma_start3A_128 : memref<128xi32, #tpu.memory_space<vmem>>) semaphore(%arg13 : memref<!tpu.dma_semaphore, #tpu.memory_space<semaphore_mem>>)
      %dma_start3A_132 = arith.constant 1152 : i32
      %dma_start3A_133 = arith.constant 0 : i32
      %dma_start3A_134 = tpu.memref_slice %arg9[%dma_start3A_132, %dma_start3A_133] : memref<3200x32xf32, #tpu.memory_space<vmem>> -> memref<128x32xf32, #tpu.memory_space<vmem>>
      %dma_start3A_135 = arith.constant 1152 : i32
      %dma_start3A_136 = tpu.memref_slice %arg8[%dma_start3A_135] : memref<3200xi32, #tpu.memory_space<vmem>> -> memref<128xi32, #tpu.memory_space<vmem>>
      %dma_start3A_137 = arith.constant 0 : i32
      %dma_start3A_138 = arith.constant 0 : i32
      %dma_start3A_139 = tpu.memref_slice %arg4[%dma_start3A_137, %dma_start3A_138] : memref<1000000x32xf32, #tpu.memory_space<hbm>> -> memref<1000000x32xf32, #tpu.memory_space<hbm>>
      tpu.enqueue_indirect_dma source(%dma_start3A_139 : memref<1000000x32xf32, #tpu.memory_space<hbm>>) target(%dma_start3A_134 : memref<128x32xf32, #tpu.memory_space<vmem>>) offsets(%dma_start3A_136 : memref<128xi32, #tpu.memory_space<vmem>>) semaphore(%arg13 : memref<!tpu.dma_semaphore, #tpu.memory_space<semaphore_mem>>)
      %dma_start3A_140 = arith.constant 1280 : i32
      %dma_start3A_141 = arith.constant 0 : i32
      %dma_start3A_142 = tpu.memref_slice %arg9[%dma_start3A_140, %dma_start3A_141] : memref<3200x32xf32, #tpu.memory_space<vmem>> -> memref<128x32xf32, #tpu.memory_space<vmem>>
      %dma_start3A_143 = arith.constant 1280 : i32
      %dma_start3A_144 = tpu.memref_slice %arg8[%dma_start3A_143] : memref<3200xi32, #tpu.memory_space<vmem>> -> memref<128xi32, #tpu.memory_space<vmem>>
      %dma_start3A_145 = arith.constant 0 : i32
      %dma_start3A_146 = arith.constant 0 : i32
      %dma_start3A_147 = tpu.memref_slice %arg4[%dma_start3A_145, %dma_start3A_146] : memref<1000000x32xf32, #tpu.memory_space<hbm>> -> memref<1000000x32xf32, #tpu.memory_space<hbm>>
      tpu.enqueue_indirect_dma source(%dma_start3A_147 : memref<1000000x32xf32, #tpu.memory_space<hbm>>) target(%dma_start3A_142 : memref<128x32xf32, #tpu.memory_space<vmem>>) offsets(%dma_start3A_144 : memref<128xi32, #tpu.memory_space<vmem>>) semaphore(%arg13 : memref<!tpu.dma_semaphore, #tpu.memory_space<semaphore_mem>>)
      %dma_start3A_148 = arith.constant 1408 : i32
      %dma_start3A_149 = arith.constant 0 : i32
      %dma_start3A_150 = tpu.memref_slice %arg9[%dma_start3A_148, %dma_start3A_149] : memref<3200x32xf32, #tpu.memory_space<vmem>> -> memref<128x32xf32, #tpu.memory_space<vmem>>
      %dma_start3A_151 = arith.constant 1408 : i32
      %dma_start3A_152 = tpu.memref_slice %arg8[%dma_start3A_151] : memref<3200xi32, #tpu.memory_space<vmem>> -> memref<128xi32, #tpu.memory_space<vmem>>
      %dma_start3A_153 = arith.constant 0 : i32
      %dma_start3A_154 = arith.constant 0 : i32
      %dma_start3A_155 = tpu.memref_slice %arg4[%dma_start3A_153, %dma_start3A_154] : memref<1000000x32xf32, #tpu.memory_space<hbm>> -> memref<1000000x32xf32, #tpu.memory_space<hbm>>
      tpu.enqueue_indirect_dma source(%dma_start3A_155 : memref<1000000x32xf32, #tpu.memory_space<hbm>>) target(%dma_start3A_150 : memref<128x32xf32, #tpu.memory_space<vmem>>) offsets(%dma_start3A_152 : memref<128xi32, #tpu.memory_space<vmem>>) semaphore(%arg13 : memref<!tpu.dma_semaphore, #tpu.memory_space<semaphore_mem>>)
      %dma_start3A_156 = arith.constant 1536 : i32
      %dma_start3A_157 = arith.constant 0 : i32
      %dma_start3A_158 = tpu.memref_slice %arg9[%dma_start3A_156, %dma_start3A_157] : memref<3200x32xf32, #tpu.memory_space<vmem>> -> memref<128x32xf32, #tpu.memory_space<vmem>>
      %dma_start3A_159 = arith.constant 1536 : i32
      %dma_start3A_160 = tpu.memref_slice %arg8[%dma_start3A_159] : memref<3200xi32, #tpu.memory_space<vmem>> -> memref<128xi32, #tpu.memory_space<vmem>>
      %dma_start3A_161 = arith.constant 0 : i32
      %dma_start3A_162 = arith.constant 0 : i32
      %dma_start3A_163 = tpu.memref_slice %arg4[%dma_start3A_161, %dma_start3A_162] : memref<1000000x32xf32, #tpu.memory_space<hbm>> -> memref<1000000x32xf32, #tpu.memory_space<hbm>>
      tpu.enqueue_indirect_dma source(%dma_start3A_163 : memref<1000000x32xf32, #tpu.memory_space<hbm>>) target(%dma_start3A_158 : memref<128x32xf32, #tpu.memory_space<vmem>>) offsets(%dma_start3A_160 : memref<128xi32, #tpu.memory_space<vmem>>) semaphore(%arg13 : memref<!tpu.dma_semaphore, #tpu.memory_space<semaphore_mem>>)
      %dma_start3A_164 = arith.constant 1664 : i32
      %dma_start3A_165 = arith.constant 0 : i32
      %dma_start3A_166 = tpu.memref_slice %arg9[%dma_start3A_164, %dma_start3A_165] : memref<3200x32xf32, #tpu.memory_space<vmem>> -> memref<128x32xf32, #tpu.memory_space<vmem>>
      %dma_start3A_167 = arith.constant 1664 : i32
      %dma_start3A_168 = tpu.memref_slice %arg8[%dma_start3A_167] : memref<3200xi32, #tpu.memory_space<vmem>> -> memref<128xi32, #tpu.memory_space<vmem>>
      %dma_start3A_169 = arith.constant 0 : i32
      %dma_start3A_170 = arith.constant 0 : i32
      %dma_start3A_171 = tpu.memref_slice %arg4[%dma_start3A_169, %dma_start3A_170] : memref<1000000x32xf32, #tpu.memory_space<hbm>> -> memref<1000000x32xf32, #tpu.memory_space<hbm>>
      tpu.enqueue_indirect_dma source(%dma_start3A_171 : memref<1000000x32xf32, #tpu.memory_space<hbm>>) target(%dma_start3A_166 : memref<128x32xf32, #tpu.memory_space<vmem>>) offsets(%dma_start3A_168 : memref<128xi32, #tpu.memory_space<vmem>>) semaphore(%arg13 : memref<!tpu.dma_semaphore, #tpu.memory_space<semaphore_mem>>)
      %dma_start3A_172 = arith.constant 1792 : i32
      %dma_start3A_173 = arith.constant 0 : i32
      %dma_start3A_174 = tpu.memref_slice %arg9[%dma_start3A_172, %dma_start3A_173] : memref<3200x32xf32, #tpu.memory_space<vmem>> -> memref<128x32xf32, #tpu.memory_space<vmem>>
      %dma_start3A_175 = arith.constant 1792 : i32
      %dma_start3A_176 = tpu.memref_slice %arg8[%dma_start3A_175] : memref<3200xi32, #tpu.memory_space<vmem>> -> memref<128xi32, #tpu.memory_space<vmem>>
      %dma_start3A_177 = arith.constant 0 : i32
      %dma_start3A_178 = arith.constant 0 : i32
      %dma_start3A_179 = tpu.memref_slice %arg4[%dma_start3A_177, %dma_start3A_178] : memref<1000000x32xf32, #tpu.memory_space<hbm>> -> memref<1000000x32xf32, #tpu.memory_space<hbm>>
      tpu.enqueue_indirect_dma source(%dma_start3A_179 : memref<1000000x32xf32, #tpu.memory_space<hbm>>) target(%dma_start3A_174 : memref<128x32xf32, #tpu.memory_space<vmem>>) offsets(%dma_start3A_176 : memref<128xi32, #tpu.memory_space<vmem>>) semaphore(%arg13 : memref<!tpu.dma_semaphore, #tpu.memory_space<semaphore_mem>>)
      %dma_start3A_180 = arith.constant 1920 : i32
      %dma_start3A_181 = arith.constant 0 : i32
      %dma_start3A_182 = tpu.memref_slice %arg9[%dma_start3A_180, %dma_start3A_181] : memref<3200x32xf32, #tpu.memory_space<vmem>> -> memref<128x32xf32, #tpu.memory_space<vmem>>
      %dma_start3A_183 = arith.constant 1920 : i32
      %dma_start3A_184 = tpu.memref_slice %arg8[%dma_start3A_183] : memref<3200xi32, #tpu.memory_space<vmem>> -> memref<128xi32, #tpu.memory_space<vmem>>
      %dma_start3A_185 = arith.constant 0 : i32
      %dma_start3A_186 = arith.constant 0 : i32
      %dma_start3A_187 = tpu.memref_slice %arg4[%dma_start3A_185, %dma_start3A_186] : memref<1000000x32xf32, #tpu.memory_space<hbm>> -> memref<1000000x32xf32, #tpu.memory_space<hbm>>
      tpu.enqueue_indirect_dma source(%dma_start3A_187 : memref<1000000x32xf32, #tpu.memory_space<hbm>>) target(%dma_start3A_182 : memref<128x32xf32, #tpu.memory_space<vmem>>) offsets(%dma_start3A_184 : memref<128xi32, #tpu.memory_space<vmem>>) semaphore(%arg13 : memref<!tpu.dma_semaphore, #tpu.memory_space<semaphore_mem>>)
      %dma_start3A_188 = arith.constant 2048 : i32
      %dma_start3A_189 = arith.constant 0 : i32
      %dma_start3A_190 = tpu.memref_slice %arg9[%dma_start3A_188, %dma_start3A_189] : memref<3200x32xf32, #tpu.memory_space<vmem>> -> memref<128x32xf32, #tpu.memory_space<vmem>>
      %dma_start3A_191 = arith.constant 2048 : i32
      %dma_start3A_192 = tpu.memref_slice %arg8[%dma_start3A_191] : memref<3200xi32, #tpu.memory_space<vmem>> -> memref<128xi32, #tpu.memory_space<vmem>>
      %dma_start3A_193 = arith.constant 0 : i32
      %dma_start3A_194 = arith.constant 0 : i32
      %dma_start3A_195 = tpu.memref_slice %arg4[%dma_start3A_193, %dma_start3A_194] : memref<1000000x32xf32, #tpu.memory_space<hbm>> -> memref<1000000x32xf32, #tpu.memory_space<hbm>>
      tpu.enqueue_indirect_dma source(%dma_start3A_195 : memref<1000000x32xf32, #tpu.memory_space<hbm>>) target(%dma_start3A_190 : memref<128x32xf32, #tpu.memory_space<vmem>>) offsets(%dma_start3A_192 : memref<128xi32, #tpu.memory_space<vmem>>) semaphore(%arg13 : memref<!tpu.dma_semaphore, #tpu.memory_space<semaphore_mem>>)
      %dma_start3A_196 = arith.constant 2176 : i32
      %dma_start3A_197 = arith.constant 0 : i32
      %dma_start3A_198 = tpu.memref_slice %arg9[%dma_start3A_196, %dma_start3A_197] : memref<3200x32xf32, #tpu.memory_space<vmem>> -> memref<128x32xf32, #tpu.memory_space<vmem>>
      %dma_start3A_199 = arith.constant 2176 : i32
      %dma_start3A_200 = tpu.memref_slice %arg8[%dma_start3A_199] : memref<3200xi32, #tpu.memory_space<vmem>> -> memref<128xi32, #tpu.memory_space<vmem>>
      %dma_start3A_201 = arith.constant 0 : i32
      %dma_start3A_202 = arith.constant 0 : i32
      %dma_start3A_203 = tpu.memref_slice %arg4[%dma_start3A_201, %dma_start3A_202] : memref<1000000x32xf32, #tpu.memory_space<hbm>> -> memref<1000000x32xf32, #tpu.memory_space<hbm>>
      tpu.enqueue_indirect_dma source(%dma_start3A_203 : memref<1000000x32xf32, #tpu.memory_space<hbm>>) target(%dma_start3A_198 : memref<128x32xf32, #tpu.memory_space<vmem>>) offsets(%dma_start3A_200 : memref<128xi32, #tpu.memory_space<vmem>>) semaphore(%arg13 : memref<!tpu.dma_semaphore, #tpu.memory_space<semaphore_mem>>)
      %dma_start3A_204 = arith.constant 2304 : i32
      %dma_start3A_205 = arith.constant 0 : i32
      %dma_start3A_206 = tpu.memref_slice %arg9[%dma_start3A_204, %dma_start3A_205] : memref<3200x32xf32, #tpu.memory_space<vmem>> -> memref<128x32xf32, #tpu.memory_space<vmem>>
      %dma_start3A_207 = arith.constant 2304 : i32
      %dma_start3A_208 = tpu.memref_slice %arg8[%dma_start3A_207] : memref<3200xi32, #tpu.memory_space<vmem>> -> memref<128xi32, #tpu.memory_space<vmem>>
      %dma_start3A_209 = arith.constant 0 : i32
      %dma_start3A_210 = arith.constant 0 : i32
      %dma_start3A_211 = tpu.memref_slice %arg4[%dma_start3A_209, %dma_start3A_210] : memref<1000000x32xf32, #tpu.memory_space<hbm>> -> memref<1000000x32xf32, #tpu.memory_space<hbm>>
      tpu.enqueue_indirect_dma source(%dma_start3A_211 : memref<1000000x32xf32, #tpu.memory_space<hbm>>) target(%dma_start3A_206 : memref<128x32xf32, #tpu.memory_space<vmem>>) offsets(%dma_start3A_208 : memref<128xi32, #tpu.memory_space<vmem>>) semaphore(%arg13 : memref<!tpu.dma_semaphore, #tpu.memory_space<semaphore_mem>>)
      %dma_start3A_212 = arith.constant 2432 : i32
      %dma_start3A_213 = arith.constant 0 : i32
      %dma_start3A_214 = tpu.memref_slice %arg9[%dma_start3A_212, %dma_start3A_213] : memref<3200x32xf32, #tpu.memory_space<vmem>> -> memref<128x32xf32, #tpu.memory_space<vmem>>
      %dma_start3A_215 = arith.constant 2432 : i32
      %dma_start3A_216 = tpu.memref_slice %arg8[%dma_start3A_215] : memref<3200xi32, #tpu.memory_space<vmem>> -> memref<128xi32, #tpu.memory_space<vmem>>
      %dma_start3A_217 = arith.constant 0 : i32
      %dma_start3A_218 = arith.constant 0 : i32
      %dma_start3A_219 = tpu.memref_slice %arg4[%dma_start3A_217, %dma_start3A_218] : memref<1000000x32xf32, #tpu.memory_space<hbm>> -> memref<1000000x32xf32, #tpu.memory_space<hbm>>
      tpu.enqueue_indirect_dma source(%dma_start3A_219 : memref<1000000x32xf32, #tpu.memory_space<hbm>>) target(%dma_start3A_214 : memref<128x32xf32, #tpu.memory_space<vmem>>) offsets(%dma_start3A_216 : memref<128xi32, #tpu.memory_space<vmem>>) semaphore(%arg13 : memref<!tpu.dma_semaphore, #tpu.memory_space<semaphore_mem>>)
      %dma_start3A_220 = arith.constant 2560 : i32
      %dma_start3A_221 = arith.constant 0 : i32
      %dma_start3A_222 = tpu.memref_slice %arg9[%dma_start3A_220, %dma_start3A_221] : memref<3200x32xf32, #tpu.memory_space<vmem>> -> memref<128x32xf32, #tpu.memory_space<vmem>>
      %dma_start3A_223 = arith.constant 2560 : i32
      %dma_start3A_224 = tpu.memref_slice %arg8[%dma_start3A_223] : memref<3200xi32, #tpu.memory_space<vmem>> -> memref<128xi32, #tpu.memory_space<vmem>>
      %dma_start3A_225 = arith.constant 0 : i32
      %dma_start3A_226 = arith.constant 0 : i32
      %dma_start3A_227 = tpu.memref_slice %arg4[%dma_start3A_225, %dma_start3A_226] : memref<1000000x32xf32, #tpu.memory_space<hbm>> -> memref<1000000x32xf32, #tpu.memory_space<hbm>>
      tpu.enqueue_indirect_dma source(%dma_start3A_227 : memref<1000000x32xf32, #tpu.memory_space<hbm>>) target(%dma_start3A_222 : memref<128x32xf32, #tpu.memory_space<vmem>>) offsets(%dma_start3A_224 : memref<128xi32, #tpu.memory_space<vmem>>) semaphore(%arg13 : memref<!tpu.dma_semaphore, #tpu.memory_space<semaphore_mem>>)
      %dma_start3A_228 = arith.constant 2688 : i32
      %dma_start3A_229 = arith.constant 0 : i32
      %dma_start3A_230 = tpu.memref_slice %arg9[%dma_start3A_228, %dma_start3A_229] : memref<3200x32xf32, #tpu.memory_space<vmem>> -> memref<128x32xf32, #tpu.memory_space<vmem>>
      %dma_start3A_231 = arith.constant 2688 : i32
      %dma_start3A_232 = tpu.memref_slice %arg8[%dma_start3A_231] : memref<3200xi32, #tpu.memory_space<vmem>> -> memref<128xi32, #tpu.memory_space<vmem>>
      %dma_start3A_233 = arith.constant 0 : i32
      %dma_start3A_234 = arith.constant 0 : i32
      %dma_start3A_235 = tpu.memref_slice %arg4[%dma_start3A_233, %dma_start3A_234] : memref<1000000x32xf32, #tpu.memory_space<hbm>> -> memref<1000000x32xf32, #tpu.memory_space<hbm>>
      tpu.enqueue_indirect_dma source(%dma_start3A_235 : memref<1000000x32xf32, #tpu.memory_space<hbm>>) target(%dma_start3A_230 : memref<128x32xf32, #tpu.memory_space<vmem>>) offsets(%dma_start3A_232 : memref<128xi32, #tpu.memory_space<vmem>>) semaphore(%arg13 : memref<!tpu.dma_semaphore, #tpu.memory_space<semaphore_mem>>)
      %dma_start3A_236 = arith.constant 2816 : i32
      %dma_start3A_237 = arith.constant 0 : i32
      %dma_start3A_238 = tpu.memref_slice %arg9[%dma_start3A_236, %dma_start3A_237] : memref<3200x32xf32, #tpu.memory_space<vmem>> -> memref<128x32xf32, #tpu.memory_space<vmem>>
      %dma_start3A_239 = arith.constant 2816 : i32
      %dma_start3A_240 = tpu.memref_slice %arg8[%dma_start3A_239] : memref<3200xi32, #tpu.memory_space<vmem>> -> memref<128xi32, #tpu.memory_space<vmem>>
      %dma_start3A_241 = arith.constant 0 : i32
      %dma_start3A_242 = arith.constant 0 : i32
      %dma_start3A_243 = tpu.memref_slice %arg4[%dma_start3A_241, %dma_start3A_242] : memref<1000000x32xf32, #tpu.memory_space<hbm>> -> memref<1000000x32xf32, #tpu.memory_space<hbm>>
      tpu.enqueue_indirect_dma source(%dma_start3A_243 : memref<1000000x32xf32, #tpu.memory_space<hbm>>) target(%dma_start3A_238 : memref<128x32xf32, #tpu.memory_space<vmem>>) offsets(%dma_start3A_240 : memref<128xi32, #tpu.memory_space<vmem>>) semaphore(%arg13 : memref<!tpu.dma_semaphore, #tpu.memory_space<semaphore_mem>>)
      %dma_start3A_244 = arith.constant 2944 : i32
      %dma_start3A_245 = arith.constant 0 : i32
      %dma_start3A_246 = tpu.memref_slice %arg9[%dma_start3A_244, %dma_start3A_245] : memref<3200x32xf32, #tpu.memory_space<vmem>> -> memref<128x32xf32, #tpu.memory_space<vmem>>
      %dma_start3A_247 = arith.constant 2944 : i32
      %dma_start3A_248 = tpu.memref_slice %arg8[%dma_start3A_247] : memref<3200xi32, #tpu.memory_space<vmem>> -> memref<128xi32, #tpu.memory_space<vmem>>
      %dma_start3A_249 = arith.constant 0 : i32
      %dma_start3A_250 = arith.constant 0 : i32
      %dma_start3A_251 = tpu.memref_slice %arg4[%dma_start3A_249, %dma_start3A_250] : memref<1000000x32xf32, #tpu.memory_space<hbm>> -> memref<1000000x32xf32, #tpu.memory_space<hbm>>
      tpu.enqueue_indirect_dma source(%dma_start3A_251 : memref<1000000x32xf32, #tpu.memory_space<hbm>>) target(%dma_start3A_246 : memref<128x32xf32, #tpu.memory_space<vmem>>) offsets(%dma_start3A_248 : memref<128xi32, #tpu.memory_space<vmem>>) semaphore(%arg13 : memref<!tpu.dma_semaphore, #tpu.memory_space<semaphore_mem>>)
      %dma_start3A_252 = arith.constant 3072 : i32
      %dma_start3A_253 = arith.constant 0 : i32
      %dma_start3A_254 = tpu.memref_slice %arg9[%dma_start3A_252, %dma_start3A_253] : memref<3200x32xf32, #tpu.memory_space<vmem>> -> memref<128x32xf32, #tpu.memory_space<vmem>>
      %dma_start3A_255 = arith.constant 3072 : i32
      %dma_start3A_256 = tpu.memref_slice %arg8[%dma_start3A_255] : memref<3200xi32, #tpu.memory_space<vmem>> -> memref<128xi32, #tpu.memory_space<vmem>>
      %dma_start3A_257 = arith.constant 0 : i32
      %dma_start3A_258 = arith.constant 0 : i32
      %dma_start3A_259 = tpu.memref_slice %arg4[%dma_start3A_257, %dma_start3A_258] : memref<1000000x32xf32, #tpu.memory_space<hbm>> -> memref<1000000x32xf32, #tpu.memory_space<hbm>>
      tpu.enqueue_indirect_dma source(%dma_start3A_259 : memref<1000000x32xf32, #tpu.memory_space<hbm>>) target(%dma_start3A_254 : memref<128x32xf32, #tpu.memory_space<vmem>>) offsets(%dma_start3A_256 : memref<128xi32, #tpu.memory_space<vmem>>) semaphore(%arg13 : memref<!tpu.dma_semaphore, #tpu.memory_space<semaphore_mem>>)
      %dma_wait3A_260 = arith.constant 0 : i32
      %dma_wait3A_261 = arith.constant 0 : i32
      %dma_wait3A_262 = tpu.memref_slice %arg9[%dma_wait3A_260, %dma_wait3A_261] : memref<3200x32xf32, #tpu.memory_space<vmem>> -> memref<128x32xf32, #tpu.memory_space<vmem>>
      %dma_wait3A_263 = arith.constant 0 : i32
      %dma_wait3A_264 = tpu.memref_slice %arg8[%dma_wait3A_263] : memref<3200xi32, #tpu.memory_space<vmem>> -> memref<128xi32, #tpu.memory_space<vmem>>
      %dma_wait3A_265 = arith.constant 0 : i32
      %dma_wait3A_266 = arith.constant 0 : i32
      %dma_wait3A_267 = tpu.memref_slice %arg4[%dma_wait3A_265, %dma_wait3A_266] : memref<1000000x32xf32, #tpu.memory_space<hbm>> -> memref<1000000x32xf32, #tpu.memory_space<hbm>>
      tpu.wait_indirect_dma semaphore(%arg13 : memref<!tpu.dma_semaphore, #tpu.memory_space<semaphore_mem>>) src(%dma_wait3A_267 : memref<1000000x32xf32, #tpu.memory_space<hbm>>) dst(%dma_wait3A_262 : memref<128x32xf32, #tpu.memory_space<vmem>>)
      %dma_wait3A_268 = arith.constant 128 : i32
      %dma_wait3A_269 = arith.constant 0 : i32
      %dma_wait3A_270 = tpu.memref_slice %arg9[%dma_wait3A_268, %dma_wait3A_269] : memref<3200x32xf32, #tpu.memory_space<vmem>> -> memref<128x32xf32, #tpu.memory_space<vmem>>
      %dma_wait3A_271 = arith.constant 128 : i32
      %dma_wait3A_272 = tpu.memref_slice %arg8[%dma_wait3A_271] : memref<3200xi32, #tpu.memory_space<vmem>> -> memref<128xi32, #tpu.memory_space<vmem>>
      %dma_wait3A_273 = arith.constant 0 : i32
      %dma_wait3A_274 = arith.constant 0 : i32
      %dma_wait3A_275 = tpu.memref_slice %arg4[%dma_wait3A_273, %dma_wait3A_274] : memref<1000000x32xf32, #tpu.memory_space<hbm>> -> memref<1000000x32xf32, #tpu.memory_space<hbm>>
      tpu.wait_indirect_dma semaphore(%arg13 : memref<!tpu.dma_semaphore, #tpu.memory_space<semaphore_mem>>) src(%dma_wait3A_275 : memref<1000000x32xf32, #tpu.memory_space<hbm>>) dst(%dma_wait3A_270 : memref<128x32xf32, #tpu.memory_space<vmem>>)
      %dma_wait3A_276 = arith.constant 256 : i32
      %dma_wait3A_277 = arith.constant 0 : i32
      %dma_wait3A_278 = tpu.memref_slice %arg9[%dma_wait3A_276, %dma_wait3A_277] : memref<3200x32xf32, #tpu.memory_space<vmem>> -> memref<128x32xf32, #tpu.memory_space<vmem>>
      %dma_wait3A_279 = arith.constant 256 : i32
      %dma_wait3A_280 = tpu.memref_slice %arg8[%dma_wait3A_279] : memref<3200xi32, #tpu.memory_space<vmem>> -> memref<128xi32, #tpu.memory_space<vmem>>
      %dma_wait3A_281 = arith.constant 0 : i32
      %dma_wait3A_282 = arith.constant 0 : i32
      %dma_wait3A_283 = tpu.memref_slice %arg4[%dma_wait3A_281, %dma_wait3A_282] : memref<1000000x32xf32, #tpu.memory_space<hbm>> -> memref<1000000x32xf32, #tpu.memory_space<hbm>>
      tpu.wait_indirect_dma semaphore(%arg13 : memref<!tpu.dma_semaphore, #tpu.memory_space<semaphore_mem>>) src(%dma_wait3A_283 : memref<1000000x32xf32, #tpu.memory_space<hbm>>) dst(%dma_wait3A_278 : memref<128x32xf32, #tpu.memory_space<vmem>>)
      %dma_wait3A_284 = arith.constant 384 : i32
      %dma_wait3A_285 = arith.constant 0 : i32
      %dma_wait3A_286 = tpu.memref_slice %arg9[%dma_wait3A_284, %dma_wait3A_285] : memref<3200x32xf32, #tpu.memory_space<vmem>> -> memref<128x32xf32, #tpu.memory_space<vmem>>
      %dma_wait3A_287 = arith.constant 384 : i32
      %dma_wait3A_288 = tpu.memref_slice %arg8[%dma_wait3A_287] : memref<3200xi32, #tpu.memory_space<vmem>> -> memref<128xi32, #tpu.memory_space<vmem>>
      %dma_wait3A_289 = arith.constant 0 : i32
      %dma_wait3A_290 = arith.constant 0 : i32
      %dma_wait3A_291 = tpu.memref_slice %arg4[%dma_wait3A_289, %dma_wait3A_290] : memref<1000000x32xf32, #tpu.memory_space<hbm>> -> memref<1000000x32xf32, #tpu.memory_space<hbm>>
      tpu.wait_indirect_dma semaphore(%arg13 : memref<!tpu.dma_semaphore, #tpu.memory_space<semaphore_mem>>) src(%dma_wait3A_291 : memref<1000000x32xf32, #tpu.memory_space<hbm>>) dst(%dma_wait3A_286 : memref<128x32xf32, #tpu.memory_space<vmem>>)
      %dma_wait3A_292 = arith.constant 512 : i32
      %dma_wait3A_293 = arith.constant 0 : i32
      %dma_wait3A_294 = tpu.memref_slice %arg9[%dma_wait3A_292, %dma_wait3A_293] : memref<3200x32xf32, #tpu.memory_space<vmem>> -> memref<128x32xf32, #tpu.memory_space<vmem>>
      %dma_wait3A_295 = arith.constant 512 : i32
      %dma_wait3A_296 = tpu.memref_slice %arg8[%dma_wait3A_295] : memref<3200xi32, #tpu.memory_space<vmem>> -> memref<128xi32, #tpu.memory_space<vmem>>
      %dma_wait3A_297 = arith.constant 0 : i32
      %dma_wait3A_298 = arith.constant 0 : i32
      %dma_wait3A_299 = tpu.memref_slice %arg4[%dma_wait3A_297, %dma_wait3A_298] : memref<1000000x32xf32, #tpu.memory_space<hbm>> -> memref<1000000x32xf32, #tpu.memory_space<hbm>>
      tpu.wait_indirect_dma semaphore(%arg13 : memref<!tpu.dma_semaphore, #tpu.memory_space<semaphore_mem>>) src(%dma_wait3A_299 : memref<1000000x32xf32, #tpu.memory_space<hbm>>) dst(%dma_wait3A_294 : memref<128x32xf32, #tpu.memory_space<vmem>>)
      %dma_wait3A_300 = arith.constant 640 : i32
      %dma_wait3A_301 = arith.constant 0 : i32
      %dma_wait3A_302 = tpu.memref_slice %arg9[%dma_wait3A_300, %dma_wait3A_301] : memref<3200x32xf32, #tpu.memory_space<vmem>> -> memref<128x32xf32, #tpu.memory_space<vmem>>
      %dma_wait3A_303 = arith.constant 640 : i32
      %dma_wait3A_304 = tpu.memref_slice %arg8[%dma_wait3A_303] : memref<3200xi32, #tpu.memory_space<vmem>> -> memref<128xi32, #tpu.memory_space<vmem>>
      %dma_wait3A_305 = arith.constant 0 : i32
      %dma_wait3A_306 = arith.constant 0 : i32
      %dma_wait3A_307 = tpu.memref_slice %arg4[%dma_wait3A_305, %dma_wait3A_306] : memref<1000000x32xf32, #tpu.memory_space<hbm>> -> memref<1000000x32xf32, #tpu.memory_space<hbm>>
      tpu.wait_indirect_dma semaphore(%arg13 : memref<!tpu.dma_semaphore, #tpu.memory_space<semaphore_mem>>) src(%dma_wait3A_307 : memref<1000000x32xf32, #tpu.memory_space<hbm>>) dst(%dma_wait3A_302 : memref<128x32xf32, #tpu.memory_space<vmem>>)
      %dma_wait3A_308 = arith.constant 768 : i32
      %dma_wait3A_309 = arith.constant 0 : i32
      %dma_wait3A_310 = tpu.memref_slice %arg9[%dma_wait3A_308, %dma_wait3A_309] : memref<3200x32xf32, #tpu.memory_space<vmem>> -> memref<128x32xf32, #tpu.memory_space<vmem>>
      %dma_wait3A_311 = arith.constant 768 : i32
      %dma_wait3A_312 = tpu.memref_slice %arg8[%dma_wait3A_311] : memref<3200xi32, #tpu.memory_space<vmem>> -> memref<128xi32, #tpu.memory_space<vmem>>
      %dma_wait3A_313 = arith.constant 0 : i32
      %dma_wait3A_314 = arith.constant 0 : i32
      %dma_wait3A_315 = tpu.memref_slice %arg4[%dma_wait3A_313, %dma_wait3A_314] : memref<1000000x32xf32, #tpu.memory_space<hbm>> -> memref<1000000x32xf32, #tpu.memory_space<hbm>>
      tpu.wait_indirect_dma semaphore(%arg13 : memref<!tpu.dma_semaphore, #tpu.memory_space<semaphore_mem>>) src(%dma_wait3A_315 : memref<1000000x32xf32, #tpu.memory_space<hbm>>) dst(%dma_wait3A_310 : memref<128x32xf32, #tpu.memory_space<vmem>>)
      %dma_wait3A_316 = arith.constant 896 : i32
      %dma_wait3A_317 = arith.constant 0 : i32
      %dma_wait3A_318 = tpu.memref_slice %arg9[%dma_wait3A_316, %dma_wait3A_317] : memref<3200x32xf32, #tpu.memory_space<vmem>> -> memref<128x32xf32, #tpu.memory_space<vmem>>
      %dma_wait3A_319 = arith.constant 896 : i32
      %dma_wait3A_320 = tpu.memref_slice %arg8[%dma_wait3A_319] : memref<3200xi32, #tpu.memory_space<vmem>> -> memref<128xi32, #tpu.memory_space<vmem>>
      %dma_wait3A_321 = arith.constant 0 : i32
      %dma_wait3A_322 = arith.constant 0 : i32
      %dma_wait3A_323 = tpu.memref_slice %arg4[%dma_wait3A_321, %dma_wait3A_322] : memref<1000000x32xf32, #tpu.memory_space<hbm>> -> memref<1000000x32xf32, #tpu.memory_space<hbm>>
      tpu.wait_indirect_dma semaphore(%arg13 : memref<!tpu.dma_semaphore, #tpu.memory_space<semaphore_mem>>) src(%dma_wait3A_323 : memref<1000000x32xf32, #tpu.memory_space<hbm>>) dst(%dma_wait3A_318 : memref<128x32xf32, #tpu.memory_space<vmem>>)
      %dma_wait3A_324 = arith.constant 1024 : i32
      %dma_wait3A_325 = arith.constant 0 : i32
      %dma_wait3A_326 = tpu.memref_slice %arg9[%dma_wait3A_324, %dma_wait3A_325] : memref<3200x32xf32, #tpu.memory_space<vmem>> -> memref<128x32xf32, #tpu.memory_space<vmem>>
      %dma_wait3A_327 = arith.constant 1024 : i32
      %dma_wait3A_328 = tpu.memref_slice %arg8[%dma_wait3A_327] : memref<3200xi32, #tpu.memory_space<vmem>> -> memref<128xi32, #tpu.memory_space<vmem>>
      %dma_wait3A_329 = arith.constant 0 : i32
      %dma_wait3A_330 = arith.constant 0 : i32
      %dma_wait3A_331 = tpu.memref_slice %arg4[%dma_wait3A_329, %dma_wait3A_330] : memref<1000000x32xf32, #tpu.memory_space<hbm>> -> memref<1000000x32xf32, #tpu.memory_space<hbm>>
      tpu.wait_indirect_dma semaphore(%arg13 : memref<!tpu.dma_semaphore, #tpu.memory_space<semaphore_mem>>) src(%dma_wait3A_331 : memref<1000000x32xf32, #tpu.memory_space<hbm>>) dst(%dma_wait3A_326 : memref<128x32xf32, #tpu.memory_space<vmem>>)
      %dma_wait3A_332 = arith.constant 1152 : i32
      %dma_wait3A_333 = arith.constant 0 : i32
      %dma_wait3A_334 = tpu.memref_slice %arg9[%dma_wait3A_332, %dma_wait3A_333] : memref<3200x32xf32, #tpu.memory_space<vmem>> -> memref<128x32xf32, #tpu.memory_space<vmem>>
      %dma_wait3A_335 = arith.constant 1152 : i32
      %dma_wait3A_336 = tpu.memref_slice %arg8[%dma_wait3A_335] : memref<3200xi32, #tpu.memory_space<vmem>> -> memref<128xi32, #tpu.memory_space<vmem>>
      %dma_wait3A_337 = arith.constant 0 : i32
      %dma_wait3A_338 = arith.constant 0 : i32
      %dma_wait3A_339 = tpu.memref_slice %arg4[%dma_wait3A_337, %dma_wait3A_338] : memref<1000000x32xf32, #tpu.memory_space<hbm>> -> memref<1000000x32xf32, #tpu.memory_space<hbm>>
      tpu.wait_indirect_dma semaphore(%arg13 : memref<!tpu.dma_semaphore, #tpu.memory_space<semaphore_mem>>) src(%dma_wait3A_339 : memref<1000000x32xf32, #tpu.memory_space<hbm>>) dst(%dma_wait3A_334 : memref<128x32xf32, #tpu.memory_space<vmem>>)
      %dma_wait3A_340 = arith.constant 1280 : i32
      %dma_wait3A_341 = arith.constant 0 : i32
      %dma_wait3A_342 = tpu.memref_slice %arg9[%dma_wait3A_340, %dma_wait3A_341] : memref<3200x32xf32, #tpu.memory_space<vmem>> -> memref<128x32xf32, #tpu.memory_space<vmem>>
      %dma_wait3A_343 = arith.constant 1280 : i32
      %dma_wait3A_344 = tpu.memref_slice %arg8[%dma_wait3A_343] : memref<3200xi32, #tpu.memory_space<vmem>> -> memref<128xi32, #tpu.memory_space<vmem>>
      %dma_wait3A_345 = arith.constant 0 : i32
      %dma_wait3A_346 = arith.constant 0 : i32
      %dma_wait3A_347 = tpu.memref_slice %arg4[%dma_wait3A_345, %dma_wait3A_346] : memref<1000000x32xf32, #tpu.memory_space<hbm>> -> memref<1000000x32xf32, #tpu.memory_space<hbm>>
      tpu.wait_indirect_dma semaphore(%arg13 : memref<!tpu.dma_semaphore, #tpu.memory_space<semaphore_mem>>) src(%dma_wait3A_347 : memref<1000000x32xf32, #tpu.memory_space<hbm>>) dst(%dma_wait3A_342 : memref<128x32xf32, #tpu.memory_space<vmem>>)
      %dma_wait3A_348 = arith.constant 1408 : i32
      %dma_wait3A_349 = arith.constant 0 : i32
      %dma_wait3A_350 = tpu.memref_slice %arg9[%dma_wait3A_348, %dma_wait3A_349] : memref<3200x32xf32, #tpu.memory_space<vmem>> -> memref<128x32xf32, #tpu.memory_space<vmem>>
      %dma_wait3A_351 = arith.constant 1408 : i32
      %dma_wait3A_352 = tpu.memref_slice %arg8[%dma_wait3A_351] : memref<3200xi32, #tpu.memory_space<vmem>> -> memref<128xi32, #tpu.memory_space<vmem>>
      %dma_wait3A_353 = arith.constant 0 : i32
      %dma_wait3A_354 = arith.constant 0 : i32
      %dma_wait3A_355 = tpu.memref_slice %arg4[%dma_wait3A_353, %dma_wait3A_354] : memref<1000000x32xf32, #tpu.memory_space<hbm>> -> memref<1000000x32xf32, #tpu.memory_space<hbm>>
      tpu.wait_indirect_dma semaphore(%arg13 : memref<!tpu.dma_semaphore, #tpu.memory_space<semaphore_mem>>) src(%dma_wait3A_355 : memref<1000000x32xf32, #tpu.memory_space<hbm>>) dst(%dma_wait3A_350 : memref<128x32xf32, #tpu.memory_space<vmem>>)
      %dma_wait3A_356 = arith.constant 1536 : i32
      %dma_wait3A_357 = arith.constant 0 : i32
      %dma_wait3A_358 = tpu.memref_slice %arg9[%dma_wait3A_356, %dma_wait3A_357] : memref<3200x32xf32, #tpu.memory_space<vmem>> -> memref<128x32xf32, #tpu.memory_space<vmem>>
      %dma_wait3A_359 = arith.constant 1536 : i32
      %dma_wait3A_360 = tpu.memref_slice %arg8[%dma_wait3A_359] : memref<3200xi32, #tpu.memory_space<vmem>> -> memref<128xi32, #tpu.memory_space<vmem>>
      %dma_wait3A_361 = arith.constant 0 : i32
      %dma_wait3A_362 = arith.constant 0 : i32
      %dma_wait3A_363 = tpu.memref_slice %arg4[%dma_wait3A_361, %dma_wait3A_362] : memref<1000000x32xf32, #tpu.memory_space<hbm>> -> memref<1000000x32xf32, #tpu.memory_space<hbm>>
      tpu.wait_indirect_dma semaphore(%arg13 : memref<!tpu.dma_semaphore, #tpu.memory_space<semaphore_mem>>) src(%dma_wait3A_363 : memref<1000000x32xf32, #tpu.memory_space<hbm>>) dst(%dma_wait3A_358 : memref<128x32xf32, #tpu.memory_space<vmem>>)
      %dma_wait3A_364 = arith.constant 1664 : i32
      %dma_wait3A_365 = arith.constant 0 : i32
      %dma_wait3A_366 = tpu.memref_slice %arg9[%dma_wait3A_364, %dma_wait3A_365] : memref<3200x32xf32, #tpu.memory_space<vmem>> -> memref<128x32xf32, #tpu.memory_space<vmem>>
      %dma_wait3A_367 = arith.constant 1664 : i32
      %dma_wait3A_368 = tpu.memref_slice %arg8[%dma_wait3A_367] : memref<3200xi32, #tpu.memory_space<vmem>> -> memref<128xi32, #tpu.memory_space<vmem>>
      %dma_wait3A_369 = arith.constant 0 : i32
      %dma_wait3A_370 = arith.constant 0 : i32
      %dma_wait3A_371 = tpu.memref_slice %arg4[%dma_wait3A_369, %dma_wait3A_370] : memref<1000000x32xf32, #tpu.memory_space<hbm>> -> memref<1000000x32xf32, #tpu.memory_space<hbm>>
      tpu.wait_indirect_dma semaphore(%arg13 : memref<!tpu.dma_semaphore, #tpu.memory_space<semaphore_mem>>) src(%dma_wait3A_371 : memref<1000000x32xf32, #tpu.memory_space<hbm>>) dst(%dma_wait3A_366 : memref<128x32xf32, #tpu.memory_space<vmem>>)
      %dma_wait3A_372 = arith.constant 1792 : i32
      %dma_wait3A_373 = arith.constant 0 : i32
      %dma_wait3A_374 = tpu.memref_slice %arg9[%dma_wait3A_372, %dma_wait3A_373] : memref<3200x32xf32, #tpu.memory_space<vmem>> -> memref<128x32xf32, #tpu.memory_space<vmem>>
      %dma_wait3A_375 = arith.constant 1792 : i32
      %dma_wait3A_376 = tpu.memref_slice %arg8[%dma_wait3A_375] : memref<3200xi32, #tpu.memory_space<vmem>> -> memref<128xi32, #tpu.memory_space<vmem>>
      %dma_wait3A_377 = arith.constant 0 : i32
      %dma_wait3A_378 = arith.constant 0 : i32
      %dma_wait3A_379 = tpu.memref_slice %arg4[%dma_wait3A_377, %dma_wait3A_378] : memref<1000000x32xf32, #tpu.memory_space<hbm>> -> memref<1000000x32xf32, #tpu.memory_space<hbm>>
      tpu.wait_indirect_dma semaphore(%arg13 : memref<!tpu.dma_semaphore, #tpu.memory_space<semaphore_mem>>) src(%dma_wait3A_379 : memref<1000000x32xf32, #tpu.memory_space<hbm>>) dst(%dma_wait3A_374 : memref<128x32xf32, #tpu.memory_space<vmem>>)
      %dma_wait3A_380 = arith.constant 1920 : i32
      %dma_wait3A_381 = arith.constant 0 : i32
      %dma_wait3A_382 = tpu.memref_slice %arg9[%dma_wait3A_380, %dma_wait3A_381] : memref<3200x32xf32, #tpu.memory_space<vmem>> -> memref<128x32xf32, #tpu.memory_space<vmem>>
      %dma_wait3A_383 = arith.constant 1920 : i32
      %dma_wait3A_384 = tpu.memref_slice %arg8[%dma_wait3A_383] : memref<3200xi32, #tpu.memory_space<vmem>> -> memref<128xi32, #tpu.memory_space<vmem>>
      %dma_wait3A_385 = arith.constant 0 : i32
      %dma_wait3A_386 = arith.constant 0 : i32
      %dma_wait3A_387 = tpu.memref_slice %arg4[%dma_wait3A_385, %dma_wait3A_386] : memref<1000000x32xf32, #tpu.memory_space<hbm>> -> memref<1000000x32xf32, #tpu.memory_space<hbm>>
      tpu.wait_indirect_dma semaphore(%arg13 : memref<!tpu.dma_semaphore, #tpu.memory_space<semaphore_mem>>) src(%dma_wait3A_387 : memref<1000000x32xf32, #tpu.memory_space<hbm>>) dst(%dma_wait3A_382 : memref<128x32xf32, #tpu.memory_space<vmem>>)
      %dma_wait3A_388 = arith.constant 2048 : i32
      %dma_wait3A_389 = arith.constant 0 : i32
      %dma_wait3A_390 = tpu.memref_slice %arg9[%dma_wait3A_388, %dma_wait3A_389] : memref<3200x32xf32, #tpu.memory_space<vmem>> -> memref<128x32xf32, #tpu.memory_space<vmem>>
      %dma_wait3A_391 = arith.constant 2048 : i32
      %dma_wait3A_392 = tpu.memref_slice %arg8[%dma_wait3A_391] : memref<3200xi32, #tpu.memory_space<vmem>> -> memref<128xi32, #tpu.memory_space<vmem>>
      %dma_wait3A_393 = arith.constant 0 : i32
      %dma_wait3A_394 = arith.constant 0 : i32
      %dma_wait3A_395 = tpu.memref_slice %arg4[%dma_wait3A_393, %dma_wait3A_394] : memref<1000000x32xf32, #tpu.memory_space<hbm>> -> memref<1000000x32xf32, #tpu.memory_space<hbm>>
      tpu.wait_indirect_dma semaphore(%arg13 : memref<!tpu.dma_semaphore, #tpu.memory_space<semaphore_mem>>) src(%dma_wait3A_395 : memref<1000000x32xf32, #tpu.memory_space<hbm>>) dst(%dma_wait3A_390 : memref<128x32xf32, #tpu.memory_space<vmem>>)
      %dma_wait3A_396 = arith.constant 2176 : i32
      %dma_wait3A_397 = arith.constant 0 : i32
      %dma_wait3A_398 = tpu.memref_slice %arg9[%dma_wait3A_396, %dma_wait3A_397] : memref<3200x32xf32, #tpu.memory_space<vmem>> -> memref<128x32xf32, #tpu.memory_space<vmem>>
      %dma_wait3A_399 = arith.constant 2176 : i32
      %dma_wait3A_400 = tpu.memref_slice %arg8[%dma_wait3A_399] : memref<3200xi32, #tpu.memory_space<vmem>> -> memref<128xi32, #tpu.memory_space<vmem>>
      %dma_wait3A_401 = arith.constant 0 : i32
      %dma_wait3A_402 = arith.constant 0 : i32
      %dma_wait3A_403 = tpu.memref_slice %arg4[%dma_wait3A_401, %dma_wait3A_402] : memref<1000000x32xf32, #tpu.memory_space<hbm>> -> memref<1000000x32xf32, #tpu.memory_space<hbm>>
      tpu.wait_indirect_dma semaphore(%arg13 : memref<!tpu.dma_semaphore, #tpu.memory_space<semaphore_mem>>) src(%dma_wait3A_403 : memref<1000000x32xf32, #tpu.memory_space<hbm>>) dst(%dma_wait3A_398 : memref<128x32xf32, #tpu.memory_space<vmem>>)
      %dma_wait3A_404 = arith.constant 2304 : i32
      %dma_wait3A_405 = arith.constant 0 : i32
      %dma_wait3A_406 = tpu.memref_slice %arg9[%dma_wait3A_404, %dma_wait3A_405] : memref<3200x32xf32, #tpu.memory_space<vmem>> -> memref<128x32xf32, #tpu.memory_space<vmem>>
      %dma_wait3A_407 = arith.constant 2304 : i32
      %dma_wait3A_408 = tpu.memref_slice %arg8[%dma_wait3A_407] : memref<3200xi32, #tpu.memory_space<vmem>> -> memref<128xi32, #tpu.memory_space<vmem>>
      %dma_wait3A_409 = arith.constant 0 : i32
      %dma_wait3A_410 = arith.constant 0 : i32
      %dma_wait3A_411 = tpu.memref_slice %arg4[%dma_wait3A_409, %dma_wait3A_410] : memref<1000000x32xf32, #tpu.memory_space<hbm>> -> memref<1000000x32xf32, #tpu.memory_space<hbm>>
      tpu.wait_indirect_dma semaphore(%arg13 : memref<!tpu.dma_semaphore, #tpu.memory_space<semaphore_mem>>) src(%dma_wait3A_411 : memref<1000000x32xf32, #tpu.memory_space<hbm>>) dst(%dma_wait3A_406 : memref<128x32xf32, #tpu.memory_space<vmem>>)
      %dma_wait3A_412 = arith.constant 2432 : i32
      %dma_wait3A_413 = arith.constant 0 : i32
      %dma_wait3A_414 = tpu.memref_slice %arg9[%dma_wait3A_412, %dma_wait3A_413] : memref<3200x32xf32, #tpu.memory_space<vmem>> -> memref<128x32xf32, #tpu.memory_space<vmem>>
      %dma_wait3A_415 = arith.constant 2432 : i32
      %dma_wait3A_416 = tpu.memref_slice %arg8[%dma_wait3A_415] : memref<3200xi32, #tpu.memory_space<vmem>> -> memref<128xi32, #tpu.memory_space<vmem>>
      %dma_wait3A_417 = arith.constant 0 : i32
      %dma_wait3A_418 = arith.constant 0 : i32
      %dma_wait3A_419 = tpu.memref_slice %arg4[%dma_wait3A_417, %dma_wait3A_418] : memref<1000000x32xf32, #tpu.memory_space<hbm>> -> memref<1000000x32xf32, #tpu.memory_space<hbm>>
      tpu.wait_indirect_dma semaphore(%arg13 : memref<!tpu.dma_semaphore, #tpu.memory_space<semaphore_mem>>) src(%dma_wait3A_419 : memref<1000000x32xf32, #tpu.memory_space<hbm>>) dst(%dma_wait3A_414 : memref<128x32xf32, #tpu.memory_space<vmem>>)
      %dma_wait3A_420 = arith.constant 2560 : i32
      %dma_wait3A_421 = arith.constant 0 : i32
      %dma_wait3A_422 = tpu.memref_slice %arg9[%dma_wait3A_420, %dma_wait3A_421] : memref<3200x32xf32, #tpu.memory_space<vmem>> -> memref<128x32xf32, #tpu.memory_space<vmem>>
      %dma_wait3A_423 = arith.constant 2560 : i32
      %dma_wait3A_424 = tpu.memref_slice %arg8[%dma_wait3A_423] : memref<3200xi32, #tpu.memory_space<vmem>> -> memref<128xi32, #tpu.memory_space<vmem>>
      %dma_wait3A_425 = arith.constant 0 : i32
      %dma_wait3A_426 = arith.constant 0 : i32
      %dma_wait3A_427 = tpu.memref_slice %arg4[%dma_wait3A_425, %dma_wait3A_426] : memref<1000000x32xf32, #tpu.memory_space<hbm>> -> memref<1000000x32xf32, #tpu.memory_space<hbm>>
      tpu.wait_indirect_dma semaphore(%arg13 : memref<!tpu.dma_semaphore, #tpu.memory_space<semaphore_mem>>) src(%dma_wait3A_427 : memref<1000000x32xf32, #tpu.memory_space<hbm>>) dst(%dma_wait3A_422 : memref<128x32xf32, #tpu.memory_space<vmem>>)
      %dma_wait3A_428 = arith.constant 2688 : i32
      %dma_wait3A_429 = arith.constant 0 : i32
      %dma_wait3A_430 = tpu.memref_slice %arg9[%dma_wait3A_428, %dma_wait3A_429] : memref<3200x32xf32, #tpu.memory_space<vmem>> -> memref<128x32xf32, #tpu.memory_space<vmem>>
      %dma_wait3A_431 = arith.constant 2688 : i32
      %dma_wait3A_432 = tpu.memref_slice %arg8[%dma_wait3A_431] : memref<3200xi32, #tpu.memory_space<vmem>> -> memref<128xi32, #tpu.memory_space<vmem>>
      %dma_wait3A_433 = arith.constant 0 : i32
      %dma_wait3A_434 = arith.constant 0 : i32
      %dma_wait3A_435 = tpu.memref_slice %arg4[%dma_wait3A_433, %dma_wait3A_434] : memref<1000000x32xf32, #tpu.memory_space<hbm>> -> memref<1000000x32xf32, #tpu.memory_space<hbm>>
      tpu.wait_indirect_dma semaphore(%arg13 : memref<!tpu.dma_semaphore, #tpu.memory_space<semaphore_mem>>) src(%dma_wait3A_435 : memref<1000000x32xf32, #tpu.memory_space<hbm>>) dst(%dma_wait3A_430 : memref<128x32xf32, #tpu.memory_space<vmem>>)
      %dma_wait3A_436 = arith.constant 2816 : i32
      %dma_wait3A_437 = arith.constant 0 : i32
      %dma_wait3A_438 = tpu.memref_slice %arg9[%dma_wait3A_436, %dma_wait3A_437] : memref<3200x32xf32, #tpu.memory_space<vmem>> -> memref<128x32xf32, #tpu.memory_space<vmem>>
      %dma_wait3A_439 = arith.constant 2816 : i32
      %dma_wait3A_440 = tpu.memref_slice %arg8[%dma_wait3A_439] : memref<3200xi32, #tpu.memory_space<vmem>> -> memref<128xi32, #tpu.memory_space<vmem>>
      %dma_wait3A_441 = arith.constant 0 : i32
      %dma_wait3A_442 = arith.constant 0 : i32
      %dma_wait3A_443 = tpu.memref_slice %arg4[%dma_wait3A_441, %dma_wait3A_442] : memref<1000000x32xf32, #tpu.memory_space<hbm>> -> memref<1000000x32xf32, #tpu.memory_space<hbm>>
      tpu.wait_indirect_dma semaphore(%arg13 : memref<!tpu.dma_semaphore, #tpu.memory_space<semaphore_mem>>) src(%dma_wait3A_443 : memref<1000000x32xf32, #tpu.memory_space<hbm>>) dst(%dma_wait3A_438 : memref<128x32xf32, #tpu.memory_space<vmem>>)
      %dma_wait3A_444 = arith.constant 2944 : i32
      %dma_wait3A_445 = arith.constant 0 : i32
      %dma_wait3A_446 = tpu.memref_slice %arg9[%dma_wait3A_444, %dma_wait3A_445] : memref<3200x32xf32, #tpu.memory_space<vmem>> -> memref<128x32xf32, #tpu.memory_space<vmem>>
      %dma_wait3A_447 = arith.constant 2944 : i32
      %dma_wait3A_448 = tpu.memref_slice %arg8[%dma_wait3A_447] : memref<3200xi32, #tpu.memory_space<vmem>> -> memref<128xi32, #tpu.memory_space<vmem>>
      %dma_wait3A_449 = arith.constant 0 : i32
      %dma_wait3A_450 = arith.constant 0 : i32
      %dma_wait3A_451 = tpu.memref_slice %arg4[%dma_wait3A_449, %dma_wait3A_450] : memref<1000000x32xf32, #tpu.memory_space<hbm>> -> memref<1000000x32xf32, #tpu.memory_space<hbm>>
      tpu.wait_indirect_dma semaphore(%arg13 : memref<!tpu.dma_semaphore, #tpu.memory_space<semaphore_mem>>) src(%dma_wait3A_451 : memref<1000000x32xf32, #tpu.memory_space<hbm>>) dst(%dma_wait3A_446 : memref<128x32xf32, #tpu.memory_space<vmem>>)
      %dma_wait3A_452 = arith.constant 3072 : i32
      %dma_wait3A_453 = arith.constant 0 : i32
      %dma_wait3A_454 = tpu.memref_slice %arg9[%dma_wait3A_452, %dma_wait3A_453] : memref<3200x32xf32, #tpu.memory_space<vmem>> -> memref<128x32xf32, #tpu.memory_space<vmem>>
      %dma_wait3A_455 = arith.constant 3072 : i32
      %dma_wait3A_456 = tpu.memref_slice %arg8[%dma_wait3A_455] : memref<3200xi32, #tpu.memory_space<vmem>> -> memref<128xi32, #tpu.memory_space<vmem>>
      %dma_wait3A_457 = arith.constant 0 : i32
      %dma_wait3A_458 = arith.constant 0 : i32
      %dma_wait3A_459 = tpu.memref_slice %arg4[%dma_wait3A_457, %dma_wait3A_458] : memref<1000000x32xf32, #tpu.memory_space<hbm>> -> memref<1000000x32xf32, #tpu.memory_space<hbm>>
      tpu.wait_indirect_dma semaphore(%arg13 : memref<!tpu.dma_semaphore, #tpu.memory_space<semaphore_mem>>) src(%dma_wait3A_459 : memref<1000000x32xf32, #tpu.memory_space<hbm>>) dst(%dma_wait3A_454 : memref<128x32xf32, #tpu.memory_space<vmem>>)
      %scan3A_460 = arith.constant 0 : i32
      %scan3A_461 = arith.constant 0 : i32
      %scan3A_462 = arith.constant 64 : i32
      %scan3A_463 = arith.addi %scan3A_461, %scan3A_462 : i32
      %scan3A_464 = arith.constant 1 : i32
      scf.for %scan3A_469 = %scan3A_461 to %scan3A_463 step %scan3A_464  : i32 {
        %mul3A_470 = arith.constant 50 : i32
        %mul3A_471 = arith.muli %scan3A_469, %mul3A_470 : i32
        %get3A = arith.index_cast %mul3A_471 : i32 to index
        %get3A_472 = arith.constant 0 : index
        %get3A_473 = tpu.vector_load %arg9[%get3A, %get3A_472] {strides = array<i32>} : memref<3200x32xf32, #tpu.memory_space<vmem>>, vector<1x16xf32>,
        %get3A_474 = vector.shape_cast %get3A_473 : vector<1x16xf32> to vector<16xf32>
        %get3A_475 = arith.index_cast %mul3A_471 : i32 to index
        %get3A_476 = arith.constant 16 : index
        %get3A_477 = tpu.vector_load %arg9[%get3A_475, %get3A_476] {strides = array<i32>} : memref<3200x32xf32, #tpu.memory_space<vmem>>, vector<1x16xf32>,
        %get3A_478 = vector.shape_cast %get3A_477 : vector<1x16xf32> to vector<16xf32>
        %add3A_479 = arith.constant 1 : i32
        %add3A_480 = arith.addi %mul3A_471, %add3A_479 : i32
        %get3A_481 = arith.index_cast %add3A_480 : i32 to index
        %get3A_482 = arith.constant 0 : index
        %get3A_483 = tpu.vector_load %arg9[%get3A_481, %get3A_482] {strides = array<i32>} : memref<3200x32xf32, #tpu.memory_space<vmem>>, vector<1x16xf32>,
        %get3A_484 = vector.shape_cast %get3A_483 : vector<1x16xf32> to vector<16xf32>
        %add3A_485 = arith.addf %get3A_474, %get3A_484 : vector<16xf32>
        %add3A_486 = arith.constant 1 : i32
        %add3A_487 = arith.addi %mul3A_471, %add3A_486 : i32
        %get3A_488 = arith.index_cast %add3A_487 : i32 to index
        %get3A_489 = arith.constant 16 : index
        %get3A_490 = tpu.vector_load %arg9[%get3A_488, %get3A_489] {strides = array<i32>} : memref<3200x32xf32, #tpu.memory_space<vmem>>, vector<1x16xf32>,
        %get3A_491 = vector.shape_cast %get3A_490 : vector<1x16xf32> to vector<16xf32>
        %add3A_492 = arith.addf %get3A_478, %get3A_491 : vector<16xf32>
        %add3A_493 = arith.constant 2 : i32
        %add3A_494 = arith.addi %mul3A_471, %add3A_493 : i32
        %get3A_495 = arith.index_cast %add3A_494 : i32 to index
        %get3A_496 = arith.constant 0 : index
        %get3A_497 = tpu.vector_load %arg9[%get3A_495, %get3A_496] {strides = array<i32>} : memref<3200x32xf32, #tpu.memory_space<vmem>>, vector<1x16xf32>,
        %get3A_498 = vector.shape_cast %get3A_497 : vector<1x16xf32> to vector<16xf32>
        %add3A_499 = arith.addf %add3A_485, %get3A_498 : vector<16xf32>
        %add3A_500 = arith.constant 2 : i32
        %add3A_501 = arith.addi %mul3A_471, %add3A_500 : i32
        %get3A_502 = arith.index_cast %add3A_501 : i32 to index
        %get3A_503 = arith.constant 16 : index
        %get3A_504 = tpu.vector_load %arg9[%get3A_502, %get3A_503] {strides = array<i32>} : memref<3200x32xf32, #tpu.memory_space<vmem>>, vector<1x16xf32>,
        %get3A_505 = vector.shape_cast %get3A_504 : vector<1x16xf32> to vector<16xf32>
        %add3A_506 = arith.addf %add3A_492, %get3A_505 : vector<16xf32>
        %add3A_507 = arith.constant 3 : i32
        %add3A_508 = arith.addi %mul3A_471, %add3A_507 : i32
        %get3A_509 = arith.index_cast %add3A_508 : i32 to index
        %get3A_510 = arith.constant 0 : index
        %get3A_511 = tpu.vector_load %arg9[%get3A_509, %get3A_510] {strides = array<i32>} : memref<3200x32xf32, #tpu.memory_space<vmem>>, vector<1x16xf32>,
        %get3A_512 = vector.shape_cast %get3A_511 : vector<1x16xf32> to vector<16xf32>
        %add3A_513 = arith.addf %add3A_499, %get3A_512 : vector<16xf32>
        %add3A_514 = arith.constant 3 : i32
        %add3A_515 = arith.addi %mul3A_471, %add3A_514 : i32
        %get3A_516 = arith.index_cast %add3A_515 : i32 to index
        %get3A_517 = arith.constant 16 : index
        %get3A_518 = tpu.vector_load %arg9[%get3A_516, %get3A_517] {strides = array<i32>} : memref<3200x32xf32, #tpu.memory_space<vmem>>, vector<1x16xf32>,
        %get3A_519 = vector.shape_cast %get3A_518 : vector<1x16xf32> to vector<16xf32>
        %add3A_520 = arith.addf %add3A_506, %get3A_519 : vector<16xf32>
        %add3A_521 = arith.constant 4 : i32
        %add3A_522 = arith.addi %mul3A_471, %add3A_521 : i32
        %get3A_523 = arith.index_cast %add3A_522 : i32 to index
        %get3A_524 = arith.constant 0 : index
        %get3A_525 = tpu.vector_load %arg9[%get3A_523, %get3A_524] {strides = array<i32>} : memref<3200x32xf32, #tpu.memory_space<vmem>>, vector<1x16xf32>,
        %get3A_526 = vector.shape_cast %get3A_525 : vector<1x16xf32> to vector<16xf32>
        %add3A_527 = arith.addf %add3A_513, %get3A_526 : vector<16xf32>
        %add3A_528 = arith.constant 4 : i32
        %add3A_529 = arith.addi %mul3A_471, %add3A_528 : i32
        %get3A_530 = arith.index_cast %add3A_529 : i32 to index
        %get3A_531 = arith.constant 16 : index
        %get3A_532 = tpu.vector_load %arg9[%get3A_530, %get3A_531] {strides = array<i32>} : memref<3200x32xf32, #tpu.memory_space<vmem>>, vector<1x16xf32>,
        %get3A_533 = vector.shape_cast %get3A_532 : vector<1x16xf32> to vector<16xf32>
        %add3A_534 = arith.addf %add3A_520, %get3A_533 : vector<16xf32>
        %add3A_535 = arith.constant 5 : i32
        %add3A_536 = arith.addi %mul3A_471, %add3A_535 : i32
        %get3A_537 = arith.index_cast %add3A_536 : i32 to index
        %get3A_538 = arith.constant 0 : index
        %get3A_539 = tpu.vector_load %arg9[%get3A_537, %get3A_538] {strides = array<i32>} : memref<3200x32xf32, #tpu.memory_space<vmem>>, vector<1x16xf32>,
        %get3A_540 = vector.shape_cast %get3A_539 : vector<1x16xf32> to vector<16xf32>
        %add3A_541 = arith.addf %add3A_527, %get3A_540 : vector<16xf32>
        %add3A_542 = arith.constant 5 : i32
        %add3A_543 = arith.addi %mul3A_471, %add3A_542 : i32
        %get3A_544 = arith.index_cast %add3A_543 : i32 to index
        %get3A_545 = arith.constant 16 : index
        %get3A_546 = tpu.vector_load %arg9[%get3A_544, %get3A_545] {strides = array<i32>} : memref<3200x32xf32, #tpu.memory_space<vmem>>, vector<1x16xf32>,
        %get3A_547 = vector.shape_cast %get3A_546 : vector<1x16xf32> to vector<16xf32>
        %add3A_548 = arith.addf %add3A_534, %get3A_547 : vector<16xf32>
        %add3A_549 = arith.constant 6 : i32
        %add3A_550 = arith.addi %mul3A_471, %add3A_549 : i32
        %get3A_551 = arith.index_cast %add3A_550 : i32 to index
        %get3A_552 = arith.constant 0 : index
        %get3A_553 = tpu.vector_load %arg9[%get3A_551, %get3A_552] {strides = array<i32>} : memref<3200x32xf32, #tpu.memory_space<vmem>>, vector<1x16xf32>,
        %get3A_554 = vector.shape_cast %get3A_553 : vector<1x16xf32> to vector<16xf32>
        %add3A_555 = arith.addf %add3A_541, %get3A_554 : vector<16xf32>
        %add3A_556 = arith.constant 6 : i32
        %add3A_557 = arith.addi %mul3A_471, %add3A_556 : i32
        %get3A_558 = arith.index_cast %add3A_557 : i32 to index
        %get3A_559 = arith.constant 16 : index
        %get3A_560 = tpu.vector_load %arg9[%get3A_558, %get3A_559] {strides = array<i32>} : memref<3200x32xf32, #tpu.memory_space<vmem>>, vector<1x16xf32>,
        %get3A_561 = vector.shape_cast %get3A_560 : vector<1x16xf32> to vector<16xf32>
        %add3A_562 = arith.addf %add3A_548, %get3A_561 : vector<16xf32>
        %add3A_563 = arith.constant 7 : i32
        %add3A_564 = arith.addi %mul3A_471, %add3A_563 : i32
        %get3A_565 = arith.index_cast %add3A_564 : i32 to index
        %get3A_566 = arith.constant 0 : index
        %get3A_567 = tpu.vector_load %arg9[%get3A_565, %get3A_566] {strides = array<i32>} : memref<3200x32xf32, #tpu.memory_space<vmem>>, vector<1x16xf32>,
        %get3A_568 = vector.shape_cast %get3A_567 : vector<1x16xf32> to vector<16xf32>
        %add3A_569 = arith.addf %add3A_555, %get3A_568 : vector<16xf32>
        %add3A_570 = arith.constant 7 : i32
        %add3A_571 = arith.addi %mul3A_471, %add3A_570 : i32
        %get3A_572 = arith.index_cast %add3A_571 : i32 to index
        %get3A_573 = arith.constant 16 : index
        %get3A_574 = tpu.vector_load %arg9[%get3A_572, %get3A_573] {strides = array<i32>} : memref<3200x32xf32, #tpu.memory_space<vmem>>, vector<1x16xf32>,
        %get3A_575 = vector.shape_cast %get3A_574 : vector<1x16xf32> to vector<16xf32>
        %add3A_576 = arith.addf %add3A_562, %get3A_575 : vector<16xf32>
        %add3A_577 = arith.constant 8 : i32
        %add3A_578 = arith.addi %mul3A_471, %add3A_577 : i32
        %get3A_579 = arith.index_cast %add3A_578 : i32 to index
        %get3A_580 = arith.constant 0 : index
        %get3A_581 = tpu.vector_load %arg9[%get3A_579, %get3A_580] {strides = array<i32>} : memref<3200x32xf32, #tpu.memory_space<vmem>>, vector<1x16xf32>,
        %get3A_582 = vector.shape_cast %get3A_581 : vector<1x16xf32> to vector<16xf32>
        %add3A_583 = arith.addf %add3A_569, %get3A_582 : vector<16xf32>
        %add3A_584 = arith.constant 8 : i32
        %add3A_585 = arith.addi %mul3A_471, %add3A_584 : i32
        %get3A_586 = arith.index_cast %add3A_585 : i32 to index
        %get3A_587 = arith.constant 16 : index
        %get3A_588 = tpu.vector_load %arg9[%get3A_586, %get3A_587] {strides = array<i32>} : memref<3200x32xf32, #tpu.memory_space<vmem>>, vector<1x16xf32>,
        %get3A_589 = vector.shape_cast %get3A_588 : vector<1x16xf32> to vector<16xf32>
        %add3A_590 = arith.addf %add3A_576, %get3A_589 : vector<16xf32>
        %add3A_591 = arith.constant 9 : i32
        %add3A_592 = arith.addi %mul3A_471, %add3A_591 : i32
        %get3A_593 = arith.index_cast %add3A_592 : i32 to index
        %get3A_594 = arith.constant 0 : index
        %get3A_595 = tpu.vector_load %arg9[%get3A_593, %get3A_594] {strides = array<i32>} : memref<3200x32xf32, #tpu.memory_space<vmem>>, vector<1x16xf32>,
        %get3A_596 = vector.shape_cast %get3A_595 : vector<1x16xf32> to vector<16xf32>
        %add3A_597 = arith.addf %add3A_583, %get3A_596 : vector<16xf32>
        %add3A_598 = arith.constant 9 : i32
        %add3A_599 = arith.addi %mul3A_471, %add3A_598 : i32
        %get3A_600 = arith.index_cast %add3A_599 : i32 to index
        %get3A_601 = arith.constant 16 : index
        %get3A_602 = tpu.vector_load %arg9[%get3A_600, %get3A_601] {strides = array<i32>} : memref<3200x32xf32, #tpu.memory_space<vmem>>, vector<1x16xf32>,
        %get3A_603 = vector.shape_cast %get3A_602 : vector<1x16xf32> to vector<16xf32>
        %add3A_604 = arith.addf %add3A_590, %get3A_603 : vector<16xf32>
        %add3A_605 = arith.constant 10 : i32
        %add3A_606 = arith.addi %mul3A_471, %add3A_605 : i32
        %get3A_607 = arith.index_cast %add3A_606 : i32 to index
        %get3A_608 = arith.constant 0 : index
        %get3A_609 = tpu.vector_load %arg9[%get3A_607, %get3A_608] {strides = array<i32>} : memref<3200x32xf32, #tpu.memory_space<vmem>>, vector<1x16xf32>,
        %get3A_610 = vector.shape_cast %get3A_609 : vector<1x16xf32> to vector<16xf32>
        %add3A_611 = arith.addf %add3A_597, %get3A_610 : vector<16xf32>
        %add3A_612 = arith.constant 10 : i32
        %add3A_613 = arith.addi %mul3A_471, %add3A_612 : i32
        %get3A_614 = arith.index_cast %add3A_613 : i32 to index
        %get3A_615 = arith.constant 16 : index
        %get3A_616 = tpu.vector_load %arg9[%get3A_614, %get3A_615] {strides = array<i32>} : memref<3200x32xf32, #tpu.memory_space<vmem>>, vector<1x16xf32>,
        %get3A_617 = vector.shape_cast %get3A_616 : vector<1x16xf32> to vector<16xf32>
        %add3A_618 = arith.addf %add3A_604, %get3A_617 : vector<16xf32>
        %add3A_619 = arith.constant 11 : i32
        %add3A_620 = arith.addi %mul3A_471, %add3A_619 : i32
        %get3A_621 = arith.index_cast %add3A_620 : i32 to index
        %get3A_622 = arith.constant 0 : index
        %get3A_623 = tpu.vector_load %arg9[%get3A_621, %get3A_622] {strides = array<i32>} : memref<3200x32xf32, #tpu.memory_space<vmem>>, vector<1x16xf32>,
        %get3A_624 = vector.shape_cast %get3A_623 : vector<1x16xf32> to vector<16xf32>
        %add3A_625 = arith.addf %add3A_611, %get3A_624 : vector<16xf32>
        %add3A_626 = arith.constant 11 : i32
        %add3A_627 = arith.addi %mul3A_471, %add3A_626 : i32
        %get3A_628 = arith.index_cast %add3A_627 : i32 to index
        %get3A_629 = arith.constant 16 : index
        %get3A_630 = tpu.vector_load %arg9[%get3A_628, %get3A_629] {strides = array<i32>} : memref<3200x32xf32, #tpu.memory_space<vmem>>, vector<1x16xf32>,
        %get3A_631 = vector.shape_cast %get3A_630 : vector<1x16xf32> to vector<16xf32>
        %add3A_632 = arith.addf %add3A_618, %get3A_631 : vector<16xf32>
        %add3A_633 = arith.constant 12 : i32
        %add3A_634 = arith.addi %mul3A_471, %add3A_633 : i32
        %get3A_635 = arith.index_cast %add3A_634 : i32 to index
        %get3A_636 = arith.constant 0 : index
        %get3A_637 = tpu.vector_load %arg9[%get3A_635, %get3A_636] {strides = array<i32>} : memref<3200x32xf32, #tpu.memory_space<vmem>>, vector<1x16xf32>,
        %get3A_638 = vector.shape_cast %get3A_637 : vector<1x16xf32> to vector<16xf32>
        %add3A_639 = arith.addf %add3A_625, %get3A_638 : vector<16xf32>
        %add3A_640 = arith.constant 12 : i32
        %add3A_641 = arith.addi %mul3A_471, %add3A_640 : i32
        %get3A_642 = arith.index_cast %add3A_641 : i32 to index
        %get3A_643 = arith.constant 16 : index
        %get3A_644 = tpu.vector_load %arg9[%get3A_642, %get3A_643] {strides = array<i32>} : memref<3200x32xf32, #tpu.memory_space<vmem>>, vector<1x16xf32>,
        %get3A_645 = vector.shape_cast %get3A_644 : vector<1x16xf32> to vector<16xf32>
        %add3A_646 = arith.addf %add3A_632, %get3A_645 : vector<16xf32>
        %add3A_647 = arith.constant 13 : i32
        %add3A_648 = arith.addi %mul3A_471, %add3A_647 : i32
        %get3A_649 = arith.index_cast %add3A_648 : i32 to index
        %get3A_650 = arith.constant 0 : index
        %get3A_651 = tpu.vector_load %arg9[%get3A_649, %get3A_650] {strides = array<i32>} : memref<3200x32xf32, #tpu.memory_space<vmem>>, vector<1x16xf32>,
        %get3A_652 = vector.shape_cast %get3A_651 : vector<1x16xf32> to vector<16xf32>
        %add3A_653 = arith.addf %add3A_639, %get3A_652 : vector<16xf32>
        %add3A_654 = arith.constant 13 : i32
        %add3A_655 = arith.addi %mul3A_471, %add3A_654 : i32
        %get3A_656 = arith.index_cast %add3A_655 : i32 to index
        %get3A_657 = arith.constant 16 : index
        %get3A_658 = tpu.vector_load %arg9[%get3A_656, %get3A_657] {strides = array<i32>} : memref<3200x32xf32, #tpu.memory_space<vmem>>, vector<1x16xf32>,
        %get3A_659 = vector.shape_cast %get3A_658 : vector<1x16xf32> to vector<16xf32>
        %add3A_660 = arith.addf %add3A_646, %get3A_659 : vector<16xf32>
        %add3A_661 = arith.constant 14 : i32
        %add3A_662 = arith.addi %mul3A_471, %add3A_661 : i32
        %get3A_663 = arith.index_cast %add3A_662 : i32 to index
        %get3A_664 = arith.constant 0 : index
        %get3A_665 = tpu.vector_load %arg9[%get3A_663, %get3A_664] {strides = array<i32>} : memref<3200x32xf32, #tpu.memory_space<vmem>>, vector<1x16xf32>,
        %get3A_666 = vector.shape_cast %get3A_665 : vector<1x16xf32> to vector<16xf32>
        %add3A_667 = arith.addf %add3A_653, %get3A_666 : vector<16xf32>
        %add3A_668 = arith.constant 14 : i32
        %add3A_669 = arith.addi %mul3A_471, %add3A_668 : i32
        %get3A_670 = arith.index_cast %add3A_669 : i32 to index
        %get3A_671 = arith.constant 16 : index
        %get3A_672 = tpu.vector_load %arg9[%get3A_670, %get3A_671] {strides = array<i32>} : memref<3200x32xf32, #tpu.memory_space<vmem>>, vector<1x16xf32>,
        %get3A_673 = vector.shape_cast %get3A_672 : vector<1x16xf32> to vector<16xf32>
        %add3A_674 = arith.addf %add3A_660, %get3A_673 : vector<16xf32>
        %add3A_675 = arith.constant 15 : i32
        %add3A_676 = arith.addi %mul3A_471, %add3A_675 : i32
        %get3A_677 = arith.index_cast %add3A_676 : i32 to index
        %get3A_678 = arith.constant 0 : index
        %get3A_679 = tpu.vector_load %arg9[%get3A_677, %get3A_678] {strides = array<i32>} : memref<3200x32xf32, #tpu.memory_space<vmem>>, vector<1x16xf32>,
        %get3A_680 = vector.shape_cast %get3A_679 : vector<1x16xf32> to vector<16xf32>
        %add3A_681 = arith.addf %add3A_667, %get3A_680 : vector<16xf32>
        %add3A_682 = arith.constant 15 : i32
        %add3A_683 = arith.addi %mul3A_471, %add3A_682 : i32
        %get3A_684 = arith.index_cast %add3A_683 : i32 to index
        %get3A_685 = arith.constant 16 : index
        %get3A_686 = tpu.vector_load %arg9[%get3A_684, %get3A_685] {strides = array<i32>} : memref<3200x32xf32, #tpu.memory_space<vmem>>, vector<1x16xf32>,
        %get3A_687 = vector.shape_cast %get3A_686 : vector<1x16xf32> to vector<16xf32>
        %add3A_688 = arith.addf %add3A_674, %get3A_687 : vector<16xf32>
        %add3A_689 = arith.constant 16 : i32
        %add3A_690 = arith.addi %mul3A_471, %add3A_689 : i32
        %get3A_691 = arith.index_cast %add3A_690 : i32 to index
        %get3A_692 = arith.constant 0 : index
        %get3A_693 = tpu.vector_load %arg9[%get3A_691, %get3A_692] {strides = array<i32>} : memref<3200x32xf32, #tpu.memory_space<vmem>>, vector<1x16xf32>,
        %get3A_694 = vector.shape_cast %get3A_693 : vector<1x16xf32> to vector<16xf32>
        %add3A_695 = arith.addf %add3A_681, %get3A_694 : vector<16xf32>
        %add3A_696 = arith.constant 16 : i32
        %add3A_697 = arith.addi %mul3A_471, %add3A_696 : i32
        %get3A_698 = arith.index_cast %add3A_697 : i32 to index
        %get3A_699 = arith.constant 16 : index
        %get3A_700 = tpu.vector_load %arg9[%get3A_698, %get3A_699] {strides = array<i32>} : memref<3200x32xf32, #tpu.memory_space<vmem>>, vector<1x16xf32>,
        %get3A_701 = vector.shape_cast %get3A_700 : vector<1x16xf32> to vector<16xf32>
        %add3A_702 = arith.addf %add3A_688, %get3A_701 : vector<16xf32>
        %add3A_703 = arith.constant 17 : i32
        %add3A_704 = arith.addi %mul3A_471, %add3A_703 : i32
        %get3A_705 = arith.index_cast %add3A_704 : i32 to index
        %get3A_706 = arith.constant 0 : index
        %get3A_707 = tpu.vector_load %arg9[%get3A_705, %get3A_706] {strides = array<i32>} : memref<3200x32xf32, #tpu.memory_space<vmem>>, vector<1x16xf32>,
        %get3A_708 = vector.shape_cast %get3A_707 : vector<1x16xf32> to vector<16xf32>
        %add3A_709 = arith.addf %add3A_695, %get3A_708 : vector<16xf32>
        %add3A_710 = arith.constant 17 : i32
        %add3A_711 = arith.addi %mul3A_471, %add3A_710 : i32
        %get3A_712 = arith.index_cast %add3A_711 : i32 to index
        %get3A_713 = arith.constant 16 : index
        %get3A_714 = tpu.vector_load %arg9[%get3A_712, %get3A_713] {strides = array<i32>} : memref<3200x32xf32, #tpu.memory_space<vmem>>, vector<1x16xf32>,
        %get3A_715 = vector.shape_cast %get3A_714 : vector<1x16xf32> to vector<16xf32>
        %add3A_716 = arith.addf %add3A_702, %get3A_715 : vector<16xf32>
        %add3A_717 = arith.constant 18 : i32
        %add3A_718 = arith.addi %mul3A_471, %add3A_717 : i32
        %get3A_719 = arith.index_cast %add3A_718 : i32 to index
        %get3A_720 = arith.constant 0 : index
        %get3A_721 = tpu.vector_load %arg9[%get3A_719, %get3A_720] {strides = array<i32>} : memref<3200x32xf32, #tpu.memory_space<vmem>>, vector<1x16xf32>,
        %get3A_722 = vector.shape_cast %get3A_721 : vector<1x16xf32> to vector<16xf32>
        %add3A_723 = arith.addf %add3A_709, %get3A_722 : vector<16xf32>
        %add3A_724 = arith.constant 18 : i32
        %add3A_725 = arith.addi %mul3A_471, %add3A_724 : i32
        %get3A_726 = arith.index_cast %add3A_725 : i32 to index
        %get3A_727 = arith.constant 16 : index
        %get3A_728 = tpu.vector_load %arg9[%get3A_726, %get3A_727] {strides = array<i32>} : memref<3200x32xf32, #tpu.memory_space<vmem>>, vector<1x16xf32>,
        %get3A_729 = vector.shape_cast %get3A_728 : vector<1x16xf32> to vector<16xf32>
        %add3A_730 = arith.addf %add3A_716, %get3A_729 : vector<16xf32>
        %add3A_731 = arith.constant 19 : i32
        %add3A_732 = arith.addi %mul3A_471, %add3A_731 : i32
        %get3A_733 = arith.index_cast %add3A_732 : i32 to index
        %get3A_734 = arith.constant 0 : index
        %get3A_735 = tpu.vector_load %arg9[%get3A_733, %get3A_734] {strides = array<i32>} : memref<3200x32xf32, #tpu.memory_space<vmem>>, vector<1x16xf32>,
        %get3A_736 = vector.shape_cast %get3A_735 : vector<1x16xf32> to vector<16xf32>
        %add3A_737 = arith.addf %add3A_723, %get3A_736 : vector<16xf32>
        %add3A_738 = arith.constant 19 : i32
        %add3A_739 = arith.addi %mul3A_471, %add3A_738 : i32
        %get3A_740 = arith.index_cast %add3A_739 : i32 to index
        %get3A_741 = arith.constant 16 : index
        %get3A_742 = tpu.vector_load %arg9[%get3A_740, %get3A_741] {strides = array<i32>} : memref<3200x32xf32, #tpu.memory_space<vmem>>, vector<1x16xf32>,
        %get3A_743 = vector.shape_cast %get3A_742 : vector<1x16xf32> to vector<16xf32>
        %add3A_744 = arith.addf %add3A_730, %get3A_743 : vector<16xf32>
        %add3A_745 = arith.constant 20 : i32
        %add3A_746 = arith.addi %mul3A_471, %add3A_745 : i32
        %get3A_747 = arith.index_cast %add3A_746 : i32 to index
        %get3A_748 = arith.constant 0 : index
        %get3A_749 = tpu.vector_load %arg9[%get3A_747, %get3A_748] {strides = array<i32>} : memref<3200x32xf32, #tpu.memory_space<vmem>>, vector<1x16xf32>,
        %get3A_750 = vector.shape_cast %get3A_749 : vector<1x16xf32> to vector<16xf32>
        %add3A_751 = arith.addf %add3A_737, %get3A_750 : vector<16xf32>
        %add3A_752 = arith.constant 20 : i32
        %add3A_753 = arith.addi %mul3A_471, %add3A_752 : i32
        %get3A_754 = arith.index_cast %add3A_753 : i32 to index
        %get3A_755 = arith.constant 16 : index
        %get3A_756 = tpu.vector_load %arg9[%get3A_754, %get3A_755] {strides = array<i32>} : memref<3200x32xf32, #tpu.memory_space<vmem>>, vector<1x16xf32>,
        %get3A_757 = vector.shape_cast %get3A_756 : vector<1x16xf32> to vector<16xf32>
        %add3A_758 = arith.addf %add3A_744, %get3A_757 : vector<16xf32>
        %add3A_759 = arith.constant 21 : i32
        %add3A_760 = arith.addi %mul3A_471, %add3A_759 : i32
        %get3A_761 = arith.index_cast %add3A_760 : i32 to index
        %get3A_762 = arith.constant 0 : index
        %get3A_763 = tpu.vector_load %arg9[%get3A_761, %get3A_762] {strides = array<i32>} : memref<3200x32xf32, #tpu.memory_space<vmem>>, vector<1x16xf32>,
        %get3A_764 = vector.shape_cast %get3A_763 : vector<1x16xf32> to vector<16xf32>
        %add3A_765 = arith.addf %add3A_751, %get3A_764 : vector<16xf32>
        %add3A_766 = arith.constant 21 : i32
        %add3A_767 = arith.addi %mul3A_471, %add3A_766 : i32
        %get3A_768 = arith.index_cast %add3A_767 : i32 to index
        %get3A_769 = arith.constant 16 : index
        %get3A_770 = tpu.vector_load %arg9[%get3A_768, %get3A_769] {strides = array<i32>} : memref<3200x32xf32, #tpu.memory_space<vmem>>, vector<1x16xf32>,
        %get3A_771 = vector.shape_cast %get3A_770 : vector<1x16xf32> to vector<16xf32>
        %add3A_772 = arith.addf %add3A_758, %get3A_771 : vector<16xf32>
        %add3A_773 = arith.constant 22 : i32
        %add3A_774 = arith.addi %mul3A_471, %add3A_773 : i32
        %get3A_775 = arith.index_cast %add3A_774 : i32 to index
        %get3A_776 = arith.constant 0 : index
        %get3A_777 = tpu.vector_load %arg9[%get3A_775, %get3A_776] {strides = array<i32>} : memref<3200x32xf32, #tpu.memory_space<vmem>>, vector<1x16xf32>,
        %get3A_778 = vector.shape_cast %get3A_777 : vector<1x16xf32> to vector<16xf32>
        %add3A_779 = arith.addf %add3A_765, %get3A_778 : vector<16xf32>
        %add3A_780 = arith.constant 22 : i32
        %add3A_781 = arith.addi %mul3A_471, %add3A_780 : i32
        %get3A_782 = arith.index_cast %add3A_781 : i32 to index
        %get3A_783 = arith.constant 16 : index
        %get3A_784 = tpu.vector_load %arg9[%get3A_782, %get3A_783] {strides = array<i32>} : memref<3200x32xf32, #tpu.memory_space<vmem>>, vector<1x16xf32>,
        %get3A_785 = vector.shape_cast %get3A_784 : vector<1x16xf32> to vector<16xf32>
        %add3A_786 = arith.addf %add3A_772, %get3A_785 : vector<16xf32>
        %add3A_787 = arith.constant 23 : i32
        %add3A_788 = arith.addi %mul3A_471, %add3A_787 : i32
        %get3A_789 = arith.index_cast %add3A_788 : i32 to index
        %get3A_790 = arith.constant 0 : index
        %get3A_791 = tpu.vector_load %arg9[%get3A_789, %get3A_790] {strides = array<i32>} : memref<3200x32xf32, #tpu.memory_space<vmem>>, vector<1x16xf32>,
        %get3A_792 = vector.shape_cast %get3A_791 : vector<1x16xf32> to vector<16xf32>
        %add3A_793 = arith.addf %add3A_779, %get3A_792 : vector<16xf32>
        %add3A_794 = arith.constant 23 : i32
        %add3A_795 = arith.addi %mul3A_471, %add3A_794 : i32
        %get3A_796 = arith.index_cast %add3A_795 : i32 to index
        %get3A_797 = arith.constant 16 : index
        %get3A_798 = tpu.vector_load %arg9[%get3A_796, %get3A_797] {strides = array<i32>} : memref<3200x32xf32, #tpu.memory_space<vmem>>, vector<1x16xf32>,
        %get3A_799 = vector.shape_cast %get3A_798 : vector<1x16xf32> to vector<16xf32>
        %add3A_800 = arith.addf %add3A_786, %get3A_799 : vector<16xf32>
        %add3A_801 = arith.constant 24 : i32
        %add3A_802 = arith.addi %mul3A_471, %add3A_801 : i32
        %get3A_803 = arith.index_cast %add3A_802 : i32 to index
        %get3A_804 = arith.constant 0 : index
        %get3A_805 = tpu.vector_load %arg9[%get3A_803, %get3A_804] {strides = array<i32>} : memref<3200x32xf32, #tpu.memory_space<vmem>>, vector<1x16xf32>,
        %get3A_806 = vector.shape_cast %get3A_805 : vector<1x16xf32> to vector<16xf32>
        %add3A_807 = arith.addf %add3A_793, %get3A_806 : vector<16xf32>
        %add3A_808 = arith.constant 24 : i32
        %add3A_809 = arith.addi %mul3A_471, %add3A_808 : i32
        %get3A_810 = arith.index_cast %add3A_809 : i32 to index
        %get3A_811 = arith.constant 16 : index
        %get3A_812 = tpu.vector_load %arg9[%get3A_810, %get3A_811] {strides = array<i32>} : memref<3200x32xf32, #tpu.memory_space<vmem>>, vector<1x16xf32>,
        %get3A_813 = vector.shape_cast %get3A_812 : vector<1x16xf32> to vector<16xf32>
        %add3A_814 = arith.addf %add3A_800, %get3A_813 : vector<16xf32>
        %add3A_815 = arith.constant 25 : i32
        %add3A_816 = arith.addi %mul3A_471, %add3A_815 : i32
        %get3A_817 = arith.index_cast %add3A_816 : i32 to index
        %get3A_818 = arith.constant 0 : index
        %get3A_819 = tpu.vector_load %arg9[%get3A_817, %get3A_818] {strides = array<i32>} : memref<3200x32xf32, #tpu.memory_space<vmem>>, vector<1x16xf32>,
        %get3A_820 = vector.shape_cast %get3A_819 : vector<1x16xf32> to vector<16xf32>
        %add3A_821 = arith.addf %add3A_807, %get3A_820 : vector<16xf32>
        %add3A_822 = arith.constant 25 : i32
        %add3A_823 = arith.addi %mul3A_471, %add3A_822 : i32
        %get3A_824 = arith.index_cast %add3A_823 : i32 to index
        %get3A_825 = arith.constant 16 : index
        %get3A_826 = tpu.vector_load %arg9[%get3A_824, %get3A_825] {strides = array<i32>} : memref<3200x32xf32, #tpu.memory_space<vmem>>, vector<1x16xf32>,
        %get3A_827 = vector.shape_cast %get3A_826 : vector<1x16xf32> to vector<16xf32>
        %add3A_828 = arith.addf %add3A_814, %get3A_827 : vector<16xf32>
        %add3A_829 = arith.constant 26 : i32
        %add3A_830 = arith.addi %mul3A_471, %add3A_829 : i32
        %get3A_831 = arith.index_cast %add3A_830 : i32 to index
        %get3A_832 = arith.constant 0 : index
        %get3A_833 = tpu.vector_load %arg9[%get3A_831, %get3A_832] {strides = array<i32>} : memref<3200x32xf32, #tpu.memory_space<vmem>>, vector<1x16xf32>,
        %get3A_834 = vector.shape_cast %get3A_833 : vector<1x16xf32> to vector<16xf32>
        %add3A_835 = arith.addf %add3A_821, %get3A_834 : vector<16xf32>
        %add3A_836 = arith.constant 26 : i32
        %add3A_837 = arith.addi %mul3A_471, %add3A_836 : i32
        %get3A_838 = arith.index_cast %add3A_837 : i32 to index
        %get3A_839 = arith.constant 16 : index
        %get3A_840 = tpu.vector_load %arg9[%get3A_838, %get3A_839] {strides = array<i32>} : memref<3200x32xf32, #tpu.memory_space<vmem>>, vector<1x16xf32>,
        %get3A_841 = vector.shape_cast %get3A_840 : vector<1x16xf32> to vector<16xf32>
        %add3A_842 = arith.addf %add3A_828, %get3A_841 : vector<16xf32>
        %add3A_843 = arith.constant 27 : i32
        %add3A_844 = arith.addi %mul3A_471, %add3A_843 : i32
        %get3A_845 = arith.index_cast %add3A_844 : i32 to index
        %get3A_846 = arith.constant 0 : index
        %get3A_847 = tpu.vector_load %arg9[%get3A_845, %get3A_846] {strides = array<i32>} : memref<3200x32xf32, #tpu.memory_space<vmem>>, vector<1x16xf32>,
        %get3A_848 = vector.shape_cast %get3A_847 : vector<1x16xf32> to vector<16xf32>
        %add3A_849 = arith.addf %add3A_835, %get3A_848 : vector<16xf32>
        %add3A_850 = arith.constant 27 : i32
        %add3A_851 = arith.addi %mul3A_471, %add3A_850 : i32
        %get3A_852 = arith.index_cast %add3A_851 : i32 to index
        %get3A_853 = arith.constant 16 : index
        %get3A_854 = tpu.vector_load %arg9[%get3A_852, %get3A_853] {strides = array<i32>} : memref<3200x32xf32, #tpu.memory_space<vmem>>, vector<1x16xf32>,
        %get3A_855 = vector.shape_cast %get3A_854 : vector<1x16xf32> to vector<16xf32>
        %add3A_856 = arith.addf %add3A_842, %get3A_855 : vector<16xf32>
        %add3A_857 = arith.constant 28 : i32
        %add3A_858 = arith.addi %mul3A_471, %add3A_857 : i32
        %get3A_859 = arith.index_cast %add3A_858 : i32 to index
        %get3A_860 = arith.constant 0 : index
        %get3A_861 = tpu.vector_load %arg9[%get3A_859, %get3A_860] {strides = array<i32>} : memref<3200x32xf32, #tpu.memory_space<vmem>>, vector<1x16xf32>,
        %get3A_862 = vector.shape_cast %get3A_861 : vector<1x16xf32> to vector<16xf32>
        %add3A_863 = arith.addf %add3A_849, %get3A_862 : vector<16xf32>
        %add3A_864 = arith.constant 28 : i32
        %add3A_865 = arith.addi %mul3A_471, %add3A_864 : i32
        %get3A_866 = arith.index_cast %add3A_865 : i32 to index
        %get3A_867 = arith.constant 16 : index
        %get3A_868 = tpu.vector_load %arg9[%get3A_866, %get3A_867] {strides = array<i32>} : memref<3200x32xf32, #tpu.memory_space<vmem>>, vector<1x16xf32>,
        %get3A_869 = vector.shape_cast %get3A_868 : vector<1x16xf32> to vector<16xf32>
        %add3A_870 = arith.addf %add3A_856, %get3A_869 : vector<16xf32>
        %add3A_871 = arith.constant 29 : i32
        %add3A_872 = arith.addi %mul3A_471, %add3A_871 : i32
        %get3A_873 = arith.index_cast %add3A_872 : i32 to index
        %get3A_874 = arith.constant 0 : index
        %get3A_875 = tpu.vector_load %arg9[%get3A_873, %get3A_874] {strides = array<i32>} : memref<3200x32xf32, #tpu.memory_space<vmem>>, vector<1x16xf32>,
        %get3A_876 = vector.shape_cast %get3A_875 : vector<1x16xf32> to vector<16xf32>
        %add3A_877 = arith.addf %add3A_863, %get3A_876 : vector<16xf32>
        %add3A_878 = arith.constant 29 : i32
        %add3A_879 = arith.addi %mul3A_471, %add3A_878 : i32
        %get3A_880 = arith.index_cast %add3A_879 : i32 to index
        %get3A_881 = arith.constant 16 : index
        %get3A_882 = tpu.vector_load %arg9[%get3A_880, %get3A_881] {strides = array<i32>} : memref<3200x32xf32, #tpu.memory_space<vmem>>, vector<1x16xf32>,
        %get3A_883 = vector.shape_cast %get3A_882 : vector<1x16xf32> to vector<16xf32>
        %add3A_884 = arith.addf %add3A_870, %get3A_883 : vector<16xf32>
        %add3A_885 = arith.constant 30 : i32
        %add3A_886 = arith.addi %mul3A_471, %add3A_885 : i32
        %get3A_887 = arith.index_cast %add3A_886 : i32 to index
        %get3A_888 = arith.constant 0 : index
        %get3A_889 = tpu.vector_load %arg9[%get3A_887, %get3A_888] {strides = array<i32>} : memref<3200x32xf32, #tpu.memory_space<vmem>>, vector<1x16xf32>,
        %get3A_890 = vector.shape_cast %get3A_889 : vector<1x16xf32> to vector<16xf32>
        %add3A_891 = arith.addf %add3A_877, %get3A_890 : vector<16xf32>
        %add3A_892 = arith.constant 30 : i32
        %add3A_893 = arith.addi %mul3A_471, %add3A_892 : i32
        %get3A_894 = arith.index_cast %add3A_893 : i32 to index
        %get3A_895 = arith.constant 16 : index
        %get3A_896 = tpu.vector_load %arg9[%get3A_894, %get3A_895] {strides = array<i32>} : memref<3200x32xf32, #tpu.memory_space<vmem>>, vector<1x16xf32>,
        %get3A_897 = vector.shape_cast %get3A_896 : vector<1x16xf32> to vector<16xf32>
        %add3A_898 = arith.addf %add3A_884, %get3A_897 : vector<16xf32>
        %add3A_899 = arith.constant 31 : i32
        %add3A_900 = arith.addi %mul3A_471, %add3A_899 : i32
        %get3A_901 = arith.index_cast %add3A_900 : i32 to index
        %get3A_902 = arith.constant 0 : index
        %get3A_903 = tpu.vector_load %arg9[%get3A_901, %get3A_902] {strides = array<i32>} : memref<3200x32xf32, #tpu.memory_space<vmem>>, vector<1x16xf32>,
        %get3A_904 = vector.shape_cast %get3A_903 : vector<1x16xf32> to vector<16xf32>
        %add3A_905 = arith.addf %add3A_891, %get3A_904 : vector<16xf32>
        %add3A_906 = arith.constant 31 : i32
        %add3A_907 = arith.addi %mul3A_471, %add3A_906 : i32
        %get3A_908 = arith.index_cast %add3A_907 : i32 to index
        %get3A_909 = arith.constant 16 : index
        %get3A_910 = tpu.vector_load %arg9[%get3A_908, %get3A_909] {strides = array<i32>} : memref<3200x32xf32, #tpu.memory_space<vmem>>, vector<1x16xf32>,
        %get3A_911 = vector.shape_cast %get3A_910 : vector<1x16xf32> to vector<16xf32>
        %add3A_912 = arith.addf %add3A_898, %get3A_911 : vector<16xf32>
        %add3A_913 = arith.constant 32 : i32
        %add3A_914 = arith.addi %mul3A_471, %add3A_913 : i32
        %get3A_915 = arith.index_cast %add3A_914 : i32 to index
        %get3A_916 = arith.constant 0 : index
        %get3A_917 = tpu.vector_load %arg9[%get3A_915, %get3A_916] {strides = array<i32>} : memref<3200x32xf32, #tpu.memory_space<vmem>>, vector<1x16xf32>,
        %get3A_918 = vector.shape_cast %get3A_917 : vector<1x16xf32> to vector<16xf32>
        %add3A_919 = arith.addf %add3A_905, %get3A_918 : vector<16xf32>
        %add3A_920 = arith.constant 32 : i32
        %add3A_921 = arith.addi %mul3A_471, %add3A_920 : i32
        %get3A_922 = arith.index_cast %add3A_921 : i32 to index
        %get3A_923 = arith.constant 16 : index
        %get3A_924 = tpu.vector_load %arg9[%get3A_922, %get3A_923] {strides = array<i32>} : memref<3200x32xf32, #tpu.memory_space<vmem>>, vector<1x16xf32>,
        %get3A_925 = vector.shape_cast %get3A_924 : vector<1x16xf32> to vector<16xf32>
        %add3A_926 = arith.addf %add3A_912, %get3A_925 : vector<16xf32>
        %add3A_927 = arith.constant 33 : i32
        %add3A_928 = arith.addi %mul3A_471, %add3A_927 : i32
        %get3A_929 = arith.index_cast %add3A_928 : i32 to index
        %get3A_930 = arith.constant 0 : index
        %get3A_931 = tpu.vector_load %arg9[%get3A_929, %get3A_930] {strides = array<i32>} : memref<3200x32xf32, #tpu.memory_space<vmem>>, vector<1x16xf32>,
        %get3A_932 = vector.shape_cast %get3A_931 : vector<1x16xf32> to vector<16xf32>
        %add3A_933 = arith.addf %add3A_919, %get3A_932 : vector<16xf32>
        %add3A_934 = arith.constant 33 : i32
        %add3A_935 = arith.addi %mul3A_471, %add3A_934 : i32
        %get3A_936 = arith.index_cast %add3A_935 : i32 to index
        %get3A_937 = arith.constant 16 : index
        %get3A_938 = tpu.vector_load %arg9[%get3A_936, %get3A_937] {strides = array<i32>} : memref<3200x32xf32, #tpu.memory_space<vmem>>, vector<1x16xf32>,
        %get3A_939 = vector.shape_cast %get3A_938 : vector<1x16xf32> to vector<16xf32>
        %add3A_940 = arith.addf %add3A_926, %get3A_939 : vector<16xf32>
        %add3A_941 = arith.constant 34 : i32
        %add3A_942 = arith.addi %mul3A_471, %add3A_941 : i32
        %get3A_943 = arith.index_cast %add3A_942 : i32 to index
        %get3A_944 = arith.constant 0 : index
        %get3A_945 = tpu.vector_load %arg9[%get3A_943, %get3A_944] {strides = array<i32>} : memref<3200x32xf32, #tpu.memory_space<vmem>>, vector<1x16xf32>,
        %get3A_946 = vector.shape_cast %get3A_945 : vector<1x16xf32> to vector<16xf32>
        %add3A_947 = arith.addf %add3A_933, %get3A_946 : vector<16xf32>
        %add3A_948 = arith.constant 34 : i32
        %add3A_949 = arith.addi %mul3A_471, %add3A_948 : i32
        %get3A_950 = arith.index_cast %add3A_949 : i32 to index
        %get3A_951 = arith.constant 16 : index
        %get3A_952 = tpu.vector_load %arg9[%get3A_950, %get3A_951] {strides = array<i32>} : memref<3200x32xf32, #tpu.memory_space<vmem>>, vector<1x16xf32>,
        %get3A_953 = vector.shape_cast %get3A_952 : vector<1x16xf32> to vector<16xf32>
        %add3A_954 = arith.addf %add3A_940, %get3A_953 : vector<16xf32>
        %add3A_955 = arith.constant 35 : i32
        %add3A_956 = arith.addi %mul3A_471, %add3A_955 : i32
        %get3A_957 = arith.index_cast %add3A_956 : i32 to index
        %get3A_958 = arith.constant 0 : index
        %get3A_959 = tpu.vector_load %arg9[%get3A_957, %get3A_958] {strides = array<i32>} : memref<3200x32xf32, #tpu.memory_space<vmem>>, vector<1x16xf32>,
        %get3A_960 = vector.shape_cast %get3A_959 : vector<1x16xf32> to vector<16xf32>
        %add3A_961 = arith.addf %add3A_947, %get3A_960 : vector<16xf32>
        %add3A_962 = arith.constant 35 : i32
        %add3A_963 = arith.addi %mul3A_471, %add3A_962 : i32
        %get3A_964 = arith.index_cast %add3A_963 : i32 to index
        %get3A_965 = arith.constant 16 : index
        %get3A_966 = tpu.vector_load %arg9[%get3A_964, %get3A_965] {strides = array<i32>} : memref<3200x32xf32, #tpu.memory_space<vmem>>, vector<1x16xf32>,
        %get3A_967 = vector.shape_cast %get3A_966 : vector<1x16xf32> to vector<16xf32>
        %add3A_968 = arith.addf %add3A_954, %get3A_967 : vector<16xf32>
        %add3A_969 = arith.constant 36 : i32
        %add3A_970 = arith.addi %mul3A_471, %add3A_969 : i32
        %get3A_971 = arith.index_cast %add3A_970 : i32 to index
        %get3A_972 = arith.constant 0 : index
        %get3A_973 = tpu.vector_load %arg9[%get3A_971, %get3A_972] {strides = array<i32>} : memref<3200x32xf32, #tpu.memory_space<vmem>>, vector<1x16xf32>,
        %get3A_974 = vector.shape_cast %get3A_973 : vector<1x16xf32> to vector<16xf32>
        %add3A_975 = arith.addf %add3A_961, %get3A_974 : vector<16xf32>
        %add3A_976 = arith.constant 36 : i32
        %add3A_977 = arith.addi %mul3A_471, %add3A_976 : i32
        %get3A_978 = arith.index_cast %add3A_977 : i32 to index
        %get3A_979 = arith.constant 16 : index
        %get3A_980 = tpu.vector_load %arg9[%get3A_978, %get3A_979] {strides = array<i32>} : memref<3200x32xf32, #tpu.memory_space<vmem>>, vector<1x16xf32>,
        %get3A_981 = vector.shape_cast %get3A_980 : vector<1x16xf32> to vector<16xf32>
        %add3A_982 = arith.addf %add3A_968, %get3A_981 : vector<16xf32>
        %add3A_983 = arith.constant 37 : i32
        %add3A_984 = arith.addi %mul3A_471, %add3A_983 : i32
        %get3A_985 = arith.index_cast %add3A_984 : i32 to index
        %get3A_986 = arith.constant 0 : index
        %get3A_987 = tpu.vector_load %arg9[%get3A_985, %get3A_986] {strides = array<i32>} : memref<3200x32xf32, #tpu.memory_space<vmem>>, vector<1x16xf32>,
        %get3A_988 = vector.shape_cast %get3A_987 : vector<1x16xf32> to vector<16xf32>
        %add3A_989 = arith.addf %add3A_975, %get3A_988 : vector<16xf32>
        %add3A_990 = arith.constant 37 : i32
        %add3A_991 = arith.addi %mul3A_471, %add3A_990 : i32
        %get3A_992 = arith.index_cast %add3A_991 : i32 to index
        %get3A_993 = arith.constant 16 : index
        %get3A_994 = tpu.vector_load %arg9[%get3A_992, %get3A_993] {strides = array<i32>} : memref<3200x32xf32, #tpu.memory_space<vmem>>, vector<1x16xf32>,
        %get3A_995 = vector.shape_cast %get3A_994 : vector<1x16xf32> to vector<16xf32>
        %add3A_996 = arith.addf %add3A_982, %get3A_995 : vector<16xf32>
        %add3A_997 = arith.constant 38 : i32
        %add3A_998 = arith.addi %mul3A_471, %add3A_997 : i32
        %get3A_999 = arith.index_cast %add3A_998 : i32 to index
        %get3A_1000 = arith.constant 0 : index
        %get3A_1001 = tpu.vector_load %arg9[%get3A_999, %get3A_1000] {strides = array<i32>} : memref<3200x32xf32, #tpu.memory_space<vmem>>, vector<1x16xf32>,
        %get3A_1002 = vector.shape_cast %get3A_1001 : vector<1x16xf32> to vector<16xf32>
        %add3A_1003 = arith.addf %add3A_989, %get3A_1002 : vector<16xf32>
        %add3A_1004 = arith.constant 38 : i32
        %add3A_1005 = arith.addi %mul3A_471, %add3A_1004 : i32
        %get3A_1006 = arith.index_cast %add3A_1005 : i32 to index
        %get3A_1007 = arith.constant 16 : index
        %get3A_1008 = tpu.vector_load %arg9[%get3A_1006, %get3A_1007] {strides = array<i32>} : memref<3200x32xf32, #tpu.memory_space<vmem>>, vector<1x16xf32>,
        %get3A_1009 = vector.shape_cast %get3A_1008 : vector<1x16xf32> to vector<16xf32>
        %add3A_1010 = arith.addf %add3A_996, %get3A_1009 : vector<16xf32>
        %add3A_1011 = arith.constant 39 : i32
        %add3A_1012 = arith.addi %mul3A_471, %add3A_1011 : i32
        %get3A_1013 = arith.index_cast %add3A_1012 : i32 to index
        %get3A_1014 = arith.constant 0 : index
        %get3A_1015 = tpu.vector_load %arg9[%get3A_1013, %get3A_1014] {strides = array<i32>} : memref<3200x32xf32, #tpu.memory_space<vmem>>, vector<1x16xf32>,
        %get3A_1016 = vector.shape_cast %get3A_1015 : vector<1x16xf32> to vector<16xf32>
        %add3A_1017 = arith.addf %add3A_1003, %get3A_1016 : vector<16xf32>
        %add3A_1018 = arith.constant 39 : i32
        %add3A_1019 = arith.addi %mul3A_471, %add3A_1018 : i32
        %get3A_1020 = arith.index_cast %add3A_1019 : i32 to index
        %get3A_1021 = arith.constant 16 : index
        %get3A_1022 = tpu.vector_load %arg9[%get3A_1020, %get3A_1021] {strides = array<i32>} : memref<3200x32xf32, #tpu.memory_space<vmem>>, vector<1x16xf32>,
        %get3A_1023 = vector.shape_cast %get3A_1022 : vector<1x16xf32> to vector<16xf32>
        %add3A_1024 = arith.addf %add3A_1010, %get3A_1023 : vector<16xf32>
        %add3A_1025 = arith.constant 40 : i32
        %add3A_1026 = arith.addi %mul3A_471, %add3A_1025 : i32
        %get3A_1027 = arith.index_cast %add3A_1026 : i32 to index
        %get3A_1028 = arith.constant 0 : index
        %get3A_1029 = tpu.vector_load %arg9[%get3A_1027, %get3A_1028] {strides = array<i32>} : memref<3200x32xf32, #tpu.memory_space<vmem>>, vector<1x16xf32>,
        %get3A_1030 = vector.shape_cast %get3A_1029 : vector<1x16xf32> to vector<16xf32>
        %add3A_1031 = arith.addf %add3A_1017, %get3A_1030 : vector<16xf32>
        %add3A_1032 = arith.constant 40 : i32
        %add3A_1033 = arith.addi %mul3A_471, %add3A_1032 : i32
        %get3A_1034 = arith.index_cast %add3A_1033 : i32 to index
        %get3A_1035 = arith.constant 16 : index
        %get3A_1036 = tpu.vector_load %arg9[%get3A_1034, %get3A_1035] {strides = array<i32>} : memref<3200x32xf32, #tpu.memory_space<vmem>>, vector<1x16xf32>,
        %get3A_1037 = vector.shape_cast %get3A_1036 : vector<1x16xf32> to vector<16xf32>
        %add3A_1038 = arith.addf %add3A_1024, %get3A_1037 : vector<16xf32>
        %add3A_1039 = arith.constant 41 : i32
        %add3A_1040 = arith.addi %mul3A_471, %add3A_1039 : i32
        %get3A_1041 = arith.index_cast %add3A_1040 : i32 to index
        %get3A_1042 = arith.constant 0 : index
        %get3A_1043 = tpu.vector_load %arg9[%get3A_1041, %get3A_1042] {strides = array<i32>} : memref<3200x32xf32, #tpu.memory_space<vmem>>, vector<1x16xf32>,
        %get3A_1044 = vector.shape_cast %get3A_1043 : vector<1x16xf32> to vector<16xf32>
        %add3A_1045 = arith.addf %add3A_1031, %get3A_1044 : vector<16xf32>
        %add3A_1046 = arith.constant 41 : i32
        %add3A_1047 = arith.addi %mul3A_471, %add3A_1046 : i32
        %get3A_1048 = arith.index_cast %add3A_1047 : i32 to index
        %get3A_1049 = arith.constant 16 : index
        %get3A_1050 = tpu.vector_load %arg9[%get3A_1048, %get3A_1049] {strides = array<i32>} : memref<3200x32xf32, #tpu.memory_space<vmem>>, vector<1x16xf32>,
        %get3A_1051 = vector.shape_cast %get3A_1050 : vector<1x16xf32> to vector<16xf32>
        %add3A_1052 = arith.addf %add3A_1038, %get3A_1051 : vector<16xf32>
        %add3A_1053 = arith.constant 42 : i32
        %add3A_1054 = arith.addi %mul3A_471, %add3A_1053 : i32
        %get3A_1055 = arith.index_cast %add3A_1054 : i32 to index
        %get3A_1056 = arith.constant 0 : index
        %get3A_1057 = tpu.vector_load %arg9[%get3A_1055, %get3A_1056] {strides = array<i32>} : memref<3200x32xf32, #tpu.memory_space<vmem>>, vector<1x16xf32>,
        %get3A_1058 = vector.shape_cast %get3A_1057 : vector<1x16xf32> to vector<16xf32>
        %add3A_1059 = arith.addf %add3A_1045, %get3A_1058 : vector<16xf32>
        %add3A_1060 = arith.constant 42 : i32
        %add3A_1061 = arith.addi %mul3A_471, %add3A_1060 : i32
        %get3A_1062 = arith.index_cast %add3A_1061 : i32 to index
        %get3A_1063 = arith.constant 16 : index
        %get3A_1064 = tpu.vector_load %arg9[%get3A_1062, %get3A_1063] {strides = array<i32>} : memref<3200x32xf32, #tpu.memory_space<vmem>>, vector<1x16xf32>,
        %get3A_1065 = vector.shape_cast %get3A_1064 : vector<1x16xf32> to vector<16xf32>
        %add3A_1066 = arith.addf %add3A_1052, %get3A_1065 : vector<16xf32>
        %add3A_1067 = arith.constant 43 : i32
        %add3A_1068 = arith.addi %mul3A_471, %add3A_1067 : i32
        %get3A_1069 = arith.index_cast %add3A_1068 : i32 to index
        %get3A_1070 = arith.constant 0 : index
        %get3A_1071 = tpu.vector_load %arg9[%get3A_1069, %get3A_1070] {strides = array<i32>} : memref<3200x32xf32, #tpu.memory_space<vmem>>, vector<1x16xf32>,
        %get3A_1072 = vector.shape_cast %get3A_1071 : vector<1x16xf32> to vector<16xf32>
        %add3A_1073 = arith.addf %add3A_1059, %get3A_1072 : vector<16xf32>
        %add3A_1074 = arith.constant 43 : i32
        %add3A_1075 = arith.addi %mul3A_471, %add3A_1074 : i32
        %get3A_1076 = arith.index_cast %add3A_1075 : i32 to index
        %get3A_1077 = arith.constant 16 : index
        %get3A_1078 = tpu.vector_load %arg9[%get3A_1076, %get3A_1077] {strides = array<i32>} : memref<3200x32xf32, #tpu.memory_space<vmem>>, vector<1x16xf32>,
        %get3A_1079 = vector.shape_cast %get3A_1078 : vector<1x16xf32> to vector<16xf32>
        %add3A_1080 = arith.addf %add3A_1066, %get3A_1079 : vector<16xf32>
        %add3A_1081 = arith.constant 44 : i32
        %add3A_1082 = arith.addi %mul3A_471, %add3A_1081 : i32
        %get3A_1083 = arith.index_cast %add3A_1082 : i32 to index
        %get3A_1084 = arith.constant 0 : index
        %get3A_1085 = tpu.vector_load %arg9[%get3A_1083, %get3A_1084] {strides = array<i32>} : memref<3200x32xf32, #tpu.memory_space<vmem>>, vector<1x16xf32>,
        %get3A_1086 = vector.shape_cast %get3A_1085 : vector<1x16xf32> to vector<16xf32>
        %add3A_1087 = arith.addf %add3A_1073, %get3A_1086 : vector<16xf32>
        %add3A_1088 = arith.constant 44 : i32
        %add3A_1089 = arith.addi %mul3A_471, %add3A_1088 : i32
        %get3A_1090 = arith.index_cast %add3A_1089 : i32 to index
        %get3A_1091 = arith.constant 16 : index
        %get3A_1092 = tpu.vector_load %arg9[%get3A_1090, %get3A_1091] {strides = array<i32>} : memref<3200x32xf32, #tpu.memory_space<vmem>>, vector<1x16xf32>,
        %get3A_1093 = vector.shape_cast %get3A_1092 : vector<1x16xf32> to vector<16xf32>
        %add3A_1094 = arith.addf %add3A_1080, %get3A_1093 : vector<16xf32>
        %add3A_1095 = arith.constant 45 : i32
        %add3A_1096 = arith.addi %mul3A_471, %add3A_1095 : i32
        %get3A_1097 = arith.index_cast %add3A_1096 : i32 to index
        %get3A_1098 = arith.constant 0 : index
        %get3A_1099 = tpu.vector_load %arg9[%get3A_1097, %get3A_1098] {strides = array<i32>} : memref<3200x32xf32, #tpu.memory_space<vmem>>, vector<1x16xf32>,
        %get3A_1100 = vector.shape_cast %get3A_1099 : vector<1x16xf32> to vector<16xf32>
        %add3A_1101 = arith.addf %add3A_1087, %get3A_1100 : vector<16xf32>
        %add3A_1102 = arith.constant 45 : i32
        %add3A_1103 = arith.addi %mul3A_471, %add3A_1102 : i32
        %get3A_1104 = arith.index_cast %add3A_1103 : i32 to index
        %get3A_1105 = arith.constant 16 : index
        %get3A_1106 = tpu.vector_load %arg9[%get3A_1104, %get3A_1105] {strides = array<i32>} : memref<3200x32xf32, #tpu.memory_space<vmem>>, vector<1x16xf32>,
        %get3A_1107 = vector.shape_cast %get3A_1106 : vector<1x16xf32> to vector<16xf32>
        %add3A_1108 = arith.addf %add3A_1094, %get3A_1107 : vector<16xf32>
        %add3A_1109 = arith.constant 46 : i32
        %add3A_1110 = arith.addi %mul3A_471, %add3A_1109 : i32
        %get3A_1111 = arith.index_cast %add3A_1110 : i32 to index
        %get3A_1112 = arith.constant 0 : index
        %get3A_1113 = tpu.vector_load %arg9[%get3A_1111, %get3A_1112] {strides = array<i32>} : memref<3200x32xf32, #tpu.memory_space<vmem>>, vector<1x16xf32>,
        %get3A_1114 = vector.shape_cast %get3A_1113 : vector<1x16xf32> to vector<16xf32>
        %add3A_1115 = arith.addf %add3A_1101, %get3A_1114 : vector<16xf32>
        %add3A_1116 = arith.constant 46 : i32
        %add3A_1117 = arith.addi %mul3A_471, %add3A_1116 : i32
        %get3A_1118 = arith.index_cast %add3A_1117 : i32 to index
        %get3A_1119 = arith.constant 16 : index
        %get3A_1120 = tpu.vector_load %arg9[%get3A_1118, %get3A_1119] {strides = array<i32>} : memref<3200x32xf32, #tpu.memory_space<vmem>>, vector<1x16xf32>,
        %get3A_1121 = vector.shape_cast %get3A_1120 : vector<1x16xf32> to vector<16xf32>
        %add3A_1122 = arith.addf %add3A_1108, %get3A_1121 : vector<16xf32>
        %add3A_1123 = arith.constant 47 : i32
        %add3A_1124 = arith.addi %mul3A_471, %add3A_1123 : i32
        %get3A_1125 = arith.index_cast %add3A_1124 : i32 to index
        %get3A_1126 = arith.constant 0 : index
        %get3A_1127 = tpu.vector_load %arg9[%get3A_1125, %get3A_1126] {strides = array<i32>} : memref<3200x32xf32, #tpu.memory_space<vmem>>, vector<1x16xf32>,
        %get3A_1128 = vector.shape_cast %get3A_1127 : vector<1x16xf32> to vector<16xf32>
        %add3A_1129 = arith.addf %add3A_1115, %get3A_1128 : vector<16xf32>
        %add3A_1130 = arith.constant 47 : i32
        %add3A_1131 = arith.addi %mul3A_471, %add3A_1130 : i32
        %get3A_1132 = arith.index_cast %add3A_1131 : i32 to index
        %get3A_1133 = arith.constant 16 : index
        %get3A_1134 = tpu.vector_load %arg9[%get3A_1132, %get3A_1133] {strides = array<i32>} : memref<3200x32xf32, #tpu.memory_space<vmem>>, vector<1x16xf32>,
        %get3A_1135 = vector.shape_cast %get3A_1134 : vector<1x16xf32> to vector<16xf32>
        %add3A_1136 = arith.addf %add3A_1122, %get3A_1135 : vector<16xf32>
        %add3A_1137 = arith.constant 48 : i32
        %add3A_1138 = arith.addi %mul3A_471, %add3A_1137 : i32
        %get3A_1139 = arith.index_cast %add3A_1138 : i32 to index
        %get3A_1140 = arith.constant 0 : index
        %get3A_1141 = tpu.vector_load %arg9[%get3A_1139, %get3A_1140] {strides = array<i32>} : memref<3200x32xf32, #tpu.memory_space<vmem>>, vector<1x16xf32>,
        %get3A_1142 = vector.shape_cast %get3A_1141 : vector<1x16xf32> to vector<16xf32>
        %add3A_1143 = arith.addf %add3A_1129, %get3A_1142 : vector<16xf32>
        %add3A_1144 = arith.constant 48 : i32
        %add3A_1145 = arith.addi %mul3A_471, %add3A_1144 : i32
        %get3A_1146 = arith.index_cast %add3A_1145 : i32 to index
        %get3A_1147 = arith.constant 16 : index
        %get3A_1148 = tpu.vector_load %arg9[%get3A_1146, %get3A_1147] {strides = array<i32>} : memref<3200x32xf32, #tpu.memory_space<vmem>>, vector<1x16xf32>,
        %get3A_1149 = vector.shape_cast %get3A_1148 : vector<1x16xf32> to vector<16xf32>
        %add3A_1150 = arith.addf %add3A_1136, %get3A_1149 : vector<16xf32>
        %add3A_1151 = arith.constant 49 : i32
        %add3A_1152 = arith.addi %mul3A_471, %add3A_1151 : i32
        %get3A_1153 = arith.index_cast %add3A_1152 : i32 to index
        %get3A_1154 = arith.constant 0 : index
        %get3A_1155 = tpu.vector_load %arg9[%get3A_1153, %get3A_1154] {strides = array<i32>} : memref<3200x32xf32, #tpu.memory_space<vmem>>, vector<1x16xf32>,
        %get3A_1156 = vector.shape_cast %get3A_1155 : vector<1x16xf32> to vector<16xf32>
        %add3A_1157 = arith.addf %add3A_1143, %get3A_1156 : vector<16xf32>
        %add3A_1158 = arith.constant 49 : i32
        %add3A_1159 = arith.addi %mul3A_471, %add3A_1158 : i32
        %get3A_1160 = arith.index_cast %add3A_1159 : i32 to index
        %get3A_1161 = arith.constant 16 : index
        %get3A_1162 = tpu.vector_load %arg9[%get3A_1160, %get3A_1161] {strides = array<i32>} : memref<3200x32xf32, #tpu.memory_space<vmem>>, vector<1x16xf32>,
        %get3A_1163 = vector.shape_cast %get3A_1162 : vector<1x16xf32> to vector<16xf32>
        %add3A_1164 = arith.addf %add3A_1150, %get3A_1163 : vector<16xf32>
        %swap3A = arith.index_cast %scan3A_469 : i32 to index
        %swap3A_1165 = arith.constant 0 : index
        %swap3A_1166 = tpu.vector_load %arg10[%swap3A, %swap3A_1165] {strides = array<i32>} : memref<64x32xf32, #tpu.memory_space<vmem>>, vector<1x16xf32>,
        %swap3A_1167 = vector.shape_cast %swap3A_1166 : vector<1x16xf32> to vector<16xf32>
        %swap3A_1168 = vector.shape_cast %add3A_1157 : vector<16xf32> to vector<1x16xf32>
        tpu.vector_store %arg10[%swap3A, %swap3A_1165], %swap3A_1168 {strides = array<i32>} : memref<64x32xf32, #tpu.memory_space<vmem>>, vector<1x16xf32>,
        %swap3A_1169 = arith.index_cast %scan3A_469 : i32 to index
        %swap3A_1170 = arith.constant 16 : index
        %swap3A_1171 = tpu.vector_load %arg10[%swap3A_1169, %swap3A_1170] {strides = array<i32>} : memref<64x32xf32, #tpu.memory_space<vmem>>, vector<1x16xf32>,
        %swap3A_1172 = vector.shape_cast %swap3A_1171 : vector<1x16xf32> to vector<16xf32>
        %swap3A_1173 = vector.shape_cast %add3A_1164 : vector<16xf32> to vector<1x16xf32>
        tpu.vector_store %arg10[%swap3A_1169, %swap3A_1170], %swap3A_1173 {strides = array<i32>} : memref<64x32xf32, #tpu.memory_space<vmem>>, vector<1x16xf32>,
      }
      %scan3A_465 = arith.constant 64 : i32
      %mul3A_466 = arith.constant 64 : i32
      %mul3A_467 = arith.muli %scan3A_54, %mul3A_466 : i32
      %add3A_468 = arith.addi %mul3A_2, %mul3A_467 : i32
      "tpu.region"() ({
        %run_scoped3A = tpu.sem_alloc : memref<!tpu.dma_semaphore, #tpu.memory_space<semaphore_mem>>
        %dma_start3A_469 = arith.constant 0 : i32
        %dma_start3A_470 = tpu.memref_slice %arg6[%add3A_468, %dma_start3A_469] : memref<16384x32xf32, #tpu.memory_space<hbm>> -> memref<64x32xf32, #tpu.memory_space<hbm>>
        %dma_start3A_471 = arith.constant 0 : i32
        %dma_start3A_472 = tpu.memref_slice %arg6[%add3A_468, %dma_start3A_471] : memref<16384x32xf32, #tpu.memory_space<hbm>> -> memref<64x32xf32, #tpu.memory_space<hbm>>
        tpu.enqueue_dma source(%arg10 : memref<64x32xf32, #tpu.memory_space<vmem>>) target(%dma_start3A_472 : memref<64x32xf32, #tpu.memory_space<hbm>>) target_semaphore(%run_scoped3A : memref<!tpu.dma_semaphore, #tpu.memory_space<semaphore_mem>>)
        %dma_wait3A_473 = arith.constant 0 : i32
        %dma_wait3A_474 = tpu.memref_slice %arg6[%add3A_468, %dma_wait3A_473] : memref<16384x32xf32, #tpu.memory_space<hbm>> -> memref<64x32xf32, #tpu.memory_space<hbm>>
        %dma_wait3A_475 = arith.constant 0 : i32
        %dma_wait3A_476 = tpu.memref_slice %arg6[%add3A_468, %dma_wait3A_475] : memref<16384x32xf32, #tpu.memory_space<hbm>> -> memref<64x32xf32, #tpu.memory_space<hbm>>
        tpu.wait_dma2 semaphore(%run_scoped3A : memref<!tpu.dma_semaphore, #tpu.memory_space<semaphore_mem>>) src(%arg10 : memref<64x32xf32, #tpu.memory_space<vmem>>) dst(%dma_wait3A_476 : memref<64x32xf32, #tpu.memory_space<hbm>>)
        tpu.yield
      }) : () -> ()
    }
    %scan3A_7 = arith.constant 8 : i32
    %dma_start3A = arith.constant 0 : i32
    %dma_start3A_8 = tpu.memref_slice %arg11[%dma_start3A] : memref<512xi32, #tpu.memory_space<vmem>> -> memref<128xi32, #tpu.memory_space<vmem>>
    %dma_start3A_9 = arith.constant 0 : i32
    %dma_start3A_10 = arith.constant 0 : i32
    %dma_start3A_11 = tpu.memref_slice %arg5[%dma_start3A_9, %dma_start3A_10] : memref<1000000x32xf32, #tpu.memory_space<hbm>> -> memref<1000000x32xf32, #tpu.memory_space<hbm>>
    tpu.enqueue_indirect_dma source(%dma_start3A_11 : memref<1000000x32xf32, #tpu.memory_space<hbm>>) target(%arg12 : memref<128x32xf32, #tpu.memory_space<vmem>>) offsets(%dma_start3A_8 : memref<128xi32, #tpu.memory_space<vmem>>) semaphore(%arg13 : memref<!tpu.dma_semaphore, #tpu.memory_space<semaphore_mem>>)
    %dma_wait3A = arith.constant 0 : i32
    %dma_wait3A_12 = tpu.memref_slice %arg11[%dma_wait3A] : memref<512xi32, #tpu.memory_space<vmem>> -> memref<128xi32, #tpu.memory_space<vmem>>
    %dma_wait3A_13 = arith.constant 0 : i32
    %dma_wait3A_14 = arith.constant 0 : i32
    %dma_wait3A_15 = tpu.memref_slice %arg5[%dma_wait3A_13, %dma_wait3A_14] : memref<1000000x32xf32, #tpu.memory_space<hbm>> -> memref<1000000x32xf32, #tpu.memory_space<hbm>>
    tpu.wait_indirect_dma semaphore(%arg13 : memref<!tpu.dma_semaphore, #tpu.memory_space<semaphore_mem>>) src(%dma_wait3A_15 : memref<1000000x32xf32, #tpu.memory_space<hbm>>) dst(%arg12 : memref<128x32xf32, #tpu.memory_space<vmem>>)
    %add3A_16 = arith.constant 0 : i32
    %add3A_17 = arith.addi %mul3A_2, %add3A_16 : i32
    "tpu.region"() ({
      %run_scoped3A = tpu.sem_alloc : memref<!tpu.dma_semaphore, #tpu.memory_space<semaphore_mem>>
      %dma_start3A_54 = arith.constant 0 : i32
      %dma_start3A_55 = tpu.memref_slice %arg7[%add3A_17, %dma_start3A_54] : memref<16384x32xf32, #tpu.memory_space<hbm>> -> memref<128x32xf32, #tpu.memory_space<hbm>>
      %dma_start3A_56 = arith.constant 0 : i32
      %dma_start3A_57 = tpu.memref_slice %arg7[%add3A_17, %dma_start3A_56] : memref<16384x32xf32, #tpu.memory_space<hbm>> -> memref<128x32xf32, #tpu.memory_space<hbm>>
      tpu.enqueue_dma source(%arg12 : memref<128x32xf32, #tpu.memory_space<vmem>>) target(%dma_start3A_57 : memref<128x32xf32, #tpu.memory_space<hbm>>) target_semaphore(%run_scoped3A : memref<!tpu.dma_semaphore, #tpu.memory_space<semaphore_mem>>)
      %dma_wait3A_58 = arith.constant 0 : i32
      %dma_wait3A_59 = tpu.memref_slice %arg7[%add3A_17, %dma_wait3A_58] : memref<16384x32xf32, #tpu.memory_space<hbm>> -> memref<128x32xf32, #tpu.memory_space<hbm>>
      %dma_wait3A_60 = arith.constant 0 : i32
      %dma_wait3A_61 = tpu.memref_slice %arg7[%add3A_17, %dma_wait3A_60] : memref<16384x32xf32, #tpu.memory_space<hbm>> -> memref<128x32xf32, #tpu.memory_space<hbm>>
      tpu.wait_dma2 semaphore(%run_scoped3A : memref<!tpu.dma_semaphore, #tpu.memory_space<semaphore_mem>>) src(%arg12 : memref<128x32xf32, #tpu.memory_space<vmem>>) dst(%dma_wait3A_61 : memref<128x32xf32, #tpu.memory_space<hbm>>)
      tpu.yield
    }) : () -> ()
    %dma_start3A_18 = arith.constant 128 : i32
    %dma_start3A_19 = tpu.memref_slice %arg11[%dma_start3A_18] : memref<512xi32, #tpu.memory_space<vmem>> -> memref<128xi32, #tpu.memory_space<vmem>>
    %dma_start3A_20 = arith.constant 0 : i32
    %dma_start3A_21 = arith.constant 0 : i32
    %dma_start3A_22 = tpu.memref_slice %arg5[%dma_start3A_20, %dma_start3A_21] : memref<1000000x32xf32, #tpu.memory_space<hbm>> -> memref<1000000x32xf32, #tpu.memory_space<hbm>>
    tpu.enqueue_indirect_dma source(%dma_start3A_22 : memref<1000000x32xf32, #tpu.memory_space<hbm>>) target(%arg12 : memref<128x32xf32, #tpu.memory_space<vmem>>) offsets(%dma_start3A_19 : memref<128xi32, #tpu.memory_space<vmem>>) semaphore(%arg13 : memref<!tpu.dma_semaphore, #tpu.memory_space<semaphore_mem>>)
    %dma_wait3A_23 = arith.constant 128 : i32
    %dma_wait3A_24 = tpu.memref_slice %arg11[%dma_wait3A_23] : memref<512xi32, #tpu.memory_space<vmem>> -> memref<128xi32, #tpu.memory_space<vmem>>
    %dma_wait3A_25 = arith.constant 0 : i32
    %dma_wait3A_26 = arith.constant 0 : i32
    %dma_wait3A_27 = tpu.memref_slice %arg5[%dma_wait3A_25, %dma_wait3A_26] : memref<1000000x32xf32, #tpu.memory_space<hbm>> -> memref<1000000x32xf32, #tpu.memory_space<hbm>>
    tpu.wait_indirect_dma semaphore(%arg13 : memref<!tpu.dma_semaphore, #tpu.memory_space<semaphore_mem>>) src(%dma_wait3A_27 : memref<1000000x32xf32, #tpu.memory_space<hbm>>) dst(%arg12 : memref<128x32xf32, #tpu.memory_space<vmem>>)
    %add3A_28 = arith.constant 128 : i32
    %add3A_29 = arith.addi %mul3A_2, %add3A_28 : i32
    "tpu.region"() ({
      %run_scoped3A = tpu.sem_alloc : memref<!tpu.dma_semaphore, #tpu.memory_space<semaphore_mem>>
      %dma_start3A_54 = arith.constant 0 : i32
      %dma_start3A_55 = tpu.memref_slice %arg7[%add3A_29, %dma_start3A_54] : memref<16384x32xf32, #tpu.memory_space<hbm>> -> memref<128x32xf32, #tpu.memory_space<hbm>>
      %dma_start3A_56 = arith.constant 0 : i32
      %dma_start3A_57 = tpu.memref_slice %arg7[%add3A_29, %dma_start3A_56] : memref<16384x32xf32, #tpu.memory_space<hbm>> -> memref<128x32xf32, #tpu.memory_space<hbm>>
      tpu.enqueue_dma source(%arg12 : memref<128x32xf32, #tpu.memory_space<vmem>>) target(%dma_start3A_57 : memref<128x32xf32, #tpu.memory_space<hbm>>) target_semaphore(%run_scoped3A : memref<!tpu.dma_semaphore, #tpu.memory_space<semaphore_mem>>)
      %dma_wait3A_58 = arith.constant 0 : i32
      %dma_wait3A_59 = tpu.memref_slice %arg7[%add3A_29, %dma_wait3A_58] : memref<16384x32xf32, #tpu.memory_space<hbm>> -> memref<128x32xf32, #tpu.memory_space<hbm>>
      %dma_wait3A_60 = arith.constant 0 : i32
      %dma_wait3A_61 = tpu.memref_slice %arg7[%add3A_29, %dma_wait3A_60] : memref<16384x32xf32, #tpu.memory_space<hbm>> -> memref<128x32xf32, #tpu.memory_space<hbm>>
      tpu.wait_dma2 semaphore(%run_scoped3A : memref<!tpu.dma_semaphore, #tpu.memory_space<semaphore_mem>>) src(%arg12 : memref<128x32xf32, #tpu.memory_space<vmem>>) dst(%dma_wait3A_61 : memref<128x32xf32, #tpu.memory_space<hbm>>)
      tpu.yield
    }) : () -> ()
    %dma_start3A_30 = arith.constant 256 : i32
    %dma_start3A_31 = tpu.memref_slice %arg11[%dma_start3A_30] : memref<512xi32, #tpu.memory_space<vmem>> -> memref<128xi32, #tpu.memory_space<vmem>>
    %dma_start3A_32 = arith.constant 0 : i32
    %dma_start3A_33 = arith.constant 0 : i32
    %dma_start3A_34 = tpu.memref_slice %arg5[%dma_start3A_32, %dma_start3A_33] : memref<1000000x32xf32, #tpu.memory_space<hbm>> -> memref<1000000x32xf32, #tpu.memory_space<hbm>>
    tpu.enqueue_indirect_dma source(%dma_start3A_34 : memref<1000000x32xf32, #tpu.memory_space<hbm>>) target(%arg12 : memref<128x32xf32, #tpu.memory_space<vmem>>) offsets(%dma_start3A_31 : memref<128xi32, #tpu.memory_space<vmem>>) semaphore(%arg13 : memref<!tpu.dma_semaphore, #tpu.memory_space<semaphore_mem>>)
    %dma_wait3A_35 = arith.constant 256 : i32
    %dma_wait3A_36 = tpu.memref_slice %arg11[%dma_wait3A_35] : memref<512xi32, #tpu.memory_space<vmem>> -> memref<128xi32, #tpu.memory_space<vmem>>
    %dma_wait3A_37 = arith.constant 0 : i32
    %dma_wait3A_38 = arith.constant 0 : i32
    %dma_wait3A_39 = tpu.memref_slice %arg5[%dma_wait3A_37, %dma_wait3A_38] : memref<1000000x32xf32, #tpu.memory_space<hbm>> -> memref<1000000x32xf32, #tpu.memory_space<hbm>>
    tpu.wait_indirect_dma semaphore(%arg13 : memref<!tpu.dma_semaphore, #tpu.memory_space<semaphore_mem>>) src(%dma_wait3A_39 : memref<1000000x32xf32, #tpu.memory_space<hbm>>) dst(%arg12 : memref<128x32xf32, #tpu.memory_space<vmem>>)
    %add3A_40 = arith.constant 256 : i32
    %add3A_41 = arith.addi %mul3A_2, %add3A_40 : i32
    "tpu.region"() ({
      %run_scoped3A = tpu.sem_alloc : memref<!tpu.dma_semaphore, #tpu.memory_space<semaphore_mem>>
      %dma_start3A_54 = arith.constant 0 : i32
      %dma_start3A_55 = tpu.memref_slice %arg7[%add3A_41, %dma_start3A_54] : memref<16384x32xf32, #tpu.memory_space<hbm>> -> memref<128x32xf32, #tpu.memory_space<hbm>>
      %dma_start3A_56 = arith.constant 0 : i32
      %dma_start3A_57 = tpu.memref_slice %arg7[%add3A_41, %dma_start3A_56] : memref<16384x32xf32, #tpu.memory_space<hbm>> -> memref<128x32xf32, #tpu.memory_space<hbm>>
      tpu.enqueue_dma source(%arg12 : memref<128x32xf32, #tpu.memory_space<vmem>>) target(%dma_start3A_57 : memref<128x32xf32, #tpu.memory_space<hbm>>) target_semaphore(%run_scoped3A : memref<!tpu.dma_semaphore, #tpu.memory_space<semaphore_mem>>)
      %dma_wait3A_58 = arith.constant 0 : i32
      %dma_wait3A_59 = tpu.memref_slice %arg7[%add3A_41, %dma_wait3A_58] : memref<16384x32xf32, #tpu.memory_space<hbm>> -> memref<128x32xf32, #tpu.memory_space<hbm>>
      %dma_wait3A_60 = arith.constant 0 : i32
      %dma_wait3A_61 = tpu.memref_slice %arg7[%add3A_41, %dma_wait3A_60] : memref<16384x32xf32, #tpu.memory_space<hbm>> -> memref<128x32xf32, #tpu.memory_space<hbm>>
      tpu.wait_dma2 semaphore(%run_scoped3A : memref<!tpu.dma_semaphore, #tpu.memory_space<semaphore_mem>>) src(%arg12 : memref<128x32xf32, #tpu.memory_space<vmem>>) dst(%dma_wait3A_61 : memref<128x32xf32, #tpu.memory_space<hbm>>)
      tpu.yield
    }) : () -> ()
    %dma_start3A_42 = arith.constant 384 : i32
    %dma_start3A_43 = tpu.memref_slice %arg11[%dma_start3A_42] : memref<512xi32, #tpu.memory_space<vmem>> -> memref<128xi32, #tpu.memory_space<vmem>>
    %dma_start3A_44 = arith.constant 0 : i32
    %dma_start3A_45 = arith.constant 0 : i32
    %dma_start3A_46 = tpu.memref_slice %arg5[%dma_start3A_44, %dma_start3A_45] : memref<1000000x32xf32, #tpu.memory_space<hbm>> -> memref<1000000x32xf32, #tpu.memory_space<hbm>>
    tpu.enqueue_indirect_dma source(%dma_start3A_46 : memref<1000000x32xf32, #tpu.memory_space<hbm>>) target(%arg12 : memref<128x32xf32, #tpu.memory_space<vmem>>) offsets(%dma_start3A_43 : memref<128xi32, #tpu.memory_space<vmem>>) semaphore(%arg13 : memref<!tpu.dma_semaphore, #tpu.memory_space<semaphore_mem>>)
    %dma_wait3A_47 = arith.constant 384 : i32
    %dma_wait3A_48 = tpu.memref_slice %arg11[%dma_wait3A_47] : memref<512xi32, #tpu.memory_space<vmem>> -> memref<128xi32, #tpu.memory_space<vmem>>
    %dma_wait3A_49 = arith.constant 0 : i32
    %dma_wait3A_50 = arith.constant 0 : i32
    %dma_wait3A_51 = tpu.memref_slice %arg5[%dma_wait3A_49, %dma_wait3A_50] : memref<1000000x32xf32, #tpu.memory_space<hbm>> -> memref<1000000x32xf32, #tpu.memory_space<hbm>>
    tpu.wait_indirect_dma semaphore(%arg13 : memref<!tpu.dma_semaphore, #tpu.memory_space<semaphore_mem>>) src(%dma_wait3A_51 : memref<1000000x32xf32, #tpu.memory_space<hbm>>) dst(%arg12 : memref<128x32xf32, #tpu.memory_space<vmem>>)
    %add3A_52 = arith.constant 384 : i32
    %add3A_53 = arith.addi %mul3A_2, %add3A_52 : i32
    "tpu.region"() ({
      %run_scoped3A = tpu.sem_alloc : memref<!tpu.dma_semaphore, #tpu.memory_space<semaphore_mem>>
      %dma_start3A_54 = arith.constant 0 : i32
      %dma_start3A_55 = tpu.memref_slice %arg7[%add3A_53, %dma_start3A_54] : memref<16384x32xf32, #tpu.memory_space<hbm>> -> memref<128x32xf32, #tpu.memory_space<hbm>>
      %dma_start3A_56 = arith.constant 0 : i32
      %dma_start3A_57 = tpu.memref_slice %arg7[%add3A_53, %dma_start3A_56] : memref<16384x32xf32, #tpu.memory_space<hbm>> -> memref<128x32xf32, #tpu.memory_space<hbm>>
      tpu.enqueue_dma source(%arg12 : memref<128x32xf32, #tpu.memory_space<vmem>>) target(%dma_start3A_57 : memref<128x32xf32, #tpu.memory_space<hbm>>) target_semaphore(%run_scoped3A : memref<!tpu.dma_semaphore, #tpu.memory_space<semaphore_mem>>)
      %dma_wait3A_58 = arith.constant 0 : i32
      %dma_wait3A_59 = tpu.memref_slice %arg7[%add3A_53, %dma_wait3A_58] : memref<16384x32xf32, #tpu.memory_space<hbm>> -> memref<128x32xf32, #tpu.memory_space<hbm>>
      %dma_wait3A_60 = arith.constant 0 : i32
      %dma_wait3A_61 = tpu.memref_slice %arg7[%add3A_53, %dma_wait3A_60] : memref<16384x32xf32, #tpu.memory_space<hbm>> -> memref<128x32xf32, #tpu.memory_space<hbm>>
      tpu.wait_dma2 semaphore(%run_scoped3A : memref<!tpu.dma_semaphore, #tpu.memory_space<semaphore_mem>>) src(%arg12 : memref<128x32xf32, #tpu.memory_space<vmem>>) dst(%dma_wait3A_61 : memref<128x32xf32, #tpu.memory_space<hbm>>)
      tpu.yield
    }) : () -> ()
    return
  }
}

#map = affine_map<(d0, d1) -> (0, 0)>
#map1 = affine_map<(d0, d1) -> (0)>
module attributes {stable_mosaic.version = 14 : i64} {
  func.func @_sc_format(%arg0: i32, %arg1: i32, %arg2: memref<32x1000000xf32, #tpu.memory_space<hbm>>, %arg3: memref<64x32xf32, #tpu.memory_space<hbm>>, %arg4: memref<16384x50xi32, #tpu.memory_space<hbm>>, %arg5: memref<32000000xf32, #tpu.memory_space<hbm>>, %arg6: memref<819200xi32, #tpu.memory_space<hbm>>, %arg7: memref<32x768xf32, #tpu.memory_space<vmem>>, %arg8: memref<32x768xf32, #tpu.memory_space<vmem>>, %arg9: memref<24576xf32, #tpu.memory_space<vmem>>, %arg10: memref<24576xf32, #tpu.memory_space<vmem>>, %arg11: memref<64x32xf32, #tpu.memory_space<vmem>>, %arg12: memref<2048xf32, #tpu.memory_space<vmem>>, %arg13: memref<32x50xi32, #tpu.memory_space<vmem>>, %arg14: memref<1600xi32, #tpu.memory_space<vmem>>, %arg15: memref<!tpu.dma_semaphore, #tpu.memory_space<semaphore_mem>>, %arg16: memref<!tpu.dma_semaphore, #tpu.memory_space<semaphore_mem>>, %arg17: memref<!tpu.dma_semaphore, #tpu.memory_space<semaphore_mem>>, %arg18: memref<!tpu.dma_semaphore, #tpu.memory_space<semaphore_mem>>) attributes {dimension_semantics = [#tpu.dimension_semantics<core_parallel>, #tpu.dimension_semantics<subcore_parallel>], iteration_bounds = array<i64: 2, 16>, scalar_prefetch = 0 : i64, scratch_operands = 12 : i64, tpu.core_type = #tpu.core_type<sc_vector_subcore>, window_params = [{transform_indices = #map}, {transform_indices = #map}, {transform_indices = #map}, {transform_indices = #map1}, {transform_indices = #map1}]} {
    %mul3A = arith.constant 2 : i32
    %mul3A_0 = arith.muli %arg1, %mul3A : i32
    %add3A = arith.addi %mul3A_0, %arg0 : i32
    %add3A_1 = arith.constant 0 : i32
    %add3A_2 = arith.addi %add3A_1, %add3A : i32
    %min3A = arith.constant 1301 : i32
    %min3A_3 = arith.minsi %add3A_2, %min3A : i32
    %mul3A_4 = arith.constant 768 : i32
    %mul3A_5 = arith.muli %min3A_3, %mul3A_4 : i32
    %dma_start3A = arith.constant 0 : i32
    %dma_start3A_6 = tpu.memref_slice %arg2[%dma_start3A, %mul3A_5] : memref<32x1000000xf32, #tpu.memory_space<hbm>> -> memref<32x768xf32, #tpu.memory_space<hbm>>
    %dma_start3A_7 = arith.constant 0 : i32
    %dma_start3A_8 = tpu.memref_slice %arg2[%dma_start3A_7, %mul3A_5] : memref<32x1000000xf32, #tpu.memory_space<hbm>> -> memref<32x768xf32, #tpu.memory_space<hbm>>
    tpu.enqueue_dma source(%dma_start3A_8 : memref<32x768xf32, #tpu.memory_space<hbm>>) target(%arg7 : memref<32x768xf32, #tpu.memory_space<vmem>>) target_semaphore(%arg15 : memref<!tpu.dma_semaphore, #tpu.memory_space<semaphore_mem>>)
    %add3A_9 = arith.constant 32 : i32
    %add3A_10 = arith.addi %add3A_9, %add3A : i32
    %min3A_11 = arith.constant 1301 : i32
    %min3A_12 = arith.minsi %add3A_10, %min3A_11 : i32
    %mul3A_13 = arith.constant 768 : i32
    %mul3A_14 = arith.muli %min3A_12, %mul3A_13 : i32
    %dma_start3A_15 = arith.constant 0 : i32
    %dma_start3A_16 = tpu.memref_slice %arg2[%dma_start3A_15, %mul3A_14] : memref<32x1000000xf32, #tpu.memory_space<hbm>> -> memref<32x768xf32, #tpu.memory_space<hbm>>
    %dma_start3A_17 = arith.constant 0 : i32
    %dma_start3A_18 = tpu.memref_slice %arg2[%dma_start3A_17, %mul3A_14] : memref<32x1000000xf32, #tpu.memory_space<hbm>> -> memref<32x768xf32, #tpu.memory_space<hbm>>
    tpu.enqueue_dma source(%dma_start3A_18 : memref<32x768xf32, #tpu.memory_space<hbm>>) target(%arg8 : memref<32x768xf32, #tpu.memory_space<vmem>>) target_semaphore(%arg16 : memref<!tpu.dma_semaphore, #tpu.memory_space<semaphore_mem>>)
    %scan3A = arith.constant 0 : i32
    %scan3A_19 = arith.constant 0 : i32
    %scan3A_20 = arith.constant 21 : i32
    %scan3A_21 = arith.addi %scan3A_19, %scan3A_20 : i32
    %scan3A_22 = arith.constant 1 : i32
    scf.for %scan3A_57 = %scan3A_19 to %scan3A_21 step %scan3A_22  : i32 {
      %mul3A_58 = arith.constant 2 : i32
      %mul3A_59 = arith.muli %scan3A_57, %mul3A_58 : i32
      %add3A_60 = arith.constant 0 : i32
      %add3A_61 = arith.addi %add3A_60, %add3A : i32
      %min3A_62 = arith.constant 1301 : i32
      %min3A_63 = arith.minsi %add3A_61, %min3A_62 : i32
      %mul3A_64 = arith.constant 768 : i32
      %mul3A_65 = arith.muli %min3A_63, %mul3A_64 : i32
      %dma_wait3A_66 = arith.constant 0 : i32
      %dma_wait3A_67 = tpu.memref_slice %arg2[%dma_wait3A_66, %mul3A_65] : memref<32x1000000xf32, #tpu.memory_space<hbm>> -> memref<32x768xf32, #tpu.memory_space<hbm>>
      %dma_wait3A_68 = arith.constant 0 : i32
      %dma_wait3A_69 = tpu.memref_slice %arg2[%dma_wait3A_68, %mul3A_65] : memref<32x1000000xf32, #tpu.memory_space<hbm>> -> memref<32x768xf32, #tpu.memory_space<hbm>>
      tpu.wait_dma2 semaphore(%arg15 : memref<!tpu.dma_semaphore, #tpu.memory_space<semaphore_mem>>) src(%dma_wait3A_69 : memref<32x768xf32, #tpu.memory_space<hbm>>) dst(%arg7 : memref<32x768xf32, #tpu.memory_space<vmem>>)
      %iota3A = tpu.iota {dimensions = array<i32: 0>} : vector<16xi32>
      %mul3A_70 = arith.constant 32 : i32
      %mul3A_71 = vector.broadcast %mul3A_70 : i32 to vector<16xi32>
      %mul3A_72 = arith.muli %iota3A, %mul3A_71 : vector<16xi32>
      %parallel_loop3A = arith.constant 0 : i32
      %parallel_loop3A_73 = arith.constant 48 : i32
      %parallel_loop3A_74 = arith.constant 1 : i32
      scf.for %parallel_loop3A_142 = %parallel_loop3A to %parallel_loop3A_73 step %parallel_loop3A_74  : i32 {
        %parallel_loop3A_143 = arith.constant 16 : i32
        %parallel_loop3A_144 = arith.muli %parallel_loop3A_142, %parallel_loop3A_143 : i32
        %parallel_loop3A_145 = arith.constant 32 : i32
        %parallel_loop3A_146 = arith.muli %parallel_loop3A_144, %parallel_loop3A_145 : i32
        %parallel_loop3A_147 = arith.constant 0 : i32
        %parallel_loop3A_148 = arith.index_cast %parallel_loop3A_147 : i32 to index
        %parallel_loop3A_149 = arith.index_cast %parallel_loop3A_144 : i32 to index
        %parallel_loop3A_150 = tpu.vector_load %arg7[%parallel_loop3A_148, %parallel_loop3A_149] {strides = array<i32>} : memref<32x768xf32, #tpu.memory_space<vmem>>, vector<16xf32>,
        %parallel_loop3A_151 = arith.constant 0 : i32
        %parallel_loop3A_152 = arith.addi %parallel_loop3A_146, %parallel_loop3A_151 : i32
        %parallel_loop3A_153 = vector.broadcast %parallel_loop3A_152 : i32 to vector<16xi32>
        %parallel_loop3A_154 = arith.addi %mul3A_72, %parallel_loop3A_153 : vector<16xi32>
        tpu.vector_store_idx %arg9[%parallel_loop3A_154], %parallel_loop3A_150 : memref<24576xf32, #tpu.memory_space<vmem>>[vector<16xi32>], vector<16xf32>,
        %parallel_loop3A_155 = arith.constant 1 : i32
        %parallel_loop3A_156 = arith.index_cast %parallel_loop3A_155 : i32 to index
        %parallel_loop3A_157 = arith.index_cast %parallel_loop3A_144 : i32 to index
        %parallel_loop3A_158 = tpu.vector_load %arg7[%parallel_loop3A_156, %parallel_loop3A_157] {strides = array<i32>} : memref<32x768xf32, #tpu.memory_space<vmem>>, vector<16xf32>,
        %parallel_loop3A_159 = arith.constant 1 : i32
        %parallel_loop3A_160 = arith.addi %parallel_loop3A_146, %parallel_loop3A_159 : i32
        %parallel_loop3A_161 = vector.broadcast %parallel_loop3A_160 : i32 to vector<16xi32>
        %parallel_loop3A_162 = arith.addi %mul3A_72, %parallel_loop3A_161 : vector<16xi32>
        tpu.vector_store_idx %arg9[%parallel_loop3A_162], %parallel_loop3A_158 : memref<24576xf32, #tpu.memory_space<vmem>>[vector<16xi32>], vector<16xf32>,
        %parallel_loop3A_163 = arith.constant 2 : i32
        %parallel_loop3A_164 = arith.index_cast %parallel_loop3A_163 : i32 to index
        %parallel_loop3A_165 = arith.index_cast %parallel_loop3A_144 : i32 to index
        %parallel_loop3A_166 = tpu.vector_load %arg7[%parallel_loop3A_164, %parallel_loop3A_165] {strides = array<i32>} : memref<32x768xf32, #tpu.memory_space<vmem>>, vector<16xf32>,
        %parallel_loop3A_167 = arith.constant 2 : i32
        %parallel_loop3A_168 = arith.addi %parallel_loop3A_146, %parallel_loop3A_167 : i32
        %parallel_loop3A_169 = vector.broadcast %parallel_loop3A_168 : i32 to vector<16xi32>
        %parallel_loop3A_170 = arith.addi %mul3A_72, %parallel_loop3A_169 : vector<16xi32>
        tpu.vector_store_idx %arg9[%parallel_loop3A_170], %parallel_loop3A_166 : memref<24576xf32, #tpu.memory_space<vmem>>[vector<16xi32>], vector<16xf32>,
        %parallel_loop3A_171 = arith.constant 3 : i32
        %parallel_loop3A_172 = arith.index_cast %parallel_loop3A_171 : i32 to index
        %parallel_loop3A_173 = arith.index_cast %parallel_loop3A_144 : i32 to index
        %parallel_loop3A_174 = tpu.vector_load %arg7[%parallel_loop3A_172, %parallel_loop3A_173] {strides = array<i32>} : memref<32x768xf32, #tpu.memory_space<vmem>>, vector<16xf32>,
        %parallel_loop3A_175 = arith.constant 3 : i32
        %parallel_loop3A_176 = arith.addi %parallel_loop3A_146, %parallel_loop3A_175 : i32
        %parallel_loop3A_177 = vector.broadcast %parallel_loop3A_176 : i32 to vector<16xi32>
        %parallel_loop3A_178 = arith.addi %mul3A_72, %parallel_loop3A_177 : vector<16xi32>
        tpu.vector_store_idx %arg9[%parallel_loop3A_178], %parallel_loop3A_174 : memref<24576xf32, #tpu.memory_space<vmem>>[vector<16xi32>], vector<16xf32>,
        %parallel_loop3A_179 = arith.constant 4 : i32
        %parallel_loop3A_180 = arith.index_cast %parallel_loop3A_179 : i32 to index
        %parallel_loop3A_181 = arith.index_cast %parallel_loop3A_144 : i32 to index
        %parallel_loop3A_182 = tpu.vector_load %arg7[%parallel_loop3A_180, %parallel_loop3A_181] {strides = array<i32>} : memref<32x768xf32, #tpu.memory_space<vmem>>, vector<16xf32>,
        %parallel_loop3A_183 = arith.constant 4 : i32
        %parallel_loop3A_184 = arith.addi %parallel_loop3A_146, %parallel_loop3A_183 : i32
        %parallel_loop3A_185 = vector.broadcast %parallel_loop3A_184 : i32 to vector<16xi32>
        %parallel_loop3A_186 = arith.addi %mul3A_72, %parallel_loop3A_185 : vector<16xi32>
        tpu.vector_store_idx %arg9[%parallel_loop3A_186], %parallel_loop3A_182 : memref<24576xf32, #tpu.memory_space<vmem>>[vector<16xi32>], vector<16xf32>,
        %parallel_loop3A_187 = arith.constant 5 : i32
        %parallel_loop3A_188 = arith.index_cast %parallel_loop3A_187 : i32 to index
        %parallel_loop3A_189 = arith.index_cast %parallel_loop3A_144 : i32 to index
        %parallel_loop3A_190 = tpu.vector_load %arg7[%parallel_loop3A_188, %parallel_loop3A_189] {strides = array<i32>} : memref<32x768xf32, #tpu.memory_space<vmem>>, vector<16xf32>,
        %parallel_loop3A_191 = arith.constant 5 : i32
        %parallel_loop3A_192 = arith.addi %parallel_loop3A_146, %parallel_loop3A_191 : i32
        %parallel_loop3A_193 = vector.broadcast %parallel_loop3A_192 : i32 to vector<16xi32>
        %parallel_loop3A_194 = arith.addi %mul3A_72, %parallel_loop3A_193 : vector<16xi32>
        tpu.vector_store_idx %arg9[%parallel_loop3A_194], %parallel_loop3A_190 : memref<24576xf32, #tpu.memory_space<vmem>>[vector<16xi32>], vector<16xf32>,
        %parallel_loop3A_195 = arith.constant 6 : i32
        %parallel_loop3A_196 = arith.index_cast %parallel_loop3A_195 : i32 to index
        %parallel_loop3A_197 = arith.index_cast %parallel_loop3A_144 : i32 to index
        %parallel_loop3A_198 = tpu.vector_load %arg7[%parallel_loop3A_196, %parallel_loop3A_197] {strides = array<i32>} : memref<32x768xf32, #tpu.memory_space<vmem>>, vector<16xf32>,
        %parallel_loop3A_199 = arith.constant 6 : i32
        %parallel_loop3A_200 = arith.addi %parallel_loop3A_146, %parallel_loop3A_199 : i32
        %parallel_loop3A_201 = vector.broadcast %parallel_loop3A_200 : i32 to vector<16xi32>
        %parallel_loop3A_202 = arith.addi %mul3A_72, %parallel_loop3A_201 : vector<16xi32>
        tpu.vector_store_idx %arg9[%parallel_loop3A_202], %parallel_loop3A_198 : memref<24576xf32, #tpu.memory_space<vmem>>[vector<16xi32>], vector<16xf32>,
        %parallel_loop3A_203 = arith.constant 7 : i32
        %parallel_loop3A_204 = arith.index_cast %parallel_loop3A_203 : i32 to index
        %parallel_loop3A_205 = arith.index_cast %parallel_loop3A_144 : i32 to index
        %parallel_loop3A_206 = tpu.vector_load %arg7[%parallel_loop3A_204, %parallel_loop3A_205] {strides = array<i32>} : memref<32x768xf32, #tpu.memory_space<vmem>>, vector<16xf32>,
        %parallel_loop3A_207 = arith.constant 7 : i32
        %parallel_loop3A_208 = arith.addi %parallel_loop3A_146, %parallel_loop3A_207 : i32
        %parallel_loop3A_209 = vector.broadcast %parallel_loop3A_208 : i32 to vector<16xi32>
        %parallel_loop3A_210 = arith.addi %mul3A_72, %parallel_loop3A_209 : vector<16xi32>
        tpu.vector_store_idx %arg9[%parallel_loop3A_210], %parallel_loop3A_206 : memref<24576xf32, #tpu.memory_space<vmem>>[vector<16xi32>], vector<16xf32>,
        %parallel_loop3A_211 = arith.constant 8 : i32
        %parallel_loop3A_212 = arith.index_cast %parallel_loop3A_211 : i32 to index
        %parallel_loop3A_213 = arith.index_cast %parallel_loop3A_144 : i32 to index
        %parallel_loop3A_214 = tpu.vector_load %arg7[%parallel_loop3A_212, %parallel_loop3A_213] {strides = array<i32>} : memref<32x768xf32, #tpu.memory_space<vmem>>, vector<16xf32>,
        %parallel_loop3A_215 = arith.constant 8 : i32
        %parallel_loop3A_216 = arith.addi %parallel_loop3A_146, %parallel_loop3A_215 : i32
        %parallel_loop3A_217 = vector.broadcast %parallel_loop3A_216 : i32 to vector<16xi32>
        %parallel_loop3A_218 = arith.addi %mul3A_72, %parallel_loop3A_217 : vector<16xi32>
        tpu.vector_store_idx %arg9[%parallel_loop3A_218], %parallel_loop3A_214 : memref<24576xf32, #tpu.memory_space<vmem>>[vector<16xi32>], vector<16xf32>,
        %parallel_loop3A_219 = arith.constant 9 : i32
        %parallel_loop3A_220 = arith.index_cast %parallel_loop3A_219 : i32 to index
        %parallel_loop3A_221 = arith.index_cast %parallel_loop3A_144 : i32 to index
        %parallel_loop3A_222 = tpu.vector_load %arg7[%parallel_loop3A_220, %parallel_loop3A_221] {strides = array<i32>} : memref<32x768xf32, #tpu.memory_space<vmem>>, vector<16xf32>,
        %parallel_loop3A_223 = arith.constant 9 : i32
        %parallel_loop3A_224 = arith.addi %parallel_loop3A_146, %parallel_loop3A_223 : i32
        %parallel_loop3A_225 = vector.broadcast %parallel_loop3A_224 : i32 to vector<16xi32>
        %parallel_loop3A_226 = arith.addi %mul3A_72, %parallel_loop3A_225 : vector<16xi32>
        tpu.vector_store_idx %arg9[%parallel_loop3A_226], %parallel_loop3A_222 : memref<24576xf32, #tpu.memory_space<vmem>>[vector<16xi32>], vector<16xf32>,
        %parallel_loop3A_227 = arith.constant 10 : i32
        %parallel_loop3A_228 = arith.index_cast %parallel_loop3A_227 : i32 to index
        %parallel_loop3A_229 = arith.index_cast %parallel_loop3A_144 : i32 to index
        %parallel_loop3A_230 = tpu.vector_load %arg7[%parallel_loop3A_228, %parallel_loop3A_229] {strides = array<i32>} : memref<32x768xf32, #tpu.memory_space<vmem>>, vector<16xf32>,
        %parallel_loop3A_231 = arith.constant 10 : i32
        %parallel_loop3A_232 = arith.addi %parallel_loop3A_146, %parallel_loop3A_231 : i32
        %parallel_loop3A_233 = vector.broadcast %parallel_loop3A_232 : i32 to vector<16xi32>
        %parallel_loop3A_234 = arith.addi %mul3A_72, %parallel_loop3A_233 : vector<16xi32>
        tpu.vector_store_idx %arg9[%parallel_loop3A_234], %parallel_loop3A_230 : memref<24576xf32, #tpu.memory_space<vmem>>[vector<16xi32>], vector<16xf32>,
        %parallel_loop3A_235 = arith.constant 11 : i32
        %parallel_loop3A_236 = arith.index_cast %parallel_loop3A_235 : i32 to index
        %parallel_loop3A_237 = arith.index_cast %parallel_loop3A_144 : i32 to index
        %parallel_loop3A_238 = tpu.vector_load %arg7[%parallel_loop3A_236, %parallel_loop3A_237] {strides = array<i32>} : memref<32x768xf32, #tpu.memory_space<vmem>>, vector<16xf32>,
        %parallel_loop3A_239 = arith.constant 11 : i32
        %parallel_loop3A_240 = arith.addi %parallel_loop3A_146, %parallel_loop3A_239 : i32
        %parallel_loop3A_241 = vector.broadcast %parallel_loop3A_240 : i32 to vector<16xi32>
        %parallel_loop3A_242 = arith.addi %mul3A_72, %parallel_loop3A_241 : vector<16xi32>
        tpu.vector_store_idx %arg9[%parallel_loop3A_242], %parallel_loop3A_238 : memref<24576xf32, #tpu.memory_space<vmem>>[vector<16xi32>], vector<16xf32>,
        %parallel_loop3A_243 = arith.constant 12 : i32
        %parallel_loop3A_244 = arith.index_cast %parallel_loop3A_243 : i32 to index
        %parallel_loop3A_245 = arith.index_cast %parallel_loop3A_144 : i32 to index
        %parallel_loop3A_246 = tpu.vector_load %arg7[%parallel_loop3A_244, %parallel_loop3A_245] {strides = array<i32>} : memref<32x768xf32, #tpu.memory_space<vmem>>, vector<16xf32>,
        %parallel_loop3A_247 = arith.constant 12 : i32
        %parallel_loop3A_248 = arith.addi %parallel_loop3A_146, %parallel_loop3A_247 : i32
        %parallel_loop3A_249 = vector.broadcast %parallel_loop3A_248 : i32 to vector<16xi32>
        %parallel_loop3A_250 = arith.addi %mul3A_72, %parallel_loop3A_249 : vector<16xi32>
        tpu.vector_store_idx %arg9[%parallel_loop3A_250], %parallel_loop3A_246 : memref<24576xf32, #tpu.memory_space<vmem>>[vector<16xi32>], vector<16xf32>,
        %parallel_loop3A_251 = arith.constant 13 : i32
        %parallel_loop3A_252 = arith.index_cast %parallel_loop3A_251 : i32 to index
        %parallel_loop3A_253 = arith.index_cast %parallel_loop3A_144 : i32 to index
        %parallel_loop3A_254 = tpu.vector_load %arg7[%parallel_loop3A_252, %parallel_loop3A_253] {strides = array<i32>} : memref<32x768xf32, #tpu.memory_space<vmem>>, vector<16xf32>,
        %parallel_loop3A_255 = arith.constant 13 : i32
        %parallel_loop3A_256 = arith.addi %parallel_loop3A_146, %parallel_loop3A_255 : i32
        %parallel_loop3A_257 = vector.broadcast %parallel_loop3A_256 : i32 to vector<16xi32>
        %parallel_loop3A_258 = arith.addi %mul3A_72, %parallel_loop3A_257 : vector<16xi32>
        tpu.vector_store_idx %arg9[%parallel_loop3A_258], %parallel_loop3A_254 : memref<24576xf32, #tpu.memory_space<vmem>>[vector<16xi32>], vector<16xf32>,
        %parallel_loop3A_259 = arith.constant 14 : i32
        %parallel_loop3A_260 = arith.index_cast %parallel_loop3A_259 : i32 to index
        %parallel_loop3A_261 = arith.index_cast %parallel_loop3A_144 : i32 to index
        %parallel_loop3A_262 = tpu.vector_load %arg7[%parallel_loop3A_260, %parallel_loop3A_261] {strides = array<i32>} : memref<32x768xf32, #tpu.memory_space<vmem>>, vector<16xf32>,
        %parallel_loop3A_263 = arith.constant 14 : i32
        %parallel_loop3A_264 = arith.addi %parallel_loop3A_146, %parallel_loop3A_263 : i32
        %parallel_loop3A_265 = vector.broadcast %parallel_loop3A_264 : i32 to vector<16xi32>
        %parallel_loop3A_266 = arith.addi %mul3A_72, %parallel_loop3A_265 : vector<16xi32>
        tpu.vector_store_idx %arg9[%parallel_loop3A_266], %parallel_loop3A_262 : memref<24576xf32, #tpu.memory_space<vmem>>[vector<16xi32>], vector<16xf32>,
        %parallel_loop3A_267 = arith.constant 15 : i32
        %parallel_loop3A_268 = arith.index_cast %parallel_loop3A_267 : i32 to index
        %parallel_loop3A_269 = arith.index_cast %parallel_loop3A_144 : i32 to index
        %parallel_loop3A_270 = tpu.vector_load %arg7[%parallel_loop3A_268, %parallel_loop3A_269] {strides = array<i32>} : memref<32x768xf32, #tpu.memory_space<vmem>>, vector<16xf32>,
        %parallel_loop3A_271 = arith.constant 15 : i32
        %parallel_loop3A_272 = arith.addi %parallel_loop3A_146, %parallel_loop3A_271 : i32
        %parallel_loop3A_273 = vector.broadcast %parallel_loop3A_272 : i32 to vector<16xi32>
        %parallel_loop3A_274 = arith.addi %mul3A_72, %parallel_loop3A_273 : vector<16xi32>
        tpu.vector_store_idx %arg9[%parallel_loop3A_274], %parallel_loop3A_270 : memref<24576xf32, #tpu.memory_space<vmem>>[vector<16xi32>], vector<16xf32>,
        %parallel_loop3A_275 = arith.constant 16 : i32
        %parallel_loop3A_276 = arith.index_cast %parallel_loop3A_275 : i32 to index
        %parallel_loop3A_277 = arith.index_cast %parallel_loop3A_144 : i32 to index
        %parallel_loop3A_278 = tpu.vector_load %arg7[%parallel_loop3A_276, %parallel_loop3A_277] {strides = array<i32>} : memref<32x768xf32, #tpu.memory_space<vmem>>, vector<16xf32>,
        %parallel_loop3A_279 = arith.constant 16 : i32
        %parallel_loop3A_280 = arith.addi %parallel_loop3A_146, %parallel_loop3A_279 : i32
        %parallel_loop3A_281 = vector.broadcast %parallel_loop3A_280 : i32 to vector<16xi32>
        %parallel_loop3A_282 = arith.addi %mul3A_72, %parallel_loop3A_281 : vector<16xi32>
        tpu.vector_store_idx %arg9[%parallel_loop3A_282], %parallel_loop3A_278 : memref<24576xf32, #tpu.memory_space<vmem>>[vector<16xi32>], vector<16xf32>,
        %parallel_loop3A_283 = arith.constant 17 : i32
        %parallel_loop3A_284 = arith.index_cast %parallel_loop3A_283 : i32 to index
        %parallel_loop3A_285 = arith.index_cast %parallel_loop3A_144 : i32 to index
        %parallel_loop3A_286 = tpu.vector_load %arg7[%parallel_loop3A_284, %parallel_loop3A_285] {strides = array<i32>} : memref<32x768xf32, #tpu.memory_space<vmem>>, vector<16xf32>,
        %parallel_loop3A_287 = arith.constant 17 : i32
        %parallel_loop3A_288 = arith.addi %parallel_loop3A_146, %parallel_loop3A_287 : i32
        %parallel_loop3A_289 = vector.broadcast %parallel_loop3A_288 : i32 to vector<16xi32>
        %parallel_loop3A_290 = arith.addi %mul3A_72, %parallel_loop3A_289 : vector<16xi32>
        tpu.vector_store_idx %arg9[%parallel_loop3A_290], %parallel_loop3A_286 : memref<24576xf32, #tpu.memory_space<vmem>>[vector<16xi32>], vector<16xf32>,
        %parallel_loop3A_291 = arith.constant 18 : i32
        %parallel_loop3A_292 = arith.index_cast %parallel_loop3A_291 : i32 to index
        %parallel_loop3A_293 = arith.index_cast %parallel_loop3A_144 : i32 to index
        %parallel_loop3A_294 = tpu.vector_load %arg7[%parallel_loop3A_292, %parallel_loop3A_293] {strides = array<i32>} : memref<32x768xf32, #tpu.memory_space<vmem>>, vector<16xf32>,
        %parallel_loop3A_295 = arith.constant 18 : i32
        %parallel_loop3A_296 = arith.addi %parallel_loop3A_146, %parallel_loop3A_295 : i32
        %parallel_loop3A_297 = vector.broadcast %parallel_loop3A_296 : i32 to vector<16xi32>
        %parallel_loop3A_298 = arith.addi %mul3A_72, %parallel_loop3A_297 : vector<16xi32>
        tpu.vector_store_idx %arg9[%parallel_loop3A_298], %parallel_loop3A_294 : memref<24576xf32, #tpu.memory_space<vmem>>[vector<16xi32>], vector<16xf32>,
        %parallel_loop3A_299 = arith.constant 19 : i32
        %parallel_loop3A_300 = arith.index_cast %parallel_loop3A_299 : i32 to index
        %parallel_loop3A_301 = arith.index_cast %parallel_loop3A_144 : i32 to index
        %parallel_loop3A_302 = tpu.vector_load %arg7[%parallel_loop3A_300, %parallel_loop3A_301] {strides = array<i32>} : memref<32x768xf32, #tpu.memory_space<vmem>>, vector<16xf32>,
        %parallel_loop3A_303 = arith.constant 19 : i32
        %parallel_loop3A_304 = arith.addi %parallel_loop3A_146, %parallel_loop3A_303 : i32
        %parallel_loop3A_305 = vector.broadcast %parallel_loop3A_304 : i32 to vector<16xi32>
        %parallel_loop3A_306 = arith.addi %mul3A_72, %parallel_loop3A_305 : vector<16xi32>
        tpu.vector_store_idx %arg9[%parallel_loop3A_306], %parallel_loop3A_302 : memref<24576xf32, #tpu.memory_space<vmem>>[vector<16xi32>], vector<16xf32>,
        %parallel_loop3A_307 = arith.constant 20 : i32
        %parallel_loop3A_308 = arith.index_cast %parallel_loop3A_307 : i32 to index
        %parallel_loop3A_309 = arith.index_cast %parallel_loop3A_144 : i32 to index
        %parallel_loop3A_310 = tpu.vector_load %arg7[%parallel_loop3A_308, %parallel_loop3A_309] {strides = array<i32>} : memref<32x768xf32, #tpu.memory_space<vmem>>, vector<16xf32>,
        %parallel_loop3A_311 = arith.constant 20 : i32
        %parallel_loop3A_312 = arith.addi %parallel_loop3A_146, %parallel_loop3A_311 : i32
        %parallel_loop3A_313 = vector.broadcast %parallel_loop3A_312 : i32 to vector<16xi32>
        %parallel_loop3A_314 = arith.addi %mul3A_72, %parallel_loop3A_313 : vector<16xi32>
        tpu.vector_store_idx %arg9[%parallel_loop3A_314], %parallel_loop3A_310 : memref<24576xf32, #tpu.memory_space<vmem>>[vector<16xi32>], vector<16xf32>,
        %parallel_loop3A_315 = arith.constant 21 : i32
        %parallel_loop3A_316 = arith.index_cast %parallel_loop3A_315 : i32 to index
        %parallel_loop3A_317 = arith.index_cast %parallel_loop3A_144 : i32 to index
        %parallel_loop3A_318 = tpu.vector_load %arg7[%parallel_loop3A_316, %parallel_loop3A_317] {strides = array<i32>} : memref<32x768xf32, #tpu.memory_space<vmem>>, vector<16xf32>,
        %parallel_loop3A_319 = arith.constant 21 : i32
        %parallel_loop3A_320 = arith.addi %parallel_loop3A_146, %parallel_loop3A_319 : i32
        %parallel_loop3A_321 = vector.broadcast %parallel_loop3A_320 : i32 to vector<16xi32>
        %parallel_loop3A_322 = arith.addi %mul3A_72, %parallel_loop3A_321 : vector<16xi32>
        tpu.vector_store_idx %arg9[%parallel_loop3A_322], %parallel_loop3A_318 : memref<24576xf32, #tpu.memory_space<vmem>>[vector<16xi32>], vector<16xf32>,
        %parallel_loop3A_323 = arith.constant 22 : i32
        %parallel_loop3A_324 = arith.index_cast %parallel_loop3A_323 : i32 to index
        %parallel_loop3A_325 = arith.index_cast %parallel_loop3A_144 : i32 to index
        %parallel_loop3A_326 = tpu.vector_load %arg7[%parallel_loop3A_324, %parallel_loop3A_325] {strides = array<i32>} : memref<32x768xf32, #tpu.memory_space<vmem>>, vector<16xf32>,
        %parallel_loop3A_327 = arith.constant 22 : i32
        %parallel_loop3A_328 = arith.addi %parallel_loop3A_146, %parallel_loop3A_327 : i32
        %parallel_loop3A_329 = vector.broadcast %parallel_loop3A_328 : i32 to vector<16xi32>
        %parallel_loop3A_330 = arith.addi %mul3A_72, %parallel_loop3A_329 : vector<16xi32>
        tpu.vector_store_idx %arg9[%parallel_loop3A_330], %parallel_loop3A_326 : memref<24576xf32, #tpu.memory_space<vmem>>[vector<16xi32>], vector<16xf32>,
        %parallel_loop3A_331 = arith.constant 23 : i32
        %parallel_loop3A_332 = arith.index_cast %parallel_loop3A_331 : i32 to index
        %parallel_loop3A_333 = arith.index_cast %parallel_loop3A_144 : i32 to index
        %parallel_loop3A_334 = tpu.vector_load %arg7[%parallel_loop3A_332, %parallel_loop3A_333] {strides = array<i32>} : memref<32x768xf32, #tpu.memory_space<vmem>>, vector<16xf32>,
        %parallel_loop3A_335 = arith.constant 23 : i32
        %parallel_loop3A_336 = arith.addi %parallel_loop3A_146, %parallel_loop3A_335 : i32
        %parallel_loop3A_337 = vector.broadcast %parallel_loop3A_336 : i32 to vector<16xi32>
        %parallel_loop3A_338 = arith.addi %mul3A_72, %parallel_loop3A_337 : vector<16xi32>
        tpu.vector_store_idx %arg9[%parallel_loop3A_338], %parallel_loop3A_334 : memref<24576xf32, #tpu.memory_space<vmem>>[vector<16xi32>], vector<16xf32>,
        %parallel_loop3A_339 = arith.constant 24 : i32
        %parallel_loop3A_340 = arith.index_cast %parallel_loop3A_339 : i32 to index
        %parallel_loop3A_341 = arith.index_cast %parallel_loop3A_144 : i32 to index
        %parallel_loop3A_342 = tpu.vector_load %arg7[%parallel_loop3A_340, %parallel_loop3A_341] {strides = array<i32>} : memref<32x768xf32, #tpu.memory_space<vmem>>, vector<16xf32>,
        %parallel_loop3A_343 = arith.constant 24 : i32
        %parallel_loop3A_344 = arith.addi %parallel_loop3A_146, %parallel_loop3A_343 : i32
        %parallel_loop3A_345 = vector.broadcast %parallel_loop3A_344 : i32 to vector<16xi32>
        %parallel_loop3A_346 = arith.addi %mul3A_72, %parallel_loop3A_345 : vector<16xi32>
        tpu.vector_store_idx %arg9[%parallel_loop3A_346], %parallel_loop3A_342 : memref<24576xf32, #tpu.memory_space<vmem>>[vector<16xi32>], vector<16xf32>,
        %parallel_loop3A_347 = arith.constant 25 : i32
        %parallel_loop3A_348 = arith.index_cast %parallel_loop3A_347 : i32 to index
        %parallel_loop3A_349 = arith.index_cast %parallel_loop3A_144 : i32 to index
        %parallel_loop3A_350 = tpu.vector_load %arg7[%parallel_loop3A_348, %parallel_loop3A_349] {strides = array<i32>} : memref<32x768xf32, #tpu.memory_space<vmem>>, vector<16xf32>,
        %parallel_loop3A_351 = arith.constant 25 : i32
        %parallel_loop3A_352 = arith.addi %parallel_loop3A_146, %parallel_loop3A_351 : i32
        %parallel_loop3A_353 = vector.broadcast %parallel_loop3A_352 : i32 to vector<16xi32>
        %parallel_loop3A_354 = arith.addi %mul3A_72, %parallel_loop3A_353 : vector<16xi32>
        tpu.vector_store_idx %arg9[%parallel_loop3A_354], %parallel_loop3A_350 : memref<24576xf32, #tpu.memory_space<vmem>>[vector<16xi32>], vector<16xf32>,
        %parallel_loop3A_355 = arith.constant 26 : i32
        %parallel_loop3A_356 = arith.index_cast %parallel_loop3A_355 : i32 to index
        %parallel_loop3A_357 = arith.index_cast %parallel_loop3A_144 : i32 to index
        %parallel_loop3A_358 = tpu.vector_load %arg7[%parallel_loop3A_356, %parallel_loop3A_357] {strides = array<i32>} : memref<32x768xf32, #tpu.memory_space<vmem>>, vector<16xf32>,
        %parallel_loop3A_359 = arith.constant 26 : i32
        %parallel_loop3A_360 = arith.addi %parallel_loop3A_146, %parallel_loop3A_359 : i32
        %parallel_loop3A_361 = vector.broadcast %parallel_loop3A_360 : i32 to vector<16xi32>
        %parallel_loop3A_362 = arith.addi %mul3A_72, %parallel_loop3A_361 : vector<16xi32>
        tpu.vector_store_idx %arg9[%parallel_loop3A_362], %parallel_loop3A_358 : memref<24576xf32, #tpu.memory_space<vmem>>[vector<16xi32>], vector<16xf32>,
        %parallel_loop3A_363 = arith.constant 27 : i32
        %parallel_loop3A_364 = arith.index_cast %parallel_loop3A_363 : i32 to index
        %parallel_loop3A_365 = arith.index_cast %parallel_loop3A_144 : i32 to index
        %parallel_loop3A_366 = tpu.vector_load %arg7[%parallel_loop3A_364, %parallel_loop3A_365] {strides = array<i32>} : memref<32x768xf32, #tpu.memory_space<vmem>>, vector<16xf32>,
        %parallel_loop3A_367 = arith.constant 27 : i32
        %parallel_loop3A_368 = arith.addi %parallel_loop3A_146, %parallel_loop3A_367 : i32
        %parallel_loop3A_369 = vector.broadcast %parallel_loop3A_368 : i32 to vector<16xi32>
        %parallel_loop3A_370 = arith.addi %mul3A_72, %parallel_loop3A_369 : vector<16xi32>
        tpu.vector_store_idx %arg9[%parallel_loop3A_370], %parallel_loop3A_366 : memref<24576xf32, #tpu.memory_space<vmem>>[vector<16xi32>], vector<16xf32>,
        %parallel_loop3A_371 = arith.constant 28 : i32
        %parallel_loop3A_372 = arith.index_cast %parallel_loop3A_371 : i32 to index
        %parallel_loop3A_373 = arith.index_cast %parallel_loop3A_144 : i32 to index
        %parallel_loop3A_374 = tpu.vector_load %arg7[%parallel_loop3A_372, %parallel_loop3A_373] {strides = array<i32>} : memref<32x768xf32, #tpu.memory_space<vmem>>, vector<16xf32>,
        %parallel_loop3A_375 = arith.constant 28 : i32
        %parallel_loop3A_376 = arith.addi %parallel_loop3A_146, %parallel_loop3A_375 : i32
        %parallel_loop3A_377 = vector.broadcast %parallel_loop3A_376 : i32 to vector<16xi32>
        %parallel_loop3A_378 = arith.addi %mul3A_72, %parallel_loop3A_377 : vector<16xi32>
        tpu.vector_store_idx %arg9[%parallel_loop3A_378], %parallel_loop3A_374 : memref<24576xf32, #tpu.memory_space<vmem>>[vector<16xi32>], vector<16xf32>,
        %parallel_loop3A_379 = arith.constant 29 : i32
        %parallel_loop3A_380 = arith.index_cast %parallel_loop3A_379 : i32 to index
        %parallel_loop3A_381 = arith.index_cast %parallel_loop3A_144 : i32 to index
        %parallel_loop3A_382 = tpu.vector_load %arg7[%parallel_loop3A_380, %parallel_loop3A_381] {strides = array<i32>} : memref<32x768xf32, #tpu.memory_space<vmem>>, vector<16xf32>,
        %parallel_loop3A_383 = arith.constant 29 : i32
        %parallel_loop3A_384 = arith.addi %parallel_loop3A_146, %parallel_loop3A_383 : i32
        %parallel_loop3A_385 = vector.broadcast %parallel_loop3A_384 : i32 to vector<16xi32>
        %parallel_loop3A_386 = arith.addi %mul3A_72, %parallel_loop3A_385 : vector<16xi32>
        tpu.vector_store_idx %arg9[%parallel_loop3A_386], %parallel_loop3A_382 : memref<24576xf32, #tpu.memory_space<vmem>>[vector<16xi32>], vector<16xf32>,
        %parallel_loop3A_387 = arith.constant 30 : i32
        %parallel_loop3A_388 = arith.index_cast %parallel_loop3A_387 : i32 to index
        %parallel_loop3A_389 = arith.index_cast %parallel_loop3A_144 : i32 to index
        %parallel_loop3A_390 = tpu.vector_load %arg7[%parallel_loop3A_388, %parallel_loop3A_389] {strides = array<i32>} : memref<32x768xf32, #tpu.memory_space<vmem>>, vector<16xf32>,
        %parallel_loop3A_391 = arith.constant 30 : i32
        %parallel_loop3A_392 = arith.addi %parallel_loop3A_146, %parallel_loop3A_391 : i32
        %parallel_loop3A_393 = vector.broadcast %parallel_loop3A_392 : i32 to vector<16xi32>
        %parallel_loop3A_394 = arith.addi %mul3A_72, %parallel_loop3A_393 : vector<16xi32>
        tpu.vector_store_idx %arg9[%parallel_loop3A_394], %parallel_loop3A_390 : memref<24576xf32, #tpu.memory_space<vmem>>[vector<16xi32>], vector<16xf32>,
        %parallel_loop3A_395 = arith.constant 31 : i32
        %parallel_loop3A_396 = arith.index_cast %parallel_loop3A_395 : i32 to index
        %parallel_loop3A_397 = arith.index_cast %parallel_loop3A_144 : i32 to index
        %parallel_loop3A_398 = tpu.vector_load %arg7[%parallel_loop3A_396, %parallel_loop3A_397] {strides = array<i32>} : memref<32x768xf32, #tpu.memory_space<vmem>>, vector<16xf32>,
        %parallel_loop3A_399 = arith.constant 31 : i32
        %parallel_loop3A_400 = arith.addi %parallel_loop3A_146, %parallel_loop3A_399 : i32
        %parallel_loop3A_401 = vector.broadcast %parallel_loop3A_400 : i32 to vector<16xi32>
        %parallel_loop3A_402 = arith.addi %mul3A_72, %parallel_loop3A_401 : vector<16xi32>
        tpu.vector_store_idx %arg9[%parallel_loop3A_402], %parallel_loop3A_398 : memref<24576xf32, #tpu.memory_space<vmem>>[vector<16xi32>], vector<16xf32>,
      } {sc.loop_unroll_factor = 2 : i64, sc.parallel_access}
      %mul3A_75 = arith.constant 32 : i32
      %mul3A_76 = arith.muli %mul3A_59, %mul3A_75 : i32
      %add3A_77 = arith.addi %mul3A_76, %add3A : i32
      %min3A_78 = arith.constant 1301 : i32
      %min3A_79 = arith.minsi %add3A_77, %min3A_78 : i32
      %mul3A_80 = arith.constant 24576 : i32
      %mul3A_81 = arith.muli %min3A_79, %mul3A_80 : i32
      %dma_start3A_82 = tpu.memref_slice %arg5[%mul3A_81] : memref<32000000xf32, #tpu.memory_space<hbm>> -> memref<24576xf32, #tpu.memory_space<hbm>>
      %dma_start3A_83 = tpu.memref_slice %arg5[%mul3A_81] : memref<32000000xf32, #tpu.memory_space<hbm>> -> memref<24576xf32, #tpu.memory_space<hbm>>
      tpu.enqueue_dma source(%arg9 : memref<24576xf32, #tpu.memory_space<vmem>>) target(%dma_start3A_83 : memref<24576xf32, #tpu.memory_space<hbm>>) target_semaphore(%arg17 : memref<!tpu.dma_semaphore, #tpu.memory_space<semaphore_mem>>)
      %add3A_84 = arith.constant 2 : i32
      %add3A_85 = arith.addi %mul3A_59, %add3A_84 : i32
      %mul3A_86 = arith.constant 32 : i32
      %mul3A_87 = arith.muli %add3A_85, %mul3A_86 : i32
      %add3A_88 = arith.addi %mul3A_87, %add3A : i32
      %min3A_89 = arith.constant 1301 : i32
      %min3A_90 = arith.minsi %add3A_88, %min3A_89 : i32
      %mul3A_91 = arith.constant 768 : i32
      %mul3A_92 = arith.muli %min3A_90, %mul3A_91 : i32
      %dma_start3A_93 = arith.constant 0 : i32
      %dma_start3A_94 = tpu.memref_slice %arg2[%dma_start3A_93, %mul3A_92] : memref<32x1000000xf32, #tpu.memory_space<hbm>> -> memref<32x768xf32, #tpu.memory_space<hbm>>
      %dma_start3A_95 = arith.constant 0 : i32
      %dma_start3A_96 = tpu.memref_slice %arg2[%dma_start3A_95, %mul3A_92] : memref<32x1000000xf32, #tpu.memory_space<hbm>> -> memref<32x768xf32, #tpu.memory_space<hbm>>
      tpu.enqueue_dma source(%dma_start3A_96 : memref<32x768xf32, #tpu.memory_space<hbm>>) target(%arg7 : memref<32x768xf32, #tpu.memory_space<vmem>>) target_semaphore(%arg15 : memref<!tpu.dma_semaphore, #tpu.memory_space<semaphore_mem>>)
      %add3A_97 = arith.constant 32 : i32
      %add3A_98 = arith.addi %add3A_97, %add3A : i32
      %min3A_99 = arith.constant 1301 : i32
      %min3A_100 = arith.minsi %add3A_98, %min3A_99 : i32
      %mul3A_101 = arith.constant 768 : i32
      %mul3A_102 = arith.muli %min3A_100, %mul3A_101 : i32
      %dma_wait3A_103 = arith.constant 0 : i32
      %dma_wait3A_104 = tpu.memref_slice %arg2[%dma_wait3A_103, %mul3A_102] : memref<32x1000000xf32, #tpu.memory_space<hbm>> -> memref<32x768xf32, #tpu.memory_space<hbm>>
      %dma_wait3A_105 = arith.constant 0 : i32
      %dma_wait3A_106 = tpu.memref_slice %arg2[%dma_wait3A_105, %mul3A_102] : memref<32x1000000xf32, #tpu.memory_space<hbm>> -> memref<32x768xf32, #tpu.memory_space<hbm>>
      tpu.wait_dma2 semaphore(%arg16 : memref<!tpu.dma_semaphore, #tpu.memory_space<semaphore_mem>>) src(%dma_wait3A_106 : memref<32x768xf32, #tpu.memory_space<hbm>>) dst(%arg8 : memref<32x768xf32, #tpu.memory_space<vmem>>)
      %iota3A_107 = tpu.iota {dimensions = array<i32: 0>} : vector<16xi32>
      %mul3A_108 = arith.constant 32 : i32
      %mul3A_109 = vector.broadcast %mul3A_108 : i32 to vector<16xi32>
      %mul3A_110 = arith.muli %iota3A_107, %mul3A_109 : vector<16xi32>
      %parallel_loop3A_111 = arith.constant 0 : i32
      %parallel_loop3A_112 = arith.constant 48 : i32
      %parallel_loop3A_113 = arith.constant 1 : i32
      scf.for %parallel_loop3A_142 = %parallel_loop3A_111 to %parallel_loop3A_112 step %parallel_loop3A_113  : i32 {
        %parallel_loop3A_143 = arith.constant 16 : i32
        %parallel_loop3A_144 = arith.muli %parallel_loop3A_142, %parallel_loop3A_143 : i32
        %parallel_loop3A_145 = arith.constant 32 : i32
        %parallel_loop3A_146 = arith.muli %parallel_loop3A_144, %parallel_loop3A_145 : i32
        %parallel_loop3A_147 = arith.constant 0 : i32
        %parallel_loop3A_148 = arith.index_cast %parallel_loop3A_147 : i32 to index
        %parallel_loop3A_149 = arith.index_cast %parallel_loop3A_144 : i32 to index
        %parallel_loop3A_150 = tpu.vector_load %arg8[%parallel_loop3A_148, %parallel_loop3A_149] {strides = array<i32>} : memref<32x768xf32, #tpu.memory_space<vmem>>, vector<16xf32>,
        %parallel_loop3A_151 = arith.constant 0 : i32
        %parallel_loop3A_152 = arith.addi %parallel_loop3A_146, %parallel_loop3A_151 : i32
        %parallel_loop3A_153 = vector.broadcast %parallel_loop3A_152 : i32 to vector<16xi32>
        %parallel_loop3A_154 = arith.addi %mul3A_110, %parallel_loop3A_153 : vector<16xi32>
        tpu.vector_store_idx %arg10[%parallel_loop3A_154], %parallel_loop3A_150 : memref<24576xf32, #tpu.memory_space<vmem>>[vector<16xi32>], vector<16xf32>,
        %parallel_loop3A_155 = arith.constant 1 : i32
        %parallel_loop3A_156 = arith.index_cast %parallel_loop3A_155 : i32 to index
        %parallel_loop3A_157 = arith.index_cast %parallel_loop3A_144 : i32 to index
        %parallel_loop3A_158 = tpu.vector_load %arg8[%parallel_loop3A_156, %parallel_loop3A_157] {strides = array<i32>} : memref<32x768xf32, #tpu.memory_space<vmem>>, vector<16xf32>,
        %parallel_loop3A_159 = arith.constant 1 : i32
        %parallel_loop3A_160 = arith.addi %parallel_loop3A_146, %parallel_loop3A_159 : i32
        %parallel_loop3A_161 = vector.broadcast %parallel_loop3A_160 : i32 to vector<16xi32>
        %parallel_loop3A_162 = arith.addi %mul3A_110, %parallel_loop3A_161 : vector<16xi32>
        tpu.vector_store_idx %arg10[%parallel_loop3A_162], %parallel_loop3A_158 : memref<24576xf32, #tpu.memory_space<vmem>>[vector<16xi32>], vector<16xf32>,
        %parallel_loop3A_163 = arith.constant 2 : i32
        %parallel_loop3A_164 = arith.index_cast %parallel_loop3A_163 : i32 to index
        %parallel_loop3A_165 = arith.index_cast %parallel_loop3A_144 : i32 to index
        %parallel_loop3A_166 = tpu.vector_load %arg8[%parallel_loop3A_164, %parallel_loop3A_165] {strides = array<i32>} : memref<32x768xf32, #tpu.memory_space<vmem>>, vector<16xf32>,
        %parallel_loop3A_167 = arith.constant 2 : i32
        %parallel_loop3A_168 = arith.addi %parallel_loop3A_146, %parallel_loop3A_167 : i32
        %parallel_loop3A_169 = vector.broadcast %parallel_loop3A_168 : i32 to vector<16xi32>
        %parallel_loop3A_170 = arith.addi %mul3A_110, %parallel_loop3A_169 : vector<16xi32>
        tpu.vector_store_idx %arg10[%parallel_loop3A_170], %parallel_loop3A_166 : memref<24576xf32, #tpu.memory_space<vmem>>[vector<16xi32>], vector<16xf32>,
        %parallel_loop3A_171 = arith.constant 3 : i32
        %parallel_loop3A_172 = arith.index_cast %parallel_loop3A_171 : i32 to index
        %parallel_loop3A_173 = arith.index_cast %parallel_loop3A_144 : i32 to index
        %parallel_loop3A_174 = tpu.vector_load %arg8[%parallel_loop3A_172, %parallel_loop3A_173] {strides = array<i32>} : memref<32x768xf32, #tpu.memory_space<vmem>>, vector<16xf32>,
        %parallel_loop3A_175 = arith.constant 3 : i32
        %parallel_loop3A_176 = arith.addi %parallel_loop3A_146, %parallel_loop3A_175 : i32
        %parallel_loop3A_177 = vector.broadcast %parallel_loop3A_176 : i32 to vector<16xi32>
        %parallel_loop3A_178 = arith.addi %mul3A_110, %parallel_loop3A_177 : vector<16xi32>
        tpu.vector_store_idx %arg10[%parallel_loop3A_178], %parallel_loop3A_174 : memref<24576xf32, #tpu.memory_space<vmem>>[vector<16xi32>], vector<16xf32>,
        %parallel_loop3A_179 = arith.constant 4 : i32
        %parallel_loop3A_180 = arith.index_cast %parallel_loop3A_179 : i32 to index
        %parallel_loop3A_181 = arith.index_cast %parallel_loop3A_144 : i32 to index
        %parallel_loop3A_182 = tpu.vector_load %arg8[%parallel_loop3A_180, %parallel_loop3A_181] {strides = array<i32>} : memref<32x768xf32, #tpu.memory_space<vmem>>, vector<16xf32>,
        %parallel_loop3A_183 = arith.constant 4 : i32
        %parallel_loop3A_184 = arith.addi %parallel_loop3A_146, %parallel_loop3A_183 : i32
        %parallel_loop3A_185 = vector.broadcast %parallel_loop3A_184 : i32 to vector<16xi32>
        %parallel_loop3A_186 = arith.addi %mul3A_110, %parallel_loop3A_185 : vector<16xi32>
        tpu.vector_store_idx %arg10[%parallel_loop3A_186], %parallel_loop3A_182 : memref<24576xf32, #tpu.memory_space<vmem>>[vector<16xi32>], vector<16xf32>,
        %parallel_loop3A_187 = arith.constant 5 : i32
        %parallel_loop3A_188 = arith.index_cast %parallel_loop3A_187 : i32 to index
        %parallel_loop3A_189 = arith.index_cast %parallel_loop3A_144 : i32 to index
        %parallel_loop3A_190 = tpu.vector_load %arg8[%parallel_loop3A_188, %parallel_loop3A_189] {strides = array<i32>} : memref<32x768xf32, #tpu.memory_space<vmem>>, vector<16xf32>,
        %parallel_loop3A_191 = arith.constant 5 : i32
        %parallel_loop3A_192 = arith.addi %parallel_loop3A_146, %parallel_loop3A_191 : i32
        %parallel_loop3A_193 = vector.broadcast %parallel_loop3A_192 : i32 to vector<16xi32>
        %parallel_loop3A_194 = arith.addi %mul3A_110, %parallel_loop3A_193 : vector<16xi32>
        tpu.vector_store_idx %arg10[%parallel_loop3A_194], %parallel_loop3A_190 : memref<24576xf32, #tpu.memory_space<vmem>>[vector<16xi32>], vector<16xf32>,
        %parallel_loop3A_195 = arith.constant 6 : i32
        %parallel_loop3A_196 = arith.index_cast %parallel_loop3A_195 : i32 to index
        %parallel_loop3A_197 = arith.index_cast %parallel_loop3A_144 : i32 to index
        %parallel_loop3A_198 = tpu.vector_load %arg8[%parallel_loop3A_196, %parallel_loop3A_197] {strides = array<i32>} : memref<32x768xf32, #tpu.memory_space<vmem>>, vector<16xf32>,
        %parallel_loop3A_199 = arith.constant 6 : i32
        %parallel_loop3A_200 = arith.addi %parallel_loop3A_146, %parallel_loop3A_199 : i32
        %parallel_loop3A_201 = vector.broadcast %parallel_loop3A_200 : i32 to vector<16xi32>
        %parallel_loop3A_202 = arith.addi %mul3A_110, %parallel_loop3A_201 : vector<16xi32>
        tpu.vector_store_idx %arg10[%parallel_loop3A_202], %parallel_loop3A_198 : memref<24576xf32, #tpu.memory_space<vmem>>[vector<16xi32>], vector<16xf32>,
        %parallel_loop3A_203 = arith.constant 7 : i32
        %parallel_loop3A_204 = arith.index_cast %parallel_loop3A_203 : i32 to index
        %parallel_loop3A_205 = arith.index_cast %parallel_loop3A_144 : i32 to index
        %parallel_loop3A_206 = tpu.vector_load %arg8[%parallel_loop3A_204, %parallel_loop3A_205] {strides = array<i32>} : memref<32x768xf32, #tpu.memory_space<vmem>>, vector<16xf32>,
        %parallel_loop3A_207 = arith.constant 7 : i32
        %parallel_loop3A_208 = arith.addi %parallel_loop3A_146, %parallel_loop3A_207 : i32
        %parallel_loop3A_209 = vector.broadcast %parallel_loop3A_208 : i32 to vector<16xi32>
        %parallel_loop3A_210 = arith.addi %mul3A_110, %parallel_loop3A_209 : vector<16xi32>
        tpu.vector_store_idx %arg10[%parallel_loop3A_210], %parallel_loop3A_206 : memref<24576xf32, #tpu.memory_space<vmem>>[vector<16xi32>], vector<16xf32>,
        %parallel_loop3A_211 = arith.constant 8 : i32
        %parallel_loop3A_212 = arith.index_cast %parallel_loop3A_211 : i32 to index
        %parallel_loop3A_213 = arith.index_cast %parallel_loop3A_144 : i32 to index
        %parallel_loop3A_214 = tpu.vector_load %arg8[%parallel_loop3A_212, %parallel_loop3A_213] {strides = array<i32>} : memref<32x768xf32, #tpu.memory_space<vmem>>, vector<16xf32>,
        %parallel_loop3A_215 = arith.constant 8 : i32
        %parallel_loop3A_216 = arith.addi %parallel_loop3A_146, %parallel_loop3A_215 : i32
        %parallel_loop3A_217 = vector.broadcast %parallel_loop3A_216 : i32 to vector<16xi32>
        %parallel_loop3A_218 = arith.addi %mul3A_110, %parallel_loop3A_217 : vector<16xi32>
        tpu.vector_store_idx %arg10[%parallel_loop3A_218], %parallel_loop3A_214 : memref<24576xf32, #tpu.memory_space<vmem>>[vector<16xi32>], vector<16xf32>,
        %parallel_loop3A_219 = arith.constant 9 : i32
        %parallel_loop3A_220 = arith.index_cast %parallel_loop3A_219 : i32 to index
        %parallel_loop3A_221 = arith.index_cast %parallel_loop3A_144 : i32 to index
        %parallel_loop3A_222 = tpu.vector_load %arg8[%parallel_loop3A_220, %parallel_loop3A_221] {strides = array<i32>} : memref<32x768xf32, #tpu.memory_space<vmem>>, vector<16xf32>,
        %parallel_loop3A_223 = arith.constant 9 : i32
        %parallel_loop3A_224 = arith.addi %parallel_loop3A_146, %parallel_loop3A_223 : i32
        %parallel_loop3A_225 = vector.broadcast %parallel_loop3A_224 : i32 to vector<16xi32>
        %parallel_loop3A_226 = arith.addi %mul3A_110, %parallel_loop3A_225 : vector<16xi32>
        tpu.vector_store_idx %arg10[%parallel_loop3A_226], %parallel_loop3A_222 : memref<24576xf32, #tpu.memory_space<vmem>>[vector<16xi32>], vector<16xf32>,
        %parallel_loop3A_227 = arith.constant 10 : i32
        %parallel_loop3A_228 = arith.index_cast %parallel_loop3A_227 : i32 to index
        %parallel_loop3A_229 = arith.index_cast %parallel_loop3A_144 : i32 to index
        %parallel_loop3A_230 = tpu.vector_load %arg8[%parallel_loop3A_228, %parallel_loop3A_229] {strides = array<i32>} : memref<32x768xf32, #tpu.memory_space<vmem>>, vector<16xf32>,
        %parallel_loop3A_231 = arith.constant 10 : i32
        %parallel_loop3A_232 = arith.addi %parallel_loop3A_146, %parallel_loop3A_231 : i32
        %parallel_loop3A_233 = vector.broadcast %parallel_loop3A_232 : i32 to vector<16xi32>
        %parallel_loop3A_234 = arith.addi %mul3A_110, %parallel_loop3A_233 : vector<16xi32>
        tpu.vector_store_idx %arg10[%parallel_loop3A_234], %parallel_loop3A_230 : memref<24576xf32, #tpu.memory_space<vmem>>[vector<16xi32>], vector<16xf32>,
        %parallel_loop3A_235 = arith.constant 11 : i32
        %parallel_loop3A_236 = arith.index_cast %parallel_loop3A_235 : i32 to index
        %parallel_loop3A_237 = arith.index_cast %parallel_loop3A_144 : i32 to index
        %parallel_loop3A_238 = tpu.vector_load %arg8[%parallel_loop3A_236, %parallel_loop3A_237] {strides = array<i32>} : memref<32x768xf32, #tpu.memory_space<vmem>>, vector<16xf32>,
        %parallel_loop3A_239 = arith.constant 11 : i32
        %parallel_loop3A_240 = arith.addi %parallel_loop3A_146, %parallel_loop3A_239 : i32
        %parallel_loop3A_241 = vector.broadcast %parallel_loop3A_240 : i32 to vector<16xi32>
        %parallel_loop3A_242 = arith.addi %mul3A_110, %parallel_loop3A_241 : vector<16xi32>
        tpu.vector_store_idx %arg10[%parallel_loop3A_242], %parallel_loop3A_238 : memref<24576xf32, #tpu.memory_space<vmem>>[vector<16xi32>], vector<16xf32>,
        %parallel_loop3A_243 = arith.constant 12 : i32
        %parallel_loop3A_244 = arith.index_cast %parallel_loop3A_243 : i32 to index
        %parallel_loop3A_245 = arith.index_cast %parallel_loop3A_144 : i32 to index
        %parallel_loop3A_246 = tpu.vector_load %arg8[%parallel_loop3A_244, %parallel_loop3A_245] {strides = array<i32>} : memref<32x768xf32, #tpu.memory_space<vmem>>, vector<16xf32>,
        %parallel_loop3A_247 = arith.constant 12 : i32
        %parallel_loop3A_248 = arith.addi %parallel_loop3A_146, %parallel_loop3A_247 : i32
        %parallel_loop3A_249 = vector.broadcast %parallel_loop3A_248 : i32 to vector<16xi32>
        %parallel_loop3A_250 = arith.addi %mul3A_110, %parallel_loop3A_249 : vector<16xi32>
        tpu.vector_store_idx %arg10[%parallel_loop3A_250], %parallel_loop3A_246 : memref<24576xf32, #tpu.memory_space<vmem>>[vector<16xi32>], vector<16xf32>,
        %parallel_loop3A_251 = arith.constant 13 : i32
        %parallel_loop3A_252 = arith.index_cast %parallel_loop3A_251 : i32 to index
        %parallel_loop3A_253 = arith.index_cast %parallel_loop3A_144 : i32 to index
        %parallel_loop3A_254 = tpu.vector_load %arg8[%parallel_loop3A_252, %parallel_loop3A_253] {strides = array<i32>} : memref<32x768xf32, #tpu.memory_space<vmem>>, vector<16xf32>,
        %parallel_loop3A_255 = arith.constant 13 : i32
        %parallel_loop3A_256 = arith.addi %parallel_loop3A_146, %parallel_loop3A_255 : i32
        %parallel_loop3A_257 = vector.broadcast %parallel_loop3A_256 : i32 to vector<16xi32>
        %parallel_loop3A_258 = arith.addi %mul3A_110, %parallel_loop3A_257 : vector<16xi32>
        tpu.vector_store_idx %arg10[%parallel_loop3A_258], %parallel_loop3A_254 : memref<24576xf32, #tpu.memory_space<vmem>>[vector<16xi32>], vector<16xf32>,
        %parallel_loop3A_259 = arith.constant 14 : i32
        %parallel_loop3A_260 = arith.index_cast %parallel_loop3A_259 : i32 to index
        %parallel_loop3A_261 = arith.index_cast %parallel_loop3A_144 : i32 to index
        %parallel_loop3A_262 = tpu.vector_load %arg8[%parallel_loop3A_260, %parallel_loop3A_261] {strides = array<i32>} : memref<32x768xf32, #tpu.memory_space<vmem>>, vector<16xf32>,
        %parallel_loop3A_263 = arith.constant 14 : i32
        %parallel_loop3A_264 = arith.addi %parallel_loop3A_146, %parallel_loop3A_263 : i32
        %parallel_loop3A_265 = vector.broadcast %parallel_loop3A_264 : i32 to vector<16xi32>
        %parallel_loop3A_266 = arith.addi %mul3A_110, %parallel_loop3A_265 : vector<16xi32>
        tpu.vector_store_idx %arg10[%parallel_loop3A_266], %parallel_loop3A_262 : memref<24576xf32, #tpu.memory_space<vmem>>[vector<16xi32>], vector<16xf32>,
        %parallel_loop3A_267 = arith.constant 15 : i32
        %parallel_loop3A_268 = arith.index_cast %parallel_loop3A_267 : i32 to index
        %parallel_loop3A_269 = arith.index_cast %parallel_loop3A_144 : i32 to index
        %parallel_loop3A_270 = tpu.vector_load %arg8[%parallel_loop3A_268, %parallel_loop3A_269] {strides = array<i32>} : memref<32x768xf32, #tpu.memory_space<vmem>>, vector<16xf32>,
        %parallel_loop3A_271 = arith.constant 15 : i32
        %parallel_loop3A_272 = arith.addi %parallel_loop3A_146, %parallel_loop3A_271 : i32
        %parallel_loop3A_273 = vector.broadcast %parallel_loop3A_272 : i32 to vector<16xi32>
        %parallel_loop3A_274 = arith.addi %mul3A_110, %parallel_loop3A_273 : vector<16xi32>
        tpu.vector_store_idx %arg10[%parallel_loop3A_274], %parallel_loop3A_270 : memref<24576xf32, #tpu.memory_space<vmem>>[vector<16xi32>], vector<16xf32>,
        %parallel_loop3A_275 = arith.constant 16 : i32
        %parallel_loop3A_276 = arith.index_cast %parallel_loop3A_275 : i32 to index
        %parallel_loop3A_277 = arith.index_cast %parallel_loop3A_144 : i32 to index
        %parallel_loop3A_278 = tpu.vector_load %arg8[%parallel_loop3A_276, %parallel_loop3A_277] {strides = array<i32>} : memref<32x768xf32, #tpu.memory_space<vmem>>, vector<16xf32>,
        %parallel_loop3A_279 = arith.constant 16 : i32
        %parallel_loop3A_280 = arith.addi %parallel_loop3A_146, %parallel_loop3A_279 : i32
        %parallel_loop3A_281 = vector.broadcast %parallel_loop3A_280 : i32 to vector<16xi32>
        %parallel_loop3A_282 = arith.addi %mul3A_110, %parallel_loop3A_281 : vector<16xi32>
        tpu.vector_store_idx %arg10[%parallel_loop3A_282], %parallel_loop3A_278 : memref<24576xf32, #tpu.memory_space<vmem>>[vector<16xi32>], vector<16xf32>,
        %parallel_loop3A_283 = arith.constant 17 : i32
        %parallel_loop3A_284 = arith.index_cast %parallel_loop3A_283 : i32 to index
        %parallel_loop3A_285 = arith.index_cast %parallel_loop3A_144 : i32 to index
        %parallel_loop3A_286 = tpu.vector_load %arg8[%parallel_loop3A_284, %parallel_loop3A_285] {strides = array<i32>} : memref<32x768xf32, #tpu.memory_space<vmem>>, vector<16xf32>,
        %parallel_loop3A_287 = arith.constant 17 : i32
        %parallel_loop3A_288 = arith.addi %parallel_loop3A_146, %parallel_loop3A_287 : i32
        %parallel_loop3A_289 = vector.broadcast %parallel_loop3A_288 : i32 to vector<16xi32>
        %parallel_loop3A_290 = arith.addi %mul3A_110, %parallel_loop3A_289 : vector<16xi32>
        tpu.vector_store_idx %arg10[%parallel_loop3A_290], %parallel_loop3A_286 : memref<24576xf32, #tpu.memory_space<vmem>>[vector<16xi32>], vector<16xf32>,
        %parallel_loop3A_291 = arith.constant 18 : i32
        %parallel_loop3A_292 = arith.index_cast %parallel_loop3A_291 : i32 to index
        %parallel_loop3A_293 = arith.index_cast %parallel_loop3A_144 : i32 to index
        %parallel_loop3A_294 = tpu.vector_load %arg8[%parallel_loop3A_292, %parallel_loop3A_293] {strides = array<i32>} : memref<32x768xf32, #tpu.memory_space<vmem>>, vector<16xf32>,
        %parallel_loop3A_295 = arith.constant 18 : i32
        %parallel_loop3A_296 = arith.addi %parallel_loop3A_146, %parallel_loop3A_295 : i32
        %parallel_loop3A_297 = vector.broadcast %parallel_loop3A_296 : i32 to vector<16xi32>
        %parallel_loop3A_298 = arith.addi %mul3A_110, %parallel_loop3A_297 : vector<16xi32>
        tpu.vector_store_idx %arg10[%parallel_loop3A_298], %parallel_loop3A_294 : memref<24576xf32, #tpu.memory_space<vmem>>[vector<16xi32>], vector<16xf32>,
        %parallel_loop3A_299 = arith.constant 19 : i32
        %parallel_loop3A_300 = arith.index_cast %parallel_loop3A_299 : i32 to index
        %parallel_loop3A_301 = arith.index_cast %parallel_loop3A_144 : i32 to index
        %parallel_loop3A_302 = tpu.vector_load %arg8[%parallel_loop3A_300, %parallel_loop3A_301] {strides = array<i32>} : memref<32x768xf32, #tpu.memory_space<vmem>>, vector<16xf32>,
        %parallel_loop3A_303 = arith.constant 19 : i32
        %parallel_loop3A_304 = arith.addi %parallel_loop3A_146, %parallel_loop3A_303 : i32
        %parallel_loop3A_305 = vector.broadcast %parallel_loop3A_304 : i32 to vector<16xi32>
        %parallel_loop3A_306 = arith.addi %mul3A_110, %parallel_loop3A_305 : vector<16xi32>
        tpu.vector_store_idx %arg10[%parallel_loop3A_306], %parallel_loop3A_302 : memref<24576xf32, #tpu.memory_space<vmem>>[vector<16xi32>], vector<16xf32>,
        %parallel_loop3A_307 = arith.constant 20 : i32
        %parallel_loop3A_308 = arith.index_cast %parallel_loop3A_307 : i32 to index
        %parallel_loop3A_309 = arith.index_cast %parallel_loop3A_144 : i32 to index
        %parallel_loop3A_310 = tpu.vector_load %arg8[%parallel_loop3A_308, %parallel_loop3A_309] {strides = array<i32>} : memref<32x768xf32, #tpu.memory_space<vmem>>, vector<16xf32>,
        %parallel_loop3A_311 = arith.constant 20 : i32
        %parallel_loop3A_312 = arith.addi %parallel_loop3A_146, %parallel_loop3A_311 : i32
        %parallel_loop3A_313 = vector.broadcast %parallel_loop3A_312 : i32 to vector<16xi32>
        %parallel_loop3A_314 = arith.addi %mul3A_110, %parallel_loop3A_313 : vector<16xi32>
        tpu.vector_store_idx %arg10[%parallel_loop3A_314], %parallel_loop3A_310 : memref<24576xf32, #tpu.memory_space<vmem>>[vector<16xi32>], vector<16xf32>,
        %parallel_loop3A_315 = arith.constant 21 : i32
        %parallel_loop3A_316 = arith.index_cast %parallel_loop3A_315 : i32 to index
        %parallel_loop3A_317 = arith.index_cast %parallel_loop3A_144 : i32 to index
        %parallel_loop3A_318 = tpu.vector_load %arg8[%parallel_loop3A_316, %parallel_loop3A_317] {strides = array<i32>} : memref<32x768xf32, #tpu.memory_space<vmem>>, vector<16xf32>,
        %parallel_loop3A_319 = arith.constant 21 : i32
        %parallel_loop3A_320 = arith.addi %parallel_loop3A_146, %parallel_loop3A_319 : i32
        %parallel_loop3A_321 = vector.broadcast %parallel_loop3A_320 : i32 to vector<16xi32>
        %parallel_loop3A_322 = arith.addi %mul3A_110, %parallel_loop3A_321 : vector<16xi32>
        tpu.vector_store_idx %arg10[%parallel_loop3A_322], %parallel_loop3A_318 : memref<24576xf32, #tpu.memory_space<vmem>>[vector<16xi32>], vector<16xf32>,
        %parallel_loop3A_323 = arith.constant 22 : i32
        %parallel_loop3A_324 = arith.index_cast %parallel_loop3A_323 : i32 to index
        %parallel_loop3A_325 = arith.index_cast %parallel_loop3A_144 : i32 to index
        %parallel_loop3A_326 = tpu.vector_load %arg8[%parallel_loop3A_324, %parallel_loop3A_325] {strides = array<i32>} : memref<32x768xf32, #tpu.memory_space<vmem>>, vector<16xf32>,
        %parallel_loop3A_327 = arith.constant 22 : i32
        %parallel_loop3A_328 = arith.addi %parallel_loop3A_146, %parallel_loop3A_327 : i32
        %parallel_loop3A_329 = vector.broadcast %parallel_loop3A_328 : i32 to vector<16xi32>
        %parallel_loop3A_330 = arith.addi %mul3A_110, %parallel_loop3A_329 : vector<16xi32>
        tpu.vector_store_idx %arg10[%parallel_loop3A_330], %parallel_loop3A_326 : memref<24576xf32, #tpu.memory_space<vmem>>[vector<16xi32>], vector<16xf32>,
        %parallel_loop3A_331 = arith.constant 23 : i32
        %parallel_loop3A_332 = arith.index_cast %parallel_loop3A_331 : i32 to index
        %parallel_loop3A_333 = arith.index_cast %parallel_loop3A_144 : i32 to index
        %parallel_loop3A_334 = tpu.vector_load %arg8[%parallel_loop3A_332, %parallel_loop3A_333] {strides = array<i32>} : memref<32x768xf32, #tpu.memory_space<vmem>>, vector<16xf32>,
        %parallel_loop3A_335 = arith.constant 23 : i32
        %parallel_loop3A_336 = arith.addi %parallel_loop3A_146, %parallel_loop3A_335 : i32
        %parallel_loop3A_337 = vector.broadcast %parallel_loop3A_336 : i32 to vector<16xi32>
        %parallel_loop3A_338 = arith.addi %mul3A_110, %parallel_loop3A_337 : vector<16xi32>
        tpu.vector_store_idx %arg10[%parallel_loop3A_338], %parallel_loop3A_334 : memref<24576xf32, #tpu.memory_space<vmem>>[vector<16xi32>], vector<16xf32>,
        %parallel_loop3A_339 = arith.constant 24 : i32
        %parallel_loop3A_340 = arith.index_cast %parallel_loop3A_339 : i32 to index
        %parallel_loop3A_341 = arith.index_cast %parallel_loop3A_144 : i32 to index
        %parallel_loop3A_342 = tpu.vector_load %arg8[%parallel_loop3A_340, %parallel_loop3A_341] {strides = array<i32>} : memref<32x768xf32, #tpu.memory_space<vmem>>, vector<16xf32>,
        %parallel_loop3A_343 = arith.constant 24 : i32
        %parallel_loop3A_344 = arith.addi %parallel_loop3A_146, %parallel_loop3A_343 : i32
        %parallel_loop3A_345 = vector.broadcast %parallel_loop3A_344 : i32 to vector<16xi32>
        %parallel_loop3A_346 = arith.addi %mul3A_110, %parallel_loop3A_345 : vector<16xi32>
        tpu.vector_store_idx %arg10[%parallel_loop3A_346], %parallel_loop3A_342 : memref<24576xf32, #tpu.memory_space<vmem>>[vector<16xi32>], vector<16xf32>,
        %parallel_loop3A_347 = arith.constant 25 : i32
        %parallel_loop3A_348 = arith.index_cast %parallel_loop3A_347 : i32 to index
        %parallel_loop3A_349 = arith.index_cast %parallel_loop3A_144 : i32 to index
        %parallel_loop3A_350 = tpu.vector_load %arg8[%parallel_loop3A_348, %parallel_loop3A_349] {strides = array<i32>} : memref<32x768xf32, #tpu.memory_space<vmem>>, vector<16xf32>,
        %parallel_loop3A_351 = arith.constant 25 : i32
        %parallel_loop3A_352 = arith.addi %parallel_loop3A_146, %parallel_loop3A_351 : i32
        %parallel_loop3A_353 = vector.broadcast %parallel_loop3A_352 : i32 to vector<16xi32>
        %parallel_loop3A_354 = arith.addi %mul3A_110, %parallel_loop3A_353 : vector<16xi32>
        tpu.vector_store_idx %arg10[%parallel_loop3A_354], %parallel_loop3A_350 : memref<24576xf32, #tpu.memory_space<vmem>>[vector<16xi32>], vector<16xf32>,
        %parallel_loop3A_355 = arith.constant 26 : i32
        %parallel_loop3A_356 = arith.index_cast %parallel_loop3A_355 : i32 to index
        %parallel_loop3A_357 = arith.index_cast %parallel_loop3A_144 : i32 to index
        %parallel_loop3A_358 = tpu.vector_load %arg8[%parallel_loop3A_356, %parallel_loop3A_357] {strides = array<i32>} : memref<32x768xf32, #tpu.memory_space<vmem>>, vector<16xf32>,
        %parallel_loop3A_359 = arith.constant 26 : i32
        %parallel_loop3A_360 = arith.addi %parallel_loop3A_146, %parallel_loop3A_359 : i32
        %parallel_loop3A_361 = vector.broadcast %parallel_loop3A_360 : i32 to vector<16xi32>
        %parallel_loop3A_362 = arith.addi %mul3A_110, %parallel_loop3A_361 : vector<16xi32>
        tpu.vector_store_idx %arg10[%parallel_loop3A_362], %parallel_loop3A_358 : memref<24576xf32, #tpu.memory_space<vmem>>[vector<16xi32>], vector<16xf32>,
        %parallel_loop3A_363 = arith.constant 27 : i32
        %parallel_loop3A_364 = arith.index_cast %parallel_loop3A_363 : i32 to index
        %parallel_loop3A_365 = arith.index_cast %parallel_loop3A_144 : i32 to index
        %parallel_loop3A_366 = tpu.vector_load %arg8[%parallel_loop3A_364, %parallel_loop3A_365] {strides = array<i32>} : memref<32x768xf32, #tpu.memory_space<vmem>>, vector<16xf32>,
        %parallel_loop3A_367 = arith.constant 27 : i32
        %parallel_loop3A_368 = arith.addi %parallel_loop3A_146, %parallel_loop3A_367 : i32
        %parallel_loop3A_369 = vector.broadcast %parallel_loop3A_368 : i32 to vector<16xi32>
        %parallel_loop3A_370 = arith.addi %mul3A_110, %parallel_loop3A_369 : vector<16xi32>
        tpu.vector_store_idx %arg10[%parallel_loop3A_370], %parallel_loop3A_366 : memref<24576xf32, #tpu.memory_space<vmem>>[vector<16xi32>], vector<16xf32>,
        %parallel_loop3A_371 = arith.constant 28 : i32
        %parallel_loop3A_372 = arith.index_cast %parallel_loop3A_371 : i32 to index
        %parallel_loop3A_373 = arith.index_cast %parallel_loop3A_144 : i32 to index
        %parallel_loop3A_374 = tpu.vector_load %arg8[%parallel_loop3A_372, %parallel_loop3A_373] {strides = array<i32>} : memref<32x768xf32, #tpu.memory_space<vmem>>, vector<16xf32>,
        %parallel_loop3A_375 = arith.constant 28 : i32
        %parallel_loop3A_376 = arith.addi %parallel_loop3A_146, %parallel_loop3A_375 : i32
        %parallel_loop3A_377 = vector.broadcast %parallel_loop3A_376 : i32 to vector<16xi32>
        %parallel_loop3A_378 = arith.addi %mul3A_110, %parallel_loop3A_377 : vector<16xi32>
        tpu.vector_store_idx %arg10[%parallel_loop3A_378], %parallel_loop3A_374 : memref<24576xf32, #tpu.memory_space<vmem>>[vector<16xi32>], vector<16xf32>,
        %parallel_loop3A_379 = arith.constant 29 : i32
        %parallel_loop3A_380 = arith.index_cast %parallel_loop3A_379 : i32 to index
        %parallel_loop3A_381 = arith.index_cast %parallel_loop3A_144 : i32 to index
        %parallel_loop3A_382 = tpu.vector_load %arg8[%parallel_loop3A_380, %parallel_loop3A_381] {strides = array<i32>} : memref<32x768xf32, #tpu.memory_space<vmem>>, vector<16xf32>,
        %parallel_loop3A_383 = arith.constant 29 : i32
        %parallel_loop3A_384 = arith.addi %parallel_loop3A_146, %parallel_loop3A_383 : i32
        %parallel_loop3A_385 = vector.broadcast %parallel_loop3A_384 : i32 to vector<16xi32>
        %parallel_loop3A_386 = arith.addi %mul3A_110, %parallel_loop3A_385 : vector<16xi32>
        tpu.vector_store_idx %arg10[%parallel_loop3A_386], %parallel_loop3A_382 : memref<24576xf32, #tpu.memory_space<vmem>>[vector<16xi32>], vector<16xf32>,
        %parallel_loop3A_387 = arith.constant 30 : i32
        %parallel_loop3A_388 = arith.index_cast %parallel_loop3A_387 : i32 to index
        %parallel_loop3A_389 = arith.index_cast %parallel_loop3A_144 : i32 to index
        %parallel_loop3A_390 = tpu.vector_load %arg8[%parallel_loop3A_388, %parallel_loop3A_389] {strides = array<i32>} : memref<32x768xf32, #tpu.memory_space<vmem>>, vector<16xf32>,
        %parallel_loop3A_391 = arith.constant 30 : i32
        %parallel_loop3A_392 = arith.addi %parallel_loop3A_146, %parallel_loop3A_391 : i32
        %parallel_loop3A_393 = vector.broadcast %parallel_loop3A_392 : i32 to vector<16xi32>
        %parallel_loop3A_394 = arith.addi %mul3A_110, %parallel_loop3A_393 : vector<16xi32>
        tpu.vector_store_idx %arg10[%parallel_loop3A_394], %parallel_loop3A_390 : memref<24576xf32, #tpu.memory_space<vmem>>[vector<16xi32>], vector<16xf32>,
        %parallel_loop3A_395 = arith.constant 31 : i32
        %parallel_loop3A_396 = arith.index_cast %parallel_loop3A_395 : i32 to index
        %parallel_loop3A_397 = arith.index_cast %parallel_loop3A_144 : i32 to index
        %parallel_loop3A_398 = tpu.vector_load %arg8[%parallel_loop3A_396, %parallel_loop3A_397] {strides = array<i32>} : memref<32x768xf32, #tpu.memory_space<vmem>>, vector<16xf32>,
        %parallel_loop3A_399 = arith.constant 31 : i32
        %parallel_loop3A_400 = arith.addi %parallel_loop3A_146, %parallel_loop3A_399 : i32
        %parallel_loop3A_401 = vector.broadcast %parallel_loop3A_400 : i32 to vector<16xi32>
        %parallel_loop3A_402 = arith.addi %mul3A_110, %parallel_loop3A_401 : vector<16xi32>
        tpu.vector_store_idx %arg10[%parallel_loop3A_402], %parallel_loop3A_398 : memref<24576xf32, #tpu.memory_space<vmem>>[vector<16xi32>], vector<16xf32>,
      } {sc.loop_unroll_factor = 2 : i64, sc.parallel_access}
      %add3A_114 = arith.constant 1 : i32
      %add3A_115 = arith.addi %mul3A_59, %add3A_114 : i32
      %mul3A_116 = arith.constant 32 : i32
      %mul3A_117 = arith.muli %add3A_115, %mul3A_116 : i32
      %add3A_118 = arith.addi %mul3A_117, %add3A : i32
      %min3A_119 = arith.constant 1301 : i32
      %min3A_120 = arith.minsi %add3A_118, %min3A_119 : i32
      %mul3A_121 = arith.constant 24576 : i32
      %mul3A_122 = arith.muli %min3A_120, %mul3A_121 : i32
      %dma_start3A_123 = tpu.memref_slice %arg5[%mul3A_122] : memref<32000000xf32, #tpu.memory_space<hbm>> -> memref<24576xf32, #tpu.memory_space<hbm>>
      %dma_start3A_124 = tpu.memref_slice %arg5[%mul3A_122] : memref<32000000xf32, #tpu.memory_space<hbm>> -> memref<24576xf32, #tpu.memory_space<hbm>>
      tpu.enqueue_dma source(%arg10 : memref<24576xf32, #tpu.memory_space<vmem>>) target(%dma_start3A_124 : memref<24576xf32, #tpu.memory_space<hbm>>) target_semaphore(%arg18 : memref<!tpu.dma_semaphore, #tpu.memory_space<semaphore_mem>>)
      %add3A_125 = arith.constant 3 : i32
      %add3A_126 = arith.addi %mul3A_59, %add3A_125 : i32
      %mul3A_127 = arith.constant 32 : i32
      %mul3A_128 = arith.muli %add3A_126, %mul3A_127 : i32
      %add3A_129 = arith.addi %mul3A_128, %add3A : i32
      %min3A_130 = arith.constant 1301 : i32
      %min3A_131 = arith.minsi %add3A_129, %min3A_130 : i32
      %mul3A_132 = arith.constant 768 : i32
      %mul3A_133 = arith.muli %min3A_131, %mul3A_132 : i32
      %dma_start3A_134 = arith.constant 0 : i32
      %dma_start3A_135 = tpu.memref_slice %arg2[%dma_start3A_134, %mul3A_133] : memref<32x1000000xf32, #tpu.memory_space<hbm>> -> memref<32x768xf32, #tpu.memory_space<hbm>>
      %dma_start3A_136 = arith.constant 0 : i32
      %dma_start3A_137 = tpu.memref_slice %arg2[%dma_start3A_136, %mul3A_133] : memref<32x1000000xf32, #tpu.memory_space<hbm>> -> memref<32x768xf32, #tpu.memory_space<hbm>>
      tpu.enqueue_dma source(%dma_start3A_137 : memref<32x768xf32, #tpu.memory_space<hbm>>) target(%arg8 : memref<32x768xf32, #tpu.memory_space<vmem>>) target_semaphore(%arg16 : memref<!tpu.dma_semaphore, #tpu.memory_space<semaphore_mem>>)
      %dma_wait3A_138 = tpu.memref_slice %arg5[%mul3A_81] : memref<32000000xf32, #tpu.memory_space<hbm>> -> memref<24576xf32, #tpu.memory_space<hbm>>
      %dma_wait3A_139 = tpu.memref_slice %arg5[%mul3A_81] : memref<32000000xf32, #tpu.memory_space<hbm>> -> memref<24576xf32, #tpu.memory_space<hbm>>
      tpu.wait_dma2 semaphore(%arg17 : memref<!tpu.dma_semaphore, #tpu.memory_space<semaphore_mem>>) src(%arg9 : memref<24576xf32, #tpu.memory_space<vmem>>) dst(%dma_wait3A_139 : memref<24576xf32, #tpu.memory_space<hbm>>)
      %dma_wait3A_140 = tpu.memref_slice %arg5[%mul3A_122] : memref<32000000xf32, #tpu.memory_space<hbm>> -> memref<24576xf32, #tpu.memory_space<hbm>>
      %dma_wait3A_141 = tpu.memref_slice %arg5[%mul3A_122] : memref<32000000xf32, #tpu.memory_space<hbm>> -> memref<24576xf32, #tpu.memory_space<hbm>>
      tpu.wait_dma2 semaphore(%arg18 : memref<!tpu.dma_semaphore, #tpu.memory_space<semaphore_mem>>) src(%arg10 : memref<24576xf32, #tpu.memory_space<vmem>>) dst(%dma_wait3A_141 : memref<24576xf32, #tpu.memory_space<hbm>>)
    }
    %scan3A_23 = arith.constant 21 : i32
    %add3A_24 = arith.constant 0 : i32
    %add3A_25 = arith.addi %add3A_24, %add3A : i32
    %min3A_26 = arith.constant 1301 : i32
    %min3A_27 = arith.minsi %add3A_25, %min3A_26 : i32
    %mul3A_28 = arith.constant 768 : i32
    %mul3A_29 = arith.muli %min3A_27, %mul3A_28 : i32
    %dma_wait3A = arith.constant 0 : i32
    %dma_wait3A_30 = tpu.memref_slice %arg2[%dma_wait3A, %mul3A_29] : memref<32x1000000xf32, #tpu.memory_space<hbm>> -> memref<32x768xf32, #tpu.memory_space<hbm>>
    %dma_wait3A_31 = arith.constant 0 : i32
    %dma_wait3A_32 = tpu.memref_slice %arg2[%dma_wait3A_31, %mul3A_29] : memref<32x1000000xf32, #tpu.memory_space<hbm>> -> memref<32x768xf32, #tpu.memory_space<hbm>>
    tpu.wait_dma2 semaphore(%arg15 : memref<!tpu.dma_semaphore, #tpu.memory_space<semaphore_mem>>) src(%dma_wait3A_32 : memref<32x768xf32, #tpu.memory_space<hbm>>) dst(%arg7 : memref<32x768xf32, #tpu.memory_space<vmem>>)
    %add3A_33 = arith.constant 32 : i32
    %add3A_34 = arith.addi %add3A_33, %add3A : i32
    %min3A_35 = arith.constant 1301 : i32
    %min3A_36 = arith.minsi %add3A_34, %min3A_35 : i32
    %mul3A_37 = arith.constant 768 : i32
    %mul3A_38 = arith.muli %min3A_36, %mul3A_37 : i32
    %dma_wait3A_39 = arith.constant 0 : i32
    %dma_wait3A_40 = tpu.memref_slice %arg2[%dma_wait3A_39, %mul3A_38] : memref<32x1000000xf32, #tpu.memory_space<hbm>> -> memref<32x768xf32, #tpu.memory_space<hbm>>
    %dma_wait3A_41 = arith.constant 0 : i32
    %dma_wait3A_42 = tpu.memref_slice %arg2[%dma_wait3A_41, %mul3A_38] : memref<32x1000000xf32, #tpu.memory_space<hbm>> -> memref<32x768xf32, #tpu.memory_space<hbm>>
    tpu.wait_dma2 semaphore(%arg16 : memref<!tpu.dma_semaphore, #tpu.memory_space<semaphore_mem>>) src(%dma_wait3A_42 : memref<32x768xf32, #tpu.memory_space<hbm>>) dst(%arg8 : memref<32x768xf32, #tpu.memory_space<vmem>>)
    "tpu.region"() ({
      %run_scoped3A = tpu.sem_alloc : memref<!tpu.dma_semaphore, #tpu.memory_space<semaphore_mem>>
      tpu.enqueue_dma source(%arg3 : memref<64x32xf32, #tpu.memory_space<hbm>>) target(%arg11 : memref<64x32xf32, #tpu.memory_space<vmem>>) target_semaphore(%run_scoped3A : memref<!tpu.dma_semaphore, #tpu.memory_space<semaphore_mem>>)
      tpu.wait_dma2 semaphore(%run_scoped3A : memref<!tpu.dma_semaphore, #tpu.memory_space<semaphore_mem>>) src(%arg3 : memref<64x32xf32, #tpu.memory_space<hbm>>) dst(%arg11 : memref<64x32xf32, #tpu.memory_space<vmem>>)
      tpu.yield
    }) : () -> ()
    %scan3A_43 = arith.constant 0 : i32
    %scan3A_44 = arith.constant 0 : i32
    %scan3A_45 = arith.constant 64 : i32
    %scan3A_46 = arith.addi %scan3A_44, %scan3A_45 : i32
    %scan3A_47 = arith.constant 1 : i32
    scf.for %scan3A_57 = %scan3A_44 to %scan3A_46 step %scan3A_47  : i32 {
      %get3A = arith.index_cast %scan3A_57 : i32 to index
      %get3A_58 = arith.constant 0 : index
      %get3A_59 = tpu.vector_load %arg11[%get3A, %get3A_58] {strides = array<i32>} : memref<64x32xf32, #tpu.memory_space<vmem>>, vector<16xf32>,
      %mul3A_60 = arith.constant 32 : i32
      %mul3A_61 = arith.muli %scan3A_57, %mul3A_60 : i32
      %swap3A = arith.index_cast %mul3A_61 : i32 to index
      %swap3A_62 = tpu.vector_load %arg12[%swap3A] {strides = array<i32>} : memref<2048xf32, #tpu.memory_space<vmem>>, vector<16xf32>,
      tpu.vector_store %arg12[%swap3A], %get3A_59 {strides = array<i32>} : memref<2048xf32, #tpu.memory_space<vmem>>, vector<16xf32>,
      %get3A_63 = arith.index_cast %scan3A_57 : i32 to index
      %get3A_64 = arith.constant 16 : index
      %get3A_65 = tpu.vector_load %arg11[%get3A_63, %get3A_64] {strides = array<i32>} : memref<64x32xf32, #tpu.memory_space<vmem>>, vector<16xf32>,
      %mul3A_66 = arith.constant 32 : i32
      %mul3A_67 = arith.muli %scan3A_57, %mul3A_66 : i32
      %add3A_68 = arith.constant 16 : i32
      %add3A_69 = arith.addi %mul3A_67, %add3A_68 : i32
      %swap3A_70 = arith.index_cast %add3A_69 : i32 to index
      %swap3A_71 = tpu.vector_load %arg12[%swap3A_70] {strides = array<i32>} : memref<2048xf32, #tpu.memory_space<vmem>>, vector<16xf32>,
      tpu.vector_store %arg12[%swap3A_70], %get3A_65 {strides = array<i32>} : memref<2048xf32, #tpu.memory_space<vmem>>, vector<16xf32>,
    }
    %scan3A_48 = arith.constant 64 : i32
    "tpu.region"() ({
      %run_scoped3A = tpu.sem_alloc : memref<!tpu.dma_semaphore, #tpu.memory_space<semaphore_mem>>
      %dma_start3A_57 = arith.constant 31997952 : i32
      %dma_start3A_58 = tpu.memref_slice %arg5[%dma_start3A_57] : memref<32000000xf32, #tpu.memory_space<hbm>> -> memref<2048xf32, #tpu.memory_space<hbm>>
      %dma_start3A_59 = arith.constant 31997952 : i32
      %dma_start3A_60 = tpu.memref_slice %arg5[%dma_start3A_59] : memref<32000000xf32, #tpu.memory_space<hbm>> -> memref<2048xf32, #tpu.memory_space<hbm>>
      tpu.enqueue_dma source(%arg12 : memref<2048xf32, #tpu.memory_space<vmem>>) target(%dma_start3A_60 : memref<2048xf32, #tpu.memory_space<hbm>>) target_semaphore(%run_scoped3A : memref<!tpu.dma_semaphore, #tpu.memory_space<semaphore_mem>>)
      %dma_wait3A_61 = arith.constant 31997952 : i32
      %dma_wait3A_62 = tpu.memref_slice %arg5[%dma_wait3A_61] : memref<32000000xf32, #tpu.memory_space<hbm>> -> memref<2048xf32, #tpu.memory_space<hbm>>
      %dma_wait3A_63 = arith.constant 31997952 : i32
      %dma_wait3A_64 = tpu.memref_slice %arg5[%dma_wait3A_63] : memref<32000000xf32, #tpu.memory_space<hbm>> -> memref<2048xf32, #tpu.memory_space<hbm>>
      tpu.wait_dma2 semaphore(%run_scoped3A : memref<!tpu.dma_semaphore, #tpu.memory_space<semaphore_mem>>) src(%arg12 : memref<2048xf32, #tpu.memory_space<vmem>>) dst(%dma_wait3A_64 : memref<2048xf32, #tpu.memory_space<hbm>>)
      tpu.yield
    }) : () -> ()
    %mul3A_49 = arith.constant 512 : i32
    %mul3A_50 = arith.muli %add3A, %mul3A_49 : i32
    %scan3A_51 = arith.constant 0 : i32
    %scan3A_52 = arith.constant 0 : i32
    %scan3A_53 = arith.constant 16 : i32
    %scan3A_54 = arith.addi %scan3A_52, %scan3A_53 : i32
    %scan3A_55 = arith.constant 1 : i32
    scf.for %scan3A_57 = %scan3A_52 to %scan3A_54 step %scan3A_55  : i32 {
      %mul3A_58 = arith.constant 32 : i32
      %mul3A_59 = arith.muli %scan3A_57, %mul3A_58 : i32
      %add3A_60 = arith.addi %mul3A_50, %mul3A_59 : i32
      "tpu.region"() ({
        %run_scoped3A = tpu.sem_alloc : memref<!tpu.dma_semaphore, #tpu.memory_space<semaphore_mem>>
        %dma_start3A_72 = arith.constant 0 : i32
        %dma_start3A_73 = tpu.memref_slice %arg4[%add3A_60, %dma_start3A_72] : memref<16384x50xi32, #tpu.memory_space<hbm>> -> memref<32x50xi32, #tpu.memory_space<hbm>>
        %dma_start3A_74 = arith.constant 0 : i32
        %dma_start3A_75 = tpu.memref_slice %arg4[%add3A_60, %dma_start3A_74] : memref<16384x50xi32, #tpu.memory_space<hbm>> -> memref<32x50xi32, #tpu.memory_space<hbm>>
        tpu.enqueue_dma source(%dma_start3A_75 : memref<32x50xi32, #tpu.memory_space<hbm>>) target(%arg13 : memref<32x50xi32, #tpu.memory_space<vmem>>) target_semaphore(%run_scoped3A : memref<!tpu.dma_semaphore, #tpu.memory_space<semaphore_mem>>)
        %dma_wait3A_76 = arith.constant 0 : i32
        %dma_wait3A_77 = tpu.memref_slice %arg4[%add3A_60, %dma_wait3A_76] : memref<16384x50xi32, #tpu.memory_space<hbm>> -> memref<32x50xi32, #tpu.memory_space<hbm>>
        %dma_wait3A_78 = arith.constant 0 : i32
        %dma_wait3A_79 = tpu.memref_slice %arg4[%add3A_60, %dma_wait3A_78] : memref<16384x50xi32, #tpu.memory_space<hbm>> -> memref<32x50xi32, #tpu.memory_space<hbm>>
        tpu.wait_dma2 semaphore(%run_scoped3A : memref<!tpu.dma_semaphore, #tpu.memory_space<semaphore_mem>>) src(%dma_wait3A_79 : memref<32x50xi32, #tpu.memory_space<hbm>>) dst(%arg13 : memref<32x50xi32, #tpu.memory_space<vmem>>)
        tpu.yield
      }) : () -> ()
      %scan3A_61 = arith.constant 0 : i32
      %scan3A_62 = arith.constant 0 : i32
      %scan3A_63 = arith.constant 32 : i32
      %scan3A_64 = arith.addi %scan3A_62, %scan3A_63 : i32
      %scan3A_65 = arith.constant 1 : i32
      scf.for %scan3A_72 = %scan3A_62 to %scan3A_64 step %scan3A_65  : i32 {
        %mul3A_73 = arith.constant 50 : i32
        %mul3A_74 = arith.muli %scan3A_72, %mul3A_73 : i32
        %get3A = arith.index_cast %scan3A_72 : i32 to index
        %get3A_75 = arith.constant 0 : index
        %get3A_76 = tpu.vector_load %arg13[%get3A, %get3A_75] {strides = array<i32>} : memref<32x50xi32, #tpu.memory_space<vmem>>, vector<16xi32>,
        %swap3A = arith.index_cast %mul3A_74 : i32 to index
        %swap3A_77 = tpu.vector_load %arg14[%swap3A] {strides = array<i32>} : memref<1600xi32, #tpu.memory_space<vmem>>, vector<16xi32>,
        tpu.vector_store %arg14[%swap3A], %get3A_76 {strides = array<i32>} : memref<1600xi32, #tpu.memory_space<vmem>>, vector<16xi32>,
        %get3A_78 = arith.index_cast %scan3A_72 : i32 to index
        %get3A_79 = arith.constant 16 : index
        %get3A_80 = tpu.vector_load %arg13[%get3A_78, %get3A_79] {strides = array<i32>} : memref<32x50xi32, #tpu.memory_space<vmem>>, vector<16xi32>,
        %add3A_81 = arith.constant 16 : i32
        %add3A_82 = arith.addi %mul3A_74, %add3A_81 : i32
        %swap3A_83 = arith.index_cast %add3A_82 : i32 to index
        %swap3A_84 = tpu.vector_load %arg14[%swap3A_83] {strides = array<i32>} : memref<1600xi32, #tpu.memory_space<vmem>>, vector<16xi32>,
        tpu.vector_store %arg14[%swap3A_83], %get3A_80 {strides = array<i32>} : memref<1600xi32, #tpu.memory_space<vmem>>, vector<16xi32>,
        %get3A_85 = arith.index_cast %scan3A_72 : i32 to index
        %get3A_86 = arith.constant 32 : index
        %get3A_87 = tpu.vector_load %arg13[%get3A_85, %get3A_86] {strides = array<i32>} : memref<32x50xi32, #tpu.memory_space<vmem>>, vector<16xi32>,
        %add3A_88 = arith.constant 32 : i32
        %add3A_89 = arith.addi %mul3A_74, %add3A_88 : i32
        %swap3A_90 = arith.index_cast %add3A_89 : i32 to index
        %swap3A_91 = tpu.vector_load %arg14[%swap3A_90] {strides = array<i32>} : memref<1600xi32, #tpu.memory_space<vmem>>, vector<16xi32>,
        tpu.vector_store %arg14[%swap3A_90], %get3A_87 {strides = array<i32>} : memref<1600xi32, #tpu.memory_space<vmem>>, vector<16xi32>,
        %get3A_92 = arith.index_cast %scan3A_72 : i32 to index
        %get3A_93 = arith.constant 34 : index
        %get3A_94 = tpu.vector_load %arg13[%get3A_92, %get3A_93] {strides = array<i32>} : memref<32x50xi32, #tpu.memory_space<vmem>>, vector<16xi32>,
        %add3A_95 = arith.constant 34 : i32
        %add3A_96 = arith.addi %mul3A_74, %add3A_95 : i32
        %swap3A_97 = arith.index_cast %add3A_96 : i32 to index
        %swap3A_98 = tpu.vector_load %arg14[%swap3A_97] {strides = array<i32>} : memref<1600xi32, #tpu.memory_space<vmem>>, vector<16xi32>,
        tpu.vector_store %arg14[%swap3A_97], %get3A_94 {strides = array<i32>} : memref<1600xi32, #tpu.memory_space<vmem>>, vector<16xi32>,
      }
      %scan3A_66 = arith.constant 32 : i32
      %mul3A_67 = arith.constant 32 : i32
      %mul3A_68 = arith.muli %scan3A_57, %mul3A_67 : i32
      %add3A_69 = arith.addi %mul3A_50, %mul3A_68 : i32
      %mul3A_70 = arith.constant 50 : i32
      %mul3A_71 = arith.muli %add3A_69, %mul3A_70 : i32
      "tpu.region"() ({
        %run_scoped3A = tpu.sem_alloc : memref<!tpu.dma_semaphore, #tpu.memory_space<semaphore_mem>>
        %dma_start3A_72 = tpu.memref_slice %arg6[%mul3A_71] : memref<819200xi32, #tpu.memory_space<hbm>> -> memref<1600xi32, #tpu.memory_space<hbm>>
        %dma_start3A_73 = tpu.memref_slice %arg6[%mul3A_71] : memref<819200xi32, #tpu.memory_space<hbm>> -> memref<1600xi32, #tpu.memory_space<hbm>>
        tpu.enqueue_dma source(%arg14 : memref<1600xi32, #tpu.memory_space<vmem>>) target(%dma_start3A_73 : memref<1600xi32, #tpu.memory_space<hbm>>) target_semaphore(%run_scoped3A : memref<!tpu.dma_semaphore, #tpu.memory_space<semaphore_mem>>)
        %dma_wait3A_74 = tpu.memref_slice %arg6[%mul3A_71] : memref<819200xi32, #tpu.memory_space<hbm>> -> memref<1600xi32, #tpu.memory_space<hbm>>
        %dma_wait3A_75 = tpu.memref_slice %arg6[%mul3A_71] : memref<819200xi32, #tpu.memory_space<hbm>> -> memref<1600xi32, #tpu.memory_space<hbm>>
        tpu.wait_dma2 semaphore(%run_scoped3A : memref<!tpu.dma_semaphore, #tpu.memory_space<semaphore_mem>>) src(%arg14 : memref<1600xi32, #tpu.memory_space<vmem>>) dst(%dma_wait3A_75 : memref<1600xi32, #tpu.memory_space<hbm>>)
        tpu.yield
      }) : () -> ()
    }
    %scan3A_56 = arith.constant 16 : i32
    return
  }
}

module attributes {stable_mosaic.version = 14 : i64} {
  func.func @_tc_proj_body(%arg0: i32, %arg1: memref<2048x32xf32, #tpu.memory_space<vmem>>, %arg2: memref<32x32xf32, #tpu.memory_space<vmem>>, %arg3: memref<1x32xf32, #tpu.memory_space<vmem>>, %arg4: memref<2048x32xf32, #tpu.memory_space<vmem>>) attributes {dimension_semantics = [#tpu.dimension_semantics<arbitrary>], iteration_bounds = array<i64: 8>, scalar_prefetch = 0 : i64, scratch_operands = 0 : i64, tpu.core_type = #tpu.core_type<tc>, window_params = [{transform_indices = @transform_0, window_bounds = array<i64: 2048, 32>}, {pipeline_mode = #tpu.pipeline_mode<synchronous>, transform_indices = @transform_1, window_bounds = array<i64: 32, 32>}, {pipeline_mode = #tpu.pipeline_mode<synchronous>, transform_indices = @transform_2, window_bounds = array<i64: 1, 32>}, {transform_indices = @transform_3, window_bounds = array<i64: 2048, 32>}]} {
    %get3A = arith.constant 0 : index
    %get3A_0 = arith.constant 0 : index
    %get3A_1 = vector.load %arg1[%get3A, %get3A_0] : memref<2048x32xf32, #tpu.memory_space<vmem>>, vector<2048x32xf32>
    %mul3A = arith.constant 2.000000e-02 : f32
    %mul3A_2 = vector.broadcast %mul3A : f32 to vector<2048x32xf32>
    %mul3A_3 = arith.mulf %get3A_1, %mul3A_2 : vector<2048x32xf32>
    %get3A_4 = arith.constant 0 : index
    %get3A_5 = arith.constant 0 : index
    %get3A_6 = vector.load %arg2[%get3A_4, %get3A_5] : memref<32x32xf32, #tpu.memory_space<vmem>>, vector<32x32xf32>
    %dot_general3A = arith.constant dense<0.000000e+00> : vector<2048x32xf32>
    %dot_general3A_7 = tpu.matmul %mul3A_3, %get3A_6, %dot_general3A {dimension_numbers = #tpu.dot_dimension_numbers<[1], [1], [0], [0], [0, 0, 1, 0], [], []>, transpose_lhs_hint = false} : vector<2048x32xf32>, vector<32x32xf32>, vector<2048x32xf32> -> vector<2048x32xf32>
    %get3A_8 = arith.constant 0 : index
    %get3A_9 = arith.constant 0 : index
    %get3A_10 = vector.load %arg3[%get3A_8, %get3A_9] : memref<1x32xf32, #tpu.memory_space<vmem>>, vector<1x32xf32>
    %add3A = vector.broadcast %get3A_10 : vector<1x32xf32> to vector<2048x32xf32>
    %add3A_11 = arith.addf %dot_general3A_7, %add3A : vector<2048x32xf32>
    %tanh3A = math.tanh %add3A_11 : vector<2048x32xf32>
    %swap3A = arith.constant 0 : index
    %swap3A_12 = arith.constant 0 : index
    %swap3A_13 = vector.load %arg4[%swap3A, %swap3A_12] : memref<2048x32xf32, #tpu.memory_space<vmem>>, vector<2048x32xf32>
    tpu.vector_store %arg4[%swap3A, %swap3A_12], %tanh3A {strides = array<i32>} : memref<2048x32xf32, #tpu.memory_space<vmem>>, vector<2048x32xf32>,
    return
  }
  func.func @transform_0(%arg0: i32) -> (i32, i32) {
    %c0_i32 = arith.constant 0 : i32
    %c0_i32_0 = arith.constant 0 : i32
    return %arg0, %c0_i32 : i32, i32
  }
  func.func @transform_1(%arg0: i32) -> (i32, i32) {
    %c0_i32 = arith.constant 0 : i32
    %c0_i32_0 = arith.constant 0 : i32
    %c0_i32_1 = arith.constant 0 : i32
    return %c0_i32, %c0_i32_0 : i32, i32
  }
  func.func @transform_2(%arg0: i32) -> (i32, i32) {
    %c0_i32 = arith.constant 0 : i32
    %c0_i32_0 = arith.constant 0 : i32
    %c0_i32_1 = arith.constant 0 : i32
    return %c0_i32, %c0_i32_0 : i32, i32
  }
  func.func @transform_3(%arg0: i32) -> (i32, i32) {
    %c0_i32 = arith.constant 0 : i32
    %c0_i32_0 = arith.constant 0 : i32
    return %arg0, %c0_i32 : i32, i32
  }
}

</mosaic_0001>

<sc_bundles>
// kernel: kernel.5.cloned.1.call-start
scs
__scs_entry_jumppad:
0x0: {  	(pc) =	sbr.rel $0x88, $3  }
0x1: {  	(tag) =	ssettag $0x0;
	lr =	simm.s32 $0x1  }
0x2: {  	[smem:$0x3F9B] =	sst lr;
	_ =	strace $0xD0000000  }
0x3: {  	_ = 	snop  }
0x4: {  	_ = 	snop  }
0x5: {  	_ = 	snop  }
0x6: {  	_ = 	snop  }
0x7: {  	_ = 	snop  }
__scs_overlays_trampoline_lowered:
0x8: {  	[smem:$0x3FAA] =	sst s0  }
0x9: {  	[smem:$0x3FAB] =	sst s1  }
0xa: {  	[smem:$0x3FAC] =	sst s2  }
0xb: {  	[smem:$0x3FAD] =	sst s3  }
0xc: {  	[smem:$0x3FAE] =	sst s4  }
0xd: {  	[smem:$0x3FAF] =	sst s5  }
0xe: {  	[smem:$0x3FB0] =	sst s6  }
0xf: {  	[smem:$0x3FB1] =	sst s7  }
0x10: {  	[smem:$0x3FB2] =	sst s8  }
0x11: {  	[smem:$0x3FB3] =	sst s9;
	s0 =	simm.s32 @!p0 $0x0  }
0x12: {  	s1 =	sld [smem:$0x3F99];
	s0 =	simm.s32 @p0 $0x1  }
0x13: {  	[smem:$0x3FB4] =	sst s0;
	s0 =	simm.s32 @!p1 $0x0  }
0x14: {  	s2 =	sld [smem:$0x3F98];
	s0 =	simm.s32 @p1 $0x1  }
0x15: {  	[smem:$0x3FB5] =	sst s0;
	s0 =	simm.s32 @!p2 $0x0  }
0x16: {  	s3 =	sld [smem:$0x3FDB];
	s0 =	simm.s32 @p2 $0x1  }
0x17: {  	s4 =	simm.s32 $0x1BF5;
	[smem:$0x3FB7] =	sst s0  }
0x18: {  	s0 =	sld [smem:$0x3F9A];
	_ =	swait.ge [sflag:s4], $0x0  }
0x19: {  	s7 =	sld [smem:$0x3F9B]  }
0x1a: {  	s8 =	sadd.s32 $0xFFFFE003, lr  }
0x1b: {  	s9 =	sadd.s32 $0xFFFFFEF7, lr;
	s5 =	simm.s32 $0xFFFFFFFF;
	p2 =	slt.u32 s8, $0xFFFFF086  }
0x1c: {  	p1 =	slt.u32 s9, $0xF7A;
	s5 =	simm.s32 @!p2 $0x0  }
0x1d: {  	s5 =	simm.s32 @p1 $0x1;
	p0 =	seq.s32 s7, s2  }
0x1e: {  	s7 =	smul.u32 @!p0 $0xF7A, s2;
	p2 =	seq.s32 @!p0 s5, $0x0  }
0x1f: {  	s9 =	smul.u32 $0xF7A, s1;
	s8 =	simm.s32 @!p0 $0x1BF5;
	p2 =	por !p2, p0  }
0x20: {  	[sflag:s8] =	ssyncset.s32 @!p0 $0xFFFFF086;
	s6 =	sadd.s32 @!p0 s3, s7;
	s7 =	simm.s32 @!p0 $0x108  }
0x21: {  	s3 =	sadd.s32 s3, s9;
	s6 =	sadd.s32 @!p0 $0x88, s6;
	s7 =	simm.s32 @p2 $0x1082  }
0x22: {  	[simem:s7], [sflag:s8] =	dma.local @!p0 [hbm:s6], $0xF7A  }
0x23: {  	s9 =	sor.u32 $0xD0000000, s2;
	s6 =	simm.s32 $0x108;
	_ =	swait.ge @!p0 [sflag:s8], $0x0  }
0x24: {  	s3 =	sadd.s32 $0x88, s3;
	s6 =	simm.s32 @!p1 $0x1082;
	[sflag:s4] =	ssyncset.s32 $0xFFFFF086  }
0x25: {  	[simem:s6], [sflag:s4] =	dma.local [hbm:s3], $0xF7A  }
0x26: {  	[smem:$0x3F9B] =	sst s1;
	(tag) =	ssettag s2;
	_ =	strace s9  }
0x27: {  	s1 =	sld [smem:$0x3FAB]  }
0x28: {  	s2 =	sld [smem:$0x3FAC]  }
0x29: {  	s4 =	sld [smem:$0x3FAE]  }
0x2a: {  	p0 =	seq.s32 s5, $0x0;
	s5 =	sld [smem:$0x3FAF]  }
0x2b: {  	s6 =	sld [smem:$0x3FB0]  }
0x2c: {  	s7 =	sld [smem:$0x3FB1]  }
0x2d: {  	s3 =	simm.s32 $0x108;
	s8 =	sld [smem:$0x3FB2]  }
0x2e: {  	s3 =	simm.s32 @!p0 $0x1082;
	s9 =	sld [smem:$0x3FB3]  }
0x2f: {  	lr =	sadd.s32 s0, s3;
	s0 =	sld [smem:$0x3FAA]  }
0x30: {  	s3 =	sld [smem:$0x3FAD]  }
0x31: {  	[smem:$0x3FB6] =	sst s10  }
0x32: {  	s10 =	sld [smem:$0x3FB4];
	_ =	sdelay $0x3  }
0x33: {  	p0 =	seq.s32 s10, $0x1;
	s10 =	sld [smem:$0x3FB6];
	_ =	sdelay $0x3  }
0x34: {  	[smem:$0x3FB6] =	sst s10  }
0x35: {  	s10 =	sld [smem:$0x3FB5];
	_ =	sdelay $0x3  }
0x36: {  	p1 =	seq.s32 s10, $0x1;
	s10 =	sld [smem:$0x3FB6];
	_ =	sdelay $0x3  }
0x37: {  	[smem:$0x3FB6] =	sst s10  }
0x38: {  	s10 =	sld [smem:$0x3FB7]  }
0x39: {  	_ = 	snop;
	(pc) =	sbr.ind lr, $3  }
0x3a: {  	_ = 	snop  }
0x3b: {  	_ = 	snop  }
0x3c: {  	p2 =	seq.s32 s10, $0x1;
	s10 =	sld [smem:$0x3FB6]  }
0x3d: {  	_ =	shalt  }
0x3e: {  	_ =	shalt  }
0x3f: {  	_ =	shalt  }
0x40: {  	_ =	shalt  }
0x41: {  	_ =	shalt  }
0x42: {  	_ =	shalt  }
0x43: {  	_ =	shalt  }
0x44: {  	_ =	shalt  }
0x45: {  	_ =	shalt  }
0x46: {  	_ =	shalt  }
0x47: {  	_ =	shalt  }
0x48: {  	_ =	shalt  }
0x49: {  	_ =	shalt  }
0x4a: {  	_ =	shalt  }
0x4b: {  	_ =	shalt  }
0x4c: {  	_ =	shalt  }
0x4d: {  	_ =	shalt  }
0x4e: {  	_ =	shalt  }
0x4f: {  	_ =	shalt  }
0x50: {  	_ =	shalt  }
0x51: {  	_ =	shalt  }
0x52: {  	_ =	shalt  }
0x53: {  	_ =	shalt  }
0x54: {  	_ =	shalt  }
0x55: {  	_ =	shalt  }
0x56: {  	_ =	shalt  }
0x57: {  	_ =	shalt  }
0x58: {  	_ =	shalt  }
0x59: {  	_ =	shalt  }
0x5a: {  	_ =	shalt  }
0x5b: {  	_ =	shalt  }
0x5c: {  	_ =	shalt  }
0x5d: {  	_ =	shalt  }
0x5e: {  	_ =	shalt  }
0x5f: {  	_ =	shalt  }
0x60: {  	_ =	shalt  }
0x61: {  	_ =	shalt  }
0x62: {  	_ =	shalt  }
0x63: {  	_ =	shalt  }
0x64: {  	_ =	shalt  }
0x65: {  	_ =	shalt  }
0x66: {  	_ =	shalt  }
0x67: {  	_ =	shalt  }
0x68: {  	_ =	shalt  }
0x69: {  	_ =	shalt  }
0x6a: {  	_ =	shalt  }
0x6b: {  	_ =	shalt  }
0x6c: {  	_ =	shalt  }
0x6d: {  	_ =	shalt  }
0x6e: {  	_ =	shalt  }
0x6f: {  	_ =	shalt  }
0x70: {  	_ =	shalt  }
0x71: {  	_ =	shalt  }
0x72: {  	_ =	shalt  }
0x73: {  	_ =	shalt  }
0x74: {  	_ =	shalt  }
0x75: {  	_ =	shalt  }
0x76: {  	_ =	shalt  }
0x77: {  	_ =	shalt  }
0x78: {  	_ =	shalt  }
0x79: {  	_ =	shalt  }
0x7a: {  	_ =	shalt  }
0x7b: {  	_ =	shalt  }
0x7c: {  	_ =	shalt  }
0x7d: {  	_ =	shalt  }
0x7e: {  	_ =	shalt  }
0x7f: {  	_ =	shalt  }
0x80: {  	_ =	shalt  }
0x81: {  	_ =	shalt  }
0x82: {  	_ =	shalt  }
0x83: {  	_ =	shalt  }
0x84: {  	_ =	shalt  }
0x85: {  	_ =	shalt  }
0x86: {  	_ =	shalt  }
0x87: {  	_ =	shalt  }
.Lfunc_end0:
.L_simem_size_0:
called_computation_lowered:
.L_overlay_start_0:
0x88: {  	s2 =	sld [smem:$0x3FD9]  }
0x89: {  	s3 =	sld [smem:$0x3FFE];
	_ =	sdelay $0x1  }
0x8a: {  	s1 =	srdreg.scid  }
0x8b: {  	s0 =	sand.u32 $0x1, s1  }
0x8c: {  	s14 =	sshll.u32 s0, $0xA;
	s2 =	sadd.s32 s3, s2  }
0x8d: {  	s2 =	sadd.s32 s2, s14  }
0x8e: {  	[smem:$0x3FC2] =	sst s2  }
0x8f: {  	_ = 	snop  }
0x90: {  	s2 =	sld [smem:$0x3FD0];
	_ =	sdelay $0x2  }
0x91: {  	s4 =	simm.s32 $0xA;
	s5 =	simm.s32 $0x10;
	s15 =	sld [smem:$0x3FC7]  }
0x92: {  	[smem:s5], [sflag:s4] =	dma.local [hbm:s2], $0x1  }
0x93: {  	_ =	swait.eq [sflag:s4], $0x1  }
0x94: {  	[sflag:s4] =	ssyncset.done $0x0  }
0x95: {  	[sflag:s4] =	ssyncadd.s32 $0xFFFFFFFF  }
0x96: {  	s16 =	sld [smem:$0x11];
	(tm) =	ssettm $0x1  }
0x97: {  	s17 =	sld [smem:$0x3FFB];
	_ =	sdelay $0x3  }
0x98: {  	_ =	strace s17  }
0x99: {  	s4 =	sld [smem:$0x3FFC];
	_ =	sdelay $0x3  }
0x9a: {  	_ =	strace s4  }
0x9b: {  	s4 =	sld [smem:$0x3FFD];
	_ =	sdelay $0x3  }
0x9c: {  	_ =	strace s4  }
0x9d: {  	_ =	strace $0x8FFFFFFF  }
0x9e: {  	s18 =	sld [smem:$0x3FDB];
	_ =	sdelay $0x1  }
0x9f: {  	s19 =	simm.s32 $_scs_section_size  }
0xa0: {  	s6 =	simm.s32 $_size__tile_overlayer_lowered;
	s7 =	simm.s32 $_tile_overlayer_lowered  }
0xa1: {  	s22 =	simm.s32 $0x1BFF;
	s21 =	sshll.u32 s7, $0x1;
	s4 =	sadd.s32 s19, s18  }
0xa2: {  	s8 =	simm.s32 $0x0;
	s20 =	sshll.u32 s6, $0x1;
	s6 =	sadd.s32 s21, s4  }
0xa3: {  	[timem:s8], [sflag:s22] =	dma.local [hbm:s6], s20  }
0xa4: {  	_ =	swait.ge [sflag:s22], s20  }
0xa5: {  	s5 =	ssub.s32 $0x0, s20;
	[sflag:s22] =	ssyncset.done $0x0  }
0xa6: {  	[sflag:s22] =	ssyncadd.s32 s5;
	_ =	sdelay $0x1  }
0xa7: {  	s23 =	simm.s32 $0x1B8B  }
0xa8: {  	_ =	swait.ge [sflag:s23], $0x1  }
0xa9: {  	[sflag:s23] =	ssyncset.done $0x0  }
0xaa: {  	s25 =	simm.s32 $0x1B8E;
	s24 =	sld [smem:$0x3FFE];
	[sflag:s23] =	ssyncadd.s32 $0xFFFFFFFF  }
0xab: {  	s26 =	simm.s32 $execute0_lowered;
	[smem:$0x3FD2] =	sst s25  }
0xac: {  	s6 =	sshll.u32 s26, $0x1;
	_ =	strace $0x80000046;
	[dreg:$0x1] =	wrdreg $0xFFFFFFFF  }
0xad: {  	s28 =	simm.s32 $_size_execute0_lowered;
	s4 =	sadd.s32 s4, s6;
	[dreg:$0x0] =	wrdreg $0x0  }
0xae: {  	s6 =	sshll.u32 s28, $0x1;
	[dreg:$0x2] =	wrdreg s4  }
0xaf: {  	[dreg:$0x3] =	wrdreg s6  }
0xb0: {  	[dreg:$0x4] =	wrdreg $0xC0  }
0xb1: {  	_ =	task [dreg:s8], $0x5FFFF  }
0xb2: {  	[dreg:$0x1] =	wrdreg $0xFFFFFFFF  }
0xb3: {  	[dreg:$0x0] =	wrdreg $0x60  }
0xb4: {  	[dreg:$0x2] =	wrdreg s15  }
0xb5: {  	[dreg:$0x3] =	wrdreg s16  }
0xb6: {  	[dreg:$0x4] =	wrdreg s24  }
0xb7: {  	[dreg:$0x5] =	wrdreg $0x9  }
0xb8: {  	_ =	task.clear_ibuf [dreg:s8], $0x6FFFF;
	_ =	strace $0x90000046  }
0xb9: {  	s29 =	simm.s32 $0x9;
	_ =	strace $0x80000048  }
0xba: {  	_ =	swait.ge [sflag:s29], $0x1  }
0xbb: {  	[sflag:s29] =	ssyncadd.s32 $0xFFFFFFFF  }
0xbc: {  	_ =	strace $0x90000048  }
0xbd: {  	_ =	sfence  }
0xbe: {  	s30 =	sld [smem:$0x0];
	_ =	sdelay $0x2  }
0xbf: {  	s31 =	sshll.u32 s1, $0xD;
	s1 =	sshrl.u32 s1, $0x2  }
0xc0: {  	s3 =	sand.u32 $0x4000, s31;
	s1 =	sadd.s32 s1, s30  }
0xc1: {  	s0 =	sor.u32 s3, s0;
	s1 =	sshll.u32 s1, $0x11  }
0xc2: {  	s0 =	sor.u32 s1, s0  }
0xc3: {  	s0 =	sadd.s32 $0x8F2B, s0  }
0xc4: {  	[sflag:s0] =	ssyncadd.remote.s32 $0x1  }
0xc5: {  	_ =	sfence.sel $0xFFFF  }
0xc6: {  	[dreg:$0x0] =	wrdreg $0xFFFFFFFF;
	(pc) =	sbr.abs _section_cstart, $3  }
0xc7: {  	[dreg:$0x1] =	wrdreg $0xFFFFFFFF  }
0xc8: {  	_ =	task.clear_ibuf [dreg:s8], $0x2FFFF;
	_ =	strace $0x9FFFFFFF  }
0xc9: {  	(tm) =	ssettm $0x7FFFFFFF  }
tec
execute0_lowered:
.L_overlay_start_1:
0x0: {  	(tag) =	ssettag $0x1  }
0x1: {  	s22 =	rddreg [dreg:$0x0]  }
0x2: {  	s0 =	rddreg [dreg:$0x2];
	s1 =	srdreg.scid;
	s6 =	simm.s32 $0x0  }
0x3: {  	s2 =	stileid.u32;
	[smem:$0x7FF] =	sst s6  }
0x4: {  	s7 =	sadd.s32 $0x1600, s0;
	s3 =	sadd.s32 $0x41600, s0;
	s8 =	sadd.s32 $0x412000, s0  }
0x5: {  	s0 =	sadd.s32 $0x411E00, s0;
	_ =	strace $0x80000047;
	[dreg:$0xa] =	wrdreg s3  }
0x6: {  	s1 =	sand.u32 $0x1, s1;
	s2 =	sshll.u32 s2, $0x1;
	[dreg:$0x10] =	wrdreg s0  }
0x7: {  	s5 =	sor.u32 s1, s2;
	[dreg:$0x9] =	wrdreg s7  }
0x8: {  	s1 =	ssub.s32 $0x2, s1;
	[dreg:$0xb] =	wrdreg s8;
	s2 =	smul.u32 $0x1800, s5  }
0x9: {  	s28 =	smul.u32 $0x300, s5;
	s29 =	sor.u32 $0x40, s5;
	[dreg:$0x8] =	wrdreg s5  }
0xa: {  	s4 =	sshrl.u32 s1, $0x1;
	s30 =	sor.u32 $0x60, s5;
	[dreg:$0xe] =	wrdreg s29  }
0xb: {  	s9 =	sshll.u32 s5, $0x9;
	s1 =	ssub.s32 s1, s4;
	[dreg:$0xf] =	wrdreg s30  }
0xc: {  	[dreg:$0x11] =	wrdreg s9;
	s2 =	sshrl.u32 s2, $0x3;
	s3 =	sadd.s32 s22, s28  }
0xd: {  	s31 =	smax.u32 s1, $0x1;
	[dreg:$0xc] =	wrdreg s3;
	s2 =	sadd.s32 s22, s2  }
0xe: {  	v0 =	vlaneseq.u32;
	[dreg:$0x12] =	wrdreg s31;
	s2 =	sadd.s32 $0x6000, s2  }
0xf: {  	s20 =	simm.s32 $0xC000;
	v0 =	vmul.u32 $0x20, v0;
	s1 =	simm.s32 $0x0;
	[dreg:$0xd] =	wrdreg s2  }
.LBB2_1:
0x10: {  	[dreg:$0x13] =	wrdreg s1  }
0x11: {  	s0 =	rddreg [dreg:$0xc];
	s29 =	simm.s32 $0x1800  }
0x12: {  	s2 =	simm.s32 $0x7A1400;
	s30 =	rddreg [dreg:$0xd];
	s31 =	simm.s32 $0x0  }
0x13: {  	[tilespmem:s6], [sflag:$0x1] =	stream.strided.gather [hbm4b:s0+s29], $0x6000, s2, s29, $0x38;
	[tilespmem:$0x1BE80] =	vst v63  }
0x14: {  	s3 =	simm.s32 $0x6000;
	[dreg:$0x14] =	wrdreg s31  }
0x15: {  	[tilespmem:s3], [sflag:$0x2] =	stream.strided.gather [hbm4b:s30+s29], $0x6000, s2, s29, $0x38;
	[tilespmem:$0x1BE80] =	vst v63  }
.LBB2_2:
0x16: {  	s1 =	simm.s32 $0x1  }
0x17: {  	s0 =	simm.s32 $0x10;
	s2 =	simm.s32 $0x0;
	_ =	swait.ge [sflag:s1], $0x6000  }
0x18: {  	s15 =	sand.u32 $0x70, s0;
	s6 =	sand.u32 $0x1C00, s2;
	[sflag:s1] =	ssyncset.done $0x0  }
0x19: {  	s25 =	simm.s32 $0x200;
	s3 =	sor.u32 s15, s6;
	[sflag:s1] =	ssyncadd.s32 $0xFFFFA000  }
0x1a: {  	v2 =	vor.u32 s25, v0;
	v1 =	vld [tilespmem:s3+$0x0];
	_ =	sdelay $0x4  }
0x1b: {  	s26 =	simm.s32 $0x201;
	[tilespmem:v2+s20+$0x0] =	vst.idx.msk $0xffff, v1  }
0x1c: {  	v2 =	vor.u32 s26, v0;
	v1 =	vld [tilespmem:s3+$0x80];
	_ =	sdelay $0x4  }
0x1d: {  	s29 =	simm.s32 $0x202;
	[tilespmem:v2+s20+$0x0] =	vst.idx.msk $0xffff, v1  }
0x1e: {  	v2 =	vor.u32 s29, v0;
	v1 =	vld [tilespmem:s3+$0x100];
	_ =	sdelay $0x2  }
0x1f: {  	s22 =	sand.u32 $0x60, s2  }
0x20: {  	s4 =	simm.s32 $0x0;
	s5 =	sor.u32 s22, s6  }
0x21: {  	s31 =	simm.s32 $0x203;
	v3 =	vor.u32 s4, v0;
	v4 =	vld [tilespmem:s5+$0x0];
	[tilespmem:v2+s20+$0x0] =	vst.idx.msk $0xffff, v1  }
0x22: {  	v2 =	vor.u32 s31, v0;
	v1 =	vld [tilespmem:s3+$0x180];
	_ =	sdelay $0x3  }
0x23: {  	s7 =	simm.s32 $0x1;
	[tilespmem:v3+s20+$0x0] =	vst.idx.msk $0xffff, v4  }
0x24: {  	s1 =	simm.s32 $0x204;
	v3 =	vor.u32 s7, v0;
	v4 =	vld [tilespmem:s5+$0x80];
	[tilespmem:v2+s20+$0x0] =	vst.idx.msk $0xffff, v1  }
0x25: {  	v2 =	vor.u32 s1, v0;
	v1 =	vld [tilespmem:s3+$0x200];
	_ =	sdelay $0x3  }
0x26: {  	s10 =	simm.s32 $0x2;
	[tilespmem:v3+s20+$0x0] =	vst.idx.msk $0xffff, v4  }
0x27: {  	s8 =	simm.s32 $0x205;
	v3 =	vor.u32 s10, v0;
	v4 =	vld [tilespmem:s5+$0x100];
	[tilespmem:v2+s20+$0x0] =	vst.idx.msk $0xffff, v1  }
0x28: {  	s7 =	simm.s32 $0x0;
	v2 =	vor.u32 s8, v0;
	v1 =	vld [tilespmem:s3+$0x280]  }
0x29: {  	s9 =	sand.u32 $0x7, s7  }
0x2a: {  	s3 =	sshll.u32 s9, $0x4  }
0x2b: {  	s3 =	sadd.s32 $0x0, s3  }
0x2c: {  	s12 =	simm.s32 $0x3;
	[tilespmem:v3+s20+$0x0] =	vst.idx.msk $0xffff, v4;
	s3 =	sadd.s32 $0x10, s3  }
0x2d: {  	s11 =	simm.s32 $0x206;
	v3 =	vor.u32 s12, v0;
	v4 =	vld [tilespmem:s5+$0x180];
	s3 =	sor.u32 $0x300, s3;
	[tilespmem:v2+s20+$0x0] =	vst.idx.msk $0xffff, v1  }
0x2e: {  	v2 =	vor.u32 s11, v0;
	v1 =	vld [tilespmem:s3+$0x0];
	_ =	sdelay $0x3  }
0x2f: {  	s14 =	simm.s32 $0x4;
	s0 =	sor.u32 s0, s2;
	[tilespmem:v3+s20+$0x0] =	vst.idx.msk $0xffff, v4  }
0x30: {  	s13 =	simm.s32 $0x207;
	s0 =	sor.u32 $0x380, s0;
	v3 =	vor.u32 s14, v0;
	v4 =	vld [tilespmem:s5+$0x200];
	[tilespmem:v2+s20+$0x0] =	vst.idx.msk $0xffff, v1  }
0x31: {  	v2 =	vor.u32 s13, v0;
	v1 =	vld [tilespmem:s0+$0x0];
	_ =	sdelay $0x3  }
0x32: {  	s19 =	simm.s32 $0x5;
	s16 =	sadd.s32 $0x1800, s6;
	[tilespmem:v3+s20+$0x0] =	vst.idx.msk $0xffff, v4  }
0x33: {  	s18 =	simm.s32 $0x208;
	s17 =	sor.u32 s15, s16;
	v3 =	vor.u32 s19, v0;
	v4 =	vld [tilespmem:s5+$0x280];
	[tilespmem:v2+s20+$0x0] =	vst.idx.msk $0xffff, v1  }
0x34: {  	v2 =	vor.u32 s18, v0;
	v1 =	vld [tilespmem:s17+$0x0]  }
0x35: {  	s21 =	sand.u32 $0x3, s7  }
0x36: {  	s3 =	sshll.u32 s21, $0x5  }
0x37: {  	s3 =	sadd.s32 $0x0, s3  }
0x38: {  	s25 =	simm.s32 $0x6;
	s5 =	sadd.s32 $0x1880, s6;
	[tilespmem:v3+s20+$0x0] =	vst.idx.msk $0xffff, v4;
	s3 =	sor.u32 $0x300, s3  }
0x39: {  	s24 =	simm.s32 $0x209;
	s23 =	sor.u32 s15, s5;
	v3 =	vor.u32 s25, v0;
	v4 =	vld [tilespmem:s3+$0x0];
	[tilespmem:v2+s20+$0x0] =	vst.idx.msk $0xffff, v1  }
0x3a: {  	v2 =	vor.u32 s24, v0;
	v1 =	vld [tilespmem:s23+$0x0];
	_ =	sdelay $0x2  }
0x3b: {  	s2 =	sor.u32 s2, s2  }
0x3c: {  	s2 =	sor.u32 $0x380, s2;
	s31 =	simm.s32 $0x7;
	s13 =	sadd.s32 $0x1900, s6;
	[tilespmem:v3+s20+$0x0] =	vst.idx.msk $0xffff, v4  }
0x3d: {  	s29 =	simm.s32 $0x20A;
	s26 =	sor.u32 s15, s13;
	v3 =	vor.u32 s31, v0;
	v4 =	vld [tilespmem:s2+$0x0];
	[tilespmem:v2+s20+$0x0] =	vst.idx.msk $0xffff, v1  }
0x3e: {  	v2 =	vor.u32 s29, v0;
	v1 =	vld [tilespmem:s26+$0x0]  }
0x3f: {  	s4 =	simm.s32 $0x100;
	s8 =	simm.s32 $0x30  }
0x40: {  	s3 =	sand.u32 $0x70, s8;
	s2 =	sand.u32 $0x1C00, s4  }
0x41: {  	s11 =	simm.s32 $0x600;
	s10 =	sor.u32 s3, s2  }
0x42: {  	s12 =	sadd.s32 $0x1980, s6;
	s14 =	simm.s32 $0x8;
	v6 =	vor.u32 s11, v0;
	s0 =	sor.u32 s22, s16;
	v5 =	vld [tilespmem:s10+$0x0];
	[tilespmem:v3+s20+$0x0] =	vst.idx.msk $0xffff, v4  }
0x43: {  	s1 =	simm.s32 $0x20B;
	s9 =	sor.u32 s15, s12;
	v3 =	vor.u32 s14, v0;
	v4 =	vld [tilespmem:s0+$0x0];
	[tilespmem:v2+s20+$0x0] =	vst.idx.msk $0xffff, v1  }
0x44: {  	v2 =	vor.u32 s1, v0;
	v1 =	vld [tilespmem:s9+$0x0];
	_ =	sdelay $0x2  }
0x45: {  	s18 =	simm.s32 $0x601;
	[tilespmem:v6+s20+$0x0] =	vst.idx.msk $0xffff, v5  }
0x46: {  	s19 =	simm.s32 $0x9;
	s21 =	sor.u32 s22, s5;
	s0 =	sadd.s32 $0x1A00, s6;
	v6 =	vor.u32 s18, v0;
	v5 =	vld [tilespmem:s10+$0x80];
	[tilespmem:v3+s20+$0x0] =	vst.idx.msk $0xffff, v4  }
0x47: {  	s17 =	simm.s32 $0x20C;
	s16 =	sor.u32 s15, s0;
	v3 =	vor.u32 s19, v0;
	v4 =	vld [tilespmem:s21+$0x0];
	[tilespmem:v2+s20+$0x0] =	vst.idx.msk $0xffff, v1  }
0x48: {  	s5 =	simm.s32 $0x20;
	v2 =	vor.u32 s17, v0;
	v1 =	vld [tilespmem:s16+$0x0]  }
0x49: {  	s9 =	sand.u32 $0x60, s5  }
0x4a: {  	s14 =	simm.s32 $0x400;
	s7 =	sor.u32 s9, s2  }
0x4b: {  	v7 =	vor.u32 s14, v0;
	[tilespmem:v6+s20+$0x0] =	vst.idx.msk $0xffff, v5;
	v8 =	vld [tilespmem:s7+$0x0];
	s17 =	simm.s32 $0x602  }
0x4c: {  	s11 =	sadd.s32 $0x1A80, s6;
	s13 =	sor.u32 s22, s13;
	s24 =	simm.s32 $0xA;
	v5 =	vld [tilespmem:s10+$0x100];
	[tilespmem:v3+s20+$0x0] =	vst.idx.msk $0xffff, v4;
	v6 =	vor.u32 s17, v0  }
0x4d: {  	s23 =	sor.u32 s15, s11;
	v3 =	vor.u32 s24, v0;
	v4 =	vld [tilespmem:s13+$0x0];
	s16 =	simm.s32 $0x20D;
	[tilespmem:v2+s20+$0x0] =	vst.idx.msk $0xffff, v1  }
0x4e: {  	v2 =	vor.u32 s16, v0;
	v1 =	vld [tilespmem:s23+$0x0];
	_ =	sdelay $0x1  }
0x4f: {  	s25 =	simm.s32 $0x401;
	[tilespmem:v7+s20+$0x0] =	vst.idx.msk $0xffff, v8  }
0x50: {  	s31 =	simm.s32 $0x603;
	v7 =	vor.u32 s25, v0;
	v8 =	vld [tilespmem:s7+$0x80];
	[tilespmem:v6+s20+$0x0] =	vst.idx.msk $0xffff, v5  }
0x51: {  	s12 =	sor.u32 s22, s12;
	s13 =	sadd.s32 $0x1B00, s6;
	s1 =	simm.s32 $0xB;
	[tilespmem:v3+s20+$0x0] =	vst.idx.msk $0xffff, v4;
	v6 =	vor.u32 s31, v0;
	v5 =	vld [tilespmem:s10+$0x180]  }
0x52: {  	s29 =	simm.s32 $0x20E;
	s26 =	sor.u32 s15, s13;
	v3 =	vor.u32 s1, v0;
	v4 =	vld [tilespmem:s12+$0x0];
	[tilespmem:v2+s20+$0x0] =	vst.idx.msk $0xffff, v1  }
0x53: {  	v2 =	vor.u32 s29, v0;
	v1 =	vld [tilespmem:s26+$0x0];
	_ =	sdelay $0x1  }
0x54: {  	s16 =	simm.s32 $0x402;
	[tilespmem:v7+s20+$0x0] =	vst.idx.msk $0xffff, v8  }
0x55: {  	s19 =	simm.s32 $0x604;
	v7 =	vor.u32 s16, v0;
	v8 =	vld [tilespmem:s7+$0x100];
	[tilespmem:v6+s20+$0x0] =	vst.idx.msk $0xffff, v5  }
0x56: {  	s0 =	sor.u32 s22, s0;
	s21 =	simm.s32 $0xC;
	s12 =	sadd.s32 $0x1B80, s6;
	[tilespmem:v3+s20+$0x0] =	vst.idx.msk $0xffff, v4;
	v6 =	vor.u32 s19, v0;
	v5 =	vld [tilespmem:s10+$0x200]  }
0x57: {  	s18 =	simm.s32 $0x20F;
	s17 =	sor.u32 s15, s12;
	v3 =	vor.u32 s21, v0;
	v4 =	vld [tilespmem:s0+$0x0];
	[tilespmem:v2+s20+$0x0] =	vst.idx.msk $0xffff, v1  }
0x58: {  	v2 =	vor.u32 s18, v0;
	v1 =	vld [tilespmem:s17+$0x0];
	_ =	sdelay $0x1  }
0x59: {  	s23 =	simm.s32 $0x403;
	[tilespmem:v7+s20+$0x0] =	vst.idx.msk $0xffff, v8  }
0x5a: {  	s11 =	sor.u32 s22, s11;
	s26 =	simm.s32 $0x605;
	v7 =	vor.u32 s23, v0;
	v8 =	vld [tilespmem:s7+$0x180];
	[tilespmem:v6+s20+$0x0] =	vst.idx.msk $0xffff, v5  }
0x5b: {  	s0 =	sadd.s32 $0x3000, s6;
	s31 =	simm.s32 $0xD;
	[tilespmem:v3+s20+$0x0] =	vst.idx.msk $0xffff, v4;
	s29 =	simm.s32 $0x2;
	v6 =	vor.u32 s26, v0;
	v5 =	vld [tilespmem:s10+$0x280]  }
0x5c: {  	s25 =	simm.s32 $0x210;
	s24 =	sor.u32 s15, s0;
	v3 =	vor.u32 s31, v0;
	v4 =	vld [tilespmem:s11+$0x0];
	s10 =	sand.u32 $0x7, s29;
	[tilespmem:v2+s20+$0x0] =	vst.idx.msk $0xffff, v1  }
0x5d: {  	s10 =	sshll.u32 s10, $0x4;
	v2 =	vor.u32 s25, v0;
	v1 =	vld [tilespmem:s24+$0x0]  }
0x5e: {  	s10 =	sadd.s32 $0x100, s10  }
0x5f: {  	s1 =	simm.s32 $0x404;
	[tilespmem:v7+s20+$0x0] =	vst.idx.msk $0xffff, v8;
	s10 =	sadd.s32 $0x10, s10  }
0x60: {  	s18 =	simm.s32 $0x606;
	v7 =	vor.u32 s1, v0;
	v8 =	vld [tilespmem:s7+$0x200];
	s10 =	sor.u32 $0x300, s10;
	[tilespmem:v6+s20+$0x0] =	vst.idx.msk $0xffff, v5  }
0x61: {  	s13 =	sor.u32 s22, s13;
	s11 =	sadd.s32 $0x3080, s6;
	s19 =	simm.s32 $0xE;
	[tilespmem:v3+s20+$0x0] =	vst.idx.msk $0xffff, v4;
	v6 =	vor.u32 s18, v0;
	v5 =	vld [tilespmem:s10+$0x0]  }
0x62: {  	s16 =	sor.u32 s15, s11;
	v3 =	vor.u32 s19, v0;
	v4 =	vld [tilespmem:s13+$0x0];
	s17 =	simm.s32 $0x211;
	[tilespmem:v2+s20+$0x0] =	vst.idx.msk $0xffff, v1  }
0x63: {  	v2 =	vor.u32 s17, v0;
	v1 =	vld [tilespmem:s16+$0x0];
	_ =	sdelay $0x1  }
0x64: {  	s21 =	simm.s32 $0x405;
	s23 =	sor.u32 s8, s4;
	[tilespmem:v7+s20+$0x0] =	vst.idx.msk $0xffff, v8  }
0x65: {  	s12 =	sor.u32 s22, s12;
	s29 =	simm.s32 $0x607;
	v7 =	vor.u32 s21, v0;
	v8 =	vld [tilespmem:s7+$0x280];
	s7 =	sor.u32 $0x380, s23;
	[tilespmem:v6+s20+$0x0] =	vst.idx.msk $0xffff, v5  }
0x66: {  	s26 =	simm.s32 $0x1;
	s1 =	simm.s32 $0xF;
	[tilespmem:v3+s20+$0x0] =	vst.idx.msk $0xffff, v4;
	s10 =	sadd.s32 $0x3100, s6;
	v6 =	vor.u32 s29, v0;
	v5 =	vld [tilespmem:s7+$0x0]  }
0x67: {  	s31 =	sand.u32 $0x3, s26;
	v3 =	vor.u32 s1, v0;
	v4 =	vld [tilespmem:s12+$0x0];
	s25 =	simm.s32 $0x212;
	s24 =	sor.u32 s15, s10;
	[tilespmem:v2+s20+$0x0] =	vst.idx.msk $0xffff, v1  }
0x68: {  	s8 =	sshll.u32 s31, $0x5;
	v2 =	vor.u32 s25, v0;
	v1 =	vld [tilespmem:s24+$0x0]  }
0x69: {  	s13 =	sadd.s32 $0x100, s8  }
0x6a: {  	s14 =	simm.s32 $0x406;
	s17 =	sadd.s32 $0x1800, s2;
	s16 =	sor.u32 $0x300, s13;
	[tilespmem:v7+s20+$0x0] =	vst.idx.msk $0xffff, v8  }
0x6b: {  	s23 =	simm.s32 $0x608;
	s21 =	sor.u32 s3, s17;
	v7 =	vor.u32 s14, v0;
	v8 =	vld [tilespmem:s16+$0x0];
	[tilespmem:v6+s20+$0x0] =	vst.idx.msk $0xffff, v5  }
0x6c: {  	s0 =	sor.u32 s22, s0;
	[tilespmem:v3+s20+$0x0] =	vst.idx.msk $0xffff, v4;
	s7 =	sadd.s32 $0x3180, s6;
	v6 =	vor.u32 s23, v0;
	v5 =	vld [tilespmem:s21+$0x0];
	s24 =	simm.s32 $0x10  }
0x6d: {  	s19 =	simm.s32 $0x213;
	v4 =	vld [tilespmem:s0+$0x0];
	s18 =	sor.u32 s15, s7;
	v3 =	vor.u32 s24, v0;
	[tilespmem:v2+s20+$0x0] =	vst.idx.msk $0xffff, v1  }
0x6e: {  	v2 =	vor.u32 s19, v0;
	v1 =	vld [tilespmem:s18+$0x0]  }
0x6f: {  	s4 =	sor.u32 s5, s4  }
0x70: {  	s5 =	sor.u32 $0x380, s4;
	s12 =	sadd.s32 $0x1880, s2;
	s25 =	simm.s32 $0x407;
	[tilespmem:v7+s20+$0x0] =	vst.idx.msk $0xffff, v8  }
0x71: {  	s1 =	simm.s32 $0x609;
	s31 =	sor.u32 s3, s12;
	v7 =	vor.u32 s25, v0;
	v8 =	vld [tilespmem:s5+$0x0];
	[tilespmem:v6+s20+$0x0] =	vst.idx.msk $0xffff, v5  }
0x72: {  	s11 =	sor.u32 s22, s11;
	s4 =	sadd.s32 $0x3200, s6;
	s5 =	simm.s32 $0x11;
	v6 =	vor.u32 s1, v0;
	v5 =	vld [tilespmem:s31+$0x0];
	[tilespmem:v3+s20+$0x0] =	vst.idx.msk $0xffff, v4  }
0x73: {  	s26 =	sor.u32 s15, s4;
	s29 =	simm.s32 $0x214;
	v3 =	vor.u32 s5, v0;
	v4 =	vld [tilespmem:s11+$0x0];
	[tilespmem:v2+s20+$0x0] =	vst.idx.msk $0xffff, v1  }
0x74: {  	v2 =	vor.u32 s29, v0;
	v1 =	vld [tilespmem:s26+$0x0];
	_ =	sdelay $0x1  }
0x75: {  	s13 =	simm.s32 $0x408;
	s14 =	sor.u32 s9, s17;
	s21 =	sadd.s32 $0x1900, s2;
	[tilespmem:v7+s20+$0x0] =	vst.idx.msk $0xffff, v8  }
0x76: {  	s25 =	sor.u32 s3, s21;
	v7 =	vor.u32 s13, v0;
	v8 =	vld [tilespmem:s14+$0x0];
	[tilespmem:v6+s20+$0x0] =	vst.idx.msk $0xffff, v5;
	s26 =	simm.s32 $0x60A  }
0x77: {  	s10 =	sor.u32 s22, s10;
	s19 =	sadd.s32 $0x3280, s6;
	s18 =	simm.s32 $0x12;
	v5 =	vld [tilespmem:s25+$0x0];
	[tilespmem:v3+s20+$0x0] =	vst.idx.msk $0xffff, v4;
	v6 =	vor.u32 s26, v0  }
0x78: {  	s17 =	simm.s32 $0x215;
	s16 =	sor.u32 s15, s19;
	v3 =	vor.u32 s18, v0;
	v4 =	vld [tilespmem:s10+$0x0];
	[tilespmem:v2+s20+$0x0] =	vst.idx.msk $0xffff, v1  }
0x79: {  	v2 =	vor.u32 s17, v0;
	v1 =	vld [tilespmem:s16+$0x0]  }
0x7a: {  	s8 =	simm.s32 $0x50;
	s31 =	sor.u32 s9, s12;
	s14 =	simm.s32 $0x200  }
0x7b: {  	s13 =	sand.u32 $0x1C00, s14;
	s29 =	simm.s32 $0x409;
	[tilespmem:v7+s20+$0x0] =	vst.idx.msk $0xffff, v8;
	s10 =	sand.u32 $0x70, s8  }
0x7c: {  	v7 =	vor.u32 s29, v0;
	s26 =	sadd.s32 $0x1980, s2;
	v8 =	vld [tilespmem:s31+$0x0];
	s31 =	simm.s32 $0xA00;
	s12 =	sor.u32 s10, s13;
	[tilespmem:v6+s20+$0x0] =	vst.idx.msk $0xffff, v5  }
0x7d: {  	s18 =	sadd.s32 $0x3300, s6;
	s25 =	sor.u32 s3, s26;
	s16 =	simm.s32 $0x60B;
	[tilespmem:v3+s20+$0x0] =	vst.idx.msk $0xffff, v4;
	v3 =	vld [tilespmem:s12+$0x0];
	v4 =	vor.u32 s31, v0  }
0x7e: {  	s1 =	simm.s32 $0x216;
	s29 =	sor.u32 s15, s18;
	v5 =	vld [tilespmem:s25+$0x0];
	v6 =	vor.u32 s16, v0;
	[tilespmem:v2+s20+$0x0] =	vst.idx.msk $0xffff, v1  }
0x7f: {  	s28 =	simm.s32 $0x40;
	s7 =	sor.u32 s22, s7;
	s23 =	simm.s32 $0x13;
	v2 =	vor.u32 s1, v0;
	v1 =	vld [tilespmem:s29+$0x0]  }
0x80: {  	v9 =	vor.u32 s23, v0;
	s23 =	sor.u32 s22, s4;
	s4 =	sor.u32 s22, s19;
	s25 =	sand.u32 $0x60, s28  }
0x81: {  	s19 =	sadd.s32 $0x1A00, s2;
	v10 =	vld [tilespmem:s7+$0x0];
	[tilespmem:v7+s20+$0x0] =	vst.idx.msk $0xffff, v8;
	s11 =	sor.u32 s25, s13;
	s1 =	simm.s32 $0x800  }
0x82: {  	s24 =	simm.s32 $0x40A;
	s21 =	sor.u32 s9, s21;
	s31 =	sor.u32 s3, s19;
	v8 =	vld [tilespmem:s11+$0x0];
	[tilespmem:v4+s20+$0x0] =	vst.idx.msk $0xffff, v3;
	v7 =	vor.u32 s1, v0  }
0x83: {  	v11 =	vor.u32 s24, v0;
	s7 =	sadd.s32 $0x3380, s6;
	s28 =	sor.u32 s28, s14;
	v12 =	vld [tilespmem:s21+$0x0];
	[tilespmem:v6+s20+$0x0] =	vst.idx.msk $0xffff, v5;
	s1 =	simm.s32 $0x60C  }
0x84: {  	s24 =	sor.u32 s15, s7;
	s29 =	simm.s32 $0x217;
	v5 =	vld [tilespmem:s31+$0x0];
	v3 =	vor.u32 s1, v0;
	s31 =	sor.u32 $0x380, s28;
	[tilespmem:v2+s20+$0x0] =	vst.idx.msk $0xffff, v1  }
0x85: {  	v2 =	vor.u32 s29, v0;
	v1 =	vld [tilespmem:s24+$0x0];
	s24 =	simm.s32 $0xA01;
	[dreg:$0x17] =	wrdreg s31  }
0x86: {  	s0 =	simm.s32 $0x40B;
	s5 =	simm.s32 $0x15;
	s17 =	simm.s32 $0x14;
	[tilespmem:v9+s20+$0x0] =	vst.idx.msk $0xffff, v10;
	v4 =	vld [tilespmem:s12+$0x80];
	v6 =	vor.u32 s24, v0  }
0x87: {  	s19 =	sor.u32 s9, s19;
	s16 =	simm.s32 $0x40C;
	s29 =	simm.s32 $0x801;
	v9 =	vor.u32 s17, v0;
	[tilespmem:v7+s20+$0x0] =	vst.idx.msk $0xffff, v8;
	v10 =	vld [tilespmem:s23+$0x0]  }
0x88: {  	s1 =	sor.u32 s9, s26;
	s26 =	sadd.s32 $0x4800, s6;
	s28 =	sadd.s32 $0x1A80, s2;
	v7 =	vor.u32 s29, v0;
	[tilespmem:v11+s20+$0x0] =	vst.idx.msk $0xffff, v12;
	v8 =	vld [tilespmem:s11+$0x80]  }
0x89: {  	s21 =	sor.u32 s9, s28;
	v11 =	vor.u32 s0, v0;
	[tilespmem:v3+s20+$0x0] =	vst.idx.msk $0xffff, v5;
	s23 =	sor.u32 s3, s28;
	v12 =	vld [tilespmem:s1+$0x0];
	s1 =	simm.s32 $0x60D  }
0x8a: {  	s31 =	sadd.s32 $0x1B00, s2;
	s17 =	sor.u32 s15, s26;
	s28 =	simm.s32 $0x218;
	v3 =	vld [tilespmem:s23+$0x0];
	v5 =	vor.u32 s1, v0;
	[tilespmem:v2+s20+$0x0] =	vst.idx.msk $0xffff, v1  }
0x8b: {  	s0 =	sor.u32 s22, s18;
	s30 =	sor.u32 s9, s31;
	s24 =	simm.s32 $0xA02;
	v2 =	vor.u32 s28, v0;
	v1 =	vld [tilespmem:s17+$0x0];
	[tilespmem:v6+s20+$0x0] =	vst.idx.msk $0xffff, v4  }
0x8c: {  	s29 =	sor.u32 s3, s31;
	s31 =	sadd.s32 $0x4880, s6;
	s18 =	simm.s32 $0x60E;
	v4 =	vor.u32 s24, v0;
	[tilespmem:v9+s20+$0x0] =	vst.idx.msk $0xffff, v10;
	v6 =	vld [tilespmem:s12+$0x100]  }
0x8d: {  	s23 =	sor.u32 s22, s7;
	s7 =	sor.u32 s15, s31;
	s1 =	simm.s32 $0x802;
	v9 =	vor.u32 s5, v0;
	[tilespmem:v7+s20+$0x0] =	vst.idx.msk $0xffff, v8;
	v10 =	vld [tilespmem:s4+$0x0]  }
0x8e: {  	s28 =	sor.u32 s22, s26;
	s17 =	sor.u32 s22, s31;
	s31 =	sadd.s32 $0x1B80, s2;
	[tilespmem:v11+s20+$0x0] =	vst.idx.msk $0xffff, v12  }
0x8f: {  	s26 =	sor.u32 s8, s14;
	s14 =	sadd.s32 $0x4900, s6;
	s24 =	sor.u32 s9, s31;
	v7 =	vor.u32 s1, v0;
	v8 =	vld [tilespmem:s11+$0x100];
	[tilespmem:v5+s20+$0x0] =	vst.idx.msk $0xffff, v3  }
0x90: {  	s1 =	sadd.s32 $0x3000, s2;
	v11 =	vor.u32 s16, v0;
	s16 =	simm.s32 $0x219;
	s5 =	sadd.s32 $0x4980, s6;
	v12 =	vld [tilespmem:s19+$0x0];
	[tilespmem:v2+s20+$0x0] =	vst.idx.msk $0xffff, v1  }
0x91: {  	s19 =	sor.u32 s9, s1;
	v5 =	vor.u32 s18, v0;
	s18 =	simm.s32 $0x4;
	v3 =	vld [tilespmem:s29+$0x0];
	s29 =	sor.u32 s22, s5;
	[tilespmem:v4+s20+$0x0] =	vst.idx.msk $0xffff, v6  }
0x92: {  	s18 =	sand.u32 $0x7, s18;
	v2 =	vor.u32 s16, v0;
	s16 =	sor.u32 s15, s5;
	s5 =	simm.s32 $0x4;
	v1 =	vld [tilespmem:s7+$0x0];
	[tilespmem:v9+s20+$0x0] =	vst.idx.msk $0xffff, v10  }
0x93: {  	s7 =	sor.u32 s3, s1;
	s1 =	simm.s32 $0xA03;
	v6 =	vld [tilespmem:s12+$0x180];
	[dreg:$0x4] =	wrdreg s5  }
0x94: {  	s4 =	simm.s32 $0x16;
	s18 =	sshll.u32 s18, $0x4;
	v4 =	vor.u32 s1, v0;
	s1 =	simm.s32 $0x803;
	[tilespmem:v7+s20+$0x0] =	vst.idx.msk $0xffff, v8  }
0x95: {  	s8 =	sor.u32 s3, s31;
	v9 =	vor.u32 s4, v0;
	v10 =	vld [tilespmem:s0+$0x0];
	v7 =	vor.u32 s1, v0;
	[tilespmem:v11+s20+$0x0] =	vst.idx.msk $0xffff, v12;
	s1 =	sadd.s32 $0x200, s18;
	s18 =	simm.s32 $0x2  }
0x96: {  	s4 =	simm.s32 $0x40D;
	s5 =	simm.s32 $0x2;
	v8 =	vld [tilespmem:s11+$0x180];
	[dreg:$0x7] =	wrdreg s18  }
0x97: {  	s31 =	sor.u32 s15, s14;
	v11 =	vor.u32 s4, v0;
	s18 =	sand.u32 $0x3, s5;
	s5 =	simm.s32 $0x21A;
	v12 =	vld [tilespmem:s21+$0x0];
	[tilespmem:v2+s20+$0x0] =	vst.idx.msk $0xffff, v1  }
0x98: {  	s4 =	sshll.u32 s18, $0x5;
	v2 =	vor.u32 s5, v0;
	[tilespmem:v5+s20+$0x0] =	vst.idx.msk $0xffff, v3;
	s18 =	simm.s32 $0x60F;
	v1 =	vld [tilespmem:s31+$0x0]  }
0x99: {  	s26 =	sor.u32 $0x380, s26;
	s0 =	simm.s32 $0xA04;
	v3 =	vld [tilespmem:s8+$0x0];
	v5 =	vor.u32 s18, v0;
	[tilespmem:v4+s20+$0x0] =	vst.idx.msk $0xffff, v6  }
0x9a: {  	s14 =	sor.u32 s22, s14;
	s21 =	sadd.s32 $0x10, s1;
	v4 =	vor.u32 s0, v0;
	s8 =	simm.s32 $0x17;
	v6 =	vld [tilespmem:s12+$0x200];
	[tilespmem:v9+s20+$0x0] =	vst.idx.msk $0xffff, v10  }
0x9b: {  	s31 =	sor.u32 $0x300, s21;
	s21 =	sadd.s32 $0x3080, s2;
	s0 =	simm.s32 $0x804;
	v9 =	vor.u32 s8, v0;
	v10 =	vld [tilespmem:s23+$0x0];
	[tilespmem:v7+s20+$0x0] =	vst.idx.msk $0xffff, v8  }
0x9c: {  	s1 =	sadd.s32 $0x200, s4;
	s18 =	sadd.s32 $0x4A00, s6;
	s8 =	simm.s32 $0x40E;
	v7 =	vor.u32 s0, v0;
	v8 =	vld [tilespmem:s11+$0x200];
	[tilespmem:v11+s20+$0x0] =	vst.idx.msk $0xffff, v12  }
0x9d: {  	s5 =	sor.u32 s3, s21;
	s4 =	sor.u32 $0x300, s1;
	v11 =	vor.u32 s8, v0;
	s8 =	simm.s32 $0x21B;
	v12 =	vld [tilespmem:s30+$0x0];
	[tilespmem:v2+s20+$0x0] =	vst.idx.msk $0xffff, v1  }
0x9e: {  	s1 =	simm.s32 $0xA05;
	s0 =	sadd.s32 $0x3100, s2;
	v2 =	vor.u32 s8, v0;
	[tilespmem:v5+s20+$0x0] =	vst.idx.msk $0xffff, v3;
	s8 =	simm.s32 $0x610;
	v1 =	vld [tilespmem:s16+$0x0]  }
0x9f: {  	s30 =	sor.u32 s3, s0;
	s16 =	sor.u32 s9, s0;
	s0 =	sadd.s32 $0x1800, s13;
	v5 =	vld [tilespmem:s7+$0x0];
	v13 =	vor.u32 s8, v0;
	[tilespmem:v4+s20+$0x0] =	vst.idx.msk $0xffff, v6  }
0xa0: {  	v14 =	vor.u32 s1, v0;
	s1 =	simm.s32 $0x19;
	s7 =	simm.s32 $0x18;
	s8 =	sor.u32 s25, s0;
	v6 =	vld [tilespmem:s12+$0x280];
	[tilespmem:v9+s20+$0x0] =	vst.idx.msk $0xffff, v10  }
0xa1: {  	v4 =	vor.u32 s7, v0;
	s7 =	sor.u32 s10, s0;
	s12 =	simm.s32 $0x1A;
	s0 =	simm.s32 $0x1B;
	v9 =	vor.u32 s1, v0;
	[tilespmem:v7+s20+$0x0] =	vst.idx.msk $0xffff, v8  }
0xa2: {  	s21 =	sor.u32 s9, s21;
	v19 =	vor.u32 s12, v0;
	s1 =	simm.s32 $0x1C;
	s12 =	simm.s32 $0x805;
	v15 =	vor.u32 s0, v0;
	v10 =	vld [tilespmem:s28+$0x0];
	[tilespmem:v11+s20+$0x0] =	vst.idx.msk $0xffff, v12  }
0xa3: {  	s23 =	sor.u32 s15, s18;
	s0 =	simm.s32 $0x40F;
	v7 =	vor.u32 s12, v0;
	v17 =	vor.u32 s1, v0;
	s1 =	simm.s32 $0x1D;
	v8 =	vld [tilespmem:s11+$0x280];
	[tilespmem:v2+s20+$0x0] =	vst.idx.msk $0xffff, v1  }
0xa4: {  	s18 =	sor.u32 s22, s18;
	v11 =	vor.u32 s0, v0;
	v47 =	vor.u32 s1, v0;
	s1 =	simm.s32 $0x1F;
	v12 =	vld [tilespmem:s24+$0x0];
	s24 =	simm.s32 $0x21C;
	[tilespmem:v13+s20+$0x0] =	vst.idx.msk $0xffff, v5  }
0xa5: {  	s12 =	sadd.s32 $0x4B00, s6;
	s28 =	simm.s32 $0xA1F;
	v1 =	vor.u32 s1, v0;
	v20 =	vld [tilespmem:s23+$0x0];
	v21 =	vor.u32 s24, v0;
	s24 =	simm.s32 $0x611;
	[tilespmem:v14+s20+$0x0] =	vst.idx.msk $0xffff, v6  }
0xa6: {  	s11 =	sadd.s32 $0x4A80, s6;
	s6 =	sadd.s32 $0x4B80, s6;
	v5 =	vld [tilespmem:s5+$0x0];
	v13 =	vor.u32 s24, v0;
	s24 =	simm.s32 $0xA06;
	[tilespmem:$0x1FFE0] =	vst v1  }
0xa7: {  	s0 =	sor.u32 s15, s12;
	s1 =	simm.s32 $0x41B;
	s23 =	simm.s32 $0x1E;
	v6 =	vld [tilespmem:s31+$0x0];
	v22 =	vor.u32 s24, v0;
	[tilespmem:v4+s20+$0x0] =	vst.idx.msk $0xffff, v10  }
0xa8: {  	s5 =	simm.s32 $0x410;
	v53 =	vor.u32 s23, v0;
	s23 =	sor.u32 s15, s11;
	s31 =	simm.s32 $0x806;
	v10 =	vld [tilespmem:s17+$0x0];
	[tilespmem:v7+s20+$0x0] =	vst.idx.msk $0xffff, v8  }
0xa9: {  	s24 =	sor.u32 s15, s6;
	s15 =	simm.s32 $0x411;
	v4 =	vor.u32 s5, v0;
	s5 =	simm.s32 $0x413;
	v7 =	vor.u32 s31, v0;
	v8 =	vld [tilespmem:s4+$0x0];
	[tilespmem:v11+s20+$0x0] =	vst.idx.msk $0xffff, v12  }
0xaa: {  	v23 =	vor.u32 s15, v0;
	s17 =	simm.s32 $0x412;
	s15 =	sadd.s32 $0x1880, s13;
	v39 =	vor.u32 s5, v0;
	s5 =	simm.s32 $0x21D;
	v24 =	vld [tilespmem:s19+$0x0];
	[tilespmem:v21+s20+$0x0] =	vst.idx.msk $0xffff, v20  }
0xab: {  	s31 =	simm.s32 $0x414;
	v18 =	vor.u32 s17, v0;
	s17 =	sor.u32 s25, s15;
	v21 =	vor.u32 s5, v0;
	v20 =	vld [tilespmem:s23+$0x0];
	[tilespmem:v13+s20+$0x0] =	vst.idx.msk $0xffff, v5;
	s23 =	simm.s32 $0x612  }
0xac: {  	v16 =	vor.u32 s31, v0;
	s4 =	simm.s32 $0x415;
	s19 =	sor.u32 s10, s15;
	v5 =	vld [tilespmem:s30+$0x0];
	v25 =	vor.u32 s23, v0;
	[tilespmem:v22+s20+$0x0] =	vst.idx.msk $0xffff, v6;
	s23 =	simm.s32 $0xA07  }
0xad: {  	v14 =	vor.u32 s4, v0;
	s15 =	simm.s32 $0x416;
	s5 =	simm.s32 $0x417;
	s4 =	simm.s32 $0x418;
	v22 =	vld [tilespmem:s26+$0x0];
	v26 =	vor.u32 s23, v0;
	[tilespmem:v9+s20+$0x0] =	vst.idx.msk $0xffff, v10  }
0xae: {  	s11 =	sor.u32 s22, s11;
	v13 =	vor.u32 s15, v0;
	v12 =	vor.u32 s5, v0;
	s5 =	simm.s32 $0x419;
	v11 =	vor.u32 s4, v0;
	s23 =	simm.s32 $0x41A;
	[tilespmem:v7+s20+$0x0] =	vst.idx.msk $0xffff, v8  }
0xaf: {  	s31 =	simm.s32 $0x21F;
	v10 =	vor.u32 s5, v0;
	s26 =	simm.s32 $0x807;
	v27 =	vld [tilespmem:s14+$0x0];
	v9 =	vor.u32 s23, v0;
	s23 =	rddreg [dreg:$0x17];
	[tilespmem:v4+s20+$0x0] =	vst.idx.msk $0xffff, v24  }
0xb0: {  	s15 =	simm.s32 $0x61F;
	s4 =	simm.s32 $0x41C;
	s5 =	simm.s32 $0x41D;
	v28 =	vor.u32 s26, v0;
	v8 =	vor.u32 s1, v0;
	v29 =	vld [tilespmem:s23+$0x0];
	[tilespmem:v21+s20+$0x0] =	vst.idx.msk $0xffff, v20  }
0xb1: {  	v7 =	vor.u32 s4, v0;
	s4 =	sadd.s32 $0x3180, s2;
	s26 =	simm.s32 $0x21E;
	v6 =	vor.u32 s5, v0;
	s23 =	simm.s32 $0x41F;
	v24 =	vld [tilespmem:s21+$0x0];
	[tilespmem:v25+s20+$0x0] =	vst.idx.msk $0xffff, v5  }
0xb2: {  	s14 =	simm.s32 $0x41E;
	s5 =	simm.s32 $0x613;
	s1 =	sor.u32 s3, s4;
	v21 =	vor.u32 s26, v0;
	v20 =	vld [tilespmem:s0+$0x0];
	v1 =	vor.u32 s23, v0;
	[tilespmem:v26+s20+$0x0] =	vst.idx.msk $0xffff, v22  }
0xb3: {  	s30 =	simm.s32 $0x4;
	v32 =	vor.u32 s5, v0;
	s5 =	simm.s32 $0x80A;
	v5 =	vor.u32 s14, v0;
	s14 =	simm.s32 $0xA08;
	v25 =	vld [tilespmem:s1+$0x0];
	[tilespmem:$0x1FFF0] =	vst v1  }
0xb4: {  	s21 =	simm.s32 $0x808;
	s26 =	simm.s32 $0x809;
	v37 =	vor.u32 s5, v0;
	s23 =	simm.s32 $0x80E;
	v26 =	vor.u32 s14, v0;
	v22 =	vld [tilespmem:s7+$0x0];
	[tilespmem:v19+s20+$0x0] =	vst.idx.msk $0xffff, v27  }
0xb5: {  	s5 =	simm.s32 $0x810;
	v38 =	vor.u32 s26, v0;
	s26 =	simm.s32 $0x80F;
	s14 =	simm.s32 $0x80C;
	v30 =	vor.u32 s23, v0;
	v27 =	vld [tilespmem:s29+$0x0];
	[tilespmem:v28+s20+$0x0] =	vst.idx.msk $0xffff, v29  }
0xb6: {  	s0 =	simm.s32 $0x813;
	v33 =	vor.u32 s14, v0;
	s14 =	simm.s32 $0x814;
	s7 =	simm.s32 $0x80B;
	v19 =	vor.u32 s21, v0;
	[tilespmem:v23+s20+$0x0] =	vst.idx.msk $0xffff, v24;
	v35 =	vld [tilespmem:s8+$0x0]  }
0xb7: {  	s1 =	simm.s32 $0x815;
	s21 =	simm.s32 $0x80D;
	v36 =	vor.u32 s14, v0;
	v34 =	vor.u32 s7, v0;
	v23 =	vld [tilespmem:s16+$0x0];
	[tilespmem:v21+s20+$0x0] =	vst.idx.msk $0xffff, v20;
	s16 =	sadd.s32 $0x3200, s2  }
0xb8: {  	s23 =	simm.s32 $0x817;
	v31 =	vor.u32 s21, v0;
	v21 =	vor.u32 s31, v0;
	s31 =	simm.s32 $0x614;
	v20 =	vld [tilespmem:s24+$0x0];
	[tilespmem:v32+s20+$0x0] =	vst.idx.msk $0xffff, v25;
	s29 =	sor.u32 s3, s16  }
0xb9: {  	s14 =	simm.s32 $0x81F;
	s7 =	simm.s32 $0x811;
	v29 =	vor.u32 s26, v0;
	s26 =	simm.s32 $0xA09;
	v40 =	vor.u32 s31, v0;
	v24 =	vld [tilespmem:s29+$0x0];
	[tilespmem:v26+s20+$0x0] =	vst.idx.msk $0xffff, v22  }
0xba: {  	s21 =	simm.s32 $0x816;
	v28 =	vor.u32 s5, v0;
	s5 =	sor.u32 s22, s12;
	s22 =	sor.u32 s22, s6;
	v42 =	vor.u32 s26, v0;
	v41 =	vld [tilespmem:s19+$0x0];
	[tilespmem:v15+s20+$0x0] =	vst.idx.msk $0xffff, v27  }
0xbb: {  	s6 =	simm.s32 $0xE1F;
	s8 =	simm.s32 $0x812;
	s26 =	simm.s32 $0x81A;
	v25 =	vor.u32 s0, v0;
	v44 =	vld [tilespmem:s18+$0x0];
	[tilespmem:v19+s20+$0x0] =	vst.idx.msk $0xffff, v35  }
0xbc: {  	s24 =	simm.s32 $0x819;
	v32 =	vor.u32 s1, v0;
	s1 =	simm.s32 $0x200;
	v26 =	vor.u32 s8, v0;
	[tilespmem:v18+s20+$0x0] =	vst.idx.msk $0xffff, v23;
	v45 =	vld [tilespmem:s17+$0x0];
	s17 =	sor.u32 s9, s4  }
0xbd: {  	s16 =	sor.u32 s9, s16;
	s8 =	simm.s32 $0x81C;
	v22 =	vor.u32 s23, v0;
	v27 =	vor.u32 s7, v0;
	s18 =	sadd.s32 $0x3280, s2;
	[tilespmem:v21+s20+$0x0] =	vst.idx.msk $0xffff, v20;
	v46 =	vld [tilespmem:s17+$0x0]  }
0xbe: {  	s7 =	simm.s32 $0x81B;
	v15 =	vor.u32 s8, v0;
	v23 =	vor.u32 s21, v0;
	s21 =	sadd.s32 $0x1900, s13;
	v19 =	vor.u32 s26, v0;
	s23 =	sor.u32 s3, s18;
	[tilespmem:v40+s20+$0x0] =	vst.idx.msk $0xffff, v24  }
0xbf: {  	s29 =	simm.s32 $0x81D;
	s19 =	simm.s32 $0x818;
	v18 =	vor.u32 s7, v0;
	v20 =	vor.u32 s24, v0;
	s24 =	sor.u32 s10, s21;
	[tilespmem:v42+s20+$0x0] =	vst.idx.msk $0xffff, v41;
	v41 =	vld [tilespmem:s23+$0x0]  }
0xc0: {  	s31 =	simm.s32 $0xA0A;
	v35 =	vor.u32 s29, v0;
	s26 =	simm.s32 $0x615;
	s4 =	simm.s32 $0x81E;
	v21 =	vor.u32 s19, v0;
	v43 =	vld [tilespmem:s24+$0x0];
	[tilespmem:v17+s20+$0x0] =	vst.idx.msk $0xffff, v44  }
0xc1: {  	s8 =	simm.s32 $0x70;
	s7 =	simm.s32 $0xA0B;
	s29 =	sor.u32 s25, s21;
	v24 =	vor.u32 s4, v0;
	v42 =	vor.u32 s26, v0;
	[tilespmem:v38+s20+$0x0] =	vst.idx.msk $0xffff, v45;
	v38 =	vld [tilespmem:s11+$0x0]  }
0xc2: {  	s19 =	sor.u32 s9, s18;
	s4 =	simm.s32 $0x616;
	v17 =	vor.u32 s14, v0;
	v44 =	vor.u32 s31, v0;
	s11 =	simm.s32 $0x310;
	[tilespmem:v39+s20+$0x0] =	vst.idx.msk $0xffff, v46;
	v39 =	vld [tilespmem:s29+$0x0]  }
.LBB2_3:
0xc3: {  	_ =	sdelay $0x2  }
0xc4: {  	v40 =	vld [tilespmem:s16+$0x0]  }
0xc5: {  	[tilespmem:v42+s20+$0x0] =	vst.idx.msk $0xffff, v41  }
0xc6: {  	s21 =	sadd.s32 $0x3300, s2;
	[tilespmem:v47+s20+$0x0] =	vst.idx.msk $0xffff, v38  }
0xc7: {  	s0 =	sadd.s32 $0x1980, s13;
	s23 =	sor.u32 s3, s21;
	[tilespmem:v44+s20+$0x0] =	vst.idx.msk $0xffff, v43  }
0xc8: {  	s17 =	sadd.s32 $0xFFFFFFF0, s11;
	v56 =	vor.u32 s4, v0;
	s24 =	sor.u32 s10, s0;
	[tilespmem:v37+s20+$0x0] =	vst.idx.msk $0xffff, v39;
	v41 =	vld [tilespmem:s23+$0x0]  }
0xc9: {  	s14 =	sand.u32 $0x70, s8;
	s26 =	sadd.s32 $0xFFFFFFF0, s8;
	v45 =	vor.u32 s7, v0;
	s16 =	sand.u32 $0x1C00, s17;
	v43 =	vld [tilespmem:s24+$0x0];
	[tilespmem:v16+s20+$0x0] =	vst.idx.msk $0xffff, v40  }
0xca: {  	s18 =	sadd.s32 $0xFFFFFFE1, s6;
	s4 =	sand.u32 $0x60, s26;
	s31 =	sor.u32 s14, s16;
	v39 =	vld [tilespmem:s5+$0x0]  }
0xcb: {  	v46 =	vor.u32 s18, v0;
	s24 =	sadd.s32 $0xFFFFFDE1, s6;
	v57 =	vld [tilespmem:s31+$0x0];
	s23 =	sor.u32 s4, s16  }
0xcc: {  	v58 =	vor.u32 s24, v0;
	v59 =	vld [tilespmem:s23+$0x0]  }
0xcd: {  	s29 =	sadd.s32 $0xFFFFFDE2, s6;
	s7 =	sadd.s32 $0x3380, s2;
	[tilespmem:v56+s20+$0x0] =	vst.idx.msk $0xffff, v41  }
0xce: {  	v2 =	vld [tilespmem:$0x1FFE0];
	s18 =	sadd.s32 $0xFFFFFDE4, s6;
	v47 =	vor.u32 s29, v0;
	s29 =	sadd.s32 $0xFFFFFDE6, s6;
	s24 =	sadd.s32 $0xFFFFFDE5, s6;
	[tilespmem:v45+s20+$0x0] =	vst.idx.msk $0xffff, v43  }
0xcf: {  	v52 =	vor.u32 s18, v0;
	v40 =	vld [tilespmem:s19+$0x0];
	s5 =	sor.u32 s3, s7;
	s19 =	sadd.s32 $0xFFFFFFF8, s15;
	v48 =	vor.u32 s24, v0;
	s24 =	sadd.s32 $0x1A00, s13;
	[tilespmem:v53+s20+$0x0] =	vst.idx.msk $0xffff, v39  }
0xd0: {  	s18 =	sadd.s32 $0xFFFFFFED, s28;
	v44 =	vor.u32 s29, v0;
	v60 =	vor.u32 s19, v0;
	s29 =	sor.u32 s10, s24;
	v42 =	vld [tilespmem:s5+$0x0];
	[tilespmem:v46+s20+$0x0] =	vst.idx.msk $0xffff, v57  }
0xd1: {  	v49 =	vor.u32 s18, v0;
	[tilespmem:v58+s20+$0x0] =	vst.idx.msk $0xffff, v59;
	v46 =	vld [tilespmem:s29+$0x0]  }
0xd2: {  	s12 =	sadd.s32 $0xFFFFFDE3, s6;
	v16 =	vmov v36;
	s19 =	sadd.s32 $0xFFFFFFE2, s6;
	v36 =	vld [tilespmem:s23+$0x80]  }
0xd3: {  	v1 =	vmovc v6;
	v6 =	vmov v35;
	v35 =	vor.u32 s12, v0;
	s12 =	sadd.s32 $0xFFFFFDE7, s6;
	s0 =	sor.u32 s25, s0;
	v51 =	vor.u32 s19, v0;
	s19 =	sadd.s32 $0xFFFFFDEC, s6;
	v50 =	vld [tilespmem:s31+$0x80]  }
0xd4: {  	v4 =	vmovc v5;
	v5 =	vmov v24;
	v54 =	vor.u32 s19, v0;
	v43 =	vor.u32 s12, v0;
	s12 =	sor.u32 s26, s17;
	s26 =	sadd.s32 $0xFFFFFDE8, s6;
	v24 =	vld [tilespmem:s22+$0x0];
	s22 =	sadd.s32 $0xFFFFFDED, s6;
	[tilespmem:v14+s20+$0x0] =	vst.idx.msk $0xffff, v40  }
0xd5: {  	s19 =	sadd.s32 $0x4800, s2;
	v41 =	vor.u32 s26, v0;
	s26 =	sadd.s32 $0xFFFFFDE9, s6;
	v14 =	vmov v32;
	v55 =	vor.u32 s22, v0;
	v32 =	vld [tilespmem:s0+$0x0];
	s22 =	sadd.s32 $0xFFFFFFF9, s15;
	[tilespmem:v60+s20+$0x0] =	vst.idx.msk $0xffff, v42  }
0xd6: {  	s18 =	sadd.s32 $0xFFFFFDEB, s6;
	v39 =	vor.u32 s26, v0;
	s26 =	sor.u32 s3, s19;
	v56 =	vor.u32 s22, v0;
	s22 =	simm.s32 $0xC000;
	[tilespmem:v49+s20+$0x0] =	vst.idx.msk $0xffff, v46  }
0xd7: {  	v37 =	vor.u32 s18, v0;
	s18 =	sor.u32 s25, s24;
	s24 =	sadd.s32 $0x1A80, s13;
	s29 =	sadd.s32 $0xFFFFFDEA, s6;
	[tilespmem:v47+s22+$0x0] =	vst.idx.msk $0xffff, v36;
	v45 =	vld [tilespmem:s26+$0x0]  }
0xd8: {  	v38 =	vor.u32 s29, v0;
	s0 =	sor.u32 s10, s24;
	s29 =	sadd.s32 $0xFFFFFFEE, s28;
	[tilespmem:v51+s20+$0x0] =	vst.idx.msk $0xffff, v50;
	v47 =	vld [tilespmem:s23+$0x100]  }
0xd9: {  	s5 =	sor.u32 $0x380, s12;
	v57 =	vor.u32 s29, v0;
	v50 =	vld [tilespmem:s0+$0x0]  }
0xda: {  	s12 =	sor.u32 s25, s24;
	s24 =	sadd.s32 $0xFFFFFDEE, s6;
	s20 =	sadd.s32 $0xFFFFFFE3, s6;
	[tilespmem:v34+s22+$0x0] =	vst.idx.msk $0xffff, v32;
	v59 =	vld [tilespmem:s31+$0x100]  }
0xdb: {  	v58 =	vor.u32 s24, v0;
	s24 =	sadd.s32 $0xFFFFFDF0, s6;
	s29 =	sadd.s32 $0xFFFFFDF2, s6;
	s26 =	sadd.s32 $0xFFFFFDEF, s6;
	v60 =	vor.u32 s20, v0;
	v61 =	vld [tilespmem:s18+$0x0];
	[tilespmem:v2+s22+$0x0] =	vst.idx.msk $0xffff, v24  }
0xdc: {  	v3 =	vld [tilespmem:$0x1FFF0];
	v46 =	vor.u32 s29, v0;
	s29 =	sadd.s32 $0xFFFFFDF4, s6;
	v51 =	vor.u32 s24, v0;
	s24 =	sadd.s32 $0xFFFFFDF5, s6;
	v53 =	vor.u32 s26, v0;
	s26 =	sadd.s32 $0xFFFFFDF1, s6;
	[tilespmem:v56+s22+$0x0] =	vst.idx.msk $0xffff, v45  }
0xdd: {  	v40 =	vor.u32 s29, v0;
	s29 =	sadd.s32 $0x4880, s2;
	s20 =	sor.u32 s9, s21;
	v49 =	vor.u32 s26, v0;
	s26 =	sadd.s32 $0xFFFFFDF3, s6;
	[tilespmem:v35+s22+$0x0] =	vst.idx.msk $0xffff, v47  }
0xde: {  	v36 =	vor.u32 s24, v0;
	s21 =	sor.u32 s3, s29;
	s24 =	sadd.s32 $0xFFFFFFFA, s15;
	v2 =	vmov v17;
	v42 =	vor.u32 s26, v0;
	s26 =	sadd.s32 $0xFFFFFDF6, s6;
	[tilespmem:v57+s22+$0x0] =	vst.idx.msk $0xffff, v50;
	v17 =	vld [tilespmem:s20+$0x0]  }
0xdf: {  	[tilespmem:$0x1FFD0] =	vst v1;
	v32 =	vor.u32 s26, v0;
	s26 =	sadd.s32 $0x1B00, s13;
	v57 =	vor.u32 s24, v0;
	v56 =	vld [tilespmem:s21+$0x0]  }
0xe0: {  	s0 =	sor.u32 s25, s26;
	s18 =	sor.u32 s10, s26;
	s26 =	sadd.s32 $0xFFFFFFEF, s28;
	v24 =	vld [tilespmem:s23+$0x180];
	[tilespmem:v60+s22+$0x0] =	vst.idx.msk $0xffff, v59  }
0xe1: {  	v3 =	vmov v3;
	[tilespmem:v33+s22+$0x0] =	vst.idx.msk $0xffff, v61;
	v60 =	vor.u32 s26, v0;
	v59 =	vld [tilespmem:s18+$0x0]  }
0xe2: {  	[tilespmem:$0x1FFE0] =	vst v3;
	s24 =	sadd.s32 $0xFFFFFFE4, s6;
	v33 =	vmov v55;
	v55 =	vld [tilespmem:s12+$0x0]  }
0xe3: {  	s20 =	sadd.s32 $0x4900, s2;
	v1 =	vor.u32 s24, v0;
	s18 =	sadd.s32 $0xFFFFFDF9, s6;
	v63 =	vld [tilespmem:s31+$0x180];
	[tilespmem:v13+s22+$0x0] =	vst.idx.msk $0xffff, v17  }
0xe4: {  	s21 =	sadd.s32 $0xFFFFFDF7, s6;
	s26 =	sor.u32 s9, s7;
	v3 =	vor.u32 s18, v0;
	s18 =	sadd.s32 $0xFFFFFDFA, s6;
	[tilespmem:v57+s22+$0x0] =	vst.idx.msk $0xffff, v56  }
0xe5: {  	v34 =	vmov v54;
	s7 =	sadd.s32 $0xFFFFFDF8, s6;
	s24 =	sadd.s32 $0xFFFFFDFB, s6;
	v54 =	vor.u32 s18, v0;
	s18 =	sadd.s32 $0xFFFFFDFC, s6;
	[tilespmem:v52+s22+$0x0] =	vst.idx.msk $0xffff, v24  }
0xe6: {  	s12 =	sor.u32 s3, s20;
	v62 =	vor.u32 s21, v0;
	s21 =	sor.u32 s9, s19;
	v47 =	vor.u32 s18, v0;
	s18 =	sadd.s32 $0xFFFFFFFB, s15;
	[tilespmem:v60+s22+$0x0] =	vst.idx.msk $0xffff, v59;
	v52 =	vld [tilespmem:s26+$0x0]  }
0xe7: {  	[tilespmem:$0x1FFF0] =	vst v2;
	s19 =	sor.u32 s9, s29;
	v50 =	vor.u32 s24, v0;
	s24 =	sadd.s32 $0xFFFFFDFD, s6;
	s29 =	sadd.s32 $0x1B80, s13;
	v57 =	vor.u32 s18, v0;
	v56 =	vld [tilespmem:s12+$0x0]  }
0xe8: {  	v2 =	vor.u32 s7, v0;
	v45 =	vor.u32 s24, v0;
	s24 =	sor.u32 s25, s29;
	s7 =	sor.u32 s10, s29;
	s29 =	sadd.s32 $0xFFFFFFF0, s28;
	v13 =	vmovc v23;
	v23 =	vmov v62;
	v62 =	vld [tilespmem:s23+$0x200];
	[tilespmem:v1+s22+$0x0] =	vst.idx.msk $0xffff, v63  }
0xe9: {  	s18 =	sadd.s32 $0xFFFFFFE5, s6;
	v59 =	vor.u32 s29, v0;
	v1 =	vld [tilespmem:s7+$0x0]  }
0xea: {  	v61 =	vor.u32 s18, v0;
	[tilespmem:v31+s22+$0x0] =	vst.idx.msk $0xffff, v55;
	v60 =	vld [tilespmem:s31+$0x200]  }
0xeb: {  	v55 =	vld [tilespmem:s0+$0x0];
	[tilespmem:v12+s22+$0x0] =	vst.idx.msk $0xffff, v52  }
0xec: {  	s29 =	sadd.s32 $0xFFFFFE00, s6;
	s12 =	sadd.s32 $0xFFFFFDFE, s6;
	[tilespmem:v57+s22+$0x0] =	vst.idx.msk $0xffff, v56  }
0xed: {  	s7 =	sor.u32 s9, s20;
	v35 =	vor.u32 s12, v0;
	s20 =	sadd.s32 $0xFFFFFDFF, s6;
	s12 =	sadd.s32 $0x4980, s2;
	[tilespmem:v48+s22+$0x0] =	vst.idx.msk $0xffff, v62  }
0xee: {  	s26 =	sadd.s32 $0xFFFFFFFC, s15;
	v17 =	vor.u32 s29, v0;
	s29 =	sadd.s32 $0x3000, s13;
	v24 =	vor.u32 s20, v0;
	s20 =	sor.u32 s3, s12;
	v12 =	vmovc v22;
	v22 =	vmov v2;
	[tilespmem:v59+s22+$0x0] =	vst.idx.msk $0xffff, v1;
	v2 =	vld [tilespmem:s21+$0x0]  }
0xef: {  	s0 =	sor.u32 s25, s29;
	s18 =	sor.u32 s10, s29;
	s29 =	sadd.s32 $0xFFFFFFF1, s28;
	v56 =	vor.u32 s26, v0;
	v1 =	vld [tilespmem:s20+$0x0];
	[tilespmem:v61+s22+$0x0] =	vst.idx.msk $0xffff, v60  }
0xf0: {  	v31 =	vmov v58;
	v58 =	vor.u32 s29, v0;
	s29 =	rddreg [dreg:$0x7];
	s26 =	sadd.s32 $0xFFFFFFE6, s6;
	v57 =	vld [tilespmem:s18+$0x0]  }
0xf1: {  	s1 =	sadd.s32 $0x100, s1;
	v60 =	vor.u32 s26, v0;
	v59 =	vld [tilespmem:s31+$0x280];
	s31 =	rddreg [dreg:$0x4]  }
0xf2: {  	v48 =	vld [tilespmem:s23+$0x280];
	[tilespmem:v30+s22+$0x0] =	vst.idx.msk $0xffff, v55;
	s21 =	sadd.s32 $0x4A00, s2;
	s23 =	sadd.s32 $0xFFFFFFFD, s15;
	s20 =	sadd.s32 $0x2, s31  }
0xf3: {  	v52 =	vld [tilespmem:s24+$0x0];
	s24 =	sadd.s32 $0x3080, s13;
	[dreg:$0x4] =	wrdreg s20;
	s20 =	sand.u32 $0x7, s20  }
0xf4: {  	s26 =	sor.u32 s3, s21;
	s18 =	sadd.s32 $0x1, s29;
	s20 =	sshll.u32 s20, $0x4;
	[tilespmem:v56+s22+$0x0] =	vst.idx.msk $0xffff, v1  }
0xf5: {  	s29 =	sor.u32 s10, s24;
	[dreg:$0x7] =	wrdreg s18;
	s20 =	sadd.s32 s17, s20;
	[tilespmem:v58+s22+$0x0] =	vst.idx.msk $0xffff, v57  }
0xf6: {  	v30 =	vmov v53;
	v53 =	vor.u32 s23, v0;
	s18 =	sand.u32 $0x3, s18;
	s31 =	sadd.s32 $0xFFFFFFF2, s28;
	s20 =	sadd.s32 $0x10, s20;
	v1 =	vld [tilespmem:s26+$0x0];
	[tilespmem:v60+s22+$0x0] =	vst.idx.msk $0xffff, v59  }
0xf7: {  	s18 =	sshll.u32 s18, $0x5;
	v62 =	vor.u32 s31, v0;
	[tilespmem:v11+s22+$0x0] =	vst.idx.msk $0xffff, v2;
	s20 =	sor.u32 $0x300, s20;
	s26 =	sadd.s32 $0xFFFFFFE7, s6;
	v61 =	vld [tilespmem:s29+$0x0]  }
0xf8: {  	s18 =	sadd.s32 s18, s1;
	[tilespmem:v44+s22+$0x0] =	vst.idx.msk $0xffff, v48;
	v57 =	vld [tilespmem:s20+$0x0];
	v63 =	vor.u32 s26, v0  }
0xf9: {  	s18 =	sor.u32 $0x300, s18;
	v2 =	vld [tilespmem:s19+$0x0]  }
0xfa: {  	v11 =	vmov v21;
	v21 =	vmov v3;
	v3 =	vld [tilespmem:s18+$0x0];
	[tilespmem:v29+s22+$0x0] =	vst.idx.msk $0xffff, v52  }
0xfb: {  	s18 =	sadd.s32 $0x4A80, s2;
	[tilespmem:v53+s22+$0x0] =	vst.idx.msk $0xffff, v1  }
0xfc: {  	s23 =	sadd.s32 $0xFFFFFFFE, s15;
	v44 =	vld [tilespmem:s0+$0x0];
	s0 =	sadd.s32 $0x3100, s13;
	s20 =	sor.u32 s3, s18;
	[tilespmem:v62+s22+$0x0] =	vst.idx.msk $0xffff, v61  }
0xfd: {  	s17 =	sor.u32 s8, s17;
	v60 =	vor.u32 s23, v0;
	s26 =	sor.u32 s10, s0;
	s29 =	sadd.s32 $0xFFFFFFF3, s28;
	v1 =	vld [tilespmem:s20+$0x0];
	[tilespmem:v63+s22+$0x0] =	vst.idx.msk $0xffff, v57  }
0xfe: {  	s31 =	sadd.s32 $0xFFFFFFE8, s6;
	s17 =	sor.u32 $0x380, s17;
	[tilespmem:v10+s22+$0x0] =	vst.idx.msk $0xffff, v2;
	v62 =	vor.u32 s29, v0;
	v61 =	vld [tilespmem:s26+$0x0]  }
0xff: {  	[tilespmem:v43+s22+$0x0] =	vst.idx.msk $0xffff, v3;
	v63 =	vor.u32 s31, v0;
	v53 =	vld [tilespmem:s17+$0x0]  }
0x100: {  	v2 =	vld [tilespmem:s7+$0x0]  }
0x101: {  	v3 =	vld [tilespmem:s5+$0x0];
	[tilespmem:v28+s22+$0x0] =	vst.idx.msk $0xffff, v44  }
0x102: {  	s24 =	sor.u32 s25, s24;
	s5 =	sadd.s32 $0x4B00, s2;
	s7 =	sadd.s32 $0x3180, s13;
	[tilespmem:v60+s22+$0x0] =	vst.idx.msk $0xffff, v1  }
0x103: {  	s29 =	sadd.s32 $0x1800, s16;
	v43 =	vld [tilespmem:s24+$0x0];
	s20 =	sor.u32 s3, s5;
	s26 =	sadd.s32 $0xFFFFFFFF, s15;
	[tilespmem:v62+s22+$0x0] =	vst.idx.msk $0xffff, v61  }
0x104: {  	s23 =	sor.u32 s10, s7;
	s24 =	sadd.s32 $0xFFFFFFF4, s28;
	v57 =	vor.u32 s26, v0;
	v1 =	vld [tilespmem:s20+$0x0];
	[tilespmem:v63+s22+$0x0] =	vst.idx.msk $0xffff, v53;
	s20 =	simm.s32 $0xC000  }
0x105: {  	s31 =	sor.u32 s4, s29;
	v58 =	vor.u32 s24, v0;
	s26 =	sor.u32 s14, s29;
	s29 =	sadd.s32 $0xFFFFFFE9, s6;
	v48 =	vld [tilespmem:s23+$0x0];
	[tilespmem:v9+s20+$0x0] =	vst.idx.msk $0xffff, v2  }
0x106: {  	s12 =	sor.u32 s9, s12;
	v29 =	vmov v51;
	v59 =	vor.u32 s29, v0;
	v51 =	vld [tilespmem:s26+$0x0];
	[tilespmem:v41+s20+$0x0] =	vst.idx.msk $0xffff, v3  }
0x107: {  	v2 =	vld [tilespmem:s12+$0x0]  }
0x108: {  	s0 =	sor.u32 s25, s0;
	v3 =	vld [tilespmem:s31+$0x0];
	[tilespmem:v27+s20+$0x0] =	vst.idx.msk $0xffff, v43  }
0x109: {  	s17 =	sor.u32 s9, s18;
	s31 =	sadd.s32 $0x4B80, s2;
	s2 =	smov.u32 s13;
	[tilespmem:v57+s20+$0x0] =	vst.idx.msk $0xffff, v1  }
0x10a: {  	s13 =	smov.u32 s16;
	v41 =	vld [tilespmem:s0+$0x0];
	s18 =	sadd.s32 $0x3200, s2;
	s23 =	sor.u32 s3, s31;
	[tilespmem:v58+s20+$0x0] =	vst.idx.msk $0xffff, v48  }
0x10b: {  	s29 =	sadd.s32 $0xFFFFFFF5, s28;
	v60 =	vor.u32 s15, v0;
	s24 =	sadd.s32 $0x1880, s13;
	s26 =	sor.u32 s10, s18;
	v1 =	vld [tilespmem:s23+$0x0];
	[tilespmem:v59+s20+$0x0] =	vst.idx.msk $0xffff, v51  }
0x10c: {  	s19 =	sadd.s32 $0xFFFFFFEA, s6;
	v61 =	vor.u32 s29, v0;
	s15 =	sor.u32 s14, s24;
	v44 =	vld [tilespmem:s26+$0x0];
	[tilespmem:v8+s20+$0x0] =	vst.idx.msk $0xffff, v2  }
0x10d: {  	s21 =	sor.u32 s9, s21;
	v62 =	vor.u32 s19, v0;
	v48 =	vld [tilespmem:s15+$0x0];
	[tilespmem:v39+s20+$0x0] =	vst.idx.msk $0xffff, v3  }
0x10e: {  	s30 =	sadd.s32 $0x2, s30;
	s22 =	sor.u32 s9, s31;
	s31 =	sor.u32 s4, s24;
	v2 =	vld [tilespmem:s21+$0x0]  }
0x10f: {  	s11 =	sadd.s32 $0x100, s11;
	p0 =	slt.u32 s30, $0x2E;
	s8 =	sadd.s32 $0x20, s8;
	v3 =	vld [tilespmem:s31+$0x0];
	[tilespmem:v26+s20+$0x0] =	vst.idx.msk $0xffff, v41  }
0x110: {  	s7 =	sor.u32 s25, s7;
	s5 =	sor.u32 s9, s5;
	s3 =	smov.u32 s10;
	[tilespmem:v60+s20+$0x0] =	vst.idx.msk $0xffff, v1  }
0x111: {  	s9 =	smov.u32 s25;
	s10 =	smov.u32 s14;
	s21 =	sadd.s32 $0x3280, s2;
	v63 =	vld [tilespmem:s7+$0x0];
	[tilespmem:v61+s20+$0x0] =	vst.idx.msk $0xffff, v44  }
.Ltmp0:
0x112: {  	s23 =	sadd.s32 $0x1900, s13;
	v8 =	vmov v18;
	v18 =	vmov v47;
	v47 =	vld [tilespmem:$0x1FFD0];
	s24 =	sor.u32 s3, s21;
	[tilespmem:v62+s20+$0x0] =	vst.idx.msk $0xffff, v48;
	(pc) =	sbr.rel @p0 .LBB2_3-.Ltmp0, $4  }
0x113: {  	s16 =	sor.u32 s25, s18;
	s25 =	smov.u32 s4;
	s4 =	sor.u32 s10, s23;
	v41 =	vld [tilespmem:s24+$0x0];
	[tilespmem:v7+s20+$0x0] =	vst.idx.msk $0xffff, v2  }
0x114: {  	v10 =	vmov v20;
	v20 =	vmov v54;
	v28 =	vmov v49;
	s15 =	smov.u32 s28;
	s28 =	smov.u32 s6;
	s29 =	sor.u32 s25, s23;
	v43 =	vld [tilespmem:s4+$0x0];
	[tilespmem:v38+s20+$0x0] =	vst.idx.msk $0xffff, v3  }
0x115: {  	v53 =	vmovc v4;
	v9 =	vmovc v19;
	v19 =	vmov v50;
	v27 =	vmov v46;
	s26 =	sadd.s32 $0xFFFFFFF6, s15;
	v26 =	vmov v42;
	s31 =	sadd.s32 $0xFFFFFFEB, s6;
	s6 =	sadd.s32 $0x400, s6;
	v38 =	vld [tilespmem:s17+$0x0]  }
0x116: {  	v42 =	vor.u32 s26, v0;
	s19 =	sor.u32 s9, s21;
	s7 =	sadd.s32 $0xFFFFFFEC, s28;
	v44 =	vor.u32 s31, v0;
	v7 =	vmovc v15;
	v15 =	vmovc v45;
	s4 =	sadd.s32 $0xFFFFFFF7, s15;
	v39 =	vld [tilespmem:s29+$0x0];
	[tilespmem:v25+s20+$0x0] =	vst.idx.msk $0xffff, v63;
	v25 =	vmov v40  }
0x117: {  	_ =	sdelay $0x2  }
0x118: {  	s0 =	sadd.s32 $0x1980, s13  }
0x119: {  	s1 =	sor.u32 s10, s0;
	[tilespmem:v44+s20+$0x0] =	vst.idx.msk $0xffff, v43  }
0x11a: {  	v2 =	vor.u32 s7, v0;
	s0 =	sor.u32 s25, s0;
	v1 =	vld [tilespmem:s1+$0x0];
	[tilespmem:v37+s20+$0x0] =	vst.idx.msk $0xffff, v39  }
0x11b: {  	v3 =	vld [tilespmem:s0+$0x0];
	_ =	sdelay $0x2  }
0x11c: {  	s18 =	sadd.s32 $0x1A00, s13  }
0x11d: {  	s6 =	sadd.s32 $0xFFFFFFED, s28;
	s21 =	sor.u32 s10, s18;
	[tilespmem:v2+s20+$0x0] =	vst.idx.msk $0xffff, v1  }
0x11e: {  	s0 =	sor.u32 s25, s18;
	v2 =	vor.u32 s6, v0;
	v1 =	vld [tilespmem:s21+$0x0];
	[tilespmem:v34+s20+$0x0] =	vst.idx.msk $0xffff, v3  }
0x11f: {  	v3 =	vld [tilespmem:s0+$0x0];
	_ =	sdelay $0x2  }
0x120: {  	s23 =	sadd.s32 $0x1A80, s13  }
0x121: {  	s26 =	sadd.s32 $0xFFFFFFEE, s28;
	s24 =	sor.u32 s10, s23;
	[tilespmem:v2+s20+$0x0] =	vst.idx.msk $0xffff, v1  }
0x122: {  	s0 =	sor.u32 s25, s23;
	v2 =	vor.u32 s26, v0;
	v1 =	vld [tilespmem:s24+$0x0];
	[tilespmem:v33+s20+$0x0] =	vst.idx.msk $0xffff, v3  }
0x123: {  	v3 =	vld [tilespmem:s0+$0x0];
	_ =	sdelay $0x2  }
0x124: {  	s6 =	sadd.s32 $0x1B00, s13  }
0x125: {  	s8 =	sadd.s32 $0xFFFFFFEF, s28;
	s7 =	sor.u32 s10, s6;
	[tilespmem:v2+s20+$0x0] =	vst.idx.msk $0xffff, v1  }
0x126: {  	s0 =	sor.u32 s25, s6;
	v2 =	vor.u32 s8, v0;
	v1 =	vld [tilespmem:s7+$0x0];
	[tilespmem:v31+s20+$0x0] =	vst.idx.msk $0xffff, v3  }
0x127: {  	v3 =	vld [tilespmem:s0+$0x0];
	_ =	sdelay $0x2  }
0x128: {  	s11 =	sadd.s32 $0x1B80, s13  }
0x129: {  	s14 =	sadd.s32 $0xFFFFFFF0, s28;
	s12 =	sor.u32 s10, s11;
	[tilespmem:v2+s20+$0x0] =	vst.idx.msk $0xffff, v1  }
0x12a: {  	s0 =	sor.u32 s25, s11;
	v2 =	vor.u32 s14, v0;
	v1 =	vld [tilespmem:s12+$0x0];
	[tilespmem:v30+s20+$0x0] =	vst.idx.msk $0xffff, v3  }
0x12b: {  	v3 =	vld [tilespmem:s0+$0x0];
	_ =	sdelay $0x2  }
0x12c: {  	s17 =	sadd.s32 $0x3000, s13  }
0x12d: {  	s18 =	sor.u32 s10, s17;
	s21 =	sadd.s32 $0xFFFFFFF1, s28;
	[tilespmem:v2+s20+$0x0] =	vst.idx.msk $0xffff, v1  }
0x12e: {  	s0 =	sor.u32 s25, s17;
	v2 =	vor.u32 s21, v0;
	v1 =	vld [tilespmem:s18+$0x0];
	[tilespmem:v29+s20+$0x0] =	vst.idx.msk $0xffff, v3  }
0x12f: {  	v3 =	vld [tilespmem:s0+$0x0];
	_ =	sdelay $0x2  }
0x130: {  	s23 =	sadd.s32 $0x3080, s13  }
0x131: {  	s26 =	sadd.s32 $0xFFFFFFF2, s28;
	s24 =	sor.u32 s10, s23;
	[tilespmem:v2+s20+$0x0] =	vst.idx.msk $0xffff, v1  }
0x132: {  	s0 =	sor.u32 s25, s23;
	v2 =	vor.u32 s26, v0;
	v1 =	vld [tilespmem:s24+$0x0];
	[tilespmem:v28+s20+$0x0] =	vst.idx.msk $0xffff, v3  }
0x133: {  	v3 =	vld [tilespmem:s0+$0x0];
	_ =	sdelay $0x2  }
0x134: {  	s1 =	sadd.s32 $0x3100, s13  }
0x135: {  	s6 =	sor.u32 s10, s1;
	s7 =	sadd.s32 $0xFFFFFFF3, s28;
	[tilespmem:v2+s20+$0x0] =	vst.idx.msk $0xffff, v1  }
0x136: {  	s0 =	sor.u32 s25, s1;
	v2 =	vor.u32 s7, v0;
	v1 =	vld [tilespmem:s6+$0x0];
	[tilespmem:v27+s20+$0x0] =	vst.idx.msk $0xffff, v3  }
0x137: {  	v3 =	vld [tilespmem:s0+$0x0];
	_ =	sdelay $0x2  }
0x138: {  	s8 =	sadd.s32 $0x3180, s13  }
0x139: {  	s11 =	sor.u32 s10, s8;
	s12 =	sadd.s32 $0xFFFFFFF4, s28;
	[tilespmem:v2+s20+$0x0] =	vst.idx.msk $0xffff, v1  }
0x13a: {  	s0 =	sor.u32 s25, s8;
	v2 =	vor.u32 s12, v0;
	v1 =	vld [tilespmem:s11+$0x0];
	[tilespmem:v26+s20+$0x0] =	vst.idx.msk $0xffff, v3  }
0x13b: {  	v3 =	vld [tilespmem:s0+$0x0];
	_ =	sdelay $0x2  }
0x13c: {  	s14 =	sadd.s32 $0x3200, s13  }
0x13d: {  	s17 =	sadd.s32 $0xFFFFFFF5, s28;
	v26 =	vld [tilespmem:s16+$0x0];
	s16 =	sor.u32 s10, s14;
	[tilespmem:v2+s20+$0x0] =	vst.idx.msk $0xffff, v1  }
0x13e: {  	s0 =	sor.u32 s25, s14;
	v2 =	vor.u32 s17, v0;
	v1 =	vld [tilespmem:s16+$0x0];
	[tilespmem:v25+s20+$0x0] =	vst.idx.msk $0xffff, v3  }
0x13f: {  	v3 =	vld [tilespmem:s0+$0x0];
	_ =	sdelay $0x2  }
0x140: {  	s18 =	sadd.s32 $0x3280, s13;
	[tilespmem:v16+s20+$0x0] =	vst.idx.msk $0xffff, v26  }
0x141: {  	s21 =	sor.u32 s10, s18;
	s23 =	sadd.s32 $0xFFFFFFF6, s28;
	v16 =	vld [tilespmem:s19+$0x0];
	[tilespmem:v2+s20+$0x0] =	vst.idx.msk $0xffff, v1  }
0x142: {  	s0 =	sor.u32 s25, s18;
	v2 =	vor.u32 s23, v0;
	v1 =	vld [tilespmem:s21+$0x0];
	[tilespmem:v36+s20+$0x0] =	vst.idx.msk $0xffff, v3  }
0x143: {  	v3 =	vld [tilespmem:s0+$0x0]  }
0x144: {  	s24 =	sadd.s32 $0x3300, s2  }
0x145: {  	[tilespmem:v42+s20+$0x0] =	vst.idx.msk $0xffff, v41;
	s26 =	sor.u32 s3, s24  }
0x146: {  	s6 =	sadd.s32 $0x3300, s13;
	v26 =	vor.u32 s4, v0;
	v25 =	vld [tilespmem:s26+$0x0];
	[tilespmem:v14+s20+$0x0] =	vst.idx.msk $0xffff, v16;
	s0 =	sor.u32 s9, s24  }
0x147: {  	s7 =	sadd.s32 $0xFFFFFFF7, s28;
	s8 =	sor.u32 s10, s6;
	v14 =	vld [tilespmem:s0+$0x0];
	[tilespmem:v2+s20+$0x0] =	vst.idx.msk $0xffff, v1  }
0x148: {  	s11 =	sor.u32 s25, s6;
	v2 =	vor.u32 s7, v0;
	v1 =	vld [tilespmem:s8+$0x0];
	[tilespmem:v32+s20+$0x0] =	vst.idx.msk $0xffff, v3  }
0x149: {  	v3 =	vld [tilespmem:s11+$0x0]  }
0x14a: {  	s12 =	sadd.s32 $0x3380, s2  }
0x14b: {  	s14 =	sor.u32 s3, s12;
	s16 =	sadd.s32 $0xFFFFFFF8, s15;
	[tilespmem:v26+s20+$0x0] =	vst.idx.msk $0xffff, v25  }
0x14c: {  	s17 =	sadd.s32 $0x3380, s13;
	v25 =	vor.u32 s16, v0;
	v16 =	vld [tilespmem:s14+$0x0];
	s0 =	sor.u32 s9, s12;
	[tilespmem:v13+s20+$0x0] =	vst.idx.msk $0xffff, v14  }
0x14d: {  	s19 =	sadd.s32 $0xFFFFFFF8, s28;
	s18 =	sor.u32 s10, s17;
	v13 =	vld [tilespmem:s0+$0x0];
	[tilespmem:v2+s20+$0x0] =	vst.idx.msk $0xffff, v1  }
0x14e: {  	s21 =	sor.u32 s25, s17;
	v2 =	vor.u32 s19, v0;
	v1 =	vld [tilespmem:s18+$0x0];
	[tilespmem:v23+s20+$0x0] =	vst.idx.msk $0xffff, v3  }
0x14f: {  	v3 =	vld [tilespmem:s21+$0x0]  }
0x150: {  	s23 =	sadd.s32 $0x4800, s2  }
0x151: {  	s26 =	sadd.s32 $0xFFFFFFF9, s15;
	s24 =	sor.u32 s3, s23;
	[tilespmem:v25+s20+$0x0] =	vst.idx.msk $0xffff, v16  }
0x152: {  	s6 =	sadd.s32 $0x4800, s13;
	v16 =	vor.u32 s26, v0;
	v14 =	vld [tilespmem:s24+$0x0];
	s0 =	sor.u32 s9, s23;
	[tilespmem:v12+s20+$0x0] =	vst.idx.msk $0xffff, v13  }
0x153: {  	s7 =	sor.u32 s10, s6;
	s8 =	sadd.s32 $0xFFFFFFF9, s28;
	v12 =	vld [tilespmem:s0+$0x0];
	[tilespmem:v2+s20+$0x0] =	vst.idx.msk $0xffff, v1  }
0x154: {  	s11 =	sor.u32 s25, s6;
	v2 =	vor.u32 s8, v0;
	v1 =	vld [tilespmem:s7+$0x0];
	[tilespmem:v22+s20+$0x0] =	vst.idx.msk $0xffff, v3  }
0x155: {  	v3 =	vld [tilespmem:s11+$0x0]  }
0x156: {  	s12 =	sadd.s32 $0x4880, s2  }
0x157: {  	s16 =	sadd.s32 $0xFFFFFFFA, s15;
	s14 =	sor.u32 s3, s12;
	[tilespmem:v16+s20+$0x0] =	vst.idx.msk $0xffff, v14  }
0x158: {  	s17 =	sadd.s32 $0x4880, s13;
	v14 =	vor.u32 s16, v0;
	v13 =	vld [tilespmem:s14+$0x0];
	s0 =	sor.u32 s9, s12;
	[tilespmem:v11+s20+$0x0] =	vst.idx.msk $0xffff, v12  }
0x159: {  	s19 =	sadd.s32 $0xFFFFFFFA, s28;
	s18 =	sor.u32 s10, s17;
	v11 =	vld [tilespmem:s0+$0x0];
	[tilespmem:v2+s20+$0x0] =	vst.idx.msk $0xffff, v1  }
0x15a: {  	s21 =	sor.u32 s25, s17;
	v2 =	vor.u32 s19, v0;
	v1 =	vld [tilespmem:s18+$0x0];
	[tilespmem:v21+s20+$0x0] =	vst.idx.msk $0xffff, v3  }
0x15b: {  	v3 =	vld [tilespmem:s21+$0x0]  }
0x15c: {  	s23 =	sadd.s32 $0x4900, s2  }
0x15d: {  	s26 =	sadd.s32 $0xFFFFFFFB, s15;
	s24 =	sor.u32 s3, s23;
	[tilespmem:v14+s20+$0x0] =	vst.idx.msk $0xffff, v13  }
0x15e: {  	s6 =	sadd.s32 $0x4900, s13;
	v13 =	vor.u32 s26, v0;
	v12 =	vld [tilespmem:s24+$0x0];
	s0 =	sor.u32 s9, s23;
	[tilespmem:v10+s20+$0x0] =	vst.idx.msk $0xffff, v11  }
0x15f: {  	s8 =	sadd.s32 $0xFFFFFFFB, s28;
	s7 =	sor.u32 s10, s6;
	v10 =	vld [tilespmem:s0+$0x0];
	[tilespmem:v2+s20+$0x0] =	vst.idx.msk $0xffff, v1  }
0x160: {  	s11 =	sor.u32 s25, s6;
	v2 =	vor.u32 s8, v0;
	v1 =	vld [tilespmem:s7+$0x0];
	[tilespmem:v20+s20+$0x0] =	vst.idx.msk $0xffff, v3  }
0x161: {  	v3 =	vld [tilespmem:s11+$0x0]  }
0x162: {  	s12 =	sadd.s32 $0x4980, s2  }
0x163: {  	s16 =	sadd.s32 $0xFFFFFFFC, s15;
	s14 =	sor.u32 s3, s12;
	[tilespmem:v13+s20+$0x0] =	vst.idx.msk $0xffff, v12  }
0x164: {  	s17 =	sadd.s32 $0x4980, s13;
	v12 =	vor.u32 s16, v0;
	v11 =	vld [tilespmem:s14+$0x0];
	s0 =	sor.u32 s9, s12;
	[tilespmem:v9+s20+$0x0] =	vst.idx.msk $0xffff, v10  }
0x165: {  	s19 =	sadd.s32 $0xFFFFFFFC, s28;
	s18 =	sor.u32 s10, s17;
	v9 =	vld [tilespmem:s0+$0x0];
	[tilespmem:v2+s20+$0x0] =	vst.idx.msk $0xffff, v1  }
0x166: {  	s21 =	sor.u32 s25, s17;
	v2 =	vor.u32 s19, v0;
	v1 =	vld [tilespmem:s18+$0x0];
	[tilespmem:v19+s20+$0x0] =	vst.idx.msk $0xffff, v3  }
0x167: {  	v3 =	vld [tilespmem:s21+$0x0]  }
0x168: {  	s23 =	sadd.s32 $0x4A00, s2  }
0x169: {  	s24 =	sadd.s32 $0xFFFFFFFD, s15;
	s26 =	sor.u32 s3, s23;
	[tilespmem:v12+s20+$0x0] =	vst.idx.msk $0xffff, v11  }
0x16a: {  	s6 =	sadd.s32 $0x4A00, s13;
	v11 =	vor.u32 s24, v0;
	v10 =	vld [tilespmem:s26+$0x0];
	s0 =	sor.u32 s9, s23;
	[tilespmem:v8+s20+$0x0] =	vst.idx.msk $0xffff, v9  }
0x16b: {  	s8 =	sor.u32 s10, s6;
	s7 =	sadd.s32 $0xFFFFFFFD, s28;
	v8 =	vld [tilespmem:s0+$0x0];
	[tilespmem:v2+s20+$0x0] =	vst.idx.msk $0xffff, v1  }
0x16c: {  	s11 =	sor.u32 s25, s6;
	v2 =	vor.u32 s7, v0;
	v1 =	vld [tilespmem:s8+$0x0];
	[tilespmem:v18+s20+$0x0] =	vst.idx.msk $0xffff, v3  }
0x16d: {  	v3 =	vld [tilespmem:s11+$0x0]  }
0x16e: {  	s12 =	sadd.s32 $0x4A80, s2  }
0x16f: {  	s16 =	sadd.s32 $0xFFFFFFFE, s15;
	s14 =	sor.u32 s3, s12;
	[tilespmem:v11+s20+$0x0] =	vst.idx.msk $0xffff, v10  }
0x170: {  	s17 =	sadd.s32 $0x4A80, s13;
	v10 =	vor.u32 s16, v0;
	v9 =	vld [tilespmem:s14+$0x0];
	s0 =	sor.u32 s9, s12;
	[tilespmem:v7+s20+$0x0] =	vst.idx.msk $0xffff, v8  }
0x171: {  	s19 =	sadd.s32 $0xFFFFFFFE, s28;
	s18 =	sor.u32 s10, s17;
	v7 =	vld [tilespmem:s0+$0x0];
	[tilespmem:v2+s20+$0x0] =	vst.idx.msk $0xffff, v1  }
0x172: {  	s21 =	sor.u32 s25, s17;
	v2 =	vor.u32 s19, v0;
	v1 =	vld [tilespmem:s18+$0x0];
	[tilespmem:v15+s20+$0x0] =	vst.idx.msk $0xffff, v3  }
0x173: {  	v3 =	vld [tilespmem:s21+$0x0]  }
0x174: {  	[tilespmem:v47+s20+$0x0] =	vst.idx.msk $0xffff, v38;
	s23 =	sadd.s32 $0x4B00, s2  }
0x175: {  	s26 =	sadd.s32 $0xFFFFFFFF, s15;
	s24 =	sor.u32 s3, s23;
	[tilespmem:v10+s20+$0x0] =	vst.idx.msk $0xffff, v9;
	v8 =	vld [tilespmem:s5+$0x0]  }
0x176: {  	v10 =	vor.u32 s26, v0;
	v9 =	vld [tilespmem:s24+$0x0];
	s5 =	sadd.s32 $0x4B00, s13;
	s0 =	sor.u32 s9, s23;
	[tilespmem:v6+s20+$0x0] =	vst.idx.msk $0xffff, v7  }
0x177: {  	s7 =	sadd.s32 $0xFFFFFFFF, s28;
	s6 =	sor.u32 s10, s5;
	v6 =	vld [tilespmem:s0+$0x0];
	[tilespmem:v2+s20+$0x0] =	vst.idx.msk $0xffff, v1  }
0x178: {  	s8 =	sor.u32 s25, s5;
	v2 =	vor.u32 s7, v0;
	v1 =	vld [tilespmem:s6+$0x0];
	[tilespmem:v35+s20+$0x0] =	vst.idx.msk $0xffff, v3  }
0x179: {  	v3 =	vld [tilespmem:s8+$0x0]  }
0x17a: {  	[tilespmem:v53+s20+$0x0] =	vst.idx.msk $0xffff, v8  }
0x17b: {  	[tilespmem:v10+s20+$0x0] =	vst.idx.msk $0xffff, v9  }
0x17c: {  	[tilespmem:v5+s20+$0x0] =	vst.idx.msk $0xffff, v6  }
0x17d: {  	[tilespmem:v2+s20+$0x0] =	vst.idx.msk $0xffff, v1  }
0x17e: {  	[tilespmem:v24+s20+$0x0] =	vst.idx.msk $0xffff, v3  }
0x17f: {  	v6 =	vld [tilespmem:$0x1FFE0];
	_ =	sdelay $0x1  }
0x180: {  	s11 =	sadd.s32 $0x4B80, s2  }
0x181: {  	s12 =	sor.u32 s3, s11;
	v7 =	vld [tilespmem:s22+$0x0]  }
0x182: {  	v9 =	vor.u32 s15, v0;
	v8 =	vld [tilespmem:s12+$0x0];
	_ =	sdelay $0x3  }
0x183: {  	s16 =	rddreg [dreg:$0x14];
	[tilespmem:v6+s20+$0x0] =	vst.idx.msk $0xffff, v7  }
0x184: {  	s18 =	rddreg [dreg:$0x8];
	[tilespmem:v9+s20+$0x0] =	vst.idx.msk $0xffff, v8  }
0x185: {  	v4 =	vld [tilespmem:$0x1FFF0];
	_ =	sdelay $0x1  }
0x186: {  	s0 =	sor.u32 s9, s11  }
0x187: {  	s14 =	sadd.s32 $0x4B80, s13;
	v5 =	vld [tilespmem:s0+$0x0]  }
0x188: {  	s15 =	sor.u32 s10, s14  }
0x189: {  	s1 =	sor.u32 s25, s14;
	v2 =	vor.u32 s28, v0;
	v1 =	vld [tilespmem:s15+$0x0];
	s17 =	sshll.u32 s16, $0x6  }
0x18a: {  	v3 =	vld [tilespmem:s1+$0x0];
	s0 =	sor.u32 s18, s17  }
0x18b: {  	[dreg:$0x16] =	wrdreg s0  }
0x18c: {  	[tilespmem:v4+s20+$0x0] =	vst.idx.msk $0xffff, v5  }
0x18d: {  	[dreg:$0x15] =	wrdreg s17  }
0x18e: {  	s4 =	simm.s32 $0x0;
	s0 =	smin.u32 s0, $0x515;
	s19 =	rddreg [dreg:$0xe];
	[tilespmem:v2+s20+$0x0] =	vst.idx.msk $0xffff, v1  }
0x18f: {  	s22 =	rddreg [dreg:$0x0];
	s0 =	smul.u32 $0xC00, s0;
	s1 =	sadd.s32 s19, s17;
	[tilespmem:v17+s20+$0x0] =	vst.idx.msk $0xffff, v3  }
0x190: {  	s24 =	simm.s32 $0x7A1400;
	s1 =	smin.u32 s1, $0x515;
	s21 =	rddreg [dreg:$0xa]  }
0x191: {  	s2 =	sadd.s32 s21, s0;
	s0 =	simm.s32 $0x0;
	s1 =	smul.u32 $0x300, s1  }
0x192: {  	[hbm4b:s2+s0] =	stream.linear.scatter [tilespmem:s20], [sflag:$0x3], $0x6000, $0x38;
	[tilespmem:$0x1BE80] =	vst v63  }
0x193: {  	s23 =	simm.s32 $0x1800;
	s25 =	simm.s32 $0x2;
	s1 =	sadd.s32 s22, s1  }
0x194: {  	[tilespmem:s0], [sflag:$0x1] =	stream.strided.gather [hbm4b:s1+s23], $0x6000, s24, s23, $0x38;
	[tilespmem:$0x1BE80] =	vst v63  }
0x195: {  	s31 =	sand.u32 $0x1C00, s4;
	s26 =	simm.s32 $0x10;
	_ =	swait.ge [sflag:s25], $0x6000  }
0x196: {  	s29 =	sand.u32 $0x70, s26;
	s6 =	sor.u32 $0x6000, s31;
	[sflag:s25] =	ssyncset.done $0x0  }
0x197: {  	s7 =	simm.s32 $0x200;
	s8 =	sor.u32 s29, s6;
	[sflag:s25] =	ssyncadd.s32 $0xFFFFA000  }
0x198: {  	v2 =	vor.u32 s7, v0;
	v1 =	vld [tilespmem:s8+$0x0];
	_ =	sdelay $0x3  }
0x199: {  	s30 =	simm.s32 $0x12000  }
0x19a: {  	s9 =	simm.s32 $0x201;
	[tilespmem:v2+s30+$0x0] =	vst.idx.msk $0xffff, v1  }
0x19b: {  	v2 =	vor.u32 s9, v0;
	v1 =	vld [tilespmem:s8+$0x80];
	_ =	sdelay $0x4  }
0x19c: {  	s10 =	simm.s32 $0x202;
	[tilespmem:v2+s30+$0x0] =	vst.idx.msk $0xffff, v1  }
0x19d: {  	v2 =	vor.u32 s10, v0;
	v1 =	vld [tilespmem:s8+$0x100];
	_ =	sdelay $0x2  }
0x19e: {  	s1 =	sand.u32 $0x60, s4  }
0x19f: {  	s12 =	simm.s32 $0x0;
	s3 =	sor.u32 s1, s6  }
0x1a0: {  	s11 =	simm.s32 $0x203;
	v3 =	vor.u32 s12, v0;
	v4 =	vld [tilespmem:s3+$0x0];
	[tilespmem:v2+s30+$0x0] =	vst.idx.msk $0xffff, v1  }
0x1a1: {  	v2 =	vor.u32 s11, v0;
	v1 =	vld [tilespmem:s8+$0x180];
	_ =	sdelay $0x3  }
0x1a2: {  	s14 =	simm.s32 $0x1;
	[tilespmem:v3+s30+$0x0] =	vst.idx.msk $0xffff, v4  }
0x1a3: {  	s13 =	simm.s32 $0x204;
	v3 =	vor.u32 s14, v0;
	v4 =	vld [tilespmem:s3+$0x80];
	[tilespmem:v2+s30+$0x0] =	vst.idx.msk $0xffff, v1  }
0x1a4: {  	v2 =	vor.u32 s13, v0;
	v1 =	vld [tilespmem:s8+$0x200];
	_ =	sdelay $0x3  }
0x1a5: {  	s17 =	simm.s32 $0x2;
	[tilespmem:v3+s30+$0x0] =	vst.idx.msk $0xffff, v4  }
0x1a6: {  	s15 =	simm.s32 $0x205;
	v3 =	vor.u32 s17, v0;
	v4 =	vld [tilespmem:s3+$0x100];
	[tilespmem:v2+s30+$0x0] =	vst.idx.msk $0xffff, v1  }
0x1a7: {  	v2 =	vor.u32 s15, v0;
	v1 =	vld [tilespmem:s8+$0x280]  }
0x1a8: {  	s16 =	sand.u32 $0x7, s0  }
0x1a9: {  	s5 =	sshll.u32 s16, $0x4  }
0x1aa: {  	s5 =	sadd.s32 $0x0, s5  }
0x1ab: {  	s19 =	simm.s32 $0x3;
	s5 =	sadd.s32 $0x10, s5;
	[tilespmem:v3+s30+$0x0] =	vst.idx.msk $0xffff, v4  }
0x1ac: {  	s18 =	simm.s32 $0x206;
	s5 =	sor.u32 $0x300, s5;
	v3 =	vor.u32 s19, v0;
	v4 =	vld [tilespmem:s3+$0x180];
	[tilespmem:v2+s30+$0x0] =	vst.idx.msk $0xffff, v1  }
0x1ad: {  	v2 =	vor.u32 s18, v0;
	v1 =	vld [tilespmem:s5+$0x6000];
	_ =	sdelay $0x3  }
0x1ae: {  	s21 =	simm.s32 $0x4;
	s2 =	sor.u32 s26, s4;
	[tilespmem:v3+s30+$0x0] =	vst.idx.msk $0xffff, v4  }
0x1af: {  	s20 =	simm.s32 $0x207;
	s2 =	sor.u32 $0x380, s2;
	v3 =	vor.u32 s21, v0;
	v4 =	vld [tilespmem:s3+$0x200];
	[tilespmem:v2+s30+$0x0] =	vst.idx.msk $0xffff, v1  }
0x1b0: {  	v2 =	vor.u32 s20, v0;
	v1 =	vld [tilespmem:s2+$0x6000];
	_ =	sdelay $0x3  }
0x1b1: {  	s22 =	sadd.s32 $0x7800, s31;
	s25 =	simm.s32 $0x5;
	[tilespmem:v3+s30+$0x0] =	vst.idx.msk $0xffff, v4  }
0x1b2: {  	s23 =	sor.u32 s29, s22;
	s24 =	simm.s32 $0x208;
	v3 =	vor.u32 s25, v0;
	v4 =	vld [tilespmem:s3+$0x280];
	[tilespmem:v2+s30+$0x0] =	vst.idx.msk $0xffff, v1  }
0x1b3: {  	v2 =	vor.u32 s24, v0;
	v1 =	vld [tilespmem:s23+$0x0]  }
0x1b4: {  	s0 =	sand.u32 $0x3, s0  }
0x1b5: {  	s0 =	sshll.u32 s0, $0x5  }
0x1b6: {  	s0 =	sadd.s32 $0x0, s0  }
0x1b7: {  	s26 =	sadd.s32 $0x7880, s31;
	s0 =	sor.u32 $0x300, s0;
	s9 =	simm.s32 $0x6;
	[tilespmem:v3+s30+$0x0] =	vst.idx.msk $0xffff, v4  }
0x1b8: {  	s7 =	sor.u32 s29, s26;
	s8 =	simm.s32 $0x209;
	v3 =	vor.u32 s9, v0;
	v4 =	vld [tilespmem:s0+$0x6000];
	[tilespmem:v2+s30+$0x0] =	vst.idx.msk $0xffff, v1  }
0x1b9: {  	v2 =	vor.u32 s8, v0;
	v1 =	vld [tilespmem:s7+$0x0];
	_ =	sdelay $0x2  }
0x1ba: {  	s12 =	sor.u32 s4, s4  }
0x1bb: {  	s13 =	simm.s32 $0x7;
	s0 =	sor.u32 $0x380, s12;
	[tilespmem:v3+s30+$0x0] =	vst.idx.msk $0xffff, v4;
	s2 =	sadd.s32 $0x7900, s31  }
0x1bc: {  	s11 =	simm.s32 $0x20A;
	v3 =	vor.u32 s13, v0;
	v4 =	vld [tilespmem:s0+$0x6000];
	s10 =	sor.u32 s29, s2;
	[tilespmem:v2+s30+$0x0] =	vst.idx.msk $0xffff, v1  }
0x1bd: {  	s4 =	simm.s32 $0x100;
	v2 =	vor.u32 s11, v0;
	v1 =	vld [tilespmem:s10+$0x0]  }
0x1be: {  	s6 =	simm.s32 $0x30;
	s25 =	sand.u32 $0x1C00, s4  }
0x1bf: {  	s28 =	sand.u32 $0x70, s6;
	s15 =	sor.u32 $0x6000, s25  }
0x1c0: {  	s8 =	sor.u32 s28, s15;
	s11 =	simm.s32 $0x600  }
0x1c1: {  	s17 =	simm.s32 $0x8;
	s5 =	sor.u32 s1, s22;
	[tilespmem:v3+s30+$0x0] =	vst.idx.msk $0xffff, v4;
	v5 =	vld [tilespmem:s8+$0x0];
	s10 =	sadd.s32 $0x7980, s31;
	v6 =	vor.u32 s11, v0  }
0x1c2: {  	s14 =	simm.s32 $0x20B;
	v3 =	vor.u32 s17, v0;
	v4 =	vld [tilespmem:s5+$0x0];
	s16 =	sor.u32 s29, s10;
	[tilespmem:v2+s30+$0x0] =	vst.idx.msk $0xffff, v1  }
0x1c3: {  	v2 =	vor.u32 s14, v0;
	v1 =	vld [tilespmem:s16+$0x0];
	_ =	sdelay $0x2  }
0x1c4: {  	s20 =	simm.s32 $0x601;
	[tilespmem:v6+s30+$0x0] =	vst.idx.msk $0xffff, v5  }
0x1c5: {  	s21 =	simm.s32 $0x9;
	s3 =	sor.u32 s1, s26;
	s0 =	sadd.s32 $0x7A00, s31;
	[tilespmem:v3+s30+$0x0] =	vst.idx.msk $0xffff, v4;
	v6 =	vor.u32 s20, v0;
	v5 =	vld [tilespmem:s8+$0x80]  }
0x1c6: {  	s19 =	simm.s32 $0x20C;
	s18 =	sor.u32 s29, s0;
	v3 =	vor.u32 s21, v0;
	v4 =	vld [tilespmem:s3+$0x0];
	[tilespmem:v2+s30+$0x0] =	vst.idx.msk $0xffff, v1  }
0x1c7: {  	s5 =	simm.s32 $0x20;
	v2 =	vor.u32 s19, v0;
	v1 =	vld [tilespmem:s18+$0x0]  }
0x1c8: {  	s9 =	sand.u32 $0x60, s5  }
0x1c9: {  	s22 =	simm.s32 $0x400;
	s7 =	sor.u32 s9, s15  }
0x1ca: {  	v7 =	vor.u32 s22, v0;
	s24 =	simm.s32 $0x602;
	v8 =	vld [tilespmem:s7+$0x0];
	[tilespmem:v6+s30+$0x0] =	vst.idx.msk $0xffff, v5  }
0x1cb: {  	s26 =	simm.s32 $0xA;
	s2 =	sor.u32 s1, s2;
	s3 =	sadd.s32 $0x7A80, s31;
	[tilespmem:v3+s30+$0x0] =	vst.idx.msk $0xffff, v4;
	v6 =	vor.u32 s24, v0;
	v5 =	vld [tilespmem:s8+$0x100]  }
0x1cc: {  	s12 =	simm.s32 $0x20D;
	s23 =	sor.u32 s29, s3;
	v3 =	vor.u32 s26, v0;
	v4 =	vld [tilespmem:s2+$0x0];
	[tilespmem:v2+s30+$0x0] =	vst.idx.msk $0xffff, v1  }
0x1cd: {  	v2 =	vor.u32 s12, v0;
	v1 =	vld [tilespmem:s23+$0x0];
	_ =	sdelay $0x1  }
0x1ce: {  	[tilespmem:v7+s30+$0x0] =	vst.idx.msk $0xffff, v8;
	s12 =	simm.s32 $0x401  }
0x1cf: {  	s15 =	simm.s32 $0x603;
	v8 =	vld [tilespmem:s7+$0x80];
	[tilespmem:v6+s30+$0x0] =	vst.idx.msk $0xffff, v5;
	v7 =	vor.u32 s12, v0  }
0x1d0: {  	s2 =	sadd.s32 $0x7B00, s31;
	s10 =	sor.u32 s1, s10;
	[tilespmem:v3+s30+$0x0] =	vst.idx.msk $0xffff, v4;
	s16 =	simm.s32 $0xB;
	v6 =	vor.u32 s15, v0;
	v5 =	vld [tilespmem:s8+$0x180]  }
0x1d1: {  	s13 =	sor.u32 s29, s2;
	s14 =	simm.s32 $0x20E;
	v4 =	vld [tilespmem:s10+$0x0];
	v3 =	vor.u32 s16, v0;
	[tilespmem:v2+s30+$0x0] =	vst.idx.msk $0xffff, v1  }
0x1d2: {  	v2 =	vor.u32 s14, v0;
	v1 =	vld [tilespmem:s13+$0x0];
	_ =	sdelay $0x1  }
0x1d3: {  	s17 =	simm.s32 $0x402;
	[tilespmem:v7+s30+$0x0] =	vst.idx.msk $0xffff, v8  }
0x1d4: {  	s20 =	simm.s32 $0x604;
	v7 =	vor.u32 s17, v0;
	[tilespmem:v6+s30+$0x0] =	vst.idx.msk $0xffff, v5;
	v8 =	vld [tilespmem:s7+$0x100]  }
0x1d5: {  	s0 =	sor.u32 s1, s0;
	s21 =	simm.s32 $0xC;
	s10 =	sadd.s32 $0x7B80, s31;
	[tilespmem:v3+s30+$0x0] =	vst.idx.msk $0xffff, v4;
	v6 =	vor.u32 s20, v0;
	v5 =	vld [tilespmem:s8+$0x200]  }
0x1d6: {  	s19 =	simm.s32 $0x20F;
	s18 =	sor.u32 s29, s10;
	v3 =	vor.u32 s21, v0;
	v4 =	vld [tilespmem:s0+$0x0];
	[tilespmem:v2+s30+$0x0] =	vst.idx.msk $0xffff, v1  }
0x1d7: {  	v2 =	vor.u32 s19, v0;
	v1 =	vld [tilespmem:s18+$0x0];
	_ =	sdelay $0x1  }
0x1d8: {  	s22 =	simm.s32 $0x403;
	[tilespmem:v7+s30+$0x0] =	vst.idx.msk $0xffff, v8  }
0x1d9: {  	s3 =	sor.u32 s1, s3;
	s26 =	simm.s32 $0x605;
	v7 =	vor.u32 s22, v0;
	[tilespmem:v6+s30+$0x0] =	vst.idx.msk $0xffff, v5;
	v8 =	vld [tilespmem:s7+$0x180]  }
0x1da: {  	s11 =	simm.s32 $0x2;
	s0 =	sadd.s32 $0x9000, s31;
	s12 =	simm.s32 $0xD;
	[tilespmem:v3+s30+$0x0] =	vst.idx.msk $0xffff, v4;
	v6 =	vor.u32 s26, v0;
	v5 =	vld [tilespmem:s8+$0x280]  }
0x1db: {  	s24 =	simm.s32 $0x210;
	s23 =	sor.u32 s29, s0;
	v3 =	vor.u32 s12, v0;
	v4 =	vld [tilespmem:s3+$0x0];
	s8 =	sand.u32 $0x7, s11;
	[tilespmem:v2+s30+$0x0] =	vst.idx.msk $0xffff, v1  }
0x1dc: {  	s13 =	sshll.u32 s8, $0x4;
	v2 =	vor.u32 s24, v0;
	v1 =	vld [tilespmem:s23+$0x0]  }
0x1dd: {  	s15 =	sadd.s32 $0x100, s13  }
0x1de: {  	s14 =	simm.s32 $0x404;
	s16 =	sadd.s32 $0x10, s15;
	[tilespmem:v7+s30+$0x0] =	vst.idx.msk $0xffff, v8  }
0x1df: {  	s19 =	simm.s32 $0x606;
	s8 =	sor.u32 $0x300, s16;
	v7 =	vor.u32 s14, v0;
	[tilespmem:v6+s30+$0x0] =	vst.idx.msk $0xffff, v5;
	v8 =	vld [tilespmem:s7+$0x200]  }
0x1e0: {  	s2 =	sor.u32 s1, s2;
	s3 =	sadd.s32 $0x9080, s31;
	s20 =	simm.s32 $0xE;
	[tilespmem:v3+s30+$0x0] =	vst.idx.msk $0xffff, v4;
	v6 =	vor.u32 s19, v0;
	v5 =	vld [tilespmem:s8+$0x6000]  }
0x1e1: {  	s17 =	sor.u32 s29, s3;
	v3 =	vor.u32 s20, v0;
	v4 =	vld [tilespmem:s2+$0x0];
	s18 =	simm.s32 $0x211;
	[tilespmem:v2+s30+$0x0] =	vst.idx.msk $0xffff, v1  }
0x1e2: {  	v2 =	vor.u32 s18, v0;
	v1 =	vld [tilespmem:s17+$0x0];
	_ =	sdelay $0x1  }
0x1e3: {  	s6 =	sor.u32 s6, s4;
	s21 =	simm.s32 $0x405;
	[tilespmem:v7+s30+$0x0] =	vst.idx.msk $0xffff, v8  }
0x1e4: {  	s6 =	sor.u32 $0x380, s6;
	s2 =	sadd.s32 $0x9100, s31;
	s26 =	simm.s32 $0x607;
	v7 =	vor.u32 s21, v0;
	[tilespmem:v6+s30+$0x0] =	vst.idx.msk $0xffff, v5;
	v8 =	vld [tilespmem:s7+$0x280]  }
0x1e5: {  	[tilespmem:v3+s30+$0x0] =	vst.idx.msk $0xffff, v4;
	s13 =	simm.s32 $0xF;
	s24 =	simm.s32 $0x1;
	s14 =	sor.u32 s1, s10;
	v6 =	vor.u32 s26, v0;
	v5 =	vld [tilespmem:s6+$0x6000]  }
0x1e6: {  	s22 =	sor.u32 s29, s2;
	v3 =	vor.u32 s13, v0;
	s23 =	simm.s32 $0x212;
	s11 =	sand.u32 $0x3, s24;
	v4 =	vld [tilespmem:s14+$0x0];
	[tilespmem:v2+s30+$0x0] =	vst.idx.msk $0xffff, v1  }
0x1e7: {  	s7 =	sshll.u32 s11, $0x5;
	v2 =	vor.u32 s23, v0;
	v1 =	vld [tilespmem:s22+$0x0]  }
0x1e8: {  	s15 =	sadd.s32 $0x100, s7  }
0x1e9: {  	s16 =	simm.s32 $0x406;
	s18 =	sadd.s32 $0x7800, s25;
	s17 =	sor.u32 $0x300, s15;
	[tilespmem:v7+s30+$0x0] =	vst.idx.msk $0xffff, v8  }
0x1ea: {  	s21 =	sor.u32 s28, s18;
	v7 =	vor.u32 s16, v0;
	[tilespmem:v6+s30+$0x0] =	vst.idx.msk $0xffff, v5;
	v8 =	vld [tilespmem:s17+$0x6000];
	s22 =	simm.s32 $0x608  }
0x1eb: {  	s0 =	sor.u32 s1, s0;
	[tilespmem:v3+s30+$0x0] =	vst.idx.msk $0xffff, v4;
	s6 =	sadd.s32 $0x9180, s31;
	s23 =	simm.s32 $0x10;
	v5 =	vld [tilespmem:s21+$0x0];
	v6 =	vor.u32 s22, v0  }
0x1ec: {  	s20 =	simm.s32 $0x213;
	v4 =	vld [tilespmem:s0+$0x0];
	s19 =	sor.u32 s29, s6;
	v3 =	vor.u32 s23, v0;
	[tilespmem:v2+s30+$0x0] =	vst.idx.msk $0xffff, v1  }
0x1ed: {  	v2 =	vor.u32 s20, v0;
	v1 =	vld [tilespmem:s19+$0x0]  }
0x1ee: {  	s4 =	sor.u32 s5, s4  }
0x1ef: {  	s4 =	sor.u32 $0x380, s4;
	s24 =	simm.s32 $0x407;
	s26 =	sadd.s32 $0x7880, s25;
	[tilespmem:v7+s30+$0x0] =	vst.idx.msk $0xffff, v8  }
0x1f0: {  	s13 =	simm.s32 $0x609;
	s12 =	sor.u32 s28, s26;
	v7 =	vor.u32 s24, v0;
	v8 =	vld [tilespmem:s4+$0x6000];
	[tilespmem:v6+s30+$0x0] =	vst.idx.msk $0xffff, v5  }
0x1f1: {  	s5 =	sadd.s32 $0x9200, s31;
	s3 =	sor.u32 s1, s3;
	s14 =	simm.s32 $0x11;
	[tilespmem:v3+s30+$0x0] =	vst.idx.msk $0xffff, v4;
	v6 =	vor.u32 s13, v0;
	v5 =	vld [tilespmem:s12+$0x0]  }
0x1f2: {  	s10 =	sor.u32 s29, s5;
	s11 =	simm.s32 $0x214;
	v3 =	vor.u32 s14, v0;
	v4 =	vld [tilespmem:s3+$0x0];
	[tilespmem:v2+s30+$0x0] =	vst.idx.msk $0xffff, v1  }
0x1f3: {  	v2 =	vor.u32 s11, v0;
	v1 =	vld [tilespmem:s10+$0x0];
	_ =	sdelay $0x1  }
0x1f4: {  	s18 =	sor.u32 s9, s18;
	s17 =	simm.s32 $0x408;
	s14 =	sadd.s32 $0x7900, s25;
	[tilespmem:v7+s30+$0x0] =	vst.idx.msk $0xffff, v8  }
0x1f5: {  	s22 =	simm.s32 $0x60A;
	s21 =	sor.u32 s28, s14;
	v7 =	vor.u32 s17, v0;
	v8 =	vld [tilespmem:s18+$0x0];
	[tilespmem:v6+s30+$0x0] =	vst.idx.msk $0xffff, v5  }
0x1f6: {  	s2 =	sor.u32 s1, s2;
	s7 =	sadd.s32 $0x9280, s31;
	s15 =	simm.s32 $0x12;
	[tilespmem:v3+s30+$0x0] =	vst.idx.msk $0xffff, v4;
	v6 =	vor.u32 s22, v0;
	v5 =	vld [tilespmem:s21+$0x0]  }
0x1f7: {  	s20 =	simm.s32 $0x215;
	s19 =	sor.u32 s29, s7;
	v3 =	vor.u32 s15, v0;
	v4 =	vld [tilespmem:s2+$0x0];
	[tilespmem:v2+s30+$0x0] =	vst.idx.msk $0xffff, v1  }
0x1f8: {  	s8 =	simm.s32 $0x50;
	v2 =	vor.u32 s20, v0;
	v1 =	vld [tilespmem:s19+$0x0]  }
0x1f9: {  	s23 =	simm.s32 $0x409;
	s24 =	sor.u32 s9, s26;
	s17 =	simm.s32 $0x200  }
0x1fa: {  	s26 =	simm.s32 $0x60B;
	s10 =	sand.u32 $0x1C00, s17;
	s18 =	sadd.s32 $0x7980, s25;
	[tilespmem:v7+s30+$0x0] =	vst.idx.msk $0xffff, v8  }
0x1fb: {  	s13 =	sand.u32 $0x70, s8;
	s21 =	sor.u32 $0x6000, s10;
	s22 =	sor.u32 s28, s18;
	v7 =	vor.u32 s23, v0;
	v8 =	vld [tilespmem:s24+$0x0];
	[tilespmem:v6+s30+$0x0] =	vst.idx.msk $0xffff, v5  }
0x1fc: {  	s2 =	sadd.s32 $0x9300, s31;
	s12 =	sor.u32 s13, s21;
	[tilespmem:v3+s30+$0x0] =	vst.idx.msk $0xffff, v4;
	s24 =	simm.s32 $0xA00;
	v6 =	vor.u32 s26, v0;
	v5 =	vld [tilespmem:s22+$0x0]  }
0x1fd: {  	s20 =	sor.u32 s29, s2;
	s23 =	simm.s32 $0x40;
	v4 =	vld [tilespmem:s12+$0x0];
	s19 =	simm.s32 $0x216;
	v3 =	vor.u32 s24, v0;
	[tilespmem:v2+s30+$0x0] =	vst.idx.msk $0xffff, v1  }
0x1fe: {  	s6 =	sor.u32 s1, s6;
	s11 =	simm.s32 $0x13;
	s15 =	sand.u32 $0x60, s23;
	v2 =	vor.u32 s19, v0;
	v1 =	vld [tilespmem:s20+$0x0]  }
0x1ff: {  	v9 =	vor.u32 s11, v0;
	v10 =	vld [tilespmem:s6+$0x0];
	s26 =	simm.s32 $0x800;
	s6 =	sor.u32 s15, s21  }
0x200: {  	s16 =	simm.s32 $0x40A;
	s14 =	sor.u32 s9, s14;
	[tilespmem:v7+s30+$0x0] =	vst.idx.msk $0xffff, v8;
	v7 =	vor.u32 s26, v0;
	v8 =	vld [tilespmem:s6+$0x0];
	s19 =	sadd.s32 $0x7A00, s25  }
0x201: {  	v11 =	vor.u32 s16, v0;
	s24 =	simm.s32 $0x60C;
	v12 =	vld [tilespmem:s14+$0x0];
	s20 =	sor.u32 s23, s17;
	s23 =	sor.u32 s28, s19;
	[tilespmem:v6+s30+$0x0] =	vst.idx.msk $0xffff, v5  }
0x202: {  	s0 =	simm.s32 $0x14;
	s11 =	sadd.s32 $0x9380, s31;
	s26 =	simm.s32 $0xA01;
	v6 =	vor.u32 s24, v0;
	[tilespmem:v3+s30+$0x0] =	vst.idx.msk $0xffff, v4;
	v5 =	vld [tilespmem:s23+$0x0]  }
0x203: {  	s3 =	simm.s32 $0x40B;
	s21 =	sor.u32 s29, s11;
	s22 =	simm.s32 $0x217;
	v3 =	vor.u32 s26, v0;
	v4 =	vld [tilespmem:s12+$0x80];
	[tilespmem:v2+s30+$0x0] =	vst.idx.msk $0xffff, v1  }
0x204: {  	s4 =	sor.u32 s1, s5;
	s5 =	sor.u32 s1, s7;
	s7 =	simm.s32 $0x801;
	[tilespmem:v9+s30+$0x0] =	vst.idx.msk $0xffff, v10;
	v2 =	vor.u32 s22, v0;
	v1 =	vld [tilespmem:s21+$0x0]  }
0x205: {  	s14 =	sor.u32 s9, s18;
	s18 =	sor.u32 s9, s19;
	s23 =	sadd.s32 $0x7B00, s25;
	[tilespmem:v7+s30+$0x0] =	vst.idx.msk $0xffff, v8  }
0x206: {  	s19 =	sadd.s32 $0xA800, s31;
	v10 =	vld [tilespmem:s4+$0x0];
	s26 =	sor.u32 s9, s23;
	v7 =	vor.u32 s7, v0;
	s7 =	simm.s32 $0x218;
	[tilespmem:v11+s30+$0x0] =	vst.idx.msk $0xffff, v12  }
0x207: {  	v9 =	vor.u32 s0, v0;
	s22 =	sor.u32 $0x380, s20;
	s20 =	sadd.s32 $0x7A80, s25;
	v8 =	vld [tilespmem:s6+$0x80];
	v11 =	vor.u32 s3, v0;
	s3 =	sor.u32 s28, s23;
	[tilespmem:v6+s30+$0x0] =	vst.idx.msk $0xffff, v5  }
0x208: {  	s23 =	sadd.s32 $0xA880, s31;
	s21 =	sor.u32 s29, s19;
	s0 =	sor.u32 s28, s20;
	v12 =	vld [tilespmem:s14+$0x0];
	[tilespmem:v3+s30+$0x0] =	vst.idx.msk $0xffff, v4  }
0x209: {  	s4 =	sor.u32 s9, s20;
	s20 =	simm.s32 $0x60D;
	v5 =	vld [tilespmem:s0+$0x0];
	[tilespmem:v2+s30+$0x0] =	vst.idx.msk $0xffff, v1;
	v2 =	vor.u32 s7, v0;
	s7 =	sor.u32 s1, s19  }
0x20a: {  	s24 =	sor.u32 s8, s17;
	s17 =	sor.u32 s1, s23;
	v6 =	vor.u32 s20, v0;
	v1 =	vld [tilespmem:s21+$0x0];
	[dreg:$0x19] =	wrdreg s7  }
0x20b: {  	s8 =	sor.u32 s1, s2;
	s2 =	simm.s32 $0xA02;
	[dreg:$0x18] =	wrdreg s17  }
0x20c: {  	v3 =	vor.u32 s2, v0;
	s20 =	simm.s32 $0x15;
	[tilespmem:v9+s30+$0x0] =	vst.idx.msk $0xffff, v10;
	v4 =	vld [tilespmem:s12+$0x100]  }
0x20d: {  	s16 =	sor.u32 s29, s23;
	s23 =	sadd.s32 $0xA900, s31;
	s19 =	sadd.s32 $0x7B80, s25;
	v9 =	vor.u32 s20, v0;
	[tilespmem:v7+s30+$0x0] =	vst.idx.msk $0xffff, v8;
	v10 =	vld [tilespmem:s5+$0x0]  }
0x20e: {  	s2 =	simm.s32 $0x802;
	s21 =	sor.u32 s1, s11;
	s14 =	sor.u32 s9, s19;
	[tilespmem:v11+s30+$0x0] =	vst.idx.msk $0xffff, v12  }
0x20f: {  	s11 =	sor.u32 s1, s23;
	s20 =	sor.u32 s28, s19;
	s19 =	sor.u32 s29, s23;
	v7 =	vor.u32 s2, v0;
	[tilespmem:v6+s30+$0x0] =	vst.idx.msk $0xffff, v5;
	v8 =	vld [tilespmem:s6+$0x100]  }
0x210: {  	s23 =	sadd.s32 $0xA980, s31;
	s2 =	simm.s32 $0x60E;
	s5 =	simm.s32 $0x40C;
	v12 =	vld [tilespmem:s18+$0x0];
	[tilespmem:v2+s30+$0x0] =	vst.idx.msk $0xffff, v1  }
0x211: {  	s18 =	simm.s32 $0x219;
	v5 =	vld [tilespmem:s3+$0x0];
	v6 =	vor.u32 s2, v0;
	s2 =	simm.s32 $0x4;
	s3 =	simm.s32 $0x16;
	v11 =	vor.u32 s5, v0;
	[tilespmem:v3+s30+$0x0] =	vst.idx.msk $0xffff, v4  }
0x212: {  	s5 =	sor.u32 s1, s23;
	v2 =	vor.u32 s18, v0;
	v1 =	vld [tilespmem:s16+$0x0];
	s16 =	sor.u32 s29, s23;
	s23 =	simm.s32 $0x4;
	[tilespmem:v9+s30+$0x0] =	vst.idx.msk $0xffff, v10  }
0x213: {  	s18 =	simm.s32 $0xA03;
	v4 =	vld [tilespmem:s12+$0x180];
	[dreg:$0x5] =	wrdreg s23;
	s23 =	sand.u32 $0x7, s2  }
0x214: {  	v3 =	vor.u32 s18, v0;
	v9 =	vor.u32 s3, v0;
	[tilespmem:v7+s30+$0x0] =	vst.idx.msk $0xffff, v8;
	s3 =	sshll.u32 s23, $0x4;
	s23 =	simm.s32 $0x2  }
0x215: {  	s18 =	simm.s32 $0x2;
	v10 =	vld [tilespmem:s8+$0x0];
	s8 =	simm.s32 $0x803;
	[dreg:$0x6] =	wrdreg s23  }
0x216: {  	s2 =	sand.u32 $0x3, s18;
	s18 =	simm.s32 $0x40D;
	v7 =	vor.u32 s8, v0;
	v8 =	vld [tilespmem:s6+$0x180];
	[tilespmem:v11+s30+$0x0] =	vst.idx.msk $0xffff, v12  }
0x217: {  	s23 =	simm.s32 $0x21A;
	v11 =	vor.u32 s18, v0;
	[tilespmem:v2+s30+$0x0] =	vst.idx.msk $0xffff, v1;
	v12 =	vld [tilespmem:s4+$0x0]  }
0x218: {  	s8 =	sshll.u32 s2, $0x5;
	s2 =	simm.s32 $0x60F;
	v2 =	vor.u32 s23, v0;
	[tilespmem:v6+s30+$0x0] =	vst.idx.msk $0xffff, v5;
	v1 =	vld [tilespmem:s19+$0x0]  }
0x219: {  	s0 =	sadd.s32 $0x9080, s25;
	v6 =	vor.u32 s2, v0;
	s18 =	simm.s32 $0xA04;
	v5 =	vld [tilespmem:s20+$0x0];
	[tilespmem:v3+s30+$0x0] =	vst.idx.msk $0xffff, v4  }
0x21a: {  	s23 =	sor.u32 s9, s0;
	s20 =	sadd.s32 $0xAA00, s31;
	v3 =	vor.u32 s18, v0;
	s18 =	simm.s32 $0x17;
	v4 =	vld [tilespmem:s12+$0x200];
	[tilespmem:v9+s30+$0x0] =	vst.idx.msk $0xffff, v10  }
0x21b: {  	s19 =	sor.u32 s28, s0;
	s0 =	sadd.s32 $0x200, s8;
	s2 =	sor.u32 s29, s20;
	v9 =	vor.u32 s18, v0;
	v10 =	vld [tilespmem:s21+$0x0];
	[tilespmem:v7+s30+$0x0] =	vst.idx.msk $0xffff, v8  }
0x21c: {  	s8 =	sor.u32 s1, s20;
	s20 =	sor.u32 $0x300, s0;
	s0 =	simm.s32 $0x804;
	[tilespmem:v11+s30+$0x0] =	vst.idx.msk $0xffff, v12  }
0x21d: {  	s7 =	sadd.s32 $0x9000, s25;
	s18 =	simm.s32 $0x40E;
	v7 =	vor.u32 s0, v0;
	v8 =	vld [tilespmem:s6+$0x200];
	[tilespmem:v2+s30+$0x0] =	vst.idx.msk $0xffff, v1  }
0x21e: {  	s24 =	sor.u32 $0x380, s24;
	s17 =	sor.u32 s9, s7;
	v11 =	vor.u32 s18, v0;
	s18 =	simm.s32 $0x21B;
	[tilespmem:v6+s30+$0x0] =	vst.idx.msk $0xffff, v5;
	v12 =	vld [tilespmem:s26+$0x0]  }
0x21f: {  	s7 =	sor.u32 s28, s7;
	s21 =	sadd.s32 $0x9100, s25;
	v1 =	vld [tilespmem:s16+$0x0];
	v14 =	vor.u32 s18, v0;
	[tilespmem:v3+s30+$0x0] =	vst.idx.msk $0xffff, v4;
	s18 =	simm.s32 $0x1A  }
0x220: {  	s0 =	simm.s32 $0x18;
	s26 =	simm.s32 $0x610;
	v6 =	vld [tilespmem:s7+$0x0];
	v19 =	vor.u32 s18, v0;
	s18 =	simm.s32 $0x1B;
	[tilespmem:v9+s30+$0x0] =	vst.idx.msk $0xffff, v10  }
0x221: {  	s4 =	sor.u32 s28, s21;
	v16 =	vor.u32 s26, v0;
	s26 =	simm.s32 $0xA05;
	v4 =	vld [tilespmem:s12+$0x280];
	v15 =	vor.u32 s18, v0;
	s18 =	rddreg [dreg:$0x19]  }
0x222: {  	s16 =	sor.u32 s9, s21;
	s21 =	simm.s32 $0x19;
	v17 =	vor.u32 s26, v0;
	v9 =	vld [tilespmem:s18+$0x0];
	[tilespmem:v7+s30+$0x0] =	vst.idx.msk $0xffff, v8;
	s18 =	simm.s32 $0x1E  }
0x223: {  	v13 =	vor.u32 s0, v0;
	v5 =	vor.u32 s21, v0;
	s21 =	sadd.s32 $0xAA80, s31;
	s26 =	simm.s32 $0x1C;
	[tilespmem:v11+s30+$0x0] =	vst.idx.msk $0xffff, v12;
	v54 =	vor.u32 s18, v0;
	s18 =	simm.s32 $0x1F  }
0x224: {  	s3 =	sadd.s32 $0x200, s3;
	s0 =	sor.u32 s29, s21;
	v57 =	vor.u32 s26, v0;
	s26 =	simm.s32 $0x805;
	v8 =	vld [tilespmem:s6+$0x280];
	[tilespmem:v14+s30+$0x0] =	vst.idx.msk $0xffff, v1;
	v1 =	vor.u32 s18, v0  }
0x225: {  	s12 =	sor.u32 s1, s21;
	s21 =	simm.s32 $0x1D;
	v7 =	vor.u32 s26, v0;
	s26 =	simm.s32 $0x40F;
	v11 =	vld [tilespmem:s14+$0x0];
	[tilespmem:$0x1FFB0] =	vst v1  }
0x226: {  	s3 =	sadd.s32 $0x10, s3;
	v3 =	vor.u32 s21, v0;
	s21 =	sadd.s32 $0x7800, s10;
	v10 =	vor.u32 s26, v0;
	s26 =	simm.s32 $0x21C;
	[tilespmem:v16+s30+$0x0] =	vst.idx.msk $0xffff, v6  }
0x227: {  	s3 =	sor.u32 $0x300, s3;
	s7 =	sor.u32 s15, s21;
	v20 =	vor.u32 s26, v0;
	s14 =	simm.s32 $0x611;
	v12 =	vld [tilespmem:s2+$0x0];
	[tilespmem:v17+s30+$0x0] =	vst.idx.msk $0xffff, v4  }
0x228: {  	s26 =	sor.u32 s13, s21;
	s18 =	simm.s32 $0x411;
	s21 =	simm.s32 $0xA06;
	v22 =	vor.u32 s14, v0;
	v21 =	vld [tilespmem:s19+$0x0];
	[tilespmem:v13+s30+$0x0] =	vst.idx.msk $0xffff, v9  }
0x229: {  	s6 =	simm.s32 $0x410;
	v23 =	vor.u32 s18, v0;
	v24 =	vor.u32 s21, v0;
	s14 =	simm.s32 $0x413;
	v4 =	vld [tilespmem:s3+$0x6000];
	s18 =	rddreg [dreg:$0x18]  }
0x22a: {  	s21 =	sadd.s32 $0xAB80, s31;
	v6 =	vor.u32 s6, v0;
	s6 =	simm.s32 $0x412;
	v18 =	vor.u32 s14, v0;
	s14 =	simm.s32 $0x806;
	[tilespmem:v7+s30+$0x0] =	vst.idx.msk $0xffff, v8;
	v9 =	vld [tilespmem:s18+$0x0]  }
0x22b: {  	s19 =	sadd.s32 $0xAB00, s31;
	v17 =	vor.u32 s6, v0;
	s3 =	simm.s32 $0x414;
	v7 =	vor.u32 s14, v0;
	v25 =	vld [tilespmem:s20+$0x6000];
	[tilespmem:v10+s30+$0x0] =	vst.idx.msk $0xffff, v11;
	s20 =	simm.s32 $0x416  }
0x22c: {  	s31 =	simm.s32 $0xA1F;
	v16 =	vor.u32 s3, v0;
	s18 =	simm.s32 $0x415;
	v13 =	vor.u32 s20, v0;
	v26 =	vld [tilespmem:s17+$0x0];
	s20 =	simm.s32 $0x21D;
	[tilespmem:v20+s30+$0x0] =	vst.idx.msk $0xffff, v12  }
0x22d: {  	s6 =	sor.u32 s29, s19;
	s3 =	sor.u32 s29, s21;
	v14 =	vor.u32 s18, v0;
	s18 =	simm.s32 $0x417;
	v27 =	vor.u32 s20, v0;
	v20 =	vld [tilespmem:s0+$0x0];
	[tilespmem:v22+s30+$0x0] =	vst.idx.msk $0xffff, v21  }
0x22e: {  	s17 =	sadd.s32 $0x7880, s10;
	v12 =	vor.u32 s18, v0;
	s18 =	simm.s32 $0x418;
	s20 =	simm.s32 $0x612;
	[tilespmem:v24+s30+$0x0] =	vst.idx.msk $0xffff, v4;
	v21 =	vld [tilespmem:s4+$0x0]  }
0x22f: {  	s29 =	simm.s32 $0x61F;
	s14 =	sor.u32 s15, s17;
	v11 =	vor.u32 s18, v0;
	v22 =	vor.u32 s20, v0;
	s18 =	simm.s32 $0xA07;
	v24 =	vld [tilespmem:s24+$0x6000];
	[tilespmem:v5+s30+$0x0] =	vst.idx.msk $0xffff, v9  }
0x230: {  	s2 =	sor.u32 s13, s17;
	s17 =	simm.s32 $0x419;
	s20 =	simm.s32 $0x41A;
	v28 =	vor.u32 s18, v0;
	[tilespmem:v7+s30+$0x0] =	vst.idx.msk $0xffff, v25;
	v29 =	vld [tilespmem:s11+$0x0]  }
0x231: {  	v10 =	vor.u32 s17, v0;
	s17 =	simm.s32 $0x807;
	s0 =	sadd.s32 $0x9180, s25;
	v30 =	vld [tilespmem:s22+$0x6000];
	[tilespmem:v6+s30+$0x0] =	vst.idx.msk $0xffff, v26;
	s22 =	simm.s32 $0x41F  }
0x232: {  	s4 =	simm.s32 $0x21F;
	s24 =	simm.s32 $0x41B;
	s18 =	simm.s32 $0x41D;
	v9 =	vor.u32 s20, v0;
	v25 =	vor.u32 s17, v0;
	v1 =	vor.u32 s22, v0;
	[tilespmem:v27+s30+$0x0] =	vst.idx.msk $0xffff, v20  }
0x233: {  	v8 =	vor.u32 s24, v0;
	s20 =	simm.s32 $0x41E;
	s24 =	simm.s32 $0x21E;
	s17 =	sor.u32 s28, s0;
	v40 =	vor.u32 s4, v0;
	v6 =	vor.u32 s18, v0;
	v26 =	vld [tilespmem:s23+$0x0];
	[tilespmem:$0x1FFC0] =	vst v1  }
0x234: {  	s4 =	simm.s32 $0x816;
	s11 =	simm.s32 $0x41C;
	v5 =	vor.u32 s20, v0;
	s18 =	simm.s32 $0x613;
	v27 =	vor.u32 s24, v0;
	v20 =	vld [tilespmem:s6+$0x0];
	[tilespmem:v22+s30+$0x0] =	vst.idx.msk $0xffff, v21  }
0x235: {  	s0 =	sor.u32 s9, s0;
	s20 =	simm.s32 $0x809;
	v7 =	vor.u32 s11, v0;
	v58 =	vor.u32 s18, v0;
	s22 =	simm.s32 $0xA08;
	[tilespmem:v28+s30+$0x0] =	vst.idx.msk $0xffff, v24;
	v22 =	vld [tilespmem:s17+$0x0]  }
0x236: {  	s11 =	simm.s32 $0x808;
	v59 =	vor.u32 s20, v0;
	s23 =	simm.s32 $0x80A;
	s18 =	simm.s32 $0x80D;
	v60 =	vor.u32 s22, v0;
	v24 =	vld [tilespmem:s26+$0x0];
	[tilespmem:v19+s30+$0x0] =	vst.idx.msk $0xffff, v29  }
0x237: {  	s20 =	simm.s32 $0x819;
	s24 =	simm.s32 $0x80B;
	v37 =	vor.u32 s23, v0;
	s22 =	simm.s32 $0x80E;
	v31 =	vor.u32 s18, v0;
	[tilespmem:v25+s30+$0x0] =	vst.idx.msk $0xffff, v30;
	v19 =	vld [tilespmem:s5+$0x0]  }
0x238: {  	s23 =	simm.s32 $0x80F;
	s18 =	simm.s32 $0x812;
	v34 =	vor.u32 s24, v0;
	s24 =	simm.s32 $0x810;
	v21 =	vor.u32 s11, v0;
	v25 =	vld [tilespmem:s7+$0x0];
	[tilespmem:v23+s30+$0x0] =	vst.idx.msk $0xffff, v26  }
0x239: {  	s6 =	simm.s32 $0x4;
	v28 =	vor.u32 s24, v0;
	s26 =	simm.s32 $0x80C;
	v30 =	vor.u32 s22, v0;
	s17 =	sadd.s32 $0x9200, s25;
	v23 =	vld [tilespmem:s16+$0x0];
	[tilespmem:v27+s30+$0x0] =	vst.idx.msk $0xffff, v20  }
0x23a: {  	s24 =	simm.s32 $0x614;
	v29 =	vor.u32 s23, v0;
	v33 =	vor.u32 s26, v0;
	s26 =	simm.s32 $0x811;
	s23 =	sor.u32 s28, s17;
	v20 =	vld [tilespmem:s3+$0x0];
	[tilespmem:v58+s30+$0x0] =	vst.idx.msk $0xffff, v22  }
0x23b: {  	s11 =	simm.s32 $0x70;
	s22 =	simm.s32 $0x814;
	v62 =	vor.u32 s24, v0;
	v27 =	vor.u32 s26, v0;
	s26 =	simm.s32 $0xA09;
	[tilespmem:v60+s30+$0x0] =	vst.idx.msk $0xffff, v24;
	v61 =	vld [tilespmem:s23+$0x0]  }
0x23c: {  	s24 =	simm.s32 $0x81D;
	s5 =	simm.s32 $0x817;
	v26 =	vor.u32 s18, v0;
	s7 =	simm.s32 $0x818;
	v46 =	vor.u32 s26, v0;
	v45 =	vld [tilespmem:s2+$0x0];
	[tilespmem:v15+s30+$0x0] =	vst.idx.msk $0xffff, v19  }
0x23d: {  	s18 =	simm.s32 $0x81A;
	v36 =	vor.u32 s22, v0;
	s22 =	simm.s32 $0x81B;
	v35 =	vor.u32 s24, v0;
	s16 =	simm.s32 $0x813;
	[tilespmem:v21+s30+$0x0] =	vst.idx.msk $0xffff, v25;
	v63 =	vld [tilespmem:s8+$0x0]  }
0x23e: {  	s3 =	simm.s32 $0x815;
	v24 =	vor.u32 s4, v0;
	s4 =	simm.s32 $0x81E;
	v22 =	vor.u32 s7, v0;
	s7 =	sadd.s32 $0x9280, s25;
	v48 =	vld [tilespmem:s14+$0x0];
	[tilespmem:v17+s30+$0x0] =	vst.idx.msk $0xffff, v23  }
0x23f: {  	v38 =	vor.u32 s16, v0;
	s26 =	simm.s32 $0x81F;
	s23 =	simm.s32 $0x81C;
	v32 =	vor.u32 s3, v0;
	v19 =	vor.u32 s22, v0;
	s22 =	sor.u32 s28, s7;
	[tilespmem:v40+s30+$0x0] =	vst.idx.msk $0xffff, v20  }
0x240: {  	v21 =	vor.u32 s20, v0;
	s8 =	simm.s32 $0x200;
	v42 =	vld [tilespmem:s0+$0x0];
	v20 =	vor.u32 s18, v0;
	s18 =	sor.u32 s1, s21;
	s21 =	sadd.s32 $0x7900, s10;
	[tilespmem:v62+s30+$0x0] =	vst.idx.msk $0xffff, v61  }
0x241: {  	v25 =	vor.u32 s4, v0;
	v23 =	vor.u32 s5, v0;
	s14 =	sor.u32 s1, s19;
	s19 =	sor.u32 s9, s17;
	[tilespmem:v46+s30+$0x0] =	vst.idx.msk $0xffff, v45;
	s24 =	sor.u32 s13, s21;
	v40 =	vld [tilespmem:s22+$0x0]  }
0x242: {  	v15 =	vor.u32 s23, v0;
	s23 =	simm.s32 $0x615;
	v17 =	vor.u32 s26, v0;
	s26 =	simm.s32 $0xA0A;
	s1 =	simm.s32 $0xE1F;
	[tilespmem:v57+s30+$0x0] =	vst.idx.msk $0xffff, v63;
	v43 =	vld [tilespmem:s24+$0x0]  }
0x243: {  	v41 =	vor.u32 s23, v0;
	v44 =	vor.u32 s26, v0;
	s0 =	sor.u32 s15, s21;
	s21 =	sor.u32 s9, s7;
	[tilespmem:v59+s30+$0x0] =	vst.idx.msk $0xffff, v48;
	v39 =	vld [tilespmem:s12+$0x0];
	s12 =	simm.s32 $0x310  }
.LBB2_5:
0x244: {  	_ =	sdelay $0x1  }
0x245: {  	v45 =	vld [tilespmem:s0+$0x0];
	[tilespmem:v18+s30+$0x0] =	vst.idx.msk $0xffff, v42  }
0x246: {  	s23 =	sadd.s32 $0xFFFFFFF0, s12;
	v56 =	vld [tilespmem:s19+$0x0]  }
0x247: {  	s2 =	sadd.s32 $0xFFFFFFEC, s31;
	s3 =	sadd.s32 $0xFFFFFFF7, s29;
	s7 =	sadd.s32 $0x9300, s25;
	[tilespmem:v41+s30+$0x0] =	vst.idx.msk $0xffff, v40  }
0x248: {  	s0 =	sadd.s32 $0x7980, s10;
	s17 =	sand.u32 $0x1C00, s23;
	s16 =	sor.u32 s28, s7;
	[tilespmem:v44+s30+$0x0] =	vst.idx.msk $0xffff, v43  }
0x249: {  	s4 =	sand.u32 $0x70, s11;
	s24 =	sor.u32 s13, s0;
	v57 =	vor.u32 s3, v0;
	s20 =	sor.u32 $0x6000, s17;
	[tilespmem:v3+s30+$0x0] =	vst.idx.msk $0xffff, v39;
	v40 =	vld [tilespmem:s16+$0x0]  }
0x24a: {  	s26 =	sadd.s32 $0xFFFFFFE1, s1;
	s3 =	sadd.s32 $0xFFFFFFF0, s11;
	v59 =	vor.u32 s2, v0;
	s19 =	sor.u32 s4, s20;
	[tilespmem:v37+s30+$0x0] =	vst.idx.msk $0xffff, v45;
	v58 =	vld [tilespmem:s24+$0x0]  }
0x24b: {  	v46 =	vor.u32 s26, v0;
	s16 =	sand.u32 $0x60, s3;
	v60 =	vld [tilespmem:s19+$0x0];
	[tilespmem:v16+s30+$0x0] =	vst.idx.msk $0xffff, v56  }
0x24c: {  	s22 =	sadd.s32 $0xFFFFFDE1, s1;
	s26 =	sadd.s32 $0xFFFFFDE4, s1;
	v18 =	vmov v38;
	s24 =	sor.u32 s16, s20;
	v38 =	vld [tilespmem:s14+$0x0]  }
0x24d: {  	s5 =	sadd.s32 $0xFFFFFDE2, s1;
	v61 =	vor.u32 s22, v0;
	s22 =	sadd.s32 $0xFFFFFDE3, s1;
	v52 =	vor.u32 s26, v0;
	s26 =	sadd.s32 $0x9380, s25;
	v62 =	vld [tilespmem:s24+$0x0]  }
0x24e: {  	v4 =	vmovc v6;
	v6 =	vmov v35;
	v2 =	vld [tilespmem:$0x1FFC0];
	s2 =	sadd.s32 $0x7A00, s10;
	v35 =	vor.u32 s22, v0;
	s22 =	sadd.s32 $0xFFFFFDE6, s1;
	v45 =	vor.u32 s5, v0;
	s5 =	sor.u32 s28, s26;
	[tilespmem:v57+s30+$0x0] =	vst.idx.msk $0xffff, v40  }
0x24f: {  	v44 =	vor.u32 s22, v0;
	s22 =	simm.s32 $0x12000;
	s20 =	sadd.s32 $0xFFFFFDE5, s1;
	v47 =	vld [tilespmem:s21+$0x0];
	s14 =	sadd.s32 $0xFFFFFFF8, s29;
	[tilespmem:v59+s30+$0x0] =	vst.idx.msk $0xffff, v58  }
0x250: {  	v48 =	vor.u32 s20, v0;
	s20 =	sadd.s32 $0xFFFFFDE7, s1;
	s21 =	sor.u32 s13, s2;
	v49 =	vor.u32 s14, v0;
	s30 =	sadd.s32 $0xFFFFFFED, s31;
	v42 =	vld [tilespmem:s5+$0x0];
	[tilespmem:v46+s22+$0x0] =	vst.idx.msk $0xffff, v60  }
0x251: {  	v43 =	vor.u32 s20, v0;
	s20 =	sadd.s32 $0xFFFFFFE2, s1;
	v50 =	vor.u32 s30, v0;
	v46 =	vld [tilespmem:s21+$0x0];
	[tilespmem:v54+s22+$0x0] =	vst.idx.msk $0xffff, v38  }
0x252: {  	s3 =	sor.u32 s3, s23;
	v53 =	vor.u32 s20, v0;
	v51 =	vld [tilespmem:s19+$0x80];
	[tilespmem:v61+s22+$0x0] =	vst.idx.msk $0xffff, v62  }
0x253: {  	s0 =	sor.u32 s15, s0;
	v3 =	vmov v5;
	v5 =	vmov v25;
	s14 =	sor.u32 $0x380, s3;
	s5 =	sadd.s32 $0xFFFFFDE8, s1;
	v25 =	vld [tilespmem:s18+$0x0]  }
0x254: {  	v16 =	vmov v36;
	s20 =	sadd.s32 $0xFFFFFDEC, s1;
	v41 =	vor.u32 s5, v0;
	s5 =	sadd.s32 $0xFFFFFDE9, s1;
	s21 =	sadd.s32 $0xFFFFFDEA, s1;
	v36 =	vld [tilespmem:s24+$0x80];
	[tilespmem:v14+s22+$0x0] =	vst.idx.msk $0xffff, v47  }
0x255: {  	v1 =	vld [tilespmem:$0x1FFB0];
	s3 =	sadd.s32 $0xA800, s25;
	v40 =	vor.u32 s5, v0;
	v39 =	vor.u32 s21, v0;
	s5 =	sadd.s32 $0xFFFFFDEB, s1;
	s21 =	sadd.s32 $0xFFFFFDED, s1;
	[tilespmem:v49+s22+$0x0] =	vst.idx.msk $0xffff, v42  }
0x256: {  	v37 =	vor.u32 s5, v0;
	v14 =	vmov v32;
	v47 =	vor.u32 s21, v0;
	s5 =	sadd.s32 $0x7A80, s10;
	s21 =	sor.u32 s28, s3;
	s18 =	sadd.s32 $0xFFFFFFF9, s29;
	v32 =	vld [tilespmem:s0+$0x0];
	[tilespmem:v50+s22+$0x0] =	vst.idx.msk $0xffff, v46  }
0x257: {  	s30 =	sadd.s32 $0xFFFFFFEE, s31;
	v54 =	vor.u32 s20, v0;
	s20 =	sor.u32 s15, s2;
	s0 =	sor.u32 s13, s5;
	v55 =	vor.u32 s18, v0;
	v50 =	vld [tilespmem:s21+$0x0];
	[tilespmem:v53+s22+$0x0] =	vst.idx.msk $0xffff, v51  }
0x258: {  	v2 =	vmov v2;
	v57 =	vor.u32 s30, v0;
	s2 =	sor.u32 s15, s5;
	s5 =	sadd.s32 $0xFFFFFDEE, s1;
	s18 =	sadd.s32 $0xFFFFFFE3, s1;
	v56 =	vld [tilespmem:s0+$0x0]  }
0x259: {  	[tilespmem:$0x1FFB0] =	vst v2;
	v58 =	vor.u32 s5, v0;
	s5 =	sadd.s32 $0xFFFFFDF1, s1;
	v60 =	vor.u32 s18, v0;
	s21 =	sadd.s32 $0xFFFFFDEF, s1;
	v59 =	vld [tilespmem:s19+$0x100]  }
0x25a: {  	v49 =	vor.u32 s5, v0;
	s5 =	sadd.s32 $0xFFFFFDF3, s1;
	v53 =	vor.u32 s21, v0;
	s21 =	sadd.s32 $0xFFFFFDF2, s1;
	[tilespmem:v45+s22+$0x0] =	vst.idx.msk $0xffff, v36  }
0x25b: {  	s18 =	sadd.s32 $0xFFFFFDF5, s1;
	v42 =	vor.u32 s5, v0;
	s5 =	sor.u32 s9, s7;
	v46 =	vor.u32 s21, v0;
	s21 =	sadd.s32 $0xFFFFFDF4, s1;
	v45 =	vld [tilespmem:s24+$0x100];
	[tilespmem:v34+s22+$0x0] =	vst.idx.msk $0xffff, v32  }
0x25c: {  	s7 =	sadd.s32 $0x7B00, s10;
	s0 =	sadd.s32 $0xFFFFFDF0, s1;
	v38 =	vor.u32 s21, v0;
	s21 =	sadd.s32 $0xA880, s25;
	[tilespmem:v55+s22+$0x0] =	vst.idx.msk $0xffff, v50  }
0x25d: {  	v36 =	vor.u32 s18, v0;
	v51 =	vor.u32 s0, v0;
	s0 =	sadd.s32 $0xFFFFFDF6, s1;
	v61 =	vld [tilespmem:s20+$0x0];
	s20 =	sadd.s32 $0xFFFFFFFA, s29;
	s18 =	sor.u32 s28, s21;
	[tilespmem:v57+s22+$0x0] =	vst.idx.msk $0xffff, v56  }
0x25e: {  	s30 =	sadd.s32 $0xFFFFFFEF, s31;
	v32 =	vor.u32 s0, v0;
	s0 =	sor.u32 s15, s7;
	s7 =	sor.u32 s13, s7;
	v56 =	vor.u32 s20, v0;
	v55 =	vld [tilespmem:s18+$0x0];
	[tilespmem:v60+s22+$0x0] =	vst.idx.msk $0xffff, v59  }
0x25f: {  	[tilespmem:v1+s22+$0x0] =	vst.idx.msk $0xffff, v25;
	s20 =	sadd.s32 $0xFFFFFFE4, s1;
	v59 =	vor.u32 s30, v0;
	v57 =	vld [tilespmem:s7+$0x0]  }
0x260: {  	v1 =	vmov v17;
	s18 =	sadd.s32 $0xFFFFFDF7, s1;
	s30 =	sadd.s32 $0xFFFFFDF9, s1;
	v63 =	vor.u32 s20, v0;
	[tilespmem:v35+s22+$0x0] =	vst.idx.msk $0xffff, v45;
	v62 =	vld [tilespmem:s19+$0x180]  }
0x261: {  	[tilespmem:$0x1FFC0] =	vst v1;
	s20 =	sadd.s32 $0xFFFFFDFB, s1;
	s7 =	sor.u32 s9, s26;
	v60 =	vor.u32 s18, v0;
	s18 =	sadd.s32 $0xFFFFFDF8, s1;
	v17 =	vld [tilespmem:s5+$0x0]  }
0x262: {  	s26 =	sor.u32 s9, s3;
	v25 =	vld [tilespmem:s24+$0x180];
	s5 =	sadd.s32 $0xFFFFFDFC, s1;
	[tilespmem:v33+s22+$0x0] =	vst.idx.msk $0xffff, v61;
	v1 =	vor.u32 s18, v0;
	s18 =	sadd.s32 $0xFFFFFDFA, s1  }
0x263: {  	v34 =	vmovc v54;
	v2 =	vor.u32 s30, v0;
	v50 =	vor.u32 s20, v0;
	s20 =	sadd.s32 $0xFFFFFDFD, s1;
	s3 =	sadd.s32 $0x7B80, s10;
	v54 =	vor.u32 s18, v0;
	s18 =	sadd.s32 $0xA900, s25;
	[tilespmem:v56+s22+$0x0] =	vst.idx.msk $0xffff, v55  }
0x264: {  	v33 =	vmov v47;
	s30 =	sadd.s32 $0xFFFFFFF0, s31;
	v47 =	vor.u32 s5, v0;
	v45 =	vor.u32 s20, v0;
	v61 =	vld [tilespmem:s2+$0x0];
	s20 =	sadd.s32 $0xFFFFFFFB, s29;
	s5 =	sor.u32 s28, s18;
	[tilespmem:v59+s22+$0x0] =	vst.idx.msk $0xffff, v57  }
0x265: {  	s2 =	sor.u32 s15, s3;
	s3 =	sor.u32 s13, s3;
	v56 =	vor.u32 s20, v0;
	v59 =	vor.u32 s30, v0;
	s30 =	simm.s32 $0x12000;
	v55 =	vld [tilespmem:s5+$0x0];
	[tilespmem:v63+s22+$0x0] =	vst.idx.msk $0xffff, v62  }
0x266: {  	s22 =	sadd.s32 $0xFFFFFFE5, s1;
	[tilespmem:v13+s30+$0x0] =	vst.idx.msk $0xffff, v17;
	v57 =	vld [tilespmem:s3+$0x0]  }
0x267: {  	v62 =	vld [tilespmem:s19+$0x200];
	v63 =	vor.u32 s22, v0;
	[tilespmem:v52+s30+$0x0] =	vst.idx.msk $0xffff, v25  }
0x268: {  	v52 =	vld [tilespmem:s7+$0x0]  }
0x269: {  	v13 =	vmov v24;
	v24 =	vmov v60;
	v60 =	vld [tilespmem:s24+$0x200];
	[tilespmem:v31+s30+$0x0] =	vst.idx.msk $0xffff, v61  }
0x26a: {  	s5 =	sor.u32 s9, s18;
	s18 =	sadd.s32 $0xFFFFFDFF, s1;
	s3 =	sadd.s32 $0xA980, s25;
	[tilespmem:v56+s30+$0x0] =	vst.idx.msk $0xffff, v55  }
0x26b: {  	s20 =	sadd.s32 $0xFFFFFDFE, s1;
	v25 =	vor.u32 s18, v0;
	s22 =	sadd.s32 $0x9000, s10;
	v31 =	vmov v58;
	s18 =	sor.u32 s28, s3;
	v58 =	vld [tilespmem:s0+$0x0];
	[tilespmem:v59+s30+$0x0] =	vst.idx.msk $0xffff, v57  }
0x26c: {  	v35 =	vor.u32 s20, v0;
	s20 =	sadd.s32 $0xFFFFFE00, s1;
	s7 =	sor.u32 s13, s22;
	v55 =	vld [tilespmem:s18+$0x0];
	[tilespmem:v63+s30+$0x0] =	vst.idx.msk $0xffff, v62  }
0x26d: {  	v17 =	vor.u32 s20, v0;
	s20 =	sadd.s32 $0xFFFFFFFC, s29;
	v57 =	vld [tilespmem:s7+$0x0];
	s7 =	rddreg [dreg:$0x6]  }
0x26e: {  	s0 =	sor.u32 s15, s22;
	s22 =	sadd.s32 $0xFFFFFFF1, s31;
	v56 =	vor.u32 s20, v0;
	s20 =	sadd.s32 $0x1, s7  }
0x26f: {  	v59 =	vor.u32 s22, v0;
	s18 =	sadd.s32 $0xFFFFFFE6, s1;
	[tilespmem:v12+s30+$0x0] =	vst.idx.msk $0xffff, v52;
	[dreg:$0x6] =	wrdreg s20  }
0x270: {  	v61 =	vld [tilespmem:s19+$0x280];
	v62 =	vor.u32 s18, v0;
	[tilespmem:v48+s30+$0x0] =	vst.idx.msk $0xffff, v60;
	s22 =	sand.u32 $0x3, s20;
	s20 =	rddreg [dreg:$0x5]  }
0x271: {  	v12 =	vmov v23;
	v23 =	vmov v1;
	s19 =	sadd.s32 $0xAA00, s25;
	v1 =	vld [tilespmem:s26+$0x0];
	s18 =	sadd.s32 $0x2, s20  }
0x272: {  	s7 =	sor.u32 s9, s3;
	v48 =	vld [tilespmem:s24+$0x280];
	[tilespmem:v30+s30+$0x0] =	vst.idx.msk $0xffff, v58;
	[dreg:$0x5] =	wrdreg s18;
	s18 =	sand.u32 $0x7, s18  }
0x273: {  	v52 =	vld [tilespmem:s2+$0x0];
	s2 =	sadd.s32 $0x9080, s10;
	s3 =	sshll.u32 s22, $0x5;
	[tilespmem:v56+s30+$0x0] =	vst.idx.msk $0xffff, v55;
	s18 =	sshll.u32 s18, $0x4  }
0x274: {  	s20 =	sadd.s32 $0xFFFFFFFD, s29;
	s22 =	sor.u32 s28, s19;
	[tilespmem:v59+s30+$0x0] =	vst.idx.msk $0xffff, v57;
	s18 =	sadd.s32 s23, s18  }
0x275: {  	v30 =	vmov v53;
	s26 =	sadd.s32 $0xFFFFFFF2, s31;
	s24 =	sor.u32 s13, s2;
	v55 =	vor.u32 s20, v0;
	v53 =	vld [tilespmem:s22+$0x0];
	[tilespmem:v62+s30+$0x0] =	vst.idx.msk $0xffff, v61;
	s18 =	sadd.s32 $0x10, s18  }
0x276: {  	s8 =	sadd.s32 $0x100, s8;
	v63 =	vor.u32 s26, v0;
	s22 =	sadd.s32 $0xFFFFFFE7, s1;
	[tilespmem:v11+s30+$0x0] =	vst.idx.msk $0xffff, v1;
	v56 =	vld [tilespmem:s24+$0x0];
	s18 =	sor.u32 $0x300, s18  }
0x277: {  	s21 =	sor.u32 s9, s21;
	s3 =	sadd.s32 s3, s8;
	v61 =	vor.u32 s22, v0;
	[tilespmem:v44+s30+$0x0] =	vst.idx.msk $0xffff, v48;
	v60 =	vld [tilespmem:s18+$0x6000]  }
0x278: {  	s3 =	sor.u32 $0x300, s3;
	v1 =	vld [tilespmem:s21+$0x0]  }
0x279: {  	v11 =	vmov v22;
	v22 =	vmov v2;
	v2 =	vld [tilespmem:s3+$0x6000];
	[tilespmem:v29+s30+$0x0] =	vst.idx.msk $0xffff, v52  }
0x27a: {  	s3 =	sadd.s32 $0xAA80, s25;
	[tilespmem:v55+s30+$0x0] =	vst.idx.msk $0xffff, v53  }
0x27b: {  	s21 =	sadd.s32 $0xFFFFFFFE, s29;
	v44 =	vld [tilespmem:s0+$0x0];
	s0 =	sadd.s32 $0x9100, s10;
	s20 =	sor.u32 s28, s3;
	[tilespmem:v63+s30+$0x0] =	vst.idx.msk $0xffff, v56  }
0x27c: {  	s26 =	sadd.s32 $0xFFFFFFF3, s31;
	s22 =	sor.u32 s11, s23;
	v62 =	vor.u32 s21, v0;
	s23 =	sor.u32 s13, s0;
	v48 =	vld [tilespmem:s20+$0x0];
	[tilespmem:v61+s30+$0x0] =	vst.idx.msk $0xffff, v60  }
0x27d: {  	s24 =	sor.u32 s9, s19;
	s19 =	sor.u32 $0x380, s22;
	s20 =	sadd.s32 $0xFFFFFFE8, s1;
	[tilespmem:v10+s30+$0x0] =	vst.idx.msk $0xffff, v1;
	v60 =	vor.u32 s26, v0;
	v63 =	vld [tilespmem:s23+$0x0]  }
0x27e: {  	v61 =	vor.u32 s20, v0;
	[tilespmem:v43+s30+$0x0] =	vst.idx.msk $0xffff, v2;
	v55 =	vld [tilespmem:s19+$0x6000]  }
0x27f: {  	v1 =	vld [tilespmem:s5+$0x0]  }
0x280: {  	v2 =	vld [tilespmem:s14+$0x6000];
	[tilespmem:v28+s30+$0x0] =	vst.idx.msk $0xffff, v44  }
0x281: {  	s2 =	sor.u32 s15, s2;
	s23 =	sor.u32 s9, s3;
	s3 =	sadd.s32 $0xAB00, s25;
	[tilespmem:v62+s30+$0x0] =	vst.idx.msk $0xffff, v48  }
0x282: {  	s22 =	sadd.s32 $0xFFFFFFFF, s29;
	v43 =	vld [tilespmem:s2+$0x0];
	s2 =	sadd.s32 $0x9180, s10;
	s21 =	sor.u32 s28, s3;
	[tilespmem:v60+s30+$0x0] =	vst.idx.msk $0xffff, v63  }
0x283: {  	s26 =	sadd.s32 $0x7800, s17;
	s20 =	sadd.s32 $0xFFFFFFF4, s31;
	s19 =	sor.u32 s13, s2;
	v63 =	vor.u32 s22, v0;
	v62 =	vld [tilespmem:s21+$0x0];
	[tilespmem:v61+s30+$0x0] =	vst.idx.msk $0xffff, v55  }
0x284: {  	v57 =	vor.u32 s20, v0;
	s22 =	sor.u32 s4, s26;
	[tilespmem:v9+s30+$0x0] =	vst.idx.msk $0xffff, v1;
	s21 =	sor.u32 s16, s26;
	s26 =	sadd.s32 $0xFFFFFFE9, s1;
	v56 =	vld [tilespmem:s19+$0x0]  }
0x285: {  	[tilespmem:v41+s30+$0x0] =	vst.idx.msk $0xffff, v2;
	v52 =	vld [tilespmem:s22+$0x0];
	v58 =	vor.u32 s26, v0  }
0x286: {  	v1 =	vld [tilespmem:s7+$0x0]  }
0x287: {  	s0 =	sor.u32 s15, s0;
	v2 =	vld [tilespmem:s21+$0x0];
	[tilespmem:v27+s30+$0x0] =	vst.idx.msk $0xffff, v43  }
0x288: {  	s14 =	sor.u32 s9, s3;
	s19 =	sadd.s32 $0xAB80, s25;
	s25 =	smov.u32 s10;
	[tilespmem:v63+s30+$0x0] =	vst.idx.msk $0xffff, v62  }
0x289: {  	s10 =	smov.u32 s17;
	v41 =	vld [tilespmem:s0+$0x0];
	s0 =	sadd.s32 $0x9200, s25;
	s3 =	sor.u32 s28, s19;
	[tilespmem:v57+s30+$0x0] =	vst.idx.msk $0xffff, v56  }
0x28a: {  	v60 =	vor.u32 s29, v0;
	s22 =	sadd.s32 $0xFFFFFFF5, s31;
	s20 =	sadd.s32 $0x7880, s10;
	s21 =	sor.u32 s13, s0;
	v59 =	vld [tilespmem:s3+$0x0];
	[tilespmem:v58+s30+$0x0] =	vst.idx.msk $0xffff, v52  }
0x28b: {  	s18 =	sor.u32 s9, s19;
	s19 =	sadd.s32 $0xFFFFFFEA, s1;
	s5 =	sor.u32 s4, s20;
	v62 =	vor.u32 s22, v0;
	[tilespmem:v8+s30+$0x0] =	vst.idx.msk $0xffff, v1;
	v61 =	vld [tilespmem:s21+$0x0]  }
0x28c: {  	v28 =	vmov v49;
	v63 =	vor.u32 s19, v0;
	[tilespmem:v40+s30+$0x0] =	vst.idx.msk $0xffff, v2;
	v49 =	vld [tilespmem:s5+$0x0]  }
0x28d: {  	s6 =	sadd.s32 $0x2, s6;
	s26 =	sor.u32 s16, s20;
	v1 =	vld [tilespmem:s24+$0x0]  }
0x28e: {  	s12 =	sadd.s32 $0x100, s12;
	p0 =	slt.u32 s6, $0x2E;
	s11 =	sadd.s32 $0x20, s11;
	v2 =	vld [tilespmem:s26+$0x0];
	[tilespmem:v26+s30+$0x0] =	vst.idx.msk $0xffff, v41  }
0x28f: {  	s2 =	sor.u32 s15, s2;
	s29 =	smov.u32 s31;
	s31 =	smov.u32 s1;
	[tilespmem:v60+s30+$0x0] =	vst.idx.msk $0xffff, v59  }
.Ltmp1:
0x290: {  	s28 =	smov.u32 s13;
	s20 =	sadd.s32 $0x9280, s25;
	[tilespmem:v62+s30+$0x0] =	vst.idx.msk $0xffff, v61;
	(pc) =	sbr.rel @p0 .LBB2_5-.Ltmp1, $4  }
0x291: {  	s13 =	smov.u32 s4;
	s22 =	sor.u32 s28, s20;
	v26 =	vmov v42;
	s21 =	sadd.s32 $0x7900, s10;
	v42 =	vld [tilespmem:s2+$0x0];
	[tilespmem:v63+s30+$0x0] =	vst.idx.msk $0xffff, v49  }
0x292: {  	v29 =	vmovc v51;
	v10 =	vmov v21;
	v21 =	vmov v54;
	v54 =	vmov v3;
	s9 =	smov.u32 s15;
	s19 =	sor.u32 s15, s0;
	s3 =	sor.u32 s13, s21;
	[tilespmem:v7+s30+$0x0] =	vst.idx.msk $0xffff, v1;
	v40 =	vld [tilespmem:s22+$0x0]  }
0x293: {  	v3 =	vmovc v4;
	v9 =	vmovc v20;
	v20 =	vmov v50;
	v27 =	vmov v46;
	s15 =	smov.u32 s16;
	v8 =	vmov v19;
	s24 =	sadd.s32 $0xFFFFFFF6, s29;
	s26 =	sadd.s32 $0xFFFFFFEB, s1;
	[tilespmem:v39+s30+$0x0] =	vst.idx.msk $0xffff, v2;
	v43 =	vld [tilespmem:s3+$0x0]  }
0x294: {  	v19 =	vmovc v47;
	s1 =	sadd.s32 $0x400, s1;
	s0 =	sor.u32 s15, s21;
	v41 =	vor.u32 s24, v0;
	v44 =	vor.u32 s26, v0;
	s21 =	sor.u32 s9, s20;
	v7 =	vmovc v15;
	v15 =	vmov v45;
	v39 =	vld [tilespmem:s23+$0x0]  }
0x295: {  	v1 =	vld [tilespmem:s0+$0x0];
	_ =	sdelay $0x2  }
0x296: {  	s26 =	sadd.s32 $0x7980, s10  }
0x297: {  	s1 =	sadd.s32 $0xFFFFFFEC, s31;
	s2 =	sor.u32 s13, s26;
	[tilespmem:v44+s30+$0x0] =	vst.idx.msk $0xffff, v43  }
0x298: {  	v53 =	vor.u32 s1, v0;
	s0 =	sor.u32 s15, s26;
	v2 =	vld [tilespmem:s2+$0x0];
	[tilespmem:v37+s30+$0x0] =	vst.idx.msk $0xffff, v1  }
0x299: {  	v1 =	vld [tilespmem:s0+$0x0];
	_ =	sdelay $0x2  }
0x29a: {  	s3 =	sadd.s32 $0x7A00, s10  }
0x29b: {  	s5 =	sadd.s32 $0xFFFFFFED, s31;
	s4 =	sor.u32 s13, s3;
	[tilespmem:v53+s30+$0x0] =	vst.idx.msk $0xffff, v2  }
0x29c: {  	v55 =	vor.u32 s5, v0;
	s0 =	sor.u32 s15, s3;
	v2 =	vld [tilespmem:s4+$0x0];
	[tilespmem:v34+s30+$0x0] =	vst.idx.msk $0xffff, v1  }
0x29d: {  	v1 =	vld [tilespmem:s0+$0x0];
	_ =	sdelay $0x2  }
0x29e: {  	s6 =	sadd.s32 $0x7A80, s10  }
0x29f: {  	s8 =	sadd.s32 $0xFFFFFFEE, s31;
	s7 =	sor.u32 s13, s6;
	[tilespmem:v55+s30+$0x0] =	vst.idx.msk $0xffff, v2  }
0x2a0: {  	v56 =	vor.u32 s8, v0;
	s0 =	sor.u32 s15, s6;
	v2 =	vld [tilespmem:s7+$0x0];
	[tilespmem:v33+s30+$0x0] =	vst.idx.msk $0xffff, v1  }
0x2a1: {  	v1 =	vld [tilespmem:s0+$0x0];
	_ =	sdelay $0x2  }
0x2a2: {  	s11 =	sadd.s32 $0x7B00, s10  }
0x2a3: {  	s16 =	sadd.s32 $0xFFFFFFEF, s31;
	s12 =	sor.u32 s13, s11;
	[tilespmem:v56+s30+$0x0] =	vst.idx.msk $0xffff, v2  }
0x2a4: {  	v57 =	vor.u32 s16, v0;
	s0 =	sor.u32 s15, s11;
	v2 =	vld [tilespmem:s12+$0x0];
	[tilespmem:v31+s30+$0x0] =	vst.idx.msk $0xffff, v1  }
0x2a5: {  	v1 =	vld [tilespmem:s0+$0x0];
	_ =	sdelay $0x2  }
0x2a6: {  	s17 =	sadd.s32 $0x7B80, s10  }
0x2a7: {  	s22 =	sadd.s32 $0xFFFFFFF0, s31;
	s20 =	sor.u32 s13, s17;
	[tilespmem:v57+s30+$0x0] =	vst.idx.msk $0xffff, v2  }
0x2a8: {  	v58 =	vor.u32 s22, v0;
	s0 =	sor.u32 s15, s17;
	v2 =	vld [tilespmem:s20+$0x0];
	[tilespmem:v30+s30+$0x0] =	vst.idx.msk $0xffff, v1  }
0x2a9: {  	v1 =	vld [tilespmem:s0+$0x0];
	_ =	sdelay $0x2  }
0x2aa: {  	s23 =	sadd.s32 $0x9000, s10  }
0x2ab: {  	s24 =	sor.u32 s13, s23;
	s26 =	sadd.s32 $0xFFFFFFF1, s31;
	[tilespmem:v58+s30+$0x0] =	vst.idx.msk $0xffff, v2  }
0x2ac: {  	v59 =	vor.u32 s26, v0;
	s0 =	sor.u32 s15, s23;
	v2 =	vld [tilespmem:s24+$0x0];
	[tilespmem:v29+s30+$0x0] =	vst.idx.msk $0xffff, v1  }
0x2ad: {  	v1 =	vld [tilespmem:s0+$0x0];
	_ =	sdelay $0x2  }
0x2ae: {  	s3 =	sadd.s32 $0x9080, s10  }
0x2af: {  	s5 =	sadd.s32 $0xFFFFFFF2, s31;
	s4 =	sor.u32 s13, s3;
	[tilespmem:v59+s30+$0x0] =	vst.idx.msk $0xffff, v2  }
0x2b0: {  	v60 =	vor.u32 s5, v0;
	s0 =	sor.u32 s15, s3;
	v2 =	vld [tilespmem:s4+$0x0];
	[tilespmem:v28+s30+$0x0] =	vst.idx.msk $0xffff, v1  }
0x2b1: {  	v1 =	vld [tilespmem:s0+$0x0];
	_ =	sdelay $0x2  }
0x2b2: {  	s6 =	sadd.s32 $0x9100, s10  }
0x2b3: {  	s8 =	sadd.s32 $0xFFFFFFF3, s31;
	s7 =	sor.u32 s13, s6;
	[tilespmem:v60+s30+$0x0] =	vst.idx.msk $0xffff, v2  }
0x2b4: {  	v61 =	vor.u32 s8, v0;
	s0 =	sor.u32 s15, s6;
	v2 =	vld [tilespmem:s7+$0x0];
	[tilespmem:v27+s30+$0x0] =	vst.idx.msk $0xffff, v1  }
0x2b5: {  	v1 =	vld [tilespmem:s0+$0x0];
	_ =	sdelay $0x2  }
0x2b6: {  	s11 =	sadd.s32 $0x9180, s10  }
0x2b7: {  	s16 =	sadd.s32 $0xFFFFFFF4, s31;
	s12 =	sor.u32 s13, s11;
	[tilespmem:v61+s30+$0x0] =	vst.idx.msk $0xffff, v2  }
0x2b8: {  	v62 =	vor.u32 s16, v0;
	s0 =	sor.u32 s15, s11;
	v2 =	vld [tilespmem:s12+$0x0];
	[tilespmem:v26+s30+$0x0] =	vst.idx.msk $0xffff, v1  }
0x2b9: {  	v1 =	vld [tilespmem:s0+$0x0];
	_ =	sdelay $0x2  }
0x2ba: {  	[tilespmem:v18+s30+$0x0] =	vst.idx.msk $0xffff, v42;
	s17 =	sadd.s32 $0x9200, s10  }
0x2bb: {  	v18 =	vld [tilespmem:s19+$0x0];
	s19 =	sor.u32 s13, s17;
	s20 =	sadd.s32 $0xFFFFFFF5, s31;
	[tilespmem:v62+s30+$0x0] =	vst.idx.msk $0xffff, v2  }
0x2bc: {  	v63 =	vor.u32 s20, v0;
	s0 =	sor.u32 s15, s17;
	v2 =	vld [tilespmem:s19+$0x0];
	[tilespmem:v38+s30+$0x0] =	vst.idx.msk $0xffff, v1  }
0x2bd: {  	v1 =	vld [tilespmem:s0+$0x0];
	_ =	sdelay $0x2  }
0x2be: {  	s22 =	sadd.s32 $0x9280, s10;
	[tilespmem:v16+s30+$0x0] =	vst.idx.msk $0xffff, v18  }
0x2bf: {  	v16 =	vld [tilespmem:s21+$0x0];
	s23 =	sor.u32 s13, s22;
	s24 =	sadd.s32 $0xFFFFFFF6, s31;
	[tilespmem:v63+s30+$0x0] =	vst.idx.msk $0xffff, v2  }
0x2c0: {  	v4 =	vor.u32 s24, v0;
	s0 =	sor.u32 s15, s22;
	v2 =	vld [tilespmem:s23+$0x0];
	[tilespmem:v36+s30+$0x0] =	vst.idx.msk $0xffff, v1  }
0x2c1: {  	v1 =	vld [tilespmem:s0+$0x0]  }
0x2c2: {  	s26 =	sadd.s32 $0x9300, s25  }
0x2c3: {  	[tilespmem:v41+s30+$0x0] =	vst.idx.msk $0xffff, v40;
	s3 =	sadd.s32 $0xFFFFFFF7, s29;
	s4 =	sor.u32 s28, s26  }
0x2c4: {  	s5 =	sadd.s32 $0x9300, s10;
	[tilespmem:v14+s30+$0x0] =	vst.idx.msk $0xffff, v16;
	v31 =	vor.u32 s3, v0;
	v30 =	vld [tilespmem:s4+$0x0];
	s0 =	sor.u32 s9, s26  }
0x2c5: {  	s6 =	sadd.s32 $0xFFFFFFF7, s31;
	s7 =	sor.u32 s13, s5;
	v14 =	vld [tilespmem:s0+$0x0];
	[tilespmem:v4+s30+$0x0] =	vst.idx.msk $0xffff, v2  }
0x2c6: {  	s8 =	sor.u32 s15, s5;
	v33 =	vor.u32 s6, v0;
	v2 =	vld [tilespmem:s7+$0x0];
	[tilespmem:v32+s30+$0x0] =	vst.idx.msk $0xffff, v1  }
0x2c7: {  	v1 =	vld [tilespmem:s8+$0x0]  }
0x2c8: {  	s11 =	sadd.s32 $0x9380, s25  }
0x2c9: {  	s16 =	sadd.s32 $0xFFFFFFF8, s29;
	[tilespmem:v31+s30+$0x0] =	vst.idx.msk $0xffff, v30;
	s12 =	sor.u32 s28, s11  }
0x2ca: {  	v34 =	vld [tilespmem:s12+$0x0];
	s17 =	sadd.s32 $0x9380, s10;
	v36 =	vor.u32 s16, v0;
	s0 =	sor.u32 s9, s11;
	[tilespmem:v13+s30+$0x0] =	vst.idx.msk $0xffff, v14  }
0x2cb: {  	s20 =	sadd.s32 $0xFFFFFFF8, s31;
	s19 =	sor.u32 s13, s17;
	v13 =	vld [tilespmem:s0+$0x0];
	[tilespmem:v33+s30+$0x0] =	vst.idx.msk $0xffff, v2  }
0x2cc: {  	v37 =	vor.u32 s20, v0;
	s21 =	sor.u32 s15, s17;
	v2 =	vld [tilespmem:s19+$0x0];
	[tilespmem:v24+s30+$0x0] =	vst.idx.msk $0xffff, v1  }
0x2cd: {  	v1 =	vld [tilespmem:s21+$0x0]  }
0x2ce: {  	s22 =	sadd.s32 $0xA800, s25  }
0x2cf: {  	s24 =	sadd.s32 $0xFFFFFFF9, s29;
	s23 =	sor.u32 s28, s22;
	[tilespmem:v36+s30+$0x0] =	vst.idx.msk $0xffff, v34  }
0x2d0: {  	v40 =	vor.u32 s24, v0;
	s26 =	sadd.s32 $0xA800, s10;
	v38 =	vld [tilespmem:s23+$0x0];
	s0 =	sor.u32 s9, s22;
	[tilespmem:v12+s30+$0x0] =	vst.idx.msk $0xffff, v13  }
0x2d1: {  	s3 =	sadd.s32 $0xFFFFFFF9, s31;
	s2 =	sor.u32 s13, s26;
	v12 =	vld [tilespmem:s0+$0x0];
	[tilespmem:v37+s30+$0x0] =	vst.idx.msk $0xffff, v2  }
0x2d2: {  	v41 =	vor.u32 s3, v0;
	s4 =	sor.u32 s15, s26;
	v2 =	vld [tilespmem:s2+$0x0];
	[tilespmem:v23+s30+$0x0] =	vst.idx.msk $0xffff, v1  }
0x2d3: {  	v1 =	vld [tilespmem:s4+$0x0]  }
0x2d4: {  	s5 =	sadd.s32 $0xA880, s25  }
0x2d5: {  	s6 =	sor.u32 s28, s5;
	s7 =	sadd.s32 $0xFFFFFFFA, s29;
	[tilespmem:v40+s30+$0x0] =	vst.idx.msk $0xffff, v38  }
0x2d6: {  	v43 =	vor.u32 s7, v0;
	s8 =	sadd.s32 $0xA880, s10;
	v42 =	vld [tilespmem:s6+$0x0];
	s0 =	sor.u32 s9, s5;
	[tilespmem:v11+s30+$0x0] =	vst.idx.msk $0xffff, v12  }
0x2d7: {  	s12 =	sadd.s32 $0xFFFFFFFA, s31;
	s11 =	sor.u32 s13, s8;
	v11 =	vld [tilespmem:s0+$0x0];
	[tilespmem:v41+s30+$0x0] =	vst.idx.msk $0xffff, v2  }
0x2d8: {  	v44 =	vor.u32 s12, v0;
	s16 =	sor.u32 s15, s8;
	v2 =	vld [tilespmem:s11+$0x0];
	[tilespmem:v22+s30+$0x0] =	vst.idx.msk $0xffff, v1  }
0x2d9: {  	v1 =	vld [tilespmem:s16+$0x0]  }
0x2da: {  	s17 =	sadd.s32 $0xA900, s25  }
0x2db: {  	s20 =	sadd.s32 $0xFFFFFFFB, s29;
	s19 =	sor.u32 s28, s17;
	[tilespmem:v43+s30+$0x0] =	vst.idx.msk $0xffff, v42  }
0x2dc: {  	v46 =	vor.u32 s20, v0;
	s21 =	sadd.s32 $0xA900, s10;
	v45 =	vld [tilespmem:s19+$0x0];
	s0 =	sor.u32 s9, s17;
	[tilespmem:v10+s30+$0x0] =	vst.idx.msk $0xffff, v11  }
0x2dd: {  	s23 =	sadd.s32 $0xFFFFFFFB, s31;
	s22 =	sor.u32 s13, s21;
	v10 =	vld [tilespmem:s0+$0x0];
	[tilespmem:v44+s30+$0x0] =	vst.idx.msk $0xffff, v2  }
0x2de: {  	v47 =	vor.u32 s23, v0;
	s24 =	sor.u32 s15, s21;
	v2 =	vld [tilespmem:s22+$0x0];
	[tilespmem:v21+s30+$0x0] =	vst.idx.msk $0xffff, v1  }
0x2df: {  	v1 =	vld [tilespmem:s24+$0x0]  }
0x2e0: {  	s26 =	sadd.s32 $0xA980, s25  }
0x2e1: {  	s3 =	sor.u32 s28, s26;
	s4 =	sadd.s32 $0xFFFFFFFC, s29;
	[tilespmem:v46+s30+$0x0] =	vst.idx.msk $0xffff, v45  }
0x2e2: {  	s5 =	sadd.s32 $0xA980, s10;
	v49 =	vor.u32 s4, v0;
	v48 =	vld [tilespmem:s3+$0x0];
	s0 =	sor.u32 s9, s26;
	[tilespmem:v9+s30+$0x0] =	vst.idx.msk $0xffff, v10  }
0x2e3: {  	s7 =	sadd.s32 $0xFFFFFFFC, s31;
	s6 =	sor.u32 s13, s5;
	v9 =	vld [tilespmem:s0+$0x0];
	[tilespmem:v47+s30+$0x0] =	vst.idx.msk $0xffff, v2  }
0x2e4: {  	v50 =	vor.u32 s7, v0;
	s8 =	sor.u32 s15, s5;
	v2 =	vld [tilespmem:s6+$0x0];
	[tilespmem:v20+s30+$0x0] =	vst.idx.msk $0xffff, v1  }
0x2e5: {  	v1 =	vld [tilespmem:s8+$0x0]  }
0x2e6: {  	s11 =	sadd.s32 $0xAA00, s25  }
0x2e7: {  	s12 =	sadd.s32 $0xFFFFFFFD, s29;
	s16 =	sor.u32 s28, s11;
	[tilespmem:v49+s30+$0x0] =	vst.idx.msk $0xffff, v48  }
0x2e8: {  	v52 =	vor.u32 s12, v0;
	s17 =	sadd.s32 $0xAA00, s10;
	v51 =	vld [tilespmem:s16+$0x0];
	s0 =	sor.u32 s9, s11;
	[tilespmem:v8+s30+$0x0] =	vst.idx.msk $0xffff, v9  }
0x2e9: {  	s19 =	sadd.s32 $0xFFFFFFFD, s31;
	s20 =	sor.u32 s13, s17;
	v8 =	vld [tilespmem:s0+$0x0];
	[tilespmem:v50+s30+$0x0] =	vst.idx.msk $0xffff, v2  }
0x2ea: {  	v53 =	vor.u32 s19, v0;
	s21 =	sor.u32 s15, s17;
	v2 =	vld [tilespmem:s20+$0x0];
	[tilespmem:v19+s30+$0x0] =	vst.idx.msk $0xffff, v1  }
0x2eb: {  	v1 =	vld [tilespmem:s21+$0x0]  }
0x2ec: {  	s22 =	sadd.s32 $0xAA80, s25  }
0x2ed: {  	s23 =	sor.u32 s28, s22;
	s24 =	sadd.s32 $0xFFFFFFFE, s29;
	[tilespmem:v52+s30+$0x0] =	vst.idx.msk $0xffff, v51  }
0x2ee: {  	s26 =	sadd.s32 $0xAA80, s10;
	v56 =	vor.u32 s24, v0;
	v55 =	vld [tilespmem:s23+$0x0];
	s0 =	sor.u32 s9, s22;
	[tilespmem:v7+s30+$0x0] =	vst.idx.msk $0xffff, v8  }
0x2ef: {  	s4 =	sadd.s32 $0xFFFFFFFE, s31;
	s3 =	sor.u32 s13, s26;
	v7 =	vld [tilespmem:s0+$0x0];
	[tilespmem:v53+s30+$0x0] =	vst.idx.msk $0xffff, v2  }
0x2f0: {  	v57 =	vor.u32 s4, v0;
	s5 =	sor.u32 s15, s26;
	v2 =	vld [tilespmem:s3+$0x0];
	[tilespmem:v15+s30+$0x0] =	vst.idx.msk $0xffff, v1  }
0x2f1: {  	v1 =	vld [tilespmem:s5+$0x0]  }
0x2f2: {  	[tilespmem:v3+s30+$0x0] =	vst.idx.msk $0xffff, v39;
	s6 =	sadd.s32 $0xAB00, s25  }
0x2f3: {  	v3 =	vld [tilespmem:s14+$0x0];
	s7 =	sor.u32 s28, s6;
	s8 =	sadd.s32 $0xFFFFFFFF, s29;
	[tilespmem:v56+s30+$0x0] =	vst.idx.msk $0xffff, v55  }
0x2f4: {  	s11 =	sadd.s32 $0xAB00, s10;
	v59 =	vor.u32 s8, v0;
	v58 =	vld [tilespmem:s7+$0x0];
	s0 =	sor.u32 s9, s6;
	[tilespmem:v6+s30+$0x0] =	vst.idx.msk $0xffff, v7  }
0x2f5: {  	s14 =	sadd.s32 $0xFFFFFFFF, s31;
	s12 =	sor.u32 s13, s11;
	v6 =	vld [tilespmem:s0+$0x0];
	[tilespmem:v57+s30+$0x0] =	vst.idx.msk $0xffff, v2  }
0x2f6: {  	v60 =	vor.u32 s14, v0;
	s16 =	sor.u32 s15, s11;
	v2 =	vld [tilespmem:s12+$0x0];
	[tilespmem:v35+s30+$0x0] =	vst.idx.msk $0xffff, v1  }
0x2f7: {  	v1 =	vld [tilespmem:s16+$0x0]  }
0x2f8: {  	[tilespmem:v54+s30+$0x0] =	vst.idx.msk $0xffff, v3  }
0x2f9: {  	[tilespmem:v59+s30+$0x0] =	vst.idx.msk $0xffff, v58  }
0x2fa: {  	[tilespmem:v5+s30+$0x0] =	vst.idx.msk $0xffff, v6  }
0x2fb: {  	[tilespmem:v60+s30+$0x0] =	vst.idx.msk $0xffff, v2  }
0x2fc: {  	[tilespmem:v25+s30+$0x0] =	vst.idx.msk $0xffff, v1  }
0x2fd: {  	v7 =	vld [tilespmem:$0x1FFB0];
	_ =	sdelay $0x1  }
0x2fe: {  	s17 =	sadd.s32 $0xAB80, s25  }
0x2ff: {  	v3 =	vld [tilespmem:s18+$0x0];
	s18 =	sor.u32 s28, s17  }
0x300: {  	v62 =	vor.u32 s29, v0;
	v61 =	vld [tilespmem:s18+$0x0];
	_ =	sdelay $0x3  }
0x301: {  	[tilespmem:v7+s30+$0x0] =	vst.idx.msk $0xffff, v3  }
0x302: {  	s21 =	rddreg [dreg:$0x16];
	[tilespmem:v62+s30+$0x0] =	vst.idx.msk $0xffff, v61  }
0x303: {  	v3 =	vld [tilespmem:$0x1FFC0];
	_ =	sdelay $0x1  }
0x304: {  	s0 =	sor.u32 s9, s17  }
0x305: {  	s19 =	sadd.s32 $0xAB80, s10;
	v5 =	vld [tilespmem:s0+$0x0]  }
0x306: {  	s20 =	sor.u32 s13, s19  }
0x307: {  	v63 =	vor.u32 s31, v0;
	s1 =	sor.u32 s15, s19;
	v2 =	vld [tilespmem:s20+$0x0]  }
0x308: {  	v1 =	vld [tilespmem:s1+$0x0];
	_ =	sdelay $0x1  }
0x309: {  	[tilespmem:v3+s30+$0x0] =	vst.idx.msk $0xffff, v5  }
0x30a: {  	s0 =	sor.u32 $0x20, s21;
	s22 =	rddreg [dreg:$0xf]  }
0x30b: {  	s26 =	simm.s32 $0x1800;
	s0 =	smin.u32 s0, $0x515;
	s23 =	rddreg [dreg:$0x15];
	[tilespmem:v63+s30+$0x0] =	vst.idx.msk $0xffff, v2  }
0x30c: {  	s28 =	simm.s32 $0x7A1400;
	s0 =	smul.u32 $0xC00, s0;
	[tilespmem:v17+s30+$0x0] =	vst.idx.msk $0xffff, v1;
	s1 =	sadd.s32 s22, s23  }
0x30d: {  	s6 =	simm.s32 $0x0;
	s24 =	rddreg [dreg:$0xa];
	s1 =	smin.u32 s1, $0x515  }
0x30e: {  	s22 =	rddreg [dreg:$0x0];
	s0 =	sadd.s32 s24, s0;
	s1 =	smul.u32 $0x300, s1  }
0x30f: {  	[hbm4b:s0+s6] =	stream.linear.scatter [tilespmem:s30], [sflag:$0x4], $0x6000, $0x38;
	[tilespmem:$0x1BE80] =	vst v63  }
0x310: {  	s29 =	simm.s32 $0x3;
	s3 =	simm.s32 $0x6000;
	s25 =	sadd.s32 s22, s1  }
0x311: {  	[tilespmem:s3], [sflag:$0x2] =	stream.strided.gather [hbm4b:s25+s26], $0x6000, s28, s26, $0x38;
	[tilespmem:$0x1BE80] =	vst v63  }
0x312: {  	_ =	swait.ge [sflag:s29], $0x6000  }
0x313: {  	[sflag:s29] =	ssyncset.done $0x0  }
0x314: {  	s30 =	simm.s32 $0x4;
	[sflag:s29] =	ssyncadd.s32 $0xFFFFA000  }
0x315: {  	_ =	swait.ge [sflag:s30], $0x6000  }
0x316: {  	s31 =	rddreg [dreg:$0x14]  }
0x317: {  	s1 =	sadd.s32 $0x1, s31  }
0x318: {  	p0 =	sne.s32 s1, $0x15  }
.Ltmp2:
0x319: {  	_ = 	snop;
	(pc) =	sbr.rel @p0 .LBB2_2-.Ltmp2, $3  }
0x31a: {  	_ =	sdelay $0x1  }
0x31b: {  	[sflag:s30] =	ssyncset.done $0x0  }
0x31c: {  	s20 =	simm.s32 $0xC000;
	[sflag:s30] =	ssyncadd.s32 $0xFFFFA000;
	[dreg:$0x14] =	wrdreg s1  }
0x31d: {  	s0 =	simm.s32 $0x1  }
0x31e: {  	_ =	swait.ge [sflag:s0], $0x6000  }
0x31f: {  	[sflag:s0] =	ssyncset.done $0x0  }
0x320: {  	s31 =	simm.s32 $0x2;
	[sflag:s0] =	ssyncadd.s32 $0xFFFFA000  }
0x321: {  	_ =	swait.ge [sflag:s31], $0x6000  }
0x322: {  	[sflag:s31] =	ssyncset.done $0x0  }
0x323: {  	s2 =	simm.s32 $0x18000;
	[sflag:s31] =	ssyncadd.s32 $0xFFFFA000  }
0x324: {  	s10 =	simm.s32 $0x5;
	s0 =	simm.s32 $0x0;
	s1 =	rddreg [dreg:$0x1]  }
0x325: {  	[tilespmem:s2], [sflag:$0x5] =	stream.linear.gather [hbm4b:s1+s0], $0x2000, $0x38;
	[tilespmem:$0x1BE80] =	vst v63  }
0x326: {  	_ =	swait.ge [sflag:s10], $0x2000  }
0x327: {  	[sflag:s10] =	ssyncset.done $0x0  }
0x328: {  	s1 =	simm.s32 $0x18010;
	[sflag:s10] =	ssyncadd.s32 $0xFFFFE000  }
0x329: {  	s2 =	simm.s32 $0x80;
	v1 =	vld [tilespmem:s1+$0xFFFFFFF0]  }
.LBB2_8:
0x32a: {  	p0 =	sne.s32 s2, $0x1F80;
	_ =	sdelay $0x2  }
0x32b: {  	s3 =	sshra.s32 s0, $0x2;
	s0 =	smov.u32 s2  }
0x32c: {  	[tilespmem:s3+$0x1A000] =	vst v1  }
0x32d: {  	v1 =	vld [tilespmem:s1+$0x0];
	_ =	sdelay $0x1  }
.Ltmp3:
0x32e: {  	(pc) =	sbr.rel @p0 .LBB2_8-.Ltmp3, $3  }
0x32f: {  	_ =	sdelay $0x1  }
0x330: {  	s1 =	sadd.s32 $0x80, s1;
	[tilespmem:s3+$0x1A010] =	vst v1  }
0x331: {  	s2 =	sadd.s32 $0x80, s2;
	v1 =	vld [tilespmem:s1+$0xFFFFFFF0]  }
0x332: {  	_ =	sdelay $0x2  }
0x333: {  	s0 =	sshra.s32 s0, $0x2  }
0x334: {  	[tilespmem:s0+$0x1A000] =	vst v1  }
0x335: {  	v1 =	vld [tilespmem:s1+$0x0];
	_ =	sdelay $0x4  }
0x336: {  	s31 =	rddreg [dreg:$0x10];
	s2 =	simm.s32 $0x1A000;
	[tilespmem:s0+$0x1A010] =	vst v1;
	s0 =	simm.s32 $0x0  }
0x337: {  	[hbm4b:s31+s0] =	stream.linear.scatter [tilespmem:s2], [sflag:$0x5], $0x800, $0x38;
	[tilespmem:$0x1BE80] =	vst v63  }
0x338: {  	_ =	swait.ge [sflag:s10], $0x800  }
0x339: {  	s11 =	simm.s32 $0x1A800;
	s7 =	rddreg [dreg:$0x9]  }
0x33a: {  	s12 =	simm.s32 $0x1B800;
	[sflag:s10] =	ssyncset.done $0x0;
	s8 =	rddreg [dreg:$0xb]  }
0x33b: {  	s1 =	simm.s32 $0x0;
	s9 =	rddreg [dreg:$0x11];
	[sflag:s10] =	ssyncadd.s32 $0xFFFFF800  }
.LBB2_10:
0x33c: {  	s2 =	sshll.u32 s1, $0x5  }
0x33d: {  	s2 =	sadd.s32 s9, s2  }
0x33e: {  	s3 =	sshll.u32 s2, $0x4  }
0x33f: {  	s3 =	sadd.s32 s7, s3  }
0x340: {  	[tilespmem:s11], [sflag:$0x5] =	stream.linear.gather [hbm4b:s3+s0], $0x1000, $0x38;
	[tilespmem:$0x1BE80] =	vst v63  }
0x341: {  	_ =	swait.ge [sflag:s10], $0x1000  }
0x342: {  	[sflag:s10] =	ssyncset.done $0x0  }
0x343: {  	s4 =	simm.s32 $0x0;
	[sflag:s10] =	ssyncadd.s32 $0xFFFFF000  }
0x344: {  	v1 =	vld [tilespmem:s4+$0x1A800];
	_ =	sdelay $0x3  }
0x345: {  	s3 =	simm.s32 $0x1B820  }
0x346: {  	[tilespmem:s3+$0xFFFFFFE0] =	vst v1  }
0x347: {  	v1 =	vld [tilespmem:s4+$0x1A810];
	_ =	sdelay $0x4  }
0x348: {  	[tilespmem:s3+$0xFFFFFFF0] =	vst v1  }
0x349: {  	v1 =	vld [tilespmem:s4+$0x1A820];
	_ =	sdelay $0x4  }
0x34a: {  	[tilespmem:s3+$0x0] =	vst v1  }
0x34b: {  	v1 =	vld [tilespmem:s4+$0x1A822];
	_ =	sdelay $0x4  }
0x34c: {  	s5 =	simm.s32 $0x400;
	s4 =	simm.s32 $0x80;
	[tilespmem:s3+$0x2] =	vst v1  }
.LBB2_11:
0x34d: {  	p0 =	sne.s32 s5, $0x3E00;
	v1 =	vld [tilespmem:s4+$0x1A800];
	_ =	sdelay $0x3  }
0x34e: {  	s3 =	sadd.s32 $0x32, s3  }
0x34f: {  	[tilespmem:s3+$0xFFFFFFE0] =	vst v1  }
0x350: {  	v1 =	vld [tilespmem:s4+$0x1A810];
	_ =	sdelay $0x4  }
0x351: {  	[tilespmem:s3+$0xFFFFFFF0] =	vst v1  }
0x352: {  	v1 =	vld [tilespmem:s4+$0x1A820];
	_ =	sdelay $0x4  }
0x353: {  	[tilespmem:s3+$0x0] =	vst v1  }
0x354: {  	v1 =	vld [tilespmem:s4+$0x1A822]  }
.Ltmp4:
0x355: {  	(pc) =	sbr.rel @p0 .LBB2_11-.Ltmp4, $2  }
0x356: {  	_ =	sdelay $0x2  }
0x357: {  	s4 =	sshra.s32 s5, $0x2;
	s5 =	sadd.s32 $0x200, s5;
	[tilespmem:s3+$0x2] =	vst v1  }
0x358: {  	v1 =	vld [tilespmem:s4+$0x1A800];
	_ =	sdelay $0x3  }
0x359: {  	s3 =	sadd.s32 $0x32, s3  }
0x35a: {  	[tilespmem:s3+$0xFFFFFFE0] =	vst v1  }
0x35b: {  	v1 =	vld [tilespmem:s4+$0x1A810];
	_ =	sdelay $0x4  }
0x35c: {  	[tilespmem:s3+$0xFFFFFFF0] =	vst v1  }
0x35d: {  	v1 =	vld [tilespmem:s4+$0x1A820];
	_ =	sdelay $0x4  }
0x35e: {  	[tilespmem:s3+$0x0] =	vst v1  }
0x35f: {  	v1 =	vld [tilespmem:s4+$0x1A822];
	_ =	sdelay $0x1  }
0x360: {  	s2 =	smul.u32 $0x32, s2  }
0x361: {  	s1 =	sadd.s32 $0x1, s1  }
0x362: {  	p0 =	sne.s32 s1, $0x10;
	s2 =	sshrl.u32 s2, $0x3  }
.Ltmp5:
0x363: {  	s2 =	sadd.s32 s8, s2;
	[tilespmem:s3+$0x2] =	vst v1;
	(pc) =	sbr.rel @p0 .LBB2_10-.Ltmp5, $4  }
0x364: {  	[hbm4b:s2+s6] =	stream.linear.scatter [tilespmem:s12], [sflag:$0x5], $0x640, $0x38;
	[tilespmem:$0x1BE80] =	vst v63  }
0x365: {  	_ =	swait.ge [sflag:s10], $0x640  }
0x366: {  	[sflag:s10] =	ssyncset.done $0x0  }
0x367: {  	[sflag:s10] =	ssyncadd.s32 $0xFFFFF9C0  }
0x368: {  	s1 =	rddreg [dreg:$0x13]  }
0x369: {  	s0 =	rddreg [dreg:$0x12];
	s1 =	sadd.s32 $0x1, s1  }
0x36a: {  	p0 =	sne.s32 s1, s0  }
.Ltmp6:
0x36b: {  	_ = 	snop;
	(pc) =	sbr.rel @p0 .LBB2_1-.Ltmp6, $1  }
0x36c: {  	_ =	sdelay $0x3  }
0x36d: {  	_ =	sfence.sel $0x180000  }
0x36e: {  	[bflag:$0x0] =	sbarrier.arrive $0xFFFF  }
0x36f: {  	_ =	strace $0x90000047  }
0x370: {  	s0 =	stileid.u32;
	[bflag:$0x2] =	sbarrier.arrive $0xFFFF  }
0x371: {  	p0 =	sne.s32 s0, $0x0;
	s0 =	rddreg [dreg:$0x3]  }
0x372: {  	s0 =	sadd.s32 @!p0 $0x100000, s0  }
0x373: {  	[sflag:s0] =	ssyncadd.tile.s32 @!p0 $0x1;
	_ =	shalt  }
.Lfunc_end2:
_tile_overlayer_lowered:
.L_overlay_start_2:
0x374: {  	(tag) =	ssettag $0x2  }
0x375: {  	s0 =	rddreg [dreg:$0x0];
	s2 =	stileid.u32  }
0x376: {  	s1 =	rddreg [dreg:$0x1];
	p0 =	sne.s32 s2, $0x0  }
0x377: {  	s3 =	rddreg [dreg:$0x2];
	[bflag:$0x3] =	sbarrier.arrive $0xFFFF;
	s2 =	simm.s32 @!p0 $0x1C05  }
0x378: {  	[timem:s3], [sflag:s2] =	dma.local @!p0 [hbm:s0], s1  }
0x379: {  	s0 =	simm.s32 @!p0 $0x5  }
0x37a: {  	_ =	swait.ge @!p0 [sflag:s0], s1  }
0x37b: {  	s1 =	ssub.s32 @!p0 $0x0, s1;
	[sflag:s0] =	ssyncset.done @!p0 $0x0  }
0x37c: {  	[sflag:s0] =	ssyncadd.s32 @!p0 s1  }
0x37d: {  	[bflag:$0x3] =	sbarrier.arrive $0xFFFF  }
0x37e: {  	_ =	shalt  }

// kernel: kernel.8.cloned.1.call-start
scs
__scs_entry_jumppad:
0x0: {  	(pc) =	sbr.rel $0x88, $3  }
0x1: {  	(tag) =	ssettag $0x0;
	lr =	simm.s32 $0x1  }
0x2: {  	[smem:$0x3F9B] =	sst lr;
	_ =	strace $0xD0000000  }
0x3: {  	_ = 	snop  }
0x4: {  	_ = 	snop  }
0x5: {  	_ = 	snop  }
0x6: {  	_ = 	snop  }
0x7: {  	_ = 	snop  }
__scs_overlays_trampoline_lowered:
0x8: {  	[smem:$0x3FAA] =	sst s0  }
0x9: {  	[smem:$0x3FAB] =	sst s1  }
0xa: {  	[smem:$0x3FAC] =	sst s2  }
0xb: {  	[smem:$0x3FAD] =	sst s3  }
0xc: {  	[smem:$0x3FAE] =	sst s4  }
0xd: {  	[smem:$0x3FAF] =	sst s5  }
0xe: {  	[smem:$0x3FB0] =	sst s6  }
0xf: {  	[smem:$0x3FB1] =	sst s7  }
0x10: {  	[smem:$0x3FB2] =	sst s8  }
0x11: {  	[smem:$0x3FB3] =	sst s9;
	s0 =	simm.s32 @!p0 $0x0  }
0x12: {  	s1 =	sld [smem:$0x3F99];
	s0 =	simm.s32 @p0 $0x1  }
0x13: {  	[smem:$0x3FB4] =	sst s0;
	s0 =	simm.s32 @!p1 $0x0  }
0x14: {  	s2 =	sld [smem:$0x3F98];
	s0 =	simm.s32 @p1 $0x1  }
0x15: {  	[smem:$0x3FB5] =	sst s0;
	s0 =	simm.s32 @!p2 $0x0  }
0x16: {  	s3 =	sld [smem:$0x3FDB];
	s0 =	simm.s32 @p2 $0x1  }
0x17: {  	s4 =	simm.s32 $0x1BF5;
	[smem:$0x3FB7] =	sst s0  }
0x18: {  	s0 =	sld [smem:$0x3F9A];
	_ =	swait.ge [sflag:s4], $0x0  }
0x19: {  	s7 =	sld [smem:$0x3F9B]  }
0x1a: {  	s8 =	sadd.s32 $0xFFFFE003, lr  }
0x1b: {  	s9 =	sadd.s32 $0xFFFFFEF7, lr;
	s5 =	simm.s32 $0xFFFFFFFF;
	p2 =	slt.u32 s8, $0xFFFFF086  }
0x1c: {  	p1 =	slt.u32 s9, $0xF7A;
	s5 =	simm.s32 @!p2 $0x0  }
0x1d: {  	s5 =	simm.s32 @p1 $0x1;
	p0 =	seq.s32 s7, s2  }
0x1e: {  	s7 =	smul.u32 @!p0 $0xF7A, s2;
	p2 =	seq.s32 @!p0 s5, $0x0  }
0x1f: {  	s9 =	smul.u32 $0xF7A, s1;
	s8 =	simm.s32 @!p0 $0x1BF5;
	p2 =	por !p2, p0  }
0x20: {  	[sflag:s8] =	ssyncset.s32 @!p0 $0xFFFFF086;
	s6 =	sadd.s32 @!p0 s3, s7;
	s7 =	simm.s32 @!p0 $0x108  }
0x21: {  	s3 =	sadd.s32 s3, s9;
	s6 =	sadd.s32 @!p0 $0x88, s6;
	s7 =	simm.s32 @p2 $0x1082  }
0x22: {  	[simem:s7], [sflag:s8] =	dma.local @!p0 [hbm:s6], $0xF7A  }
0x23: {  	s9 =	sor.u32 $0xD0000000, s2;
	s6 =	simm.s32 $0x108;
	_ =	swait.ge @!p0 [sflag:s8], $0x0  }
0x24: {  	s3 =	sadd.s32 $0x88, s3;
	s6 =	simm.s32 @!p1 $0x1082;
	[sflag:s4] =	ssyncset.s32 $0xFFFFF086  }
0x25: {  	[simem:s6], [sflag:s4] =	dma.local [hbm:s3], $0xF7A  }
0x26: {  	[smem:$0x3F9B] =	sst s1;
	(tag) =	ssettag s2;
	_ =	strace s9  }
0x27: {  	s1 =	sld [smem:$0x3FAB]  }
0x28: {  	s2 =	sld [smem:$0x3FAC]  }
0x29: {  	s4 =	sld [smem:$0x3FAE]  }
0x2a: {  	p0 =	seq.s32 s5, $0x0;
	s5 =	sld [smem:$0x3FAF]  }
0x2b: {  	s6 =	sld [smem:$0x3FB0]  }
0x2c: {  	s7 =	sld [smem:$0x3FB1]  }
0x2d: {  	s3 =	simm.s32 $0x108;
	s8 =	sld [smem:$0x3FB2]  }
0x2e: {  	s3 =	simm.s32 @!p0 $0x1082;
	s9 =	sld [smem:$0x3FB3]  }
0x2f: {  	lr =	sadd.s32 s0, s3;
	s0 =	sld [smem:$0x3FAA]  }
0x30: {  	s3 =	sld [smem:$0x3FAD]  }
0x31: {  	[smem:$0x3FB6] =	sst s10  }
0x32: {  	s10 =	sld [smem:$0x3FB4];
	_ =	sdelay $0x3  }
0x33: {  	p0 =	seq.s32 s10, $0x1;
	s10 =	sld [smem:$0x3FB6];
	_ =	sdelay $0x3  }
0x34: {  	[smem:$0x3FB6] =	sst s10  }
0x35: {  	s10 =	sld [smem:$0x3FB5];
	_ =	sdelay $0x3  }
0x36: {  	p1 =	seq.s32 s10, $0x1;
	s10 =	sld [smem:$0x3FB6];
	_ =	sdelay $0x3  }
0x37: {  	[smem:$0x3FB6] =	sst s10  }
0x38: {  	s10 =	sld [smem:$0x3FB7]  }
0x39: {  	_ = 	snop;
	(pc) =	sbr.ind lr, $3  }
0x3a: {  	_ = 	snop  }
0x3b: {  	_ = 	snop  }
0x3c: {  	p2 =	seq.s32 s10, $0x1;
	s10 =	sld [smem:$0x3FB6]  }
0x3d: {  	_ =	shalt  }
0x3e: {  	_ =	shalt  }
0x3f: {  	_ =	shalt  }
0x40: {  	_ =	shalt  }
0x41: {  	_ =	shalt  }
0x42: {  	_ =	shalt  }
0x43: {  	_ =	shalt  }
0x44: {  	_ =	shalt  }
0x45: {  	_ =	shalt  }
0x46: {  	_ =	shalt  }
0x47: {  	_ =	shalt  }
0x48: {  	_ =	shalt  }
0x49: {  	_ =	shalt  }
0x4a: {  	_ =	shalt  }
0x4b: {  	_ =	shalt  }
0x4c: {  	_ =	shalt  }
0x4d: {  	_ =	shalt  }
0x4e: {  	_ =	shalt  }
0x4f: {  	_ =	shalt  }
0x50: {  	_ =	shalt  }
0x51: {  	_ =	shalt  }
0x52: {  	_ =	shalt  }
0x53: {  	_ =	shalt  }
0x54: {  	_ =	shalt  }
0x55: {  	_ =	shalt  }
0x56: {  	_ =	shalt  }
0x57: {  	_ =	shalt  }
0x58: {  	_ =	shalt  }
0x59: {  	_ =	shalt  }
0x5a: {  	_ =	shalt  }
0x5b: {  	_ =	shalt  }
0x5c: {  	_ =	shalt  }
0x5d: {  	_ =	shalt  }
0x5e: {  	_ =	shalt  }
0x5f: {  	_ =	shalt  }
0x60: {  	_ =	shalt  }
0x61: {  	_ =	shalt  }
0x62: {  	_ =	shalt  }
0x63: {  	_ =	shalt  }
0x64: {  	_ =	shalt  }
0x65: {  	_ =	shalt  }
0x66: {  	_ =	shalt  }
0x67: {  	_ =	shalt  }
0x68: {  	_ =	shalt  }
0x69: {  	_ =	shalt  }
0x6a: {  	_ =	shalt  }
0x6b: {  	_ =	shalt  }
0x6c: {  	_ =	shalt  }
0x6d: {  	_ =	shalt  }
0x6e: {  	_ =	shalt  }
0x6f: {  	_ =	shalt  }
0x70: {  	_ =	shalt  }
0x71: {  	_ =	shalt  }
0x72: {  	_ =	shalt  }
0x73: {  	_ =	shalt  }
0x74: {  	_ =	shalt  }
0x75: {  	_ =	shalt  }
0x76: {  	_ =	shalt  }
0x77: {  	_ =	shalt  }
0x78: {  	_ =	shalt  }
0x79: {  	_ =	shalt  }
0x7a: {  	_ =	shalt  }
0x7b: {  	_ =	shalt  }
0x7c: {  	_ =	shalt  }
0x7d: {  	_ =	shalt  }
0x7e: {  	_ =	shalt  }
0x7f: {  	_ =	shalt  }
0x80: {  	_ =	shalt  }
0x81: {  	_ =	shalt  }
0x82: {  	_ =	shalt  }
0x83: {  	_ =	shalt  }
0x84: {  	_ =	shalt  }
0x85: {  	_ =	shalt  }
0x86: {  	_ =	shalt  }
0x87: {  	_ =	shalt  }
.Lfunc_end0:
.L_simem_size_0:
called_computation.1_lowered:
.L_overlay_start_0:
0x88: {  	s2 =	sld [smem:$0x3FD9]  }
0x89: {  	s3 =	sld [smem:$0x3FFE];
	_ =	sdelay $0x1  }
0x8a: {  	s1 =	srdreg.scid  }
0x8b: {  	s0 =	sand.u32 $0x1, s1  }
0x8c: {  	s14 =	sshll.u32 s0, $0xA;
	s2 =	sadd.s32 s3, s2  }
0x8d: {  	s2 =	sadd.s32 s2, s14  }
0x8e: {  	[smem:$0x3FC2] =	sst s2  }
0x8f: {  	_ = 	snop  }
0x90: {  	s2 =	sld [smem:$0x3FD0];
	_ =	sdelay $0x2  }
0x91: {  	s4 =	simm.s32 $0xA;
	s5 =	simm.s32 $0x10;
	s15 =	sld [smem:$0x3FC9]  }
0x92: {  	[smem:s5], [sflag:s4] =	dma.local [hbm:s2], $0x1  }
0x93: {  	_ =	swait.eq [sflag:s4], $0x1  }
0x94: {  	[sflag:s4] =	ssyncset.done $0x0  }
0x95: {  	s16 =	sld [smem:$0x10];
	[sflag:s4] =	ssyncadd.s32 $0xFFFFFFFF  }
0x96: {  	s17 =	sld [smem:$0x11];
	(tm) =	ssettm $0x1  }
0x97: {  	s18 =	sld [smem:$0x3FFB];
	_ =	sdelay $0x3  }
0x98: {  	_ =	strace s18  }
0x99: {  	s5 =	sld [smem:$0x3FFC];
	_ =	sdelay $0x3  }
0x9a: {  	_ =	strace s5  }
0x9b: {  	s5 =	sld [smem:$0x3FFD];
	_ =	sdelay $0x3  }
0x9c: {  	_ =	strace s5  }
0x9d: {  	_ =	strace $0x8FFFFFFF  }
0x9e: {  	s19 =	sld [smem:$0x3FDB];
	_ =	sdelay $0x1  }
0x9f: {  	s6 =	simm.s32 $_scs_section_size  }
0xa0: {  	s7 =	simm.s32 $_size__tile_overlayer_lowered;
	s8 =	simm.s32 $_tile_overlayer_lowered  }
0xa1: {  	s22 =	simm.s32 $0x1BFF;
	s21 =	sshll.u32 s8, $0x1;
	s5 =	sadd.s32 s6, s19  }
0xa2: {  	s9 =	simm.s32 $0x0;
	s20 =	sshll.u32 s7, $0x1;
	s7 =	sadd.s32 s21, s5  }
0xa3: {  	[timem:s9], [sflag:s22] =	dma.local [hbm:s7], s20  }
0xa4: {  	_ =	swait.ge [sflag:s22], s20  }
0xa5: {  	s6 =	ssub.s32 $0x0, s20;
	[sflag:s22] =	ssyncset.done $0x0  }
0xa6: {  	[sflag:s22] =	ssyncadd.s32 s6;
	_ =	sdelay $0x1  }
0xa7: {  	s23 =	simm.s32 $0x1B8B  }
0xa8: {  	_ =	swait.ge [sflag:s23], $0x1  }
0xa9: {  	[sflag:s23] =	ssyncset.done $0x0  }
0xaa: {  	s25 =	simm.s32 $0x1B8E;
	s24 =	sld [smem:$0x3FFE];
	[sflag:s23] =	ssyncadd.s32 $0xFFFFFFFF  }
0xab: {  	s26 =	simm.s32 $execute0_lowered;
	[smem:$0x3FD2] =	sst s25  }
0xac: {  	s7 =	sshll.u32 s26, $0x1;
	_ =	strace $0x80000049;
	[dreg:$0x1] =	wrdreg $0xFFFFFFFF  }
0xad: {  	s28 =	simm.s32 $_size_execute0_lowered;
	s5 =	sadd.s32 s5, s7;
	[dreg:$0x0] =	wrdreg $0x0  }
0xae: {  	s7 =	sshll.u32 s28, $0x1;
	[dreg:$0x2] =	wrdreg s5  }
0xaf: {  	[dreg:$0x3] =	wrdreg s7  }
0xb0: {  	[dreg:$0x4] =	wrdreg $0xC0  }
0xb1: {  	_ =	task [dreg:s9], $0x5FFFF  }
0xb2: {  	[dreg:$0x1] =	wrdreg $0xFFFFFFFF  }
0xb3: {  	[dreg:$0x0] =	wrdreg $0x60  }
0xb4: {  	[dreg:$0x2] =	wrdreg s15  }
0xb5: {  	[dreg:$0x3] =	wrdreg s24  }
0xb6: {  	[dreg:$0x4] =	wrdreg s16  }
0xb7: {  	[dreg:$0x5] =	wrdreg s17  }
0xb8: {  	[dreg:$0x6] =	wrdreg $0x9  }
0xb9: {  	_ =	task.clear_ibuf [dreg:s9], $0x7FFFF;
	_ =	strace $0x90000049  }
0xba: {  	s29 =	simm.s32 $0x9;
	_ =	strace $0x8000004B  }
0xbb: {  	_ =	swait.ge [sflag:s29], $0x1  }
0xbc: {  	[sflag:s29] =	ssyncadd.s32 $0xFFFFFFFF  }
0xbd: {  	_ =	strace $0x9000004B  }
0xbe: {  	_ =	sfence  }
0xbf: {  	s30 =	sld [smem:$0x0];
	_ =	sdelay $0x2  }
0xc0: {  	s31 =	sshll.u32 s1, $0xD;
	s1 =	sshrl.u32 s1, $0x2  }
0xc1: {  	s3 =	sand.u32 $0x4000, s31;
	s1 =	sadd.s32 s1, s30  }
0xc2: {  	s0 =	sor.u32 s3, s0;
	s1 =	sshll.u32 s1, $0x11  }
0xc3: {  	s0 =	sor.u32 s1, s0  }
0xc4: {  	s0 =	sadd.s32 $0x8F2B, s0  }
0xc5: {  	[sflag:s0] =	ssyncadd.remote.s32 $0x1  }
0xc6: {  	_ =	sfence.sel $0xFFFF  }
0xc7: {  	[dreg:$0x0] =	wrdreg $0xFFFFFFFF;
	(pc) =	sbr.abs _section_cstart, $3  }
0xc8: {  	[dreg:$0x1] =	wrdreg $0xFFFFFFFF  }
0xc9: {  	_ =	task.clear_ibuf [dreg:s9], $0x2FFFF;
	_ =	strace $0x9FFFFFFF  }
0xca: {  	(tm) =	ssettm $0x7FFFFFFF  }
0xcb: {  	_ =	shalt  }
tec
execute0_lowered:
.L_overlay_start_1:
0x0: {  	(tag) =	ssettag $0x1  }
0x1: {  	s0 =	rddreg [dreg:$0x0]  }
0x2: {  	s1 =	rddreg [dreg:$0x1]  }
0x3: {  	s2 =	rddreg [dreg:$0x3]  }
0x4: {  	s3 =	simm.s32 $0x0;
	s4 =	srdreg.scid;
	s5 =	stileid.u32  }
0x5: {  	s19 =	simm.s32 $0x1A480;
	s15 =	simm.s32 $0x2;
	s16 =	simm.s32 $0x80  }
0x6: {  	s28 =	simm.s32 $0x12C80;
	s29 =	simm.s32 $0x980;
	s30 =	simm.s32 $0x13C80  }
0x7: {  	s31 =	simm.s32 $0xA00;
	s14 =	simm.s32 $0x15C80;
	s10 =	simm.s32 $0x16C80  }
0x8: {  	s11 =	simm.s32 $0xB80;
	s12 =	simm.s32 $0x17C80;
	s13 =	simm.s32 $0xC00  }
0x9: {  	[smem:$0x7FF] =	sst s3;
	s6 =	sand.u32 $0x1, s4;
	s4 =	sadd.s32 $0x412000, s1  }
0xa: {  	s7 =	sshll.u32 s5, $0xA;
	s5 =	sadd.s32 $0x41600, s1;
	s1 =	sadd.s32 $0x136D400, s1  }
0xb: {  	s18 =	simm.s32 $0x0;
	_ =	strace $0x8000004A;
	s8 =	sshll.u32 s6, $0x9  }
0xc: {  	s9 =	ssub.s32 $0x2, s6;
	[dreg:$0x5] =	wrdreg s1;
	s6 =	sor.u32 s8, s7  }
0xd: {  	s22 =	sshrl.u32 s9, $0x1;
	s7 =	sshll.u32 s6, $0x2;
	s8 =	sshrl.u32 s6, $0x3  }
0xe: {  	s1 =	ssub.s32 s9, s22;
	s22 =	simm.s32 $0x800;
	s0 =	sadd.s32 s0, s8  }
0xf: {  	s9 =	simm.s32 $0xB00;
	s2 =	sadd.s32 s2, s7;
	[dreg:$0x7] =	wrdreg s0  }
0x10: {  	s26 =	smax.u32 s1, $0x1;
	s8 =	simm.s32 $0x18C80;
	[dreg:$0x6] =	wrdreg s2  }
0x11: {  	s7 =	simm.s32 $0x1;
	s23 =	sadd.s32 $0x200, s2;
	[dreg:$0xb] =	wrdreg s26  }
0x12: {  	s1 =	simm.s32 $0x19C80;
	s24 =	sadd.s32 $0x400, s2;
	[dreg:$0x8] =	wrdreg s23  }
0x13: {  	s25 =	sadd.s32 $0x600, s2;
	s26 =	simm.s32 $0x900;
	[dreg:$0x9] =	wrdreg s24  }
0x14: {  	s0 =	simm.s32 $0x14C80;
	s2 =	simm.s32 $0xA80;
	[dreg:$0xa] =	wrdreg s25  }
0x15: {  	s23 =	simm.s32 $0x10C80;
	s24 =	simm.s32 $0x880;
	s25 =	simm.s32 $0x11C80  }
.LBB2_1:
0x16: {  	[dreg:$0xc] =	wrdreg s18  }
0x17: {  	s17 =	rddreg [dreg:$0x7]  }
0x18: {  	[tilespmem:s19], [sflag:$0x2] =	stream.linear.gather [hbm4b:s17+s3], $0x200, $0x38;
	[tilespmem:$0x1B680] =	vst v63  }
0x19: {  	_ =	swait.ge [sflag:s15], $0x200  }
0x1a: {  	[sflag:s15] =	ssyncset.done $0x0  }
0x1b: {  	s17 =	simm.s32 $0x0;
	[sflag:s15] =	ssyncadd.s32 $0xFFFFFE00  }
.LBB2_2:
0x1c: {  	s18 =	sshll.u32 s17, $0x6  }
0x1d: {  	s18 =	sadd.s32 s6, s18  }
0x1e: {  	s19 =	smul.u32 $0x32, s18;
	_ =	sdelay $0x1  }
0x1f: {  	s19 =	sshrl.u32 s19, $0x3  }
0x20: {  	s20 =	simm.s32 $0x0;
	s19 =	sadd.s32 s4, s19  }
0x21: {  	[tilespmem:s20], [sflag:$0x2] =	stream.linear.gather [hbm4b:s19+s20], $0xC80, $0x38;
	[tilespmem:$0x1B680] =	vst v63  }
0x22: {  	_ =	swait.ge [sflag:s15], $0xC80  }
0x23: {  	[sflag:s15] =	ssyncset.done $0x0  }
0x24: {  	s21 =	simm.s32 $0xC80;
	[sflag:s15] =	ssyncadd.s32 $0xFFFFF380  }
0x25: {  	[tilespmem:s21], [sflag:$0x1] =	stream.indirect.gather [hbm4b:s5+s16], $0x20, s20, s16, $0xb8;
	[tilespmem:$0x1B680] =	vst v63  }
0x26: {  	s21 =	simm.s32 $0x1C80  }
0x27: {  	[tilespmem:s21], [sflag:$0x1] =	stream.indirect.gather [hbm4b:s5+s16], $0x20, s16, s16, $0xb8;
	[tilespmem:$0x1B680] =	vst v63  }
0x28: {  	s20 =	simm.s32 $0x100;
	s21 =	simm.s32 $0x2C80  }
0x29: {  	[tilespmem:s21], [sflag:$0x1] =	stream.indirect.gather [hbm4b:s5+s16], $0x20, s20, s16, $0xb8;
	[tilespmem:$0x1B680] =	vst v63  }
0x2a: {  	s20 =	simm.s32 $0x180;
	s21 =	simm.s32 $0x3C80  }
0x2b: {  	[tilespmem:s21], [sflag:$0x1] =	stream.indirect.gather [hbm4b:s5+s16], $0x20, s20, s16, $0xb8;
	[tilespmem:$0x1B680] =	vst v63  }
0x2c: {  	s20 =	simm.s32 $0x200;
	s21 =	simm.s32 $0x4C80  }
0x2d: {  	[tilespmem:s21], [sflag:$0x1] =	stream.indirect.gather [hbm4b:s5+s16], $0x20, s20, s16, $0xb8;
	[tilespmem:$0x1B680] =	vst v63  }
0x2e: {  	s20 =	simm.s32 $0x280;
	s21 =	simm.s32 $0x5C80  }
0x2f: {  	[tilespmem:s21], [sflag:$0x1] =	stream.indirect.gather [hbm4b:s5+s16], $0x20, s20, s16, $0xb8;
	[tilespmem:$0x1B680] =	vst v63  }
0x30: {  	s20 =	simm.s32 $0x300;
	s21 =	simm.s32 $0x6C80  }
0x31: {  	[tilespmem:s21], [sflag:$0x1] =	stream.indirect.gather [hbm4b:s5+s16], $0x20, s20, s16, $0xb8;
	[tilespmem:$0x1B680] =	vst v63  }
0x32: {  	s20 =	simm.s32 $0x380;
	s21 =	simm.s32 $0x7C80  }
0x33: {  	[tilespmem:s21], [sflag:$0x1] =	stream.indirect.gather [hbm4b:s5+s16], $0x20, s20, s16, $0xb8;
	[tilespmem:$0x1B680] =	vst v63  }
0x34: {  	s20 =	simm.s32 $0x400;
	s21 =	simm.s32 $0x8C80  }
0x35: {  	[tilespmem:s21], [sflag:$0x1] =	stream.indirect.gather [hbm4b:s5+s16], $0x20, s20, s16, $0xb8;
	[tilespmem:$0x1B680] =	vst v63  }
0x36: {  	s20 =	simm.s32 $0x480;
	s21 =	simm.s32 $0x9C80  }
0x37: {  	[tilespmem:s21], [sflag:$0x1] =	stream.indirect.gather [hbm4b:s5+s16], $0x20, s20, s16, $0xb8;
	[tilespmem:$0x1B680] =	vst v63  }
0x38: {  	s20 =	simm.s32 $0x500;
	s21 =	simm.s32 $0xAC80  }
0x39: {  	[tilespmem:s21], [sflag:$0x1] =	stream.indirect.gather [hbm4b:s5+s16], $0x20, s20, s16, $0xb8;
	[tilespmem:$0x1B680] =	vst v63  }
0x3a: {  	s20 =	simm.s32 $0x580;
	s21 =	simm.s32 $0xBC80  }
0x3b: {  	[tilespmem:s21], [sflag:$0x1] =	stream.indirect.gather [hbm4b:s5+s16], $0x20, s20, s16, $0xb8;
	[tilespmem:$0x1B680] =	vst v63  }
0x3c: {  	s20 =	simm.s32 $0x600;
	s21 =	simm.s32 $0xCC80  }
0x3d: {  	[tilespmem:s21], [sflag:$0x1] =	stream.indirect.gather [hbm4b:s5+s16], $0x20, s20, s16, $0xb8;
	[tilespmem:$0x1B680] =	vst v63  }
0x3e: {  	s20 =	simm.s32 $0x680;
	s21 =	simm.s32 $0xDC80  }
0x3f: {  	[tilespmem:s21], [sflag:$0x1] =	stream.indirect.gather [hbm4b:s5+s16], $0x20, s20, s16, $0xb8;
	[tilespmem:$0x1B680] =	vst v63  }
0x40: {  	s20 =	simm.s32 $0x700;
	s21 =	simm.s32 $0xEC80  }
0x41: {  	[tilespmem:s21], [sflag:$0x1] =	stream.indirect.gather [hbm4b:s5+s16], $0x20, s20, s16, $0xb8;
	[tilespmem:$0x1B680] =	vst v63  }
0x42: {  	s20 =	simm.s32 $0x780;
	s21 =	simm.s32 $0xFC80  }
0x43: {  	[tilespmem:s21], [sflag:$0x1] =	stream.indirect.gather [hbm4b:s5+s16], $0x20, s20, s16, $0xb8;
	[tilespmem:$0x1B680] =	vst v63  }
0x44: {  	_ = 	snop  }
0x45: {  	[tilespmem:s23], [sflag:$0x1] =	stream.indirect.gather [hbm4b:s5+s16], $0x20, s22, s16, $0xb8;
	[tilespmem:$0x1B680] =	vst v63  }
0x46: {  	_ = 	snop  }
0x47: {  	[tilespmem:s25], [sflag:$0x1] =	stream.indirect.gather [hbm4b:s5+s16], $0x20, s24, s16, $0xb8;
	[tilespmem:$0x1B680] =	vst v63  }
0x48: {  	_ = 	snop  }
0x49: {  	[tilespmem:s28], [sflag:$0x1] =	stream.indirect.gather [hbm4b:s5+s16], $0x20, s26, s16, $0xb8;
	[tilespmem:$0x1B680] =	vst v63  }
0x4a: {  	_ = 	snop  }
0x4b: {  	[tilespmem:s30], [sflag:$0x1] =	stream.indirect.gather [hbm4b:s5+s16], $0x20, s29, s16, $0xb8;
	[tilespmem:$0x1B680] =	vst v63  }
0x4c: {  	_ = 	snop  }
0x4d: {  	[tilespmem:s0], [sflag:$0x1] =	stream.indirect.gather [hbm4b:s5+s16], $0x20, s31, s16, $0xb8;
	[tilespmem:$0x1B680] =	vst v63  }
0x4e: {  	_ = 	snop  }
0x4f: {  	[tilespmem:s14], [sflag:$0x1] =	stream.indirect.gather [hbm4b:s5+s16], $0x20, s2, s16, $0xb8;
	[tilespmem:$0x1B680] =	vst v63  }
0x50: {  	_ = 	snop  }
0x51: {  	[tilespmem:s10], [sflag:$0x1] =	stream.indirect.gather [hbm4b:s5+s16], $0x20, s9, s16, $0xb8;
	[tilespmem:$0x1B680] =	vst v63  }
0x52: {  	_ = 	snop  }
0x53: {  	[tilespmem:s12], [sflag:$0x1] =	stream.indirect.gather [hbm4b:s5+s16], $0x20, s11, s16, $0xb8;
	[tilespmem:$0x1B680] =	vst v63  }
0x54: {  	_ = 	snop  }
0x55: {  	[tilespmem:s8], [sflag:$0x1] =	stream.indirect.gather [hbm4b:s5+s16], $0x20, s13, s16, $0xb8;
	[tilespmem:$0x1B680] =	vst v63  }
0x56: {  	_ =	swait.ge [sflag:s7], $0x1000  }
0x57: {  	[sflag:s7] =	ssyncset.done $0x0  }
0x58: {  	[sflag:s7] =	ssyncadd.s32 $0xFFFFF000  }
0x59: {  	_ =	swait.ge [sflag:s7], $0x1000  }
0x5a: {  	[sflag:s7] =	ssyncset.done $0x0  }
0x5b: {  	[sflag:s7] =	ssyncadd.s32 $0xFFFFF000  }
0x5c: {  	_ =	swait.ge [sflag:s7], $0x1000  }
0x5d: {  	[sflag:s7] =	ssyncset.done $0x0  }
0x5e: {  	[sflag:s7] =	ssyncadd.s32 $0xFFFFF000  }
0x5f: {  	_ =	swait.ge [sflag:s7], $0x1000  }
0x60: {  	[sflag:s7] =	ssyncset.done $0x0  }
0x61: {  	[sflag:s7] =	ssyncadd.s32 $0xFFFFF000  }
0x62: {  	_ =	swait.ge [sflag:s7], $0x1000  }
0x63: {  	[sflag:s7] =	ssyncset.done $0x0  }
0x64: {  	[sflag:s7] =	ssyncadd.s32 $0xFFFFF000  }
0x65: {  	_ =	swait.ge [sflag:s7], $0x1000  }
0x66: {  	[sflag:s7] =	ssyncset.done $0x0  }
0x67: {  	[sflag:s7] =	ssyncadd.s32 $0xFFFFF000  }
0x68: {  	_ =	swait.ge [sflag:s7], $0x1000  }
0x69: {  	[sflag:s7] =	ssyncset.done $0x0  }
0x6a: {  	[sflag:s7] =	ssyncadd.s32 $0xFFFFF000  }
0x6b: {  	_ =	swait.ge [sflag:s7], $0x1000  }
0x6c: {  	[sflag:s7] =	ssyncset.done $0x0  }
0x6d: {  	[sflag:s7] =	ssyncadd.s32 $0xFFFFF000  }
0x6e: {  	_ =	swait.ge [sflag:s7], $0x1000  }
0x6f: {  	[sflag:s7] =	ssyncset.done $0x0  }
0x70: {  	[sflag:s7] =	ssyncadd.s32 $0xFFFFF000  }
0x71: {  	_ =	swait.ge [sflag:s7], $0x1000  }
0x72: {  	[sflag:s7] =	ssyncset.done $0x0  }
0x73: {  	[sflag:s7] =	ssyncadd.s32 $0xFFFFF000  }
0x74: {  	_ =	swait.ge [sflag:s7], $0x1000  }
0x75: {  	[sflag:s7] =	ssyncset.done $0x0  }
0x76: {  	[sflag:s7] =	ssyncadd.s32 $0xFFFFF000  }
0x77: {  	_ =	swait.ge [sflag:s7], $0x1000  }
0x78: {  	[sflag:s7] =	ssyncset.done $0x0  }
0x79: {  	[sflag:s7] =	ssyncadd.s32 $0xFFFFF000  }
0x7a: {  	_ =	swait.ge [sflag:s7], $0x1000  }
0x7b: {  	[sflag:s7] =	ssyncset.done $0x0  }
0x7c: {  	[sflag:s7] =	ssyncadd.s32 $0xFFFFF000  }
0x7d: {  	_ =	swait.ge [sflag:s7], $0x1000  }
0x7e: {  	[sflag:s7] =	ssyncset.done $0x0  }
0x7f: {  	[sflag:s7] =	ssyncadd.s32 $0xFFFFF000  }
0x80: {  	_ =	swait.ge [sflag:s7], $0x1000  }
0x81: {  	[sflag:s7] =	ssyncset.done $0x0  }
0x82: {  	[sflag:s7] =	ssyncadd.s32 $0xFFFFF000  }
0x83: {  	_ =	swait.ge [sflag:s7], $0x1000  }
0x84: {  	[sflag:s7] =	ssyncset.done $0x0  }
0x85: {  	[sflag:s7] =	ssyncadd.s32 $0xFFFFF000  }
0x86: {  	_ =	swait.ge [sflag:s7], $0x1000  }
0x87: {  	[sflag:s7] =	ssyncset.done $0x0  }
0x88: {  	[sflag:s7] =	ssyncadd.s32 $0xFFFFF000  }
0x89: {  	_ =	swait.ge [sflag:s7], $0x1000  }
0x8a: {  	[sflag:s7] =	ssyncset.done $0x0  }
0x8b: {  	[sflag:s7] =	ssyncadd.s32 $0xFFFFF000  }
0x8c: {  	_ =	swait.ge [sflag:s7], $0x1000  }
0x8d: {  	[sflag:s7] =	ssyncset.done $0x0  }
0x8e: {  	[sflag:s7] =	ssyncadd.s32 $0xFFFFF000  }
0x8f: {  	_ =	swait.ge [sflag:s7], $0x1000  }
0x90: {  	[sflag:s7] =	ssyncset.done $0x0  }
0x91: {  	[sflag:s7] =	ssyncadd.s32 $0xFFFFF000  }
0x92: {  	_ =	swait.ge [sflag:s7], $0x1000  }
0x93: {  	[sflag:s7] =	ssyncset.done $0x0  }
0x94: {  	[sflag:s7] =	ssyncadd.s32 $0xFFFFF000  }
0x95: {  	_ =	swait.ge [sflag:s7], $0x1000  }
0x96: {  	[sflag:s7] =	ssyncset.done $0x0  }
0x97: {  	[sflag:s7] =	ssyncadd.s32 $0xFFFFF000  }
0x98: {  	_ =	swait.ge [sflag:s7], $0x1000  }
0x99: {  	[sflag:s7] =	ssyncset.done $0x0  }
0x9a: {  	[sflag:s7] =	ssyncadd.s32 $0xFFFFF000  }
0x9b: {  	_ =	swait.ge [sflag:s7], $0x1000  }
0x9c: {  	[sflag:s7] =	ssyncset.done $0x0  }
0x9d: {  	[sflag:s7] =	ssyncadd.s32 $0xFFFFF000  }
0x9e: {  	_ =	swait.ge [sflag:s7], $0x1000  }
0x9f: {  	[sflag:s7] =	ssyncset.done $0x0  }
0xa0: {  	s19 =	simm.s32 $0xFA0;
	[sflag:s7] =	ssyncadd.s32 $0xFFFFF000  }
0xa1: {  	v0 =	vld [tilespmem:s19+$0xFFFFFD00]  }
0xa2: {  	v1 =	vld [tilespmem:s19+$0xFFFFFD10]  }
0xa3: {  	v2 =	vld [tilespmem:s19+$0xFFFFFCE0]  }
0xa4: {  	v3 =	vld [tilespmem:s19+$0xFFFFFCF0]  }
0xa5: {  	v4 =	vld [tilespmem:s19+$0xFFFFFD20]  }
0xa6: {  	v5 =	vld [tilespmem:s19+$0xFFFFFD30]  }
0xa7: {  	v6 =	vld [tilespmem:s19+$0xFFFFFD40]  }
0xa8: {  	v7 =	vld [tilespmem:s19+$0xFFFFFD60];
	v0 =	vadd.f32 v0, v2  }
0xa9: {  	v2 =	vld [tilespmem:s19+$0xFFFFFD50]  }
0xaa: {  	v59 =	vld [tilespmem:s19+$0xFFFFFD80];
	v1 =	vadd.f32 v1, v3;
	v0 =	vadd.f32 v4, v0  }
0xab: {  	v3 =	vld [tilespmem:s19+$0xFFFFFD70]  }
0xac: {  	v60 =	vld [tilespmem:s19+$0xFFFFFD90];
	v1 =	vadd.f32 v5, v1;
	v0 =	vadd.f32 v6, v0  }
0xad: {  	v61 =	vld [tilespmem:s19+$0xFFFFFDA0]  }
0xae: {  	v62 =	vld [tilespmem:s19+$0xFFFFFDC0];
	v1 =	vadd.f32 v2, v1;
	v0 =	vadd.f32 v7, v0  }
0xaf: {  	v2 =	vld [tilespmem:s19+$0xFFFFFDB0]  }
0xb0: {  	v63 =	vld [tilespmem:s19+$0xFFFFFDE0];
	v1 =	vadd.f32 v3, v1;
	v0 =	vadd.f32 v59, v0  }
0xb1: {  	v3 =	vld [tilespmem:s19+$0xFFFFFDD0]  }
0xb2: {  	v9 =	vld [tilespmem:s19+$0xFFFFFDF0];
	v1 =	vadd.f32 v60, v1;
	v0 =	vadd.f32 v61, v0  }
0xb3: {  	v10 =	vld [tilespmem:s19+$0xFFFFFE00]  }
0xb4: {  	v11 =	vld [tilespmem:s19+$0xFFFFFE20];
	v1 =	vadd.f32 v2, v1;
	v0 =	vadd.f32 v62, v0  }
0xb5: {  	v2 =	vld [tilespmem:s19+$0xFFFFFE10]  }
0xb6: {  	v12 =	vld [tilespmem:s19+$0xFFFFFE40];
	v1 =	vadd.f32 v3, v1;
	v0 =	vadd.f32 v63, v0  }
0xb7: {  	v3 =	vld [tilespmem:s19+$0xFFFFFE30]  }
0xb8: {  	v13 =	vld [tilespmem:s19+$0xFFFFFE50];
	v1 =	vadd.f32 v9, v1;
	v0 =	vadd.f32 v10, v0  }
0xb9: {  	v14 =	vld [tilespmem:s19+$0xFFFFFE60]  }
0xba: {  	v15 =	vld [tilespmem:s19+$0xFFFFFE80];
	v1 =	vadd.f32 v2, v1;
	v0 =	vadd.f32 v11, v0  }
0xbb: {  	v2 =	vld [tilespmem:s19+$0xFFFFFE70]  }
0xbc: {  	v16 =	vld [tilespmem:s19+$0xFFFFFEA0];
	v1 =	vadd.f32 v3, v1;
	v0 =	vadd.f32 v12, v0  }
0xbd: {  	v3 =	vld [tilespmem:s19+$0xFFFFFE90]  }
0xbe: {  	v17 =	vld [tilespmem:s19+$0xFFFFFEB0];
	v1 =	vadd.f32 v13, v1;
	v0 =	vadd.f32 v14, v0  }
0xbf: {  	v18 =	vld [tilespmem:s19+$0xFFFFFEC0]  }
0xc0: {  	v19 =	vld [tilespmem:s19+$0xFFFFFEE0];
	v1 =	vadd.f32 v2, v1;
	v0 =	vadd.f32 v15, v0  }
0xc1: {  	v2 =	vld [tilespmem:s19+$0xFFFFFED0]  }
0xc2: {  	v20 =	vld [tilespmem:s19+$0xFFFFFF00];
	v1 =	vadd.f32 v3, v1;
	v0 =	vadd.f32 v16, v0  }
0xc3: {  	v3 =	vld [tilespmem:s19+$0xFFFFFEF0]  }
0xc4: {  	v21 =	vld [tilespmem:s19+$0xFFFFFF10];
	v1 =	vadd.f32 v17, v1;
	v0 =	vadd.f32 v18, v0  }
0xc5: {  	v22 =	vld [tilespmem:s19+$0xFFFFFF20]  }
0xc6: {  	v23 =	vld [tilespmem:s19+$0xFFFFFF40];
	v1 =	vadd.f32 v2, v1;
	v0 =	vadd.f32 v19, v0  }
0xc7: {  	v2 =	vld [tilespmem:s19+$0xFFFFFF30]  }
0xc8: {  	v24 =	vld [tilespmem:s19+$0xFFFFFF60];
	v1 =	vadd.f32 v3, v1;
	v0 =	vadd.f32 v20, v0  }
0xc9: {  	v3 =	vld [tilespmem:s19+$0xFFFFFF50]  }
0xca: {  	v25 =	vld [tilespmem:s19+$0xFFFFFF70];
	v1 =	vadd.f32 v21, v1;
	v0 =	vadd.f32 v22, v0  }
0xcb: {  	v26 =	vld [tilespmem:s19+$0xFFFFFF80]  }
0xcc: {  	v27 =	vld [tilespmem:s19+$0xFFFFFFA0];
	v1 =	vadd.f32 v2, v1;
	v0 =	vadd.f32 v23, v0  }
0xcd: {  	v2 =	vld [tilespmem:s19+$0xFFFFFF90]  }
0xce: {  	v28 =	vld [tilespmem:s19+$0xFFFFFFC0];
	v1 =	vadd.f32 v3, v1;
	v0 =	vadd.f32 v24, v0  }
0xcf: {  	v3 =	vld [tilespmem:s19+$0xFFFFFFB0]  }
0xd0: {  	v29 =	vld [tilespmem:s19+$0xFFFFFFD0];
	v1 =	vadd.f32 v25, v1;
	v0 =	vadd.f32 v26, v0  }
0xd1: {  	v30 =	vld [tilespmem:s19+$0xFFFFFFE0]  }
0xd2: {  	v31 =	vld [tilespmem:s19+$0x0];
	v1 =	vadd.f32 v2, v1;
	v0 =	vadd.f32 v27, v0  }
0xd3: {  	v2 =	vld [tilespmem:s19+$0xFFFFFFF0]  }
0xd4: {  	v32 =	vld [tilespmem:s19+$0x20];
	v1 =	vadd.f32 v3, v1;
	v0 =	vadd.f32 v28, v0  }
0xd5: {  	v3 =	vld [tilespmem:s19+$0x10]  }
0xd6: {  	v33 =	vld [tilespmem:s19+$0x30];
	v1 =	vadd.f32 v29, v1;
	v0 =	vadd.f32 v30, v0  }
0xd7: {  	v34 =	vld [tilespmem:s19+$0x40]  }
0xd8: {  	v35 =	vld [tilespmem:s19+$0x60];
	v1 =	vadd.f32 v2, v1;
	v0 =	vadd.f32 v31, v0  }
0xd9: {  	v2 =	vld [tilespmem:s19+$0x50]  }
0xda: {  	v36 =	vld [tilespmem:s19+$0x80];
	v1 =	vadd.f32 v3, v1;
	v0 =	vadd.f32 v32, v0  }
0xdb: {  	v3 =	vld [tilespmem:s19+$0x70]  }
0xdc: {  	v37 =	vld [tilespmem:s19+$0x90];
	v1 =	vadd.f32 v33, v1;
	v0 =	vadd.f32 v34, v0  }
0xdd: {  	v38 =	vld [tilespmem:s19+$0xA0]  }
0xde: {  	v39 =	vld [tilespmem:s19+$0xC0];
	v1 =	vadd.f32 v2, v1;
	v0 =	vadd.f32 v35, v0  }
0xdf: {  	v2 =	vld [tilespmem:s19+$0xB0]  }
0xe0: {  	v40 =	vld [tilespmem:s19+$0xE0];
	v1 =	vadd.f32 v3, v1;
	v0 =	vadd.f32 v36, v0  }
0xe1: {  	v3 =	vld [tilespmem:s19+$0xD0]  }
0xe2: {  	v41 =	vld [tilespmem:s19+$0xF0];
	v1 =	vadd.f32 v37, v1;
	v0 =	vadd.f32 v38, v0  }
0xe3: {  	v42 =	vld [tilespmem:s19+$0x100]  }
0xe4: {  	v43 =	vld [tilespmem:s19+$0x120];
	v1 =	vadd.f32 v2, v1;
	v0 =	vadd.f32 v39, v0  }
0xe5: {  	v2 =	vld [tilespmem:s19+$0x110]  }
0xe6: {  	v44 =	vld [tilespmem:s19+$0x140];
	v1 =	vadd.f32 v3, v1;
	v0 =	vadd.f32 v40, v0  }
0xe7: {  	v3 =	vld [tilespmem:s19+$0x130]  }
0xe8: {  	v45 =	vld [tilespmem:s19+$0x150];
	v1 =	vadd.f32 v41, v1;
	v0 =	vadd.f32 v42, v0  }
0xe9: {  	v46 =	vld [tilespmem:s19+$0x160]  }
0xea: {  	v47 =	vld [tilespmem:s19+$0x180];
	v1 =	vadd.f32 v2, v1;
	v0 =	vadd.f32 v43, v0  }
0xeb: {  	v2 =	vld [tilespmem:s19+$0x170]  }
0xec: {  	v48 =	vld [tilespmem:s19+$0x1A0];
	v1 =	vadd.f32 v3, v1;
	v0 =	vadd.f32 v44, v0  }
0xed: {  	v3 =	vld [tilespmem:s19+$0x190]  }
0xee: {  	v49 =	vld [tilespmem:s19+$0x1B0];
	v1 =	vadd.f32 v45, v1;
	v0 =	vadd.f32 v46, v0  }
0xef: {  	v50 =	vld [tilespmem:s19+$0x1C0]  }
0xf0: {  	v51 =	vld [tilespmem:s19+$0x1E0];
	v1 =	vadd.f32 v2, v1;
	v0 =	vadd.f32 v47, v0  }
0xf1: {  	v2 =	vld [tilespmem:s19+$0x1D0]  }
0xf2: {  	v52 =	vld [tilespmem:s19+$0x200];
	v1 =	vadd.f32 v3, v1;
	v0 =	vadd.f32 v48, v0  }
0xf3: {  	v3 =	vld [tilespmem:s19+$0x1F0]  }
0xf4: {  	v53 =	vld [tilespmem:s19+$0x210];
	v1 =	vadd.f32 v49, v1;
	v0 =	vadd.f32 v50, v0  }
0xf5: {  	v54 =	vld [tilespmem:s19+$0x220]  }
0xf6: {  	v55 =	vld [tilespmem:s19+$0x240];
	v1 =	vadd.f32 v2, v1;
	v0 =	vadd.f32 v51, v0  }
0xf7: {  	v2 =	vld [tilespmem:s19+$0x230]  }
0xf8: {  	v56 =	vld [tilespmem:s19+$0x260];
	v1 =	vadd.f32 v3, v1;
	v0 =	vadd.f32 v52, v0  }
0xf9: {  	v3 =	vld [tilespmem:s19+$0x250]  }
0xfa: {  	v57 =	vld [tilespmem:s19+$0x270];
	v1 =	vadd.f32 v53, v1;
	v0 =	vadd.f32 v54, v0  }
0xfb: {  	v58 =	vld [tilespmem:s19+$0x280]  }
0xfc: {  	v59 =	vld [tilespmem:s19+$0x2A0];
	v1 =	vadd.f32 v2, v1;
	v0 =	vadd.f32 v55, v0  }
0xfd: {  	v2 =	vld [tilespmem:s19+$0x290]  }
0xfe: {  	v60 =	vld [tilespmem:s19+$0x2C0];
	v1 =	vadd.f32 v3, v1;
	v0 =	vadd.f32 v56, v0  }
0xff: {  	v3 =	vld [tilespmem:s19+$0x2B0]  }
0x100: {  	v61 =	vld [tilespmem:s19+$0x2D0];
	v1 =	vadd.f32 v57, v1;
	v0 =	vadd.f32 v58, v0  }
0x101: {  	v62 =	vld [tilespmem:s19+$0x2E0]  }
0x102: {  	v63 =	vld [tilespmem:s19+$0x300];
	v1 =	vadd.f32 v2, v1;
	v0 =	vadd.f32 v59, v0  }
0x103: {  	v2 =	vld [tilespmem:s19+$0x2F0]  }
0x104: {  	v1 =	vadd.f32 v3, v1;
	v0 =	vadd.f32 v60, v0  }
0x105: {  	v3 =	vld [tilespmem:s19+$0x310]  }
0x106: {  	v1 =	vadd.f32 v61, v1;
	v0 =	vadd.f32 v62, v0;
	_ =	sdelay $0x1  }
0x107: {  	v1 =	vadd.f32 v2, v1;
	v2 =	vadd.f32 v63, v0  }
0x108: {  	s21 =	simm.s32 $0x0  }
0x109: {  	s20 =	simm.s32 $0x80;
	v0 =	vadd.f32 v3, v1;
	[tilespmem:s21+$0x19C80] =	vst v2  }
.LBB2_3:
0x10a: {  	p0 =	sne.s32 s20, $0x1F80  }
0x10b: {  	[tilespmem:s21+$0x19C90] =	vst v0;
	s19 =	sadd.s32 $0x640, s19;
	s21 =	smov.u32 s20;
	s20 =	sadd.s32 $0x80, s20  }
0x10c: {  	v0 =	vld [tilespmem:s19+$0xFFFFFD00]  }
0x10d: {  	v1 =	vld [tilespmem:s19+$0xFFFFFD10]  }
0x10e: {  	v2 =	vld [tilespmem:s19+$0xFFFFFCE0]  }
0x10f: {  	v3 =	vld [tilespmem:s19+$0xFFFFFCF0]  }
0x110: {  	v4 =	vld [tilespmem:s19+$0xFFFFFD20]  }
0x111: {  	v5 =	vld [tilespmem:s19+$0xFFFFFD30]  }
0x112: {  	v6 =	vld [tilespmem:s19+$0xFFFFFD40]  }
0x113: {  	v0 =	vadd.f32 v0, v2;
	v2 =	vld [tilespmem:s19+$0xFFFFFD50]  }
0x114: {  	v1 =	vadd.f32 v1, v3;
	v3 =	vld [tilespmem:s19+$0xFFFFFD60]  }
0x115: {  	v0 =	vadd.f32 v4, v0;
	v4 =	vld [tilespmem:s19+$0xFFFFFD70]  }
0x116: {  	v1 =	vadd.f32 v5, v1;
	v5 =	vld [tilespmem:s19+$0xFFFFFD80]  }
0x117: {  	v0 =	vadd.f32 v6, v0;
	v6 =	vld [tilespmem:s19+$0xFFFFFD90]  }
0x118: {  	v1 =	vadd.f32 v2, v1;
	v2 =	vld [tilespmem:s19+$0xFFFFFDA0]  }
0x119: {  	v0 =	vadd.f32 v3, v0;
	v3 =	vld [tilespmem:s19+$0xFFFFFDB0]  }
0x11a: {  	v1 =	vadd.f32 v4, v1;
	v4 =	vld [tilespmem:s19+$0xFFFFFDC0]  }
0x11b: {  	v0 =	vadd.f32 v5, v0;
	v5 =	vld [tilespmem:s19+$0xFFFFFDD0]  }
0x11c: {  	v1 =	vadd.f32 v6, v1;
	v6 =	vld [tilespmem:s19+$0xFFFFFDE0]  }
0x11d: {  	v0 =	vadd.f32 v2, v0;
	v2 =	vld [tilespmem:s19+$0xFFFFFDF0]  }
0x11e: {  	v1 =	vadd.f32 v3, v1;
	v3 =	vld [tilespmem:s19+$0xFFFFFE00]  }
0x11f: {  	v0 =	vadd.f32 v4, v0;
	v4 =	vld [tilespmem:s19+$0xFFFFFE10]  }
0x120: {  	v1 =	vadd.f32 v5, v1;
	v5 =	vld [tilespmem:s19+$0xFFFFFE20]  }
0x121: {  	v0 =	vadd.f32 v6, v0;
	v6 =	vld [tilespmem:s19+$0xFFFFFE30]  }
0x122: {  	v1 =	vadd.f32 v2, v1;
	v2 =	vld [tilespmem:s19+$0xFFFFFE40]  }
0x123: {  	v0 =	vadd.f32 v3, v0;
	v3 =	vld [tilespmem:s19+$0xFFFFFE50]  }
0x124: {  	v1 =	vadd.f32 v4, v1;
	v4 =	vld [tilespmem:s19+$0xFFFFFE60]  }
0x125: {  	v0 =	vadd.f32 v5, v0;
	v5 =	vld [tilespmem:s19+$0xFFFFFE70]  }
0x126: {  	v1 =	vadd.f32 v6, v1;
	v6 =	vld [tilespmem:s19+$0xFFFFFE80]  }
0x127: {  	v0 =	vadd.f32 v2, v0;
	v2 =	vld [tilespmem:s19+$0xFFFFFE90]  }
0x128: {  	v1 =	vadd.f32 v3, v1;
	v3 =	vld [tilespmem:s19+$0xFFFFFEA0]  }
0x129: {  	v0 =	vadd.f32 v4, v0;
	v4 =	vld [tilespmem:s19+$0xFFFFFEB0]  }
0x12a: {  	v1 =	vadd.f32 v5, v1;
	v5 =	vld [tilespmem:s19+$0xFFFFFEC0]  }
0x12b: {  	v0 =	vadd.f32 v6, v0;
	v6 =	vld [tilespmem:s19+$0xFFFFFED0]  }
0x12c: {  	v1 =	vadd.f32 v2, v1;
	v2 =	vld [tilespmem:s19+$0xFFFFFEE0]  }
0x12d: {  	v0 =	vadd.f32 v3, v0;
	v3 =	vld [tilespmem:s19+$0xFFFFFEF0]  }
0x12e: {  	v1 =	vadd.f32 v4, v1;
	v4 =	vld [tilespmem:s19+$0xFFFFFF00]  }
0x12f: {  	v0 =	vadd.f32 v5, v0;
	v5 =	vld [tilespmem:s19+$0xFFFFFF10]  }
0x130: {  	v1 =	vadd.f32 v6, v1;
	v6 =	vld [tilespmem:s19+$0xFFFFFF20]  }
0x131: {  	v0 =	vadd.f32 v2, v0;
	v2 =	vld [tilespmem:s19+$0xFFFFFF30]  }
0x132: {  	v1 =	vadd.f32 v3, v1;
	v3 =	vld [tilespmem:s19+$0xFFFFFF40]  }
0x133: {  	v0 =	vadd.f32 v4, v0;
	v4 =	vld [tilespmem:s19+$0xFFFFFF50]  }
0x134: {  	v1 =	vadd.f32 v5, v1;
	v5 =	vld [tilespmem:s19+$0xFFFFFF60]  }
0x135: {  	v0 =	vadd.f32 v6, v0;
	v6 =	vld [tilespmem:s19+$0xFFFFFF70]  }
0x136: {  	v1 =	vadd.f32 v2, v1;
	v2 =	vld [tilespmem:s19+$0xFFFFFF80]  }
0x137: {  	v0 =	vadd.f32 v3, v0;
	v3 =	vld [tilespmem:s19+$0xFFFFFF90]  }
0x138: {  	v1 =	vadd.f32 v4, v1;
	v4 =	vld [tilespmem:s19+$0xFFFFFFA0]  }
0x139: {  	v0 =	vadd.f32 v5, v0;
	v5 =	vld [tilespmem:s19+$0xFFFFFFB0]  }
0x13a: {  	v1 =	vadd.f32 v6, v1;
	v6 =	vld [tilespmem:s19+$0xFFFFFFC0]  }
0x13b: {  	v0 =	vadd.f32 v2, v0;
	v2 =	vld [tilespmem:s19+$0xFFFFFFD0]  }
0x13c: {  	v1 =	vadd.f32 v3, v1;
	v3 =	vld [tilespmem:s19+$0xFFFFFFE0]  }
0x13d: {  	v0 =	vadd.f32 v4, v0;
	v4 =	vld [tilespmem:s19+$0xFFFFFFF0]  }
0x13e: {  	v1 =	vadd.f32 v5, v1;
	v5 =	vld [tilespmem:s19+$0x0]  }
0x13f: {  	v0 =	vadd.f32 v6, v0;
	v6 =	vld [tilespmem:s19+$0x10]  }
0x140: {  	v1 =	vadd.f32 v2, v1;
	v2 =	vld [tilespmem:s19+$0x20]  }
0x141: {  	v0 =	vadd.f32 v3, v0;
	v3 =	vld [tilespmem:s19+$0x30]  }
0x142: {  	v1 =	vadd.f32 v4, v1;
	v4 =	vld [tilespmem:s19+$0x40]  }
0x143: {  	v0 =	vadd.f32 v5, v0;
	v5 =	vld [tilespmem:s19+$0x50]  }
0x144: {  	v1 =	vadd.f32 v6, v1;
	v6 =	vld [tilespmem:s19+$0x60]  }
0x145: {  	v0 =	vadd.f32 v2, v0;
	v2 =	vld [tilespmem:s19+$0x70]  }
0x146: {  	v1 =	vadd.f32 v3, v1;
	v3 =	vld [tilespmem:s19+$0x80]  }
0x147: {  	v0 =	vadd.f32 v4, v0;
	v4 =	vld [tilespmem:s19+$0x90]  }
0x148: {  	v1 =	vadd.f32 v5, v1;
	v5 =	vld [tilespmem:s19+$0xA0]  }
0x149: {  	v0 =	vadd.f32 v6, v0;
	v6 =	vld [tilespmem:s19+$0xB0]  }
0x14a: {  	v1 =	vadd.f32 v2, v1;
	v2 =	vld [tilespmem:s19+$0xC0]  }
0x14b: {  	v0 =	vadd.f32 v3, v0;
	v3 =	vld [tilespmem:s19+$0xD0]  }
0x14c: {  	v1 =	vadd.f32 v4, v1;
	v4 =	vld [tilespmem:s19+$0xE0]  }
0x14d: {  	v0 =	vadd.f32 v5, v0;
	v5 =	vld [tilespmem:s19+$0xF0]  }
0x14e: {  	v1 =	vadd.f32 v6, v1;
	v6 =	vld [tilespmem:s19+$0x100]  }
0x14f: {  	v0 =	vadd.f32 v2, v0;
	v2 =	vld [tilespmem:s19+$0x110]  }
0x150: {  	v1 =	vadd.f32 v3, v1;
	v3 =	vld [tilespmem:s19+$0x120]  }
0x151: {  	v0 =	vadd.f32 v4, v0;
	v4 =	vld [tilespmem:s19+$0x130]  }
0x152: {  	v1 =	vadd.f32 v5, v1;
	v5 =	vld [tilespmem:s19+$0x140]  }
0x153: {  	v0 =	vadd.f32 v6, v0;
	v6 =	vld [tilespmem:s19+$0x150]  }
0x154: {  	v1 =	vadd.f32 v2, v1;
	v2 =	vld [tilespmem:s19+$0x160]  }
0x155: {  	v0 =	vadd.f32 v3, v0;
	v3 =	vld [tilespmem:s19+$0x170]  }
0x156: {  	v1 =	vadd.f32 v4, v1;
	v4 =	vld [tilespmem:s19+$0x180]  }
0x157: {  	v0 =	vadd.f32 v5, v0;
	v5 =	vld [tilespmem:s19+$0x190]  }
0x158: {  	v1 =	vadd.f32 v6, v1;
	v6 =	vld [tilespmem:s19+$0x1A0]  }
0x159: {  	v0 =	vadd.f32 v2, v0;
	v2 =	vld [tilespmem:s19+$0x1B0]  }
0x15a: {  	v1 =	vadd.f32 v3, v1;
	v3 =	vld [tilespmem:s19+$0x1C0]  }
0x15b: {  	v0 =	vadd.f32 v4, v0;
	v4 =	vld [tilespmem:s19+$0x1D0]  }
0x15c: {  	v1 =	vadd.f32 v5, v1;
	v5 =	vld [tilespmem:s19+$0x1E0]  }
0x15d: {  	v0 =	vadd.f32 v6, v0;
	v6 =	vld [tilespmem:s19+$0x1F0]  }
0x15e: {  	v1 =	vadd.f32 v2, v1;
	v2 =	vld [tilespmem:s19+$0x200]  }
0x15f: {  	v0 =	vadd.f32 v3, v0;
	v3 =	vld [tilespmem:s19+$0x210]  }
0x160: {  	v1 =	vadd.f32 v4, v1;
	v4 =	vld [tilespmem:s19+$0x220]  }
0x161: {  	v0 =	vadd.f32 v5, v0;
	v5 =	vld [tilespmem:s19+$0x230]  }
0x162: {  	v1 =	vadd.f32 v6, v1;
	v6 =	vld [tilespmem:s19+$0x240]  }
0x163: {  	v0 =	vadd.f32 v2, v0;
	v2 =	vld [tilespmem:s19+$0x250]  }
0x164: {  	v1 =	vadd.f32 v3, v1;
	v3 =	vld [tilespmem:s19+$0x260]  }
0x165: {  	v0 =	vadd.f32 v4, v0;
	v4 =	vld [tilespmem:s19+$0x270]  }
0x166: {  	v1 =	vadd.f32 v5, v1;
	v5 =	vld [tilespmem:s19+$0x280]  }
0x167: {  	v0 =	vadd.f32 v6, v0;
	v6 =	vld [tilespmem:s19+$0x290]  }
0x168: {  	v1 =	vadd.f32 v2, v1;
	v2 =	vld [tilespmem:s19+$0x2A0]  }
0x169: {  	v0 =	vadd.f32 v3, v0;
	v3 =	vld [tilespmem:s19+$0x2B0]  }
0x16a: {  	v1 =	vadd.f32 v4, v1;
	v4 =	vld [tilespmem:s19+$0x2C0]  }
0x16b: {  	v0 =	vadd.f32 v5, v0;
	v5 =	vld [tilespmem:s19+$0x2D0]  }
0x16c: {  	v1 =	vadd.f32 v6, v1;
	v6 =	vld [tilespmem:s19+$0x2E0]  }
0x16d: {  	v0 =	vadd.f32 v2, v0;
	v2 =	vld [tilespmem:s19+$0x2F0]  }
0x16e: {  	v1 =	vadd.f32 v3, v1;
	v3 =	vld [tilespmem:s19+$0x300]  }
0x16f: {  	v0 =	vadd.f32 v4, v0;
	v4 =	vld [tilespmem:s19+$0x310]  }
0x170: {  	v1 =	vadd.f32 v5, v1  }
.Ltmp0:
0x171: {  	v0 =	vadd.f32 v6, v0;
	(pc) =	sbr.rel @p0 .LBB2_3-.Ltmp0, $4  }
0x172: {  	v1 =	vadd.f32 v2, v1  }
0x173: {  	v2 =	vadd.f32 v3, v0  }
0x174: {  	s21 =	sshra.s32 s21, $0x2;
	v0 =	vadd.f32 v4, v1  }
0x175: {  	[tilespmem:s21+$0x19C80] =	vst v2  }
0x176: {  	s17 =	sadd.s32 $0x1, s17  }
0x177: {  	s18 =	sshll.u32 s18, $0x2;
	s19 =	rddreg [dreg:$0x2];
	p0 =	sne.s32 s17, $0x8  }
.Ltmp1:
0x178: {  	[tilespmem:s21+$0x19C90] =	vst v0;
	s18 =	sadd.s32 s19, s18;
	(pc) =	sbr.rel @p0 .LBB2_2-.Ltmp1, $4  }
0x179: {  	[hbm4b:s18+s3] =	stream.linear.scatter [tilespmem:s1], [sflag:$0x2], $0x800, $0x38;
	[tilespmem:$0x1B680] =	vst v63  }
0x17a: {  	_ =	swait.ge [sflag:s15], $0x800  }
0x17b: {  	[sflag:s15] =	ssyncset.done $0x0  }
0x17c: {  	[sflag:s15] =	ssyncadd.s32 $0xFFFFF800  }
0x17d: {  	s17 =	rddreg [dreg:$0x5];
	s19 =	simm.s32 $0x1A480;
	s20 =	simm.s32 $0x1A680  }
0x17e: {  	[tilespmem:s20], [sflag:$0x1] =	stream.indirect.gather [hbm4b:s17+s16], $0x20, s19, s16, $0xb8;
	[tilespmem:$0x1B680] =	vst v63  }
0x17f: {  	_ =	swait.ge [sflag:s7], $0x1000  }
0x180: {  	[sflag:s7] =	ssyncset.done $0x0  }
0x181: {  	s18 =	rddreg [dreg:$0x6];
	[sflag:s7] =	ssyncadd.s32 $0xFFFFF000  }
0x182: {  	[hbm4b:s18+s3] =	stream.linear.scatter [tilespmem:s20], [sflag:$0x2], $0x1000, $0x38;
	[tilespmem:$0x1B680] =	vst v63  }
0x183: {  	_ =	swait.ge [sflag:s15], $0x1000  }
0x184: {  	[sflag:s15] =	ssyncset.done $0x0  }
0x185: {  	s21 =	simm.s32 $0x1A500;
	[sflag:s15] =	ssyncadd.s32 $0xFFFFF000  }
0x186: {  	[tilespmem:s20], [sflag:$0x1] =	stream.indirect.gather [hbm4b:s17+s16], $0x20, s21, s16, $0xb8;
	[tilespmem:$0x1B680] =	vst v63  }
0x187: {  	_ =	swait.ge [sflag:s7], $0x1000  }
0x188: {  	[sflag:s7] =	ssyncset.done $0x0  }
0x189: {  	s21 =	rddreg [dreg:$0x8];
	[sflag:s7] =	ssyncadd.s32 $0xFFFFF000  }
0x18a: {  	[hbm4b:s21+s3] =	stream.linear.scatter [tilespmem:s20], [sflag:$0x2], $0x1000, $0x38;
	[tilespmem:$0x1B680] =	vst v63  }
0x18b: {  	_ =	swait.ge [sflag:s15], $0x1000  }
0x18c: {  	[sflag:s15] =	ssyncset.done $0x0  }
0x18d: {  	s21 =	simm.s32 $0x1A580;
	[sflag:s15] =	ssyncadd.s32 $0xFFFFF000  }
0x18e: {  	[tilespmem:s20], [sflag:$0x1] =	stream.indirect.gather [hbm4b:s17+s16], $0x20, s21, s16, $0xb8;
	[tilespmem:$0x1B680] =	vst v63  }
0x18f: {  	_ =	swait.ge [sflag:s7], $0x1000  }
0x190: {  	[sflag:s7] =	ssyncset.done $0x0  }
0x191: {  	s21 =	rddreg [dreg:$0x9];
	[sflag:s7] =	ssyncadd.s32 $0xFFFFF000  }
0x192: {  	[hbm4b:s21+s3] =	stream.linear.scatter [tilespmem:s20], [sflag:$0x2], $0x1000, $0x38;
	[tilespmem:$0x1B680] =	vst v63  }
0x193: {  	_ =	swait.ge [sflag:s15], $0x1000  }
0x194: {  	[sflag:s15] =	ssyncset.done $0x0  }
0x195: {  	s21 =	simm.s32 $0x1A600;
	[sflag:s15] =	ssyncadd.s32 $0xFFFFF000  }
0x196: {  	[tilespmem:s20], [sflag:$0x1] =	stream.indirect.gather [hbm4b:s17+s16], $0x20, s21, s16, $0xb8;
	[tilespmem:$0x1B680] =	vst v63  }
0x197: {  	_ =	swait.ge [sflag:s7], $0x1000  }
0x198: {  	[sflag:s7] =	ssyncset.done $0x0  }
0x199: {  	s18 =	rddreg [dreg:$0xa];
	[sflag:s7] =	ssyncadd.s32 $0xFFFFF000  }
0x19a: {  	[hbm4b:s18+s3] =	stream.linear.scatter [tilespmem:s20], [sflag:$0x2], $0x1000, $0x38;
	[tilespmem:$0x1B680] =	vst v63  }
0x19b: {  	_ =	swait.ge [sflag:s15], $0x1000  }
0x19c: {  	s20 =	rddreg [dreg:$0xc]  }
0x19d: {  	s21 =	rddreg [dreg:$0xb];
	s18 =	sadd.s32 $0x1, s20  }
0x19e: {  	p0 =	sne.s32 s18, s21  }
.Ltmp2:
0x19f: {  	_ = 	snop;
	(pc) =	sbr.rel @p0 .LBB2_1-.Ltmp2, $3  }
0x1a0: {  	_ =	sdelay $0x1  }
0x1a1: {  	[sflag:s15] =	ssyncset.done $0x0  }
0x1a2: {  	[sflag:s15] =	ssyncadd.s32 $0xFFFFF000  }
0x1a3: {  	_ =	sfence.sel $0x180000  }
0x1a4: {  	[bflag:$0x0] =	sbarrier.arrive $0xFFFF  }
0x1a5: {  	_ =	strace $0x9000004A  }
0x1a6: {  	s0 =	stileid.u32;
	[bflag:$0x2] =	sbarrier.arrive $0xFFFF  }
0x1a7: {  	p0 =	sne.s32 s0, $0x0;
	s0 =	rddreg [dreg:$0x4]  }
0x1a8: {  	s0 =	sadd.s32 @!p0 $0x100000, s0  }
0x1a9: {  	[sflag:s0] =	ssyncadd.tile.s32 @!p0 $0x1;
	_ =	shalt  }
.Lfunc_end2:
_tile_overlayer_lowered:
.L_overlay_start_2:
0x1aa: {  	(tag) =	ssettag $0x2  }
0x1ab: {  	s0 =	rddreg [dreg:$0x0];
	s2 =	stileid.u32  }
0x1ac: {  	s1 =	rddreg [dreg:$0x1];
	p0 =	sne.s32 s2, $0x0  }
0x1ad: {  	s3 =	rddreg [dreg:$0x2];
	[bflag:$0x3] =	sbarrier.arrive $0xFFFF;
	s2 =	simm.s32 @!p0 $0x1C02  }
0x1ae: {  	[timem:s3], [sflag:s2] =	dma.local @!p0 [hbm:s0], s1  }
0x1af: {  	s0 =	simm.s32 @!p0 $0x2  }
0x1b0: {  	_ =	swait.ge @!p0 [sflag:s0], s1  }
0x1b1: {  	s1 =	ssub.s32 @!p0 $0x0, s1;
	[sflag:s0] =	ssyncset.done @!p0 $0x0  }
0x1b2: {  	[sflag:s0] =	ssyncadd.s32 @!p0 s1  }
0x1b3: {  	[bflag:$0x3] =	sbarrier.arrive $0xFFFF  }
0x1b4: {  	_ =	shalt  }

</sc_bundles>
